<compile_context>
chip_gen: v7x
topology: tpu7x:2x2x1
jax: 0.10.2.dev20260603
libtpu: 0.0.44.dev20260713+nightly
codegen_flags: <defaults>
</compile_context>

<pallas_src>
import functools

import jax
import jax.numpy as jnp
from jax import lax
from jax.experimental import pallas as pl
from jax.experimental.pallas import tpu as pltpu
from jax.experimental.pallas import tpu_sc as plsc

N = 10000
E = 320000
D = 128
G = 64
NC = 2
NS = 16
CHUNK = 128
EPW = 10240
NPADE = EPW - E // (NC * NS)
NHALF = 2
NCH = EPW // CHUNK // NHALF
NPAIR = NCH // 2
NPAD = 10240
RPW = NPAD // NS
ZROWS = 128


@functools.cache
def _make_sc_agg():
    mesh = plsc.VectorSubcoreMesh(core_axis_name="c", subcore_axis_name="s",
                                  num_cores=NC, num_subcores=NS)

    @functools.partial(
        pl.kernel,
        out_type=jax.ShapeDtypeStruct((NC, NPAD, D), jnp.float32),
        mesh=mesh,
        scratch_types=[
            pltpu.VMEM_SHARED((NPAD, D), jnp.float32),
            pltpu.VMEM((NCH, CHUNK), jnp.int32),
            pltpu.VMEM((NCH, CHUNK), jnp.int32),
            pltpu.VMEM((CHUNK, D), jnp.float32),
            pltpu.VMEM((CHUNK, D), jnp.float32),
            pltpu.SemaphoreType.DMA,
            pltpu.SemaphoreType.DMA,
        ],
    )
    def sc_agg(h_hbm, edges_hbm, out_hbm,
               acc_sh, src_v, dst_v, rows0_v, rows1_v, sem0, sem1):
        c = lax.axis_index("c")
        s = lax.axis_index("s")

        def _zrow(i, _):
            for k in range(D // 16):
                rows0_v[i, pl.ds(k * 16, 16)] = jnp.zeros((16,), jnp.float32)
            return 0
        lax.fori_loop(0, ZROWS, _zrow, 0)
        for t in range(RPW // ZROWS):
            pltpu.async_copy(rows0_v.at[pl.ds(0, ZROWS)],
                             acc_sh.at[pl.ds(s * RPW + t * ZROWS, ZROWS)],
                             sem1)
        pltpu.sync_copy(edges_hbm.at[0, c, s, 0], src_v)
        pltpu.sync_copy(edges_hbm.at[1, c, s, 0], dst_v)
        for t in range(RPW // ZROWS):
            pltpu.make_async_copy(
                rows0_v.at[pl.ds(0, ZROWS)],
                acc_sh.at[pl.ds(s * RPW + t * ZROWS, ZROWS)], sem1).wait()
        plsc.subcore_barrier()

        for half in range(NHALF):
            if half > 0:
                pltpu.sync_copy(edges_hbm.at[0, c, s, half], src_v)
                pltpu.sync_copy(edges_hbm.at[1, c, s, half], dst_v)
            pltpu.async_copy(h_hbm.at[src_v.at[0]], rows0_v, sem0)
            pltpu.async_copy(h_hbm.at[src_v.at[1]], rows1_v, sem1)

            def _pair(jj, _):
                j0 = 2 * jj
                pltpu.make_async_copy(h_hbm.at[src_v.at[j0]], rows0_v,
                                      sem0).wait()
                pltpu.sync_copy(rows0_v, acc_sh.at[dst_v.at[j0]], add=True)
                pltpu.async_copy(h_hbm.at[src_v.at[j0 + 2]], rows0_v, sem0)
                pltpu.make_async_copy(h_hbm.at[src_v.at[j0 + 1]], rows1_v,
                                      sem1).wait()
                pltpu.sync_copy(rows1_v, acc_sh.at[dst_v.at[j0 + 1]],
                                add=True)
                pltpu.async_copy(h_hbm.at[src_v.at[j0 + 3]], rows1_v, sem1)
                return 0
            lax.fori_loop(0, NPAIR - 1, _pair, 0)
            pltpu.make_async_copy(h_hbm.at[src_v.at[NCH - 2]], rows0_v,
                                  sem0).wait()
            pltpu.sync_copy(rows0_v, acc_sh.at[dst_v.at[NCH - 2]], add=True)
            pltpu.make_async_copy(h_hbm.at[src_v.at[NCH - 1]], rows1_v,
                                  sem1).wait()
            pltpu.sync_copy(rows1_v, acc_sh.at[dst_v.at[NCH - 1]], add=True)
        plsc.subcore_barrier()

        pltpu.sync_copy(acc_sh.at[pl.ds(s * RPW, RPW)],
                        out_hbm.at[c, pl.ds(s * RPW, RPW)])

    return sc_agg


ROWS_BLK = 2048


def _tc_layer_body(h_ref, a_ref, b_ref, w1_ref, b1_ref,
                   w2_ref, b2_ref, o_ref, ro_ref):
    hv = h_ref[...] + a_ref[0] + a_ref[1]
    t = jnp.maximum(
        jnp.dot(hv, w1_ref[...], preferred_element_type=jnp.float32)
        + b1_ref[...], 0.0)
    o = jnp.dot(t, w2_ref[...], preferred_element_type=jnp.float32) + b2_ref[...]
    hn = jnp.maximum(o, 0.0)
    rid = (lax.broadcasted_iota(jnp.int32, (ROWS_BLK, 1), 0)
           + pl.program_id(0) * ROWS_BLK)
    hn = jnp.where(rid < N, hn, 0.0)
    o_ref[...] = hn
    bb = b_ref[pl.ds(pl.program_id(0) * ROWS_BLK, ROWS_BLK)]
    sel = (lax.broadcasted_iota(jnp.int32, (G, ROWS_BLK), 0)
           == bb[None, :]).astype(jnp.float32)
    contrib = jnp.dot(sel, hn, preferred_element_type=jnp.float32)

    @pl.when(pl.program_id(0) == 0)
    def _():
        ro_ref[...] = contrib

    @pl.when(pl.program_id(0) != 0)
    def _():
        ro_ref[...] += contrib


def _tc_layer(h, agg, batch, w1, b1, w2, b2):
    nblk = NPAD // ROWS_BLK
    return pl.pallas_call(
        _tc_layer_body,
        grid=(nblk,),
        in_specs=[
            pl.BlockSpec((ROWS_BLK, D), lambda i: (i, 0)),
            pl.BlockSpec((NC, ROWS_BLK, D), lambda i: (0, i, 0)),
            pl.BlockSpec((NPAD,), lambda i: (0,)),
            pl.BlockSpec((D, D), lambda i: (0, 0)),
            pl.BlockSpec((1, D), lambda i: (0, 0)),
            pl.BlockSpec((D, D), lambda i: (0, 0)),
            pl.BlockSpec((1, D), lambda i: (0, 0)),
        ],
        out_specs=[
            pl.BlockSpec((ROWS_BLK, D), lambda i: (i, 0)),
            pl.BlockSpec((G, D), lambda i: (0, 0)),
        ],
        out_shape=[
            jax.ShapeDtypeStruct((NPAD, D), jnp.float32),
            jax.ShapeDtypeStruct((G, D), jnp.float32),
        ],
    )(h, agg, batch, w1, b1, w2, b2)


def kernel(x, edge_index, batch, device, gin_params, mlp_params, pool_params):
    del device, mlp_params, pool_params
    nw = NC * NS
    e3 = edge_index.astype(jnp.int32).reshape(2, nw, E // nw)
    wids = jnp.arange(nw, dtype=jnp.int32)[:, None]
    ii = jnp.arange(NPADE, dtype=jnp.int32)[None, :]
    pad_src = jnp.broadcast_to(N + (ii % (NPAD - N)), (nw, NPADE))
    pad_dst = jnp.broadcast_to(wids + nw * ii, (nw, NPADE))
    pads = jnp.stack([pad_src, pad_dst])
    edges = jnp.concatenate([e3, pads], axis=2).reshape(
        2, NC, NS, NHALF, NCH, CHUNK)
    batch = jnp.full((NPAD,), G, jnp.int32).at[:N].set(batch.astype(jnp.int32))

    h = jnp.zeros((NPAD, D), x.dtype).at[:N].set(x)
    readouts = []
    for p in gin_params:
        agg = _make_sc_agg()(h, edges)
        h, ro = _tc_layer(h, agg, batch,
                          p["W1"], p["b1"].reshape(1, D),
                          p["W2"], p["b2"].reshape(1, D))
        readouts.append(ro)
    m1p = jnp.concatenate(readouts, axis=1)
    return (m1p, m1p)

# --- scband reference (transcript-rebuilt; emitter-appended) ---
"""Pipeline reference for scband-hgcl1-62680752717910 (READ-ONLY COPY).

The authoritative reference and input builder live on the scoring server;
editing this copy changes nothing except your own understanding.
"""

import jax, jax.numpy as jnp
import numpy as np

N_NODES = 10000
N_EDGES = 320000
D_FEAT = 128
MID = 128
N_LAYERS = 3
N_GRAPHS = 64
RATIO = 0.8


def _lin(key, i, o):
    return jax.random.normal(key, (i, o), dtype=jnp.float32) / np.sqrt(i)


def _gc_params(key, i, o):
    ka, kb = jax.random.split(key)
    return {"W_rel": _lin(ka, i, o), "W_root": _lin(kb, i, o), "b": jnp.zeros((o,), jnp.float32)}


def setup_inputs(seed: int = 0):
    key = jax.random.key(seed)
    ks = jax.random.split(key, 32)
    x = jax.random.normal(ks[0], (N_NODES, D_FEAT), dtype=jnp.float32)
    edge_index = jax.random.randint(ks[1], (2, N_EDGES), 0, N_NODES)
    batch = jnp.sort(jax.random.randint(ks[2], (N_NODES,), 0, N_GRAPHS))
    gin_params = []
    for l in range(N_LAYERS):
        k1, k2 = jax.random.split(ks[3 + l])
        gin_params.append({
            "W1": _lin(k1, D_FEAT if l == 0 else MID, MID),
            "b1": jnp.zeros((MID,), jnp.float32),
            "W2": _lin(k2, MID, MID),
            "b2": jnp.zeros((MID,), jnp.float32),
        })
    mlp_params = {"W1": _lin(ks[10], MID * N_LAYERS, 256), "b1": jnp.zeros((256,), jnp.float32),
                  "W2": _lin(ks[11], 256, 128), "b2": jnp.zeros((128,), jnp.float32)}
    pool_params = {"transform": _gc_params(ks[12], D_FEAT, MID),
                   "pp": _gc_params(ks[13], MID, MID),
                   "np": _gc_params(ks[14], MID, MID),
                   "lp": _gc_params(ks[15], MID, 1),
                   "sp": _gc_params(ks[16], MID, 1)}
    return {"x": x, "edge_index": edge_index, "batch": batch, "device": 0,
            "gin_params": gin_params, "mlp_params": mlp_params, "pool_params": pool_params}


def graph_conv(x, edge_index, p):
    src, dst = edge_index[0], edge_index[1]
    agg = jnp.zeros_like(x).at[dst].add(x[src])
    return agg @ p["W_rel"] + x @ p["W_root"] + p["b"]


def gin_conv(x, edge_index, p):
    src, dst = edge_index[0], edge_index[1]
    agg = jnp.zeros_like(x).at[dst].add(x[src])
    h = x + agg
    return jnp.maximum(h @ p["W1"] + p["b1"], 0.0) @ p["W2"] + p["b2"]


def gin_forward(x, edge_index, batch, gin_params):
    xs = []
    h = x
    for p in gin_params:
        h = jax.nn.relu(gin_conv(h, edge_index, p))
        xs.append(h)
    node_cat = jnp.concatenate(xs, axis=1)
    readout = jnp.concatenate([jax.ops.segment_sum(h, batch, num_segments=N_GRAPHS) for h in xs], axis=1)
    return node_cat, readout


def mlp_forward(x, p):
    return jnp.maximum(x @ p["W1"] + p["b1"], 0.0) @ p["W2"] + p["b2"]


def topk(score, ratio, batch):
    n = score.shape[0]
    counts = jax.ops.segment_sum(jnp.ones((n,), jnp.int32), batch, num_segments=N_GRAPHS)
    k = jnp.ceil(ratio * counts.astype(jnp.float32)).astype(jnp.int32)
    cum = jnp.concatenate([jnp.zeros((1,), counts.dtype), jnp.cumsum(counts)[:-1]])
    idx_in_graph = jnp.arange(n) - cum[batch]
    dense = jnp.full((N_GRAPHS, n), -jnp.inf, score.dtype).at[batch, idx_in_graph].set(score)
    order = jnp.argsort(-dense, axis=1)
    col = jnp.arange(n)[None, :]
    valid = col < k[:, None]
    global_idx = cum[:, None] + order
    return global_idx.reshape(-1), valid.reshape(-1)


def filter_adj(edge_index, perm_idx, perm_valid, num_nodes):
    pos = jnp.cumsum(perm_valid.astype(jnp.int32)) - 1
    safe_node = jnp.where(perm_valid, perm_idx, num_nodes)
    mask = jnp.zeros((num_nodes,), bool).at[safe_node].set(True)
    new_id = jnp.full((num_nodes,), -1).at[safe_node].set(pos)
    row, col = edge_index[0], edge_index[1]
    emask = mask[row] & mask[col]
    new_row = jnp.where(emask, new_id[row], num_nodes)
    new_col = jnp.where(emask, new_id[col], num_nodes)
    return jnp.stack([new_row, new_col]), None


def _padded_subgraph(x, batch, perm_idx, perm_valid, num_nodes):
    pos = jnp.cumsum(perm_valid.astype(jnp.int32)) - 1
    safe_pos = jnp.where(perm_valid, pos, num_nodes)
    gidx = jnp.where(perm_valid, perm_idx, 0)
    x_sub = jnp.zeros((num_nodes, x.shape[1]), x.dtype).at[safe_pos].set(x[gidx])
    batch_sub = jnp.full((num_nodes,), N_GRAPHS, batch.dtype).at[safe_pos].set(batch[gidx])
    return x_sub, batch_sub


def info_nce(a, b, tau=0.2):
    a = a / (jnp.linalg.norm(a, axis=1, keepdims=True) + 1e-8)
    b = b / (jnp.linalg.norm(b, axis=1, keepdims=True) + 1e-8)
    sim = a @ b.T / tau
    logp = jax.nn.log_softmax(sim, axis=1)
    return -jnp.mean(jnp.diag(logp))


def far_loss(pos, neg):
    p = pos / (jnp.linalg.norm(pos, axis=1, keepdims=True) + 1e-8)
    q = neg / (jnp.linalg.norm(neg, axis=1, keepdims=True) + 1e-8)
    return jnp.mean(jnp.sum(p * q, axis=1))


def reference(x, edge_index, batch, device, gin_params, mlp_params, pool_params):
    edge_index = edge_index + device * 0
    X_M1, M1_P = gin_forward(x, edge_index, batch, gin_params)
    M1_con = mlp_forward(M1_P, mlp_params)
    # CONPool
    x_t = jax.nn.leaky_relu(graph_conv(x, edge_index, pool_params["transform"]), 0.2)
    x_tl = jax.nn.leaky_relu(graph_conv(x_t, edge_index, pool_params["pp"]), 0.2)
    x_ts = jax.nn.leaky_relu(graph_conv(x_t, edge_index, pool_params["np"]), 0.2)
    s_lp = graph_conv(x_tl, edge_index, pool_params["lp"])[:, 0]
    s_sp = graph_conv(x_ts, edge_index, pool_params["sp"])[:, 0]
    perm_pos_idx, perm_pos_valid = topk(s_lp, RATIO, batch)
    perm_neg_idx, perm_neg_valid = topk(s_sp, RATIO, batch)
    gpos = jnp.where(perm_pos_valid, perm_pos_idx, 0)
    gneg = jnp.where(perm_neg_valid, perm_neg_idx, 0)
    vpos = perm_pos_valid.astype(x_t.dtype)
    vneg = perm_neg_valid.astype(x_t.dtype)
    x_pp = x_t[gpos] * (jnp.tanh(s_lp[gpos]) * vpos)[:, None]
    x_np = x_t[gneg] * (jnp.tanh(s_sp[gneg]) * vneg)[:, None]
    x_pp_ro = jax.ops.segment_sum(x_pp, batch[gpos], num_segments=N_GRAPHS)
    x_np_ro = jax.ops.segment_sum(x_np, batch[gneg], num_segments=N_GRAPHS)
    loss1 = far_loss(x_pp_ro, x_np_ro)
    score = (s_lp + s_sp) / 2.0
    perm_idx, perm_valid = topk(score, RATIO, batch)
    gperm = jnp.where(perm_valid, perm_idx, 0)
    vperm = perm_valid.astype(x_t.dtype)
    x1 = x_t[gperm] * (jnp.tanh(score[gperm]) * vperm)[:, None]
    batch1 = jnp.where(perm_valid, batch[gperm], N_GRAPHS)
    ei1, _ = filter_adj(edge_index, perm_idx, perm_valid, x_t.shape[0])
    # positive branch
    x_l1, batch_l1 = _padded_subgraph(x, batch, perm_pos_idx, perm_pos_valid, x.shape[0])
    l1_A, _ = filter_adj(edge_index, perm_pos_idx, perm_pos_valid, x.shape[0])
    _, L1_ro = gin_forward(x_l1, l1_A, batch_l1, gin_params)
    L1_con = mlp_forward(L1_ro, mlp_params)
    # negative branch
    x_s1, batch_s1 = _padded_subgraph(x, batch, perm_neg_idx, perm_neg_valid, x.shape[0])
    s1_A, _ = filter_adj(edge_index, perm_neg_idx, perm_neg_valid, x.shape[0])
    _, S1_ro = gin_forward(x_s1, s1_A, batch_s1, gin_params)
    S1_con = mlp_forward(S1_ro, mlp_params)
    cl_pool1_loss = info_nce(L1_con, S1_con) + info_nce(M1_con, S1_con)
    return (M1_P, M1_P)

if __name__ == "__main__":
    import jax
    _d = setup_inputs()
    print(jax.jit(kernel)(*tuple(_d.values())))

</pallas_src>

<mosaic_0001>
#map = affine_map<(d0, d1) -> (0, 0)>
#map1 = affine_map<(d0, d1) -> (0, 0, 0, 0, 0, 0)>
#map2 = affine_map<(d0, d1) -> (0, 0, 0)>
module attributes {stable_mosaic.version = 14 : i64} {
  func.func @sc_agg(%arg0: i32, %arg1: i32, %arg2: memref<10240x128xf32, #tpu.memory_space<hbm>>, %arg3: memref<2x2x16x2x40x128xi32, #tpu.memory_space<hbm>>, %arg4: memref<2x10240x128xf32, #tpu.memory_space<hbm>>, %arg5: memref<10240x128xf32, #tpu.memory_space<vmem_shared>>, %arg6: memref<40x128xi32, #tpu.memory_space<vmem>>, %arg7: memref<40x128xi32, #tpu.memory_space<vmem>>, %arg8: memref<128x128xf32, #tpu.memory_space<vmem>>, %arg9: memref<128x128xf32, #tpu.memory_space<vmem>>, %arg10: memref<!tpu.dma_semaphore, #tpu.memory_space<semaphore_mem>>, %arg11: memref<!tpu.dma_semaphore, #tpu.memory_space<semaphore_mem>>) attributes {dimension_semantics = [#tpu.dimension_semantics<core_parallel>, #tpu.dimension_semantics<subcore_parallel>], iteration_bounds = array<i64: 2, 16>, scalar_prefetch = 0 : i64, scratch_operands = 7 : i64, tpu.core_type = #tpu.core_type<sc_vector_subcore>, window_params = [{transform_indices = #map}, {transform_indices = #map1}, {transform_indices = #map2}]} {
    %scan3A = arith.constant 0 : i32
    %scan3A_0 = arith.constant 0 : i32
    %scan3A_1 = arith.constant 128 : i32
    %scan3A_2 = arith.addi %scan3A_0, %scan3A_1 : i32
    %scan3A_3 = arith.constant 1 : i32
    %scan3A_4 = scf.for %scan3A_228 = %scan3A_0 to %scan3A_2 step %scan3A_3 iter_args(%scan3A_229 = %scan3A) -> (i32)  : i32 {
      %broadcast_in_dim3A = arith.constant 0.000000e+00 : f32
      %broadcast_in_dim3A_230 = vector.broadcast %broadcast_in_dim3A : f32 to vector<16xf32>
      %swap3A = arith.index_cast %scan3A_228 : i32 to index
      %swap3A_231 = arith.constant 0 : index
      %swap3A_232 = tpu.vector_load %arg8[%swap3A, %swap3A_231] {strides = array<i32>} : memref<128x128xf32, #tpu.memory_space<vmem>>, vector<1x16xf32>,
      %swap3A_233 = vector.shape_cast %swap3A_232 : vector<1x16xf32> to vector<16xf32>
      %swap3A_234 = vector.shape_cast %broadcast_in_dim3A_230 : vector<16xf32> to vector<1x16xf32>
      tpu.vector_store %arg8[%swap3A, %swap3A_231], %swap3A_234 {strides = array<i32>} : memref<128x128xf32, #tpu.memory_space<vmem>>, vector<1x16xf32>,
      %broadcast_in_dim3A_235 = arith.constant 0.000000e+00 : f32
      %broadcast_in_dim3A_236 = vector.broadcast %broadcast_in_dim3A_235 : f32 to vector<16xf32>
      %swap3A_237 = arith.index_cast %scan3A_228 : i32 to index
      %swap3A_238 = arith.constant 16 : index
      %swap3A_239 = tpu.vector_load %arg8[%swap3A_237, %swap3A_238] {strides = array<i32>} : memref<128x128xf32, #tpu.memory_space<vmem>>, vector<1x16xf32>,
      %swap3A_240 = vector.shape_cast %swap3A_239 : vector<1x16xf32> to vector<16xf32>
      %swap3A_241 = vector.shape_cast %broadcast_in_dim3A_236 : vector<16xf32> to vector<1x16xf32>
      tpu.vector_store %arg8[%swap3A_237, %swap3A_238], %swap3A_241 {strides = array<i32>} : memref<128x128xf32, #tpu.memory_space<vmem>>, vector<1x16xf32>,
      %broadcast_in_dim3A_242 = arith.constant 0.000000e+00 : f32
      %broadcast_in_dim3A_243 = vector.broadcast %broadcast_in_dim3A_242 : f32 to vector<16xf32>
      %swap3A_244 = arith.index_cast %scan3A_228 : i32 to index
      %swap3A_245 = arith.constant 32 : index
      %swap3A_246 = tpu.vector_load %arg8[%swap3A_244, %swap3A_245] {strides = array<i32>} : memref<128x128xf32, #tpu.memory_space<vmem>>, vector<1x16xf32>,
      %swap3A_247 = vector.shape_cast %swap3A_246 : vector<1x16xf32> to vector<16xf32>
      %swap3A_248 = vector.shape_cast %broadcast_in_dim3A_243 : vector<16xf32> to vector<1x16xf32>
      tpu.vector_store %arg8[%swap3A_244, %swap3A_245], %swap3A_248 {strides = array<i32>} : memref<128x128xf32, #tpu.memory_space<vmem>>, vector<1x16xf32>,
      %broadcast_in_dim3A_249 = arith.constant 0.000000e+00 : f32
      %broadcast_in_dim3A_250 = vector.broadcast %broadcast_in_dim3A_249 : f32 to vector<16xf32>
      %swap3A_251 = arith.index_cast %scan3A_228 : i32 to index
      %swap3A_252 = arith.constant 48 : index
      %swap3A_253 = tpu.vector_load %arg8[%swap3A_251, %swap3A_252] {strides = array<i32>} : memref<128x128xf32, #tpu.memory_space<vmem>>, vector<1x16xf32>,
      %swap3A_254 = vector.shape_cast %swap3A_253 : vector<1x16xf32> to vector<16xf32>
      %swap3A_255 = vector.shape_cast %broadcast_in_dim3A_250 : vector<16xf32> to vector<1x16xf32>
      tpu.vector_store %arg8[%swap3A_251, %swap3A_252], %swap3A_255 {strides = array<i32>} : memref<128x128xf32, #tpu.memory_space<vmem>>, vector<1x16xf32>,
      %broadcast_in_dim3A_256 = arith.constant 0.000000e+00 : f32
      %broadcast_in_dim3A_257 = vector.broadcast %broadcast_in_dim3A_256 : f32 to vector<16xf32>
      %swap3A_258 = arith.index_cast %scan3A_228 : i32 to index
      %swap3A_259 = arith.constant 64 : index
      %swap3A_260 = tpu.vector_load %arg8[%swap3A_258, %swap3A_259] {strides = array<i32>} : memref<128x128xf32, #tpu.memory_space<vmem>>, vector<1x16xf32>,
      %swap3A_261 = vector.shape_cast %swap3A_260 : vector<1x16xf32> to vector<16xf32>
      %swap3A_262 = vector.shape_cast %broadcast_in_dim3A_257 : vector<16xf32> to vector<1x16xf32>
      tpu.vector_store %arg8[%swap3A_258, %swap3A_259], %swap3A_262 {strides = array<i32>} : memref<128x128xf32, #tpu.memory_space<vmem>>, vector<1x16xf32>,
      %broadcast_in_dim3A_263 = arith.constant 0.000000e+00 : f32
      %broadcast_in_dim3A_264 = vector.broadcast %broadcast_in_dim3A_263 : f32 to vector<16xf32>
      %swap3A_265 = arith.index_cast %scan3A_228 : i32 to index
      %swap3A_266 = arith.constant 80 : index
      %swap3A_267 = tpu.vector_load %arg8[%swap3A_265, %swap3A_266] {strides = array<i32>} : memref<128x128xf32, #tpu.memory_space<vmem>>, vector<1x16xf32>,
      %swap3A_268 = vector.shape_cast %swap3A_267 : vector<1x16xf32> to vector<16xf32>
      %swap3A_269 = vector.shape_cast %broadcast_in_dim3A_264 : vector<16xf32> to vector<1x16xf32>
      tpu.vector_store %arg8[%swap3A_265, %swap3A_266], %swap3A_269 {strides = array<i32>} : memref<128x128xf32, #tpu.memory_space<vmem>>, vector<1x16xf32>,
      %broadcast_in_dim3A_270 = arith.constant 0.000000e+00 : f32
      %broadcast_in_dim3A_271 = vector.broadcast %broadcast_in_dim3A_270 : f32 to vector<16xf32>
      %swap3A_272 = arith.index_cast %scan3A_228 : i32 to index
      %swap3A_273 = arith.constant 96 : index
      %swap3A_274 = tpu.vector_load %arg8[%swap3A_272, %swap3A_273] {strides = array<i32>} : memref<128x128xf32, #tpu.memory_space<vmem>>, vector<1x16xf32>,
      %swap3A_275 = vector.shape_cast %swap3A_274 : vector<1x16xf32> to vector<16xf32>
      %swap3A_276 = vector.shape_cast %broadcast_in_dim3A_271 : vector<16xf32> to vector<1x16xf32>
      tpu.vector_store %arg8[%swap3A_272, %swap3A_273], %swap3A_276 {strides = array<i32>} : memref<128x128xf32, #tpu.memory_space<vmem>>, vector<1x16xf32>,
      %broadcast_in_dim3A_277 = arith.constant 0.000000e+00 : f32
      %broadcast_in_dim3A_278 = vector.broadcast %broadcast_in_dim3A_277 : f32 to vector<16xf32>
      %swap3A_279 = arith.index_cast %scan3A_228 : i32 to index
      %swap3A_280 = arith.constant 112 : index
      %swap3A_281 = tpu.vector_load %arg8[%swap3A_279, %swap3A_280] {strides = array<i32>} : memref<128x128xf32, #tpu.memory_space<vmem>>, vector<1x16xf32>,
      %swap3A_282 = vector.shape_cast %swap3A_281 : vector<1x16xf32> to vector<16xf32>
      %swap3A_283 = vector.shape_cast %broadcast_in_dim3A_278 : vector<16xf32> to vector<1x16xf32>
      tpu.vector_store %arg8[%swap3A_279, %swap3A_280], %swap3A_283 {strides = array<i32>} : memref<128x128xf32, #tpu.memory_space<vmem>>, vector<1x16xf32>,
      %scan3A_284 = arith.constant 0 : i32
      scf.yield %scan3A_284 : i32
    }
    %scan3A_5 = arith.constant 128 : i32
    %mul3A = arith.constant 640 : i32
    %mul3A_6 = arith.muli %arg1, %mul3A : i32
    %add3A = arith.constant 0 : i32
    %add3A_7 = arith.addi %mul3A_6, %add3A : i32
    %dma_start3A = arith.constant 0 : i32
    %dma_start3A_8 = arith.constant 0 : i32
    %dma_start3A_9 = tpu.memref_slice %arg8[%dma_start3A, %dma_start3A_8] : memref<128x128xf32, #tpu.memory_space<vmem>> -> memref<128x128xf32, #tpu.memory_space<vmem>>
    %dma_start3A_10 = arith.constant 0 : i32
    %dma_start3A_11 = tpu.memref_slice %arg5[%add3A_7, %dma_start3A_10] : memref<10240x128xf32, #tpu.memory_space<vmem_shared>> -> memref<128x128xf32, #tpu.memory_space<vmem_shared>>
    %dma_start3A_12 = arith.constant 0 : i32
    %dma_start3A_13 = tpu.memref_slice %arg5[%add3A_7, %dma_start3A_12] : memref<10240x128xf32, #tpu.memory_space<vmem_shared>> -> memref<128x128xf32, #tpu.memory_space<vmem_shared>>
    %dma_start3A_14 = arith.constant 0 : i32
    %dma_start3A_15 = arith.constant 0 : i32
    %dma_start3A_16 = tpu.memref_slice %arg8[%dma_start3A_14, %dma_start3A_15] : memref<128x128xf32, #tpu.memory_space<vmem>> -> memref<128x128xf32, #tpu.memory_space<vmem>>
    tpu.enqueue_dma source(%dma_start3A_16 : memref<128x128xf32, #tpu.memory_space<vmem>>) target(%dma_start3A_13 : memref<128x128xf32, #tpu.memory_space<vmem_shared>>) target_semaphore(%arg11 : memref<!tpu.dma_semaphore, #tpu.memory_space<semaphore_mem>>)
    %mul3A_17 = arith.constant 640 : i32
    %mul3A_18 = arith.muli %arg1, %mul3A_17 : i32
    %add3A_19 = arith.constant 128 : i32
    %add3A_20 = arith.addi %mul3A_18, %add3A_19 : i32
    %dma_start3A_21 = arith.constant 0 : i32
    %dma_start3A_22 = arith.constant 0 : i32
    %dma_start3A_23 = tpu.memref_slice %arg8[%dma_start3A_21, %dma_start3A_22] : memref<128x128xf32, #tpu.memory_space<vmem>> -> memref<128x128xf32, #tpu.memory_space<vmem>>
    %dma_start3A_24 = arith.constant 0 : i32
    %dma_start3A_25 = tpu.memref_slice %arg5[%add3A_20, %dma_start3A_24] : memref<10240x128xf32, #tpu.memory_space<vmem_shared>> -> memref<128x128xf32, #tpu.memory_space<vmem_shared>>
    %dma_start3A_26 = arith.constant 0 : i32
    %dma_start3A_27 = tpu.memref_slice %arg5[%add3A_20, %dma_start3A_26] : memref<10240x128xf32, #tpu.memory_space<vmem_shared>> -> memref<128x128xf32, #tpu.memory_space<vmem_shared>>
    %dma_start3A_28 = arith.constant 0 : i32
    %dma_start3A_29 = arith.constant 0 : i32
    %dma_start3A_30 = tpu.memref_slice %arg8[%dma_start3A_28, %dma_start3A_29] : memref<128x128xf32, #tpu.memory_space<vmem>> -> memref<128x128xf32, #tpu.memory_space<vmem>>
    tpu.enqueue_dma source(%dma_start3A_30 : memref<128x128xf32, #tpu.memory_space<vmem>>) target(%dma_start3A_27 : memref<128x128xf32, #tpu.memory_space<vmem_shared>>) target_semaphore(%arg11 : memref<!tpu.dma_semaphore, #tpu.memory_space<semaphore_mem>>)
    %mul3A_31 = arith.constant 640 : i32
    %mul3A_32 = arith.muli %arg1, %mul3A_31 : i32
    %add3A_33 = arith.constant 256 : i32
    %add3A_34 = arith.addi %mul3A_32, %add3A_33 : i32
    %dma_start3A_35 = arith.constant 0 : i32
    %dma_start3A_36 = arith.constant 0 : i32
    %dma_start3A_37 = tpu.memref_slice %arg8[%dma_start3A_35, %dma_start3A_36] : memref<128x128xf32, #tpu.memory_space<vmem>> -> memref<128x128xf32, #tpu.memory_space<vmem>>
    %dma_start3A_38 = arith.constant 0 : i32
    %dma_start3A_39 = tpu.memref_slice %arg5[%add3A_34, %dma_start3A_38] : memref<10240x128xf32, #tpu.memory_space<vmem_shared>> -> memref<128x128xf32, #tpu.memory_space<vmem_shared>>
    %dma_start3A_40 = arith.constant 0 : i32
    %dma_start3A_41 = tpu.memref_slice %arg5[%add3A_34, %dma_start3A_40] : memref<10240x128xf32, #tpu.memory_space<vmem_shared>> -> memref<128x128xf32, #tpu.memory_space<vmem_shared>>
    %dma_start3A_42 = arith.constant 0 : i32
    %dma_start3A_43 = arith.constant 0 : i32
    %dma_start3A_44 = tpu.memref_slice %arg8[%dma_start3A_42, %dma_start3A_43] : memref<128x128xf32, #tpu.memory_space<vmem>> -> memref<128x128xf32, #tpu.memory_space<vmem>>
    tpu.enqueue_dma source(%dma_start3A_44 : memref<128x128xf32, #tpu.memory_space<vmem>>) target(%dma_start3A_41 : memref<128x128xf32, #tpu.memory_space<vmem_shared>>) target_semaphore(%arg11 : memref<!tpu.dma_semaphore, #tpu.memory_space<semaphore_mem>>)
    %mul3A_45 = arith.constant 640 : i32
    %mul3A_46 = arith.muli %arg1, %mul3A_45 : i32
    %add3A_47 = arith.constant 384 : i32
    %add3A_48 = arith.addi %mul3A_46, %add3A_47 : i32
    %dma_start3A_49 = arith.constant 0 : i32
    %dma_start3A_50 = arith.constant 0 : i32
    %dma_start3A_51 = tpu.memref_slice %arg8[%dma_start3A_49, %dma_start3A_50] : memref<128x128xf32, #tpu.memory_space<vmem>> -> memref<128x128xf32, #tpu.memory_space<vmem>>
    %dma_start3A_52 = arith.constant 0 : i32
    %dma_start3A_53 = tpu.memref_slice %arg5[%add3A_48, %dma_start3A_52] : memref<10240x128xf32, #tpu.memory_space<vmem_shared>> -> memref<128x128xf32, #tpu.memory_space<vmem_shared>>
    %dma_start3A_54 = arith.constant 0 : i32
    %dma_start3A_55 = tpu.memref_slice %arg5[%add3A_48, %dma_start3A_54] : memref<10240x128xf32, #tpu.memory_space<vmem_shared>> -> memref<128x128xf32, #tpu.memory_space<vmem_shared>>
    %dma_start3A_56 = arith.constant 0 : i32
    %dma_start3A_57 = arith.constant 0 : i32
    %dma_start3A_58 = tpu.memref_slice %arg8[%dma_start3A_56, %dma_start3A_57] : memref<128x128xf32, #tpu.memory_space<vmem>> -> memref<128x128xf32, #tpu.memory_space<vmem>>
    tpu.enqueue_dma source(%dma_start3A_58 : memref<128x128xf32, #tpu.memory_space<vmem>>) target(%dma_start3A_55 : memref<128x128xf32, #tpu.memory_space<vmem_shared>>) target_semaphore(%arg11 : memref<!tpu.dma_semaphore, #tpu.memory_space<semaphore_mem>>)
    %mul3A_59 = arith.constant 640 : i32
    %mul3A_60 = arith.muli %arg1, %mul3A_59 : i32
    %add3A_61 = arith.constant 512 : i32
    %add3A_62 = arith.addi %mul3A_60, %add3A_61 : i32
    %dma_start3A_63 = arith.constant 0 : i32
    %dma_start3A_64 = arith.constant 0 : i32
    %dma_start3A_65 = tpu.memref_slice %arg8[%dma_start3A_63, %dma_start3A_64] : memref<128x128xf32, #tpu.memory_space<vmem>> -> memref<128x128xf32, #tpu.memory_space<vmem>>
    %dma_start3A_66 = arith.constant 0 : i32
    %dma_start3A_67 = tpu.memref_slice %arg5[%add3A_62, %dma_start3A_66] : memref<10240x128xf32, #tpu.memory_space<vmem_shared>> -> memref<128x128xf32, #tpu.memory_space<vmem_shared>>
    %dma_start3A_68 = arith.constant 0 : i32
    %dma_start3A_69 = tpu.memref_slice %arg5[%add3A_62, %dma_start3A_68] : memref<10240x128xf32, #tpu.memory_space<vmem_shared>> -> memref<128x128xf32, #tpu.memory_space<vmem_shared>>
    %dma_start3A_70 = arith.constant 0 : i32
    %dma_start3A_71 = arith.constant 0 : i32
    %dma_start3A_72 = tpu.memref_slice %arg8[%dma_start3A_70, %dma_start3A_71] : memref<128x128xf32, #tpu.memory_space<vmem>> -> memref<128x128xf32, #tpu.memory_space<vmem>>
    tpu.enqueue_dma source(%dma_start3A_72 : memref<128x128xf32, #tpu.memory_space<vmem>>) target(%dma_start3A_69 : memref<128x128xf32, #tpu.memory_space<vmem_shared>>) target_semaphore(%arg11 : memref<!tpu.dma_semaphore, #tpu.memory_space<semaphore_mem>>)
    %run_scoped3A = arith.constant 0 : i32
    %run_scoped3A_73 = arith.constant 0 : i32
    "tpu.region"() ({
      %run_scoped3A_228 = tpu.sem_alloc : memref<!tpu.dma_semaphore, #tpu.memory_space<semaphore_mem>>
      %dma_start3A_229 = arith.constant 0 : i32
      %dma_start3A_230 = arith.constant 0 : i32
      %dma_start3A_231 = tpu.memref_slice %arg3[%run_scoped3A, %arg0, %arg1, %run_scoped3A_73, %dma_start3A_229, %dma_start3A_230] : memref<2x2x16x2x40x128xi32, #tpu.memory_space<hbm>> -> memref<1x1x1x1x40x128xi32, #tpu.memory_space<hbm>>
      %dma_start3A_232 = tpu.memref_squeeze %dma_start3A_231 : memref<1x1x1x1x40x128xi32, #tpu.memory_space<hbm>> -> memref<40x128xi32, #tpu.memory_space<hbm>>
      %dma_start3A_233 = arith.constant 0 : i32
      %dma_start3A_234 = arith.constant 0 : i32
      %dma_start3A_235 = tpu.memref_slice %arg3[%run_scoped3A, %arg0, %arg1, %run_scoped3A_73, %dma_start3A_233, %dma_start3A_234] : memref<2x2x16x2x40x128xi32, #tpu.memory_space<hbm>> -> memref<1x1x1x1x40x128xi32, #tpu.memory_space<hbm>>
      %dma_start3A_236 = tpu.memref_squeeze %dma_start3A_235 : memref<1x1x1x1x40x128xi32, #tpu.memory_space<hbm>> -> memref<40x128xi32, #tpu.memory_space<hbm>>
      tpu.enqueue_dma source(%dma_start3A_236 : memref<40x128xi32, #tpu.memory_space<hbm>>) target(%arg6 : memref<40x128xi32, #tpu.memory_space<vmem>>) target_semaphore(%run_scoped3A_228 : memref<!tpu.dma_semaphore, #tpu.memory_space<semaphore_mem>>)
      %dma_wait3A_237 = arith.constant 0 : i32
      %dma_wait3A_238 = arith.constant 0 : i32
      %dma_wait3A_239 = tpu.memref_slice %arg3[%run_scoped3A, %arg0, %arg1, %run_scoped3A_73, %dma_wait3A_237, %dma_wait3A_238] : memref<2x2x16x2x40x128xi32, #tpu.memory_space<hbm>> -> memref<1x1x1x1x40x128xi32, #tpu.memory_space<hbm>>
      %dma_wait3A_240 = tpu.memref_squeeze %dma_wait3A_239 : memref<1x1x1x1x40x128xi32, #tpu.memory_space<hbm>> -> memref<40x128xi32, #tpu.memory_space<hbm>>
      %dma_wait3A_241 = arith.constant 0 : i32
      %dma_wait3A_242 = arith.constant 0 : i32
      %dma_wait3A_243 = tpu.memref_slice %arg3[%run_scoped3A, %arg0, %arg1, %run_scoped3A_73, %dma_wait3A_241, %dma_wait3A_242] : memref<2x2x16x2x40x128xi32, #tpu.memory_space<hbm>> -> memref<1x1x1x1x40x128xi32, #tpu.memory_space<hbm>>
      %dma_wait3A_244 = tpu.memref_squeeze %dma_wait3A_243 : memref<1x1x1x1x40x128xi32, #tpu.memory_space<hbm>> -> memref<40x128xi32, #tpu.memory_space<hbm>>
      tpu.wait_dma2 semaphore(%run_scoped3A_228 : memref<!tpu.dma_semaphore, #tpu.memory_space<semaphore_mem>>) src(%dma_wait3A_244 : memref<40x128xi32, #tpu.memory_space<hbm>>) dst(%arg6 : memref<40x128xi32, #tpu.memory_space<vmem>>)
      tpu.yield
    }) : () -> ()
    %run_scoped3A_74 = arith.constant 1 : i32
    %run_scoped3A_75 = arith.constant 0 : i32
    "tpu.region"() ({
      %run_scoped3A_228 = tpu.sem_alloc : memref<!tpu.dma_semaphore, #tpu.memory_space<semaphore_mem>>
      %dma_start3A_229 = arith.constant 0 : i32
      %dma_start3A_230 = arith.constant 0 : i32
      %dma_start3A_231 = tpu.memref_slice %arg3[%run_scoped3A_74, %arg0, %arg1, %run_scoped3A_75, %dma_start3A_229, %dma_start3A_230] : memref<2x2x16x2x40x128xi32, #tpu.memory_space<hbm>> -> memref<1x1x1x1x40x128xi32, #tpu.memory_space<hbm>>
      %dma_start3A_232 = tpu.memref_squeeze %dma_start3A_231 : memref<1x1x1x1x40x128xi32, #tpu.memory_space<hbm>> -> memref<40x128xi32, #tpu.memory_space<hbm>>
      %dma_start3A_233 = arith.constant 0 : i32
      %dma_start3A_234 = arith.constant 0 : i32
      %dma_start3A_235 = tpu.memref_slice %arg3[%run_scoped3A_74, %arg0, %arg1, %run_scoped3A_75, %dma_start3A_233, %dma_start3A_234] : memref<2x2x16x2x40x128xi32, #tpu.memory_space<hbm>> -> memref<1x1x1x1x40x128xi32, #tpu.memory_space<hbm>>
      %dma_start3A_236 = tpu.memref_squeeze %dma_start3A_235 : memref<1x1x1x1x40x128xi32, #tpu.memory_space<hbm>> -> memref<40x128xi32, #tpu.memory_space<hbm>>
      tpu.enqueue_dma source(%dma_start3A_236 : memref<40x128xi32, #tpu.memory_space<hbm>>) target(%arg7 : memref<40x128xi32, #tpu.memory_space<vmem>>) target_semaphore(%run_scoped3A_228 : memref<!tpu.dma_semaphore, #tpu.memory_space<semaphore_mem>>)
      %dma_wait3A_237 = arith.constant 0 : i32
      %dma_wait3A_238 = arith.constant 0 : i32
      %dma_wait3A_239 = tpu.memref_slice %arg3[%run_scoped3A_74, %arg0, %arg1, %run_scoped3A_75, %dma_wait3A_237, %dma_wait3A_238] : memref<2x2x16x2x40x128xi32, #tpu.memory_space<hbm>> -> memref<1x1x1x1x40x128xi32, #tpu.memory_space<hbm>>
      %dma_wait3A_240 = tpu.memref_squeeze %dma_wait3A_239 : memref<1x1x1x1x40x128xi32, #tpu.memory_space<hbm>> -> memref<40x128xi32, #tpu.memory_space<hbm>>
      %dma_wait3A_241 = arith.constant 0 : i32
      %dma_wait3A_242 = arith.constant 0 : i32
      %dma_wait3A_243 = tpu.memref_slice %arg3[%run_scoped3A_74, %arg0, %arg1, %run_scoped3A_75, %dma_wait3A_241, %dma_wait3A_242] : memref<2x2x16x2x40x128xi32, #tpu.memory_space<hbm>> -> memref<1x1x1x1x40x128xi32, #tpu.memory_space<hbm>>
      %dma_wait3A_244 = tpu.memref_squeeze %dma_wait3A_243 : memref<1x1x1x1x40x128xi32, #tpu.memory_space<hbm>> -> memref<40x128xi32, #tpu.memory_space<hbm>>
      tpu.wait_dma2 semaphore(%run_scoped3A_228 : memref<!tpu.dma_semaphore, #tpu.memory_space<semaphore_mem>>) src(%dma_wait3A_244 : memref<40x128xi32, #tpu.memory_space<hbm>>) dst(%arg7 : memref<40x128xi32, #tpu.memory_space<vmem>>)
      tpu.yield
    }) : () -> ()
    %mul3A_76 = arith.constant 640 : i32
    %mul3A_77 = arith.muli %arg1, %mul3A_76 : i32
    %add3A_78 = arith.constant 0 : i32
    %add3A_79 = arith.addi %mul3A_77, %add3A_78 : i32
    %dma_wait3A = arith.constant 0 : i32
    %dma_wait3A_80 = arith.constant 0 : i32
    %dma_wait3A_81 = tpu.memref_slice %arg8[%dma_wait3A, %dma_wait3A_80] : memref<128x128xf32, #tpu.memory_space<vmem>> -> memref<128x128xf32, #tpu.memory_space<vmem>>
    %dma_wait3A_82 = arith.constant 0 : i32
    %dma_wait3A_83 = tpu.memref_slice %arg5[%add3A_79, %dma_wait3A_82] : memref<10240x128xf32, #tpu.memory_space<vmem_shared>> -> memref<128x128xf32, #tpu.memory_space<vmem_shared>>
    %dma_wait3A_84 = arith.constant 0 : i32
    %dma_wait3A_85 = tpu.memref_slice %arg5[%add3A_79, %dma_wait3A_84] : memref<10240x128xf32, #tpu.memory_space<vmem_shared>> -> memref<128x128xf32, #tpu.memory_space<vmem_shared>>
    %dma_wait3A_86 = arith.constant 0 : i32
    %dma_wait3A_87 = arith.constant 0 : i32
    %dma_wait3A_88 = tpu.memref_slice %arg8[%dma_wait3A_86, %dma_wait3A_87] : memref<128x128xf32, #tpu.memory_space<vmem>> -> memref<128x128xf32, #tpu.memory_space<vmem>>
    tpu.wait_dma2 semaphore(%arg11 : memref<!tpu.dma_semaphore, #tpu.memory_space<semaphore_mem>>) src(%dma_wait3A_88 : memref<128x128xf32, #tpu.memory_space<vmem>>) dst(%dma_wait3A_85 : memref<128x128xf32, #tpu.memory_space<vmem_shared>>)
    %mul3A_89 = arith.constant 640 : i32
    %mul3A_90 = arith.muli %arg1, %mul3A_89 : i32
    %add3A_91 = arith.constant 128 : i32
    %add3A_92 = arith.addi %mul3A_90, %add3A_91 : i32
    %dma_wait3A_93 = arith.constant 0 : i32
    %dma_wait3A_94 = arith.constant 0 : i32
    %dma_wait3A_95 = tpu.memref_slice %arg8[%dma_wait3A_93, %dma_wait3A_94] : memref<128x128xf32, #tpu.memory_space<vmem>> -> memref<128x128xf32, #tpu.memory_space<vmem>>
    %dma_wait3A_96 = arith.constant 0 : i32
    %dma_wait3A_97 = tpu.memref_slice %arg5[%add3A_92, %dma_wait3A_96] : memref<10240x128xf32, #tpu.memory_space<vmem_shared>> -> memref<128x128xf32, #tpu.memory_space<vmem_shared>>
    %dma_wait3A_98 = arith.constant 0 : i32
    %dma_wait3A_99 = tpu.memref_slice %arg5[%add3A_92, %dma_wait3A_98] : memref<10240x128xf32, #tpu.memory_space<vmem_shared>> -> memref<128x128xf32, #tpu.memory_space<vmem_shared>>
    %dma_wait3A_100 = arith.constant 0 : i32
    %dma_wait3A_101 = arith.constant 0 : i32
    %dma_wait3A_102 = tpu.memref_slice %arg8[%dma_wait3A_100, %dma_wait3A_101] : memref<128x128xf32, #tpu.memory_space<vmem>> -> memref<128x128xf32, #tpu.memory_space<vmem>>
    tpu.wait_dma2 semaphore(%arg11 : memref<!tpu.dma_semaphore, #tpu.memory_space<semaphore_mem>>) src(%dma_wait3A_102 : memref<128x128xf32, #tpu.memory_space<vmem>>) dst(%dma_wait3A_99 : memref<128x128xf32, #tpu.memory_space<vmem_shared>>)
    %mul3A_103 = arith.constant 640 : i32
    %mul3A_104 = arith.muli %arg1, %mul3A_103 : i32
    %add3A_105 = arith.constant 256 : i32
    %add3A_106 = arith.addi %mul3A_104, %add3A_105 : i32
    %dma_wait3A_107 = arith.constant 0 : i32
    %dma_wait3A_108 = arith.constant 0 : i32
    %dma_wait3A_109 = tpu.memref_slice %arg8[%dma_wait3A_107, %dma_wait3A_108] : memref<128x128xf32, #tpu.memory_space<vmem>> -> memref<128x128xf32, #tpu.memory_space<vmem>>
    %dma_wait3A_110 = arith.constant 0 : i32
    %dma_wait3A_111 = tpu.memref_slice %arg5[%add3A_106, %dma_wait3A_110] : memref<10240x128xf32, #tpu.memory_space<vmem_shared>> -> memref<128x128xf32, #tpu.memory_space<vmem_shared>>
    %dma_wait3A_112 = arith.constant 0 : i32
    %dma_wait3A_113 = tpu.memref_slice %arg5[%add3A_106, %dma_wait3A_112] : memref<10240x128xf32, #tpu.memory_space<vmem_shared>> -> memref<128x128xf32, #tpu.memory_space<vmem_shared>>
    %dma_wait3A_114 = arith.constant 0 : i32
    %dma_wait3A_115 = arith.constant 0 : i32
    %dma_wait3A_116 = tpu.memref_slice %arg8[%dma_wait3A_114, %dma_wait3A_115] : memref<128x128xf32, #tpu.memory_space<vmem>> -> memref<128x128xf32, #tpu.memory_space<vmem>>
    tpu.wait_dma2 semaphore(%arg11 : memref<!tpu.dma_semaphore, #tpu.memory_space<semaphore_mem>>) src(%dma_wait3A_116 : memref<128x128xf32, #tpu.memory_space<vmem>>) dst(%dma_wait3A_113 : memref<128x128xf32, #tpu.memory_space<vmem_shared>>)
    %mul3A_117 = arith.constant 640 : i32
    %mul3A_118 = arith.muli %arg1, %mul3A_117 : i32
    %add3A_119 = arith.constant 384 : i32
    %add3A_120 = arith.addi %mul3A_118, %add3A_119 : i32
    %dma_wait3A_121 = arith.constant 0 : i32
    %dma_wait3A_122 = arith.constant 0 : i32
    %dma_wait3A_123 = tpu.memref_slice %arg8[%dma_wait3A_121, %dma_wait3A_122] : memref<128x128xf32, #tpu.memory_space<vmem>> -> memref<128x128xf32, #tpu.memory_space<vmem>>
    %dma_wait3A_124 = arith.constant 0 : i32
    %dma_wait3A_125 = tpu.memref_slice %arg5[%add3A_120, %dma_wait3A_124] : memref<10240x128xf32, #tpu.memory_space<vmem_shared>> -> memref<128x128xf32, #tpu.memory_space<vmem_shared>>
    %dma_wait3A_126 = arith.constant 0 : i32
    %dma_wait3A_127 = tpu.memref_slice %arg5[%add3A_120, %dma_wait3A_126] : memref<10240x128xf32, #tpu.memory_space<vmem_shared>> -> memref<128x128xf32, #tpu.memory_space<vmem_shared>>
    %dma_wait3A_128 = arith.constant 0 : i32
    %dma_wait3A_129 = arith.constant 0 : i32
    %dma_wait3A_130 = tpu.memref_slice %arg8[%dma_wait3A_128, %dma_wait3A_129] : memref<128x128xf32, #tpu.memory_space<vmem>> -> memref<128x128xf32, #tpu.memory_space<vmem>>
    tpu.wait_dma2 semaphore(%arg11 : memref<!tpu.dma_semaphore, #tpu.memory_space<semaphore_mem>>) src(%dma_wait3A_130 : memref<128x128xf32, #tpu.memory_space<vmem>>) dst(%dma_wait3A_127 : memref<128x128xf32, #tpu.memory_space<vmem_shared>>)
    %mul3A_131 = arith.constant 640 : i32
    %mul3A_132 = arith.muli %arg1, %mul3A_131 : i32
    %add3A_133 = arith.constant 512 : i32
    %add3A_134 = arith.addi %mul3A_132, %add3A_133 : i32
    %dma_wait3A_135 = arith.constant 0 : i32
    %dma_wait3A_136 = arith.constant 0 : i32
    %dma_wait3A_137 = tpu.memref_slice %arg8[%dma_wait3A_135, %dma_wait3A_136] : memref<128x128xf32, #tpu.memory_space<vmem>> -> memref<128x128xf32, #tpu.memory_space<vmem>>
    %dma_wait3A_138 = arith.constant 0 : i32
    %dma_wait3A_139 = tpu.memref_slice %arg5[%add3A_134, %dma_wait3A_138] : memref<10240x128xf32, #tpu.memory_space<vmem_shared>> -> memref<128x128xf32, #tpu.memory_space<vmem_shared>>
    %dma_wait3A_140 = arith.constant 0 : i32
    %dma_wait3A_141 = tpu.memref_slice %arg5[%add3A_134, %dma_wait3A_140] : memref<10240x128xf32, #tpu.memory_space<vmem_shared>> -> memref<128x128xf32, #tpu.memory_space<vmem_shared>>
    %dma_wait3A_142 = arith.constant 0 : i32
    %dma_wait3A_143 = arith.constant 0 : i32
    %dma_wait3A_144 = tpu.memref_slice %arg8[%dma_wait3A_142, %dma_wait3A_143] : memref<128x128xf32, #tpu.memory_space<vmem>> -> memref<128x128xf32, #tpu.memory_space<vmem>>
    tpu.wait_dma2 semaphore(%arg11 : memref<!tpu.dma_semaphore, #tpu.memory_space<semaphore_mem>>) src(%dma_wait3A_144 : memref<128x128xf32, #tpu.memory_space<vmem>>) dst(%dma_wait3A_141 : memref<128x128xf32, #tpu.memory_space<vmem_shared>>)
    %barrier3A = arith.constant 0 : index
    tpu.barrier barrier_id(%barrier3A)
    %dma_start3A_145 = arith.constant 0 : i32
    %dma_start3A_146 = arith.constant 0 : i32
    %dma_start3A_147 = tpu.memref_slice %arg6[%dma_start3A_145, %dma_start3A_146] : memref<40x128xi32, #tpu.memory_space<vmem>> -> memref<1x128xi32, #tpu.memory_space<vmem>>
    %dma_start3A_148 = tpu.memref_squeeze %dma_start3A_147 : memref<1x128xi32, #tpu.memory_space<vmem>> -> memref<128xi32, #tpu.memory_space<vmem>>
    %dma_start3A_149 = arith.constant 0 : i32
    %dma_start3A_150 = arith.constant 0 : i32
    %dma_start3A_151 = tpu.memref_slice %arg2[%dma_start3A_149, %dma_start3A_150] : memref<10240x128xf32, #tpu.memory_space<hbm>> -> memref<10240x128xf32, #tpu.memory_space<hbm>>
    tpu.enqueue_indirect_dma source(%dma_start3A_151 : memref<10240x128xf32, #tpu.memory_space<hbm>>) target(%arg8 : memref<128x128xf32, #tpu.memory_space<vmem>>) offsets(%dma_start3A_148 : memref<128xi32, #tpu.memory_space<vmem>>) semaphore(%arg10 : memref<!tpu.dma_semaphore, #tpu.memory_space<semaphore_mem>>)
    %dma_start3A_152 = arith.constant 1 : i32
    %dma_start3A_153 = arith.constant 0 : i32
    %dma_start3A_154 = tpu.memref_slice %arg6[%dma_start3A_152, %dma_start3A_153] : memref<40x128xi32, #tpu.memory_space<vmem>> -> memref<1x128xi32, #tpu.memory_space<vmem>>
    %dma_start3A_155 = tpu.memref_squeeze %dma_start3A_154 : memref<1x128xi32, #tpu.memory_space<vmem>> -> memref<128xi32, #tpu.memory_space<vmem>>
    %dma_start3A_156 = arith.constant 0 : i32
    %dma_start3A_157 = arith.constant 0 : i32
    %dma_start3A_158 = tpu.memref_slice %arg2[%dma_start3A_156, %dma_start3A_157] : memref<10240x128xf32, #tpu.memory_space<hbm>> -> memref<10240x128xf32, #tpu.memory_space<hbm>>
    tpu.enqueue_indirect_dma source(%dma_start3A_158 : memref<10240x128xf32, #tpu.memory_space<hbm>>) target(%arg9 : memref<128x128xf32, #tpu.memory_space<vmem>>) offsets(%dma_start3A_155 : memref<128xi32, #tpu.memory_space<vmem>>) semaphore(%arg11 : memref<!tpu.dma_semaphore, #tpu.memory_space<semaphore_mem>>)
    %scan3A_159 = arith.constant 0 : i32
    %scan3A_160 = arith.constant 0 : i32
    %scan3A_161 = arith.constant 19 : i32
    %scan3A_162 = arith.addi %scan3A_160, %scan3A_161 : i32
    %scan3A_163 = arith.constant 1 : i32
    %scan3A_164 = scf.for %scan3A_228 = %scan3A_160 to %scan3A_162 step %scan3A_163 iter_args(%scan3A_229 = %scan3A_159) -> (i32)  : i32 {
      %mul3A_230 = arith.constant 2 : i32
      %mul3A_231 = arith.muli %mul3A_230, %scan3A_228 : i32
      %dma_wait3A_232 = arith.constant 0 : i32
      %dma_wait3A_233 = tpu.memref_slice %arg6[%mul3A_231, %dma_wait3A_232] : memref<40x128xi32, #tpu.memory_space<vmem>> -> memref<1x128xi32, #tpu.memory_space<vmem>>
      %dma_wait3A_234 = tpu.memref_squeeze %dma_wait3A_233 : memref<1x128xi32, #tpu.memory_space<vmem>> -> memref<128xi32, #tpu.memory_space<vmem>>
      %dma_wait3A_235 = arith.constant 0 : i32
      %dma_wait3A_236 = arith.constant 0 : i32
      %dma_wait3A_237 = tpu.memref_slice %arg2[%dma_wait3A_235, %dma_wait3A_236] : memref<10240x128xf32, #tpu.memory_space<hbm>> -> memref<10240x128xf32, #tpu.memory_space<hbm>>
      tpu.wait_indirect_dma semaphore(%arg10 : memref<!tpu.dma_semaphore, #tpu.memory_space<semaphore_mem>>) src(%dma_wait3A_237 : memref<10240x128xf32, #tpu.memory_space<hbm>>) dst(%arg8 : memref<128x128xf32, #tpu.memory_space<vmem>>)
      "tpu.region"() ({
        %run_scoped3A_265 = tpu.sem_alloc : memref<!tpu.dma_semaphore, #tpu.memory_space<semaphore_mem>>
        %dma_start3A_266 = arith.constant 0 : i32
        %dma_start3A_267 = tpu.memref_slice %arg7[%mul3A_231, %dma_start3A_266] : memref<40x128xi32, #tpu.memory_space<vmem>> -> memref<1x128xi32, #tpu.memory_space<vmem>>
        %dma_start3A_268 = tpu.memref_squeeze %dma_start3A_267 : memref<1x128xi32, #tpu.memory_space<vmem>> -> memref<128xi32, #tpu.memory_space<vmem>>
        %dma_start3A_269 = arith.constant 0 : i32
        %dma_start3A_270 = arith.constant 0 : i32
        %dma_start3A_271 = tpu.memref_slice %arg5[%dma_start3A_269, %dma_start3A_270] : memref<10240x128xf32, #tpu.memory_space<vmem_shared>> -> memref<10240x128xf32, #tpu.memory_space<vmem_shared>>
        tpu.enqueue_indirect_dma source(%arg8 : memref<128x128xf32, #tpu.memory_space<vmem>>) target(%dma_start3A_271 : memref<10240x128xf32, #tpu.memory_space<vmem_shared>>) offsets(%dma_start3A_268 : memref<128xi32, #tpu.memory_space<vmem>>) semaphore(%run_scoped3A_265 : memref<!tpu.dma_semaphore, #tpu.memory_space<semaphore_mem>>) {add = true}
        %dma_wait3A_272 = arith.constant 0 : i32
        %dma_wait3A_273 = tpu.memref_slice %arg7[%mul3A_231, %dma_wait3A_272] : memref<40x128xi32, #tpu.memory_space<vmem>> -> memref<1x128xi32, #tpu.memory_space<vmem>>
        %dma_wait3A_274 = tpu.memref_squeeze %dma_wait3A_273 : memref<1x128xi32, #tpu.memory_space<vmem>> -> memref<128xi32, #tpu.memory_space<vmem>>
        %dma_wait3A_275 = arith.constant 0 : i32
        %dma_wait3A_276 = arith.constant 0 : i32
        %dma_wait3A_277 = tpu.memref_slice %arg5[%dma_wait3A_275, %dma_wait3A_276] : memref<10240x128xf32, #tpu.memory_space<vmem_shared>> -> memref<10240x128xf32, #tpu.memory_space<vmem_shared>>
        tpu.wait_indirect_dma semaphore(%run_scoped3A_265 : memref<!tpu.dma_semaphore, #tpu.memory_space<semaphore_mem>>) src(%arg8 : memref<128x128xf32, #tpu.memory_space<vmem>>) dst(%dma_wait3A_277 : memref<10240x128xf32, #tpu.memory_space<vmem_shared>>)
        tpu.yield
      }) : () -> ()
      %add3A_238 = arith.constant 2 : i32
      %add3A_239 = arith.addi %mul3A_231, %add3A_238 : i32
      %dma_start3A_240 = arith.constant 0 : i32
      %dma_start3A_241 = tpu.memref_slice %arg6[%add3A_239, %dma_start3A_240] : memref<40x128xi32, #tpu.memory_space<vmem>> -> memref<1x128xi32, #tpu.memory_space<vmem>>
      %dma_start3A_242 = tpu.memref_squeeze %dma_start3A_241 : memref<1x128xi32, #tpu.memory_space<vmem>> -> memref<128xi32, #tpu.memory_space<vmem>>
      %dma_start3A_243 = arith.constant 0 : i32
      %dma_start3A_244 = arith.constant 0 : i32
      %dma_start3A_245 = tpu.memref_slice %arg2[%dma_start3A_243, %dma_start3A_244] : memref<10240x128xf32, #tpu.memory_space<hbm>> -> memref<10240x128xf32, #tpu.memory_space<hbm>>
      tpu.enqueue_indirect_dma source(%dma_start3A_245 : memref<10240x128xf32, #tpu.memory_space<hbm>>) target(%arg8 : memref<128x128xf32, #tpu.memory_space<vmem>>) offsets(%dma_start3A_242 : memref<128xi32, #tpu.memory_space<vmem>>) semaphore(%arg10 : memref<!tpu.dma_semaphore, #tpu.memory_space<semaphore_mem>>)
      %add3A_246 = arith.constant 1 : i32
      %add3A_247 = arith.addi %mul3A_231, %add3A_246 : i32
      %dma_wait3A_248 = arith.constant 0 : i32
      %dma_wait3A_249 = tpu.memref_slice %arg6[%add3A_247, %dma_wait3A_248] : memref<40x128xi32, #tpu.memory_space<vmem>> -> memref<1x128xi32, #tpu.memory_space<vmem>>
      %dma_wait3A_250 = tpu.memref_squeeze %dma_wait3A_249 : memref<1x128xi32, #tpu.memory_space<vmem>> -> memref<128xi32, #tpu.memory_space<vmem>>
      %dma_wait3A_251 = arith.constant 0 : i32
      %dma_wait3A_252 = arith.constant 0 : i32
      %dma_wait3A_253 = tpu.memref_slice %arg2[%dma_wait3A_251, %dma_wait3A_252] : memref<10240x128xf32, #tpu.memory_space<hbm>> -> memref<10240x128xf32, #tpu.memory_space<hbm>>
      tpu.wait_indirect_dma semaphore(%arg11 : memref<!tpu.dma_semaphore, #tpu.memory_space<semaphore_mem>>) src(%dma_wait3A_253 : memref<10240x128xf32, #tpu.memory_space<hbm>>) dst(%arg9 : memref<128x128xf32, #tpu.memory_space<vmem>>)
      %add3A_254 = arith.constant 1 : i32
      %add3A_255 = arith.addi %mul3A_231, %add3A_254 : i32
      "tpu.region"() ({
        %run_scoped3A_265 = tpu.sem_alloc : memref<!tpu.dma_semaphore, #tpu.memory_space<semaphore_mem>>
        %dma_start3A_266 = arith.constant 0 : i32
        %dma_start3A_267 = tpu.memref_slice %arg7[%add3A_255, %dma_start3A_266] : memref<40x128xi32, #tpu.memory_space<vmem>> -> memref<1x128xi32, #tpu.memory_space<vmem>>
        %dma_start3A_268 = tpu.memref_squeeze %dma_start3A_267 : memref<1x128xi32, #tpu.memory_space<vmem>> -> memref<128xi32, #tpu.memory_space<vmem>>
        %dma_start3A_269 = arith.constant 0 : i32
        %dma_start3A_270 = arith.constant 0 : i32
        %dma_start3A_271 = tpu.memref_slice %arg5[%dma_start3A_269, %dma_start3A_270] : memref<10240x128xf32, #tpu.memory_space<vmem_shared>> -> memref<10240x128xf32, #tpu.memory_space<vmem_shared>>
        tpu.enqueue_indirect_dma source(%arg9 : memref<128x128xf32, #tpu.memory_space<vmem>>) target(%dma_start3A_271 : memref<10240x128xf32, #tpu.memory_space<vmem_shared>>) offsets(%dma_start3A_268 : memref<128xi32, #tpu.memory_space<vmem>>) semaphore(%run_scoped3A_265 : memref<!tpu.dma_semaphore, #tpu.memory_space<semaphore_mem>>) {add = true}
        %dma_wait3A_272 = arith.constant 0 : i32
        %dma_wait3A_273 = tpu.memref_slice %arg7[%add3A_255, %dma_wait3A_272] : memref<40x128xi32, #tpu.memory_space<vmem>> -> memref<1x128xi32, #tpu.memory_space<vmem>>
        %dma_wait3A_274 = tpu.memref_squeeze %dma_wait3A_273 : memref<1x128xi32, #tpu.memory_space<vmem>> -> memref<128xi32, #tpu.memory_space<vmem>>
        %dma_wait3A_275 = arith.constant 0 : i32
        %dma_wait3A_276 = arith.constant 0 : i32
        %dma_wait3A_277 = tpu.memref_slice %arg5[%dma_wait3A_275, %dma_wait3A_276] : memref<10240x128xf32, #tpu.memory_space<vmem_shared>> -> memref<10240x128xf32, #tpu.memory_space<vmem_shared>>
        tpu.wait_indirect_dma semaphore(%run_scoped3A_265 : memref<!tpu.dma_semaphore, #tpu.memory_space<semaphore_mem>>) src(%arg9 : memref<128x128xf32, #tpu.memory_space<vmem>>) dst(%dma_wait3A_277 : memref<10240x128xf32, #tpu.memory_space<vmem_shared>>)
        tpu.yield
      }) : () -> ()
      %add3A_256 = arith.constant 3 : i32
      %add3A_257 = arith.addi %mul3A_231, %add3A_256 : i32
      %dma_start3A_258 = arith.constant 0 : i32
      %dma_start3A_259 = tpu.memref_slice %arg6[%add3A_257, %dma_start3A_258] : memref<40x128xi32, #tpu.memory_space<vmem>> -> memref<1x128xi32, #tpu.memory_space<vmem>>
      %dma_start3A_260 = tpu.memref_squeeze %dma_start3A_259 : memref<1x128xi32, #tpu.memory_space<vmem>> -> memref<128xi32, #tpu.memory_space<vmem>>
      %dma_start3A_261 = arith.constant 0 : i32
      %dma_start3A_262 = arith.constant 0 : i32
      %dma_start3A_263 = tpu.memref_slice %arg2[%dma_start3A_261, %dma_start3A_262] : memref<10240x128xf32, #tpu.memory_space<hbm>> -> memref<10240x128xf32, #tpu.memory_space<hbm>>
      tpu.enqueue_indirect_dma source(%dma_start3A_263 : memref<10240x128xf32, #tpu.memory_space<hbm>>) target(%arg9 : memref<128x128xf32, #tpu.memory_space<vmem>>) offsets(%dma_start3A_260 : memref<128xi32, #tpu.memory_space<vmem>>) semaphore(%arg11 : memref<!tpu.dma_semaphore, #tpu.memory_space<semaphore_mem>>)
      %scan3A_264 = arith.constant 0 : i32
      scf.yield %scan3A_264 : i32
    }
    %scan3A_165 = arith.constant 19 : i32
    %dma_wait3A_166 = arith.constant 38 : i32
    %dma_wait3A_167 = arith.constant 0 : i32
    %dma_wait3A_168 = tpu.memref_slice %arg6[%dma_wait3A_166, %dma_wait3A_167] : memref<40x128xi32, #tpu.memory_space<vmem>> -> memref<1x128xi32, #tpu.memory_space<vmem>>
    %dma_wait3A_169 = tpu.memref_squeeze %dma_wait3A_168 : memref<1x128xi32, #tpu.memory_space<vmem>> -> memref<128xi32, #tpu.memory_space<vmem>>
    %dma_wait3A_170 = arith.constant 0 : i32
    %dma_wait3A_171 = arith.constant 0 : i32
    %dma_wait3A_172 = tpu.memref_slice %arg2[%dma_wait3A_170, %dma_wait3A_171] : memref<10240x128xf32, #tpu.memory_space<hbm>> -> memref<10240x128xf32, #tpu.memory_space<hbm>>
    tpu.wait_indirect_dma semaphore(%arg10 : memref<!tpu.dma_semaphore, #tpu.memory_space<semaphore_mem>>) src(%dma_wait3A_172 : memref<10240x128xf32, #tpu.memory_space<hbm>>) dst(%arg8 : memref<128x128xf32, #tpu.memory_space<vmem>>)
    %run_scoped3A_173 = arith.constant 38 : i32
    "tpu.region"() ({
      %run_scoped3A_228 = tpu.sem_alloc : memref<!tpu.dma_semaphore, #tpu.memory_space<semaphore_mem>>
      %dma_start3A_229 = arith.constant 0 : i32
      %dma_start3A_230 = tpu.memref_slice %arg7[%run_scoped3A_173, %dma_start3A_229] : memref<40x128xi32, #tpu.memory_space<vmem>> -> memref<1x128xi32, #tpu.memory_space<vmem>>
      %dma_start3A_231 = tpu.memref_squeeze %dma_start3A_230 : memref<1x128xi32, #tpu.memory_space<vmem>> -> memref<128xi32, #tpu.memory_space<vmem>>
      %dma_start3A_232 = arith.constant 0 : i32
      %dma_start3A_233 = arith.constant 0 : i32
      %dma_start3A_234 = tpu.memref_slice %arg5[%dma_start3A_232, %dma_start3A_233] : memref<10240x128xf32, #tpu.memory_space<vmem_shared>> -> memref<10240x128xf32, #tpu.memory_space<vmem_shared>>
      tpu.enqueue_indirect_dma source(%arg8 : memref<128x128xf32, #tpu.memory_space<vmem>>) target(%dma_start3A_234 : memref<10240x128xf32, #tpu.memory_space<vmem_shared>>) offsets(%dma_start3A_231 : memref<128xi32, #tpu.memory_space<vmem>>) semaphore(%run_scoped3A_228 : memref<!tpu.dma_semaphore, #tpu.memory_space<semaphore_mem>>) {add = true}
      %dma_wait3A_235 = arith.constant 0 : i32
      %dma_wait3A_236 = tpu.memref_slice %arg7[%run_scoped3A_173, %dma_wait3A_235] : memref<40x128xi32, #tpu.memory_space<vmem>> -> memref<1x128xi32, #tpu.memory_space<vmem>>
      %dma_wait3A_237 = tpu.memref_squeeze %dma_wait3A_236 : memref<1x128xi32, #tpu.memory_space<vmem>> -> memref<128xi32, #tpu.memory_space<vmem>>
      %dma_wait3A_238 = arith.constant 0 : i32
      %dma_wait3A_239 = arith.constant 0 : i32
      %dma_wait3A_240 = tpu.memref_slice %arg5[%dma_wait3A_238, %dma_wait3A_239] : memref<10240x128xf32, #tpu.memory_space<vmem_shared>> -> memref<10240x128xf32, #tpu.memory_space<vmem_shared>>
      tpu.wait_indirect_dma semaphore(%run_scoped3A_228 : memref<!tpu.dma_semaphore, #tpu.memory_space<semaphore_mem>>) src(%arg8 : memref<128x128xf32, #tpu.memory_space<vmem>>) dst(%dma_wait3A_240 : memref<10240x128xf32, #tpu.memory_space<vmem_shared>>)
      tpu.yield
    }) : () -> ()
    %dma_wait3A_174 = arith.constant 39 : i32
    %dma_wait3A_175 = arith.constant 0 : i32
    %dma_wait3A_176 = tpu.memref_slice %arg6[%dma_wait3A_174, %dma_wait3A_175] : memref<40x128xi32, #tpu.memory_space<vmem>> -> memref<1x128xi32, #tpu.memory_space<vmem>>
    %dma_wait3A_177 = tpu.memref_squeeze %dma_wait3A_176 : memref<1x128xi32, #tpu.memory_space<vmem>> -> memref<128xi32, #tpu.memory_space<vmem>>
    %dma_wait3A_178 = arith.constant 0 : i32
    %dma_wait3A_179 = arith.constant 0 : i32
    %dma_wait3A_180 = tpu.memref_slice %arg2[%dma_wait3A_178, %dma_wait3A_179] : memref<10240x128xf32, #tpu.memory_space<hbm>> -> memref<10240x128xf32, #tpu.memory_space<hbm>>
    tpu.wait_indirect_dma semaphore(%arg11 : memref<!tpu.dma_semaphore, #tpu.memory_space<semaphore_mem>>) src(%dma_wait3A_180 : memref<10240x128xf32, #tpu.memory_space<hbm>>) dst(%arg9 : memref<128x128xf32, #tpu.memory_space<vmem>>)
    %run_scoped3A_181 = arith.constant 39 : i32
    "tpu.region"() ({
      %run_scoped3A_228 = tpu.sem_alloc : memref<!tpu.dma_semaphore, #tpu.memory_space<semaphore_mem>>
      %dma_start3A_229 = arith.constant 0 : i32
      %dma_start3A_230 = tpu.memref_slice %arg7[%run_scoped3A_181, %dma_start3A_229] : memref<40x128xi32, #tpu.memory_space<vmem>> -> memref<1x128xi32, #tpu.memory_space<vmem>>
      %dma_start3A_231 = tpu.memref_squeeze %dma_start3A_230 : memref<1x128xi32, #tpu.memory_space<vmem>> -> memref<128xi32, #tpu.memory_space<vmem>>
      %dma_start3A_232 = arith.constant 0 : i32
      %dma_start3A_233 = arith.constant 0 : i32
      %dma_start3A_234 = tpu.memref_slice %arg5[%dma_start3A_232, %dma_start3A_233] : memref<10240x128xf32, #tpu.memory_space<vmem_shared>> -> memref<10240x128xf32, #tpu.memory_space<vmem_shared>>
      tpu.enqueue_indirect_dma source(%arg9 : memref<128x128xf32, #tpu.memory_space<vmem>>) target(%dma_start3A_234 : memref<10240x128xf32, #tpu.memory_space<vmem_shared>>) offsets(%dma_start3A_231 : memref<128xi32, #tpu.memory_space<vmem>>) semaphore(%run_scoped3A_228 : memref<!tpu.dma_semaphore, #tpu.memory_space<semaphore_mem>>) {add = true}
      %dma_wait3A_235 = arith.constant 0 : i32
      %dma_wait3A_236 = tpu.memref_slice %arg7[%run_scoped3A_181, %dma_wait3A_235] : memref<40x128xi32, #tpu.memory_space<vmem>> -> memref<1x128xi32, #tpu.memory_space<vmem>>
      %dma_wait3A_237 = tpu.memref_squeeze %dma_wait3A_236 : memref<1x128xi32, #tpu.memory_space<vmem>> -> memref<128xi32, #tpu.memory_space<vmem>>
      %dma_wait3A_238 = arith.constant 0 : i32
      %dma_wait3A_239 = arith.constant 0 : i32
      %dma_wait3A_240 = tpu.memref_slice %arg5[%dma_wait3A_238, %dma_wait3A_239] : memref<10240x128xf32, #tpu.memory_space<vmem_shared>> -> memref<10240x128xf32, #tpu.memory_space<vmem_shared>>
      tpu.wait_indirect_dma semaphore(%run_scoped3A_228 : memref<!tpu.dma_semaphore, #tpu.memory_space<semaphore_mem>>) src(%arg9 : memref<128x128xf32, #tpu.memory_space<vmem>>) dst(%dma_wait3A_240 : memref<10240x128xf32, #tpu.memory_space<vmem_shared>>)
      tpu.yield
    }) : () -> ()
    %run_scoped3A_182 = arith.constant 0 : i32
    %run_scoped3A_183 = arith.constant 1 : i32
    "tpu.region"() ({
      %run_scoped3A_228 = tpu.sem_alloc : memref<!tpu.dma_semaphore, #tpu.memory_space<semaphore_mem>>
      %dma_start3A_229 = arith.constant 0 : i32
      %dma_start3A_230 = arith.constant 0 : i32
      %dma_start3A_231 = tpu.memref_slice %arg3[%run_scoped3A_182, %arg0, %arg1, %run_scoped3A_183, %dma_start3A_229, %dma_start3A_230] : memref<2x2x16x2x40x128xi32, #tpu.memory_space<hbm>> -> memref<1x1x1x1x40x128xi32, #tpu.memory_space<hbm>>
      %dma_start3A_232 = tpu.memref_squeeze %dma_start3A_231 : memref<1x1x1x1x40x128xi32, #tpu.memory_space<hbm>> -> memref<40x128xi32, #tpu.memory_space<hbm>>
      %dma_start3A_233 = arith.constant 0 : i32
      %dma_start3A_234 = arith.constant 0 : i32
      %dma_start3A_235 = tpu.memref_slice %arg3[%run_scoped3A_182, %arg0, %arg1, %run_scoped3A_183, %dma_start3A_233, %dma_start3A_234] : memref<2x2x16x2x40x128xi32, #tpu.memory_space<hbm>> -> memref<1x1x1x1x40x128xi32, #tpu.memory_space<hbm>>
      %dma_start3A_236 = tpu.memref_squeeze %dma_start3A_235 : memref<1x1x1x1x40x128xi32, #tpu.memory_space<hbm>> -> memref<40x128xi32, #tpu.memory_space<hbm>>
      tpu.enqueue_dma source(%dma_start3A_236 : memref<40x128xi32, #tpu.memory_space<hbm>>) target(%arg6 : memref<40x128xi32, #tpu.memory_space<vmem>>) target_semaphore(%run_scoped3A_228 : memref<!tpu.dma_semaphore, #tpu.memory_space<semaphore_mem>>)
      %dma_wait3A_237 = arith.constant 0 : i32
      %dma_wait3A_238 = arith.constant 0 : i32
      %dma_wait3A_239 = tpu.memref_slice %arg3[%run_scoped3A_182, %arg0, %arg1, %run_scoped3A_183, %dma_wait3A_237, %dma_wait3A_238] : memref<2x2x16x2x40x128xi32, #tpu.memory_space<hbm>> -> memref<1x1x1x1x40x128xi32, #tpu.memory_space<hbm>>
      %dma_wait3A_240 = tpu.memref_squeeze %dma_wait3A_239 : memref<1x1x1x1x40x128xi32, #tpu.memory_space<hbm>> -> memref<40x128xi32, #tpu.memory_space<hbm>>
      %dma_wait3A_241 = arith.constant 0 : i32
      %dma_wait3A_242 = arith.constant 0 : i32
      %dma_wait3A_243 = tpu.memref_slice %arg3[%run_scoped3A_182, %arg0, %arg1, %run_scoped3A_183, %dma_wait3A_241, %dma_wait3A_242] : memref<2x2x16x2x40x128xi32, #tpu.memory_space<hbm>> -> memref<1x1x1x1x40x128xi32, #tpu.memory_space<hbm>>
      %dma_wait3A_244 = tpu.memref_squeeze %dma_wait3A_243 : memref<1x1x1x1x40x128xi32, #tpu.memory_space<hbm>> -> memref<40x128xi32, #tpu.memory_space<hbm>>
      tpu.wait_dma2 semaphore(%run_scoped3A_228 : memref<!tpu.dma_semaphore, #tpu.memory_space<semaphore_mem>>) src(%dma_wait3A_244 : memref<40x128xi32, #tpu.memory_space<hbm>>) dst(%arg6 : memref<40x128xi32, #tpu.memory_space<vmem>>)
      tpu.yield
    }) : () -> ()
    %run_scoped3A_184 = arith.constant 1 : i32
    %run_scoped3A_185 = arith.constant 1 : i32
    "tpu.region"() ({
      %run_scoped3A_228 = tpu.sem_alloc : memref<!tpu.dma_semaphore, #tpu.memory_space<semaphore_mem>>
      %dma_start3A_229 = arith.constant 0 : i32
      %dma_start3A_230 = arith.constant 0 : i32
      %dma_start3A_231 = tpu.memref_slice %arg3[%run_scoped3A_184, %arg0, %arg1, %run_scoped3A_185, %dma_start3A_229, %dma_start3A_230] : memref<2x2x16x2x40x128xi32, #tpu.memory_space<hbm>> -> memref<1x1x1x1x40x128xi32, #tpu.memory_space<hbm>>
      %dma_start3A_232 = tpu.memref_squeeze %dma_start3A_231 : memref<1x1x1x1x40x128xi32, #tpu.memory_space<hbm>> -> memref<40x128xi32, #tpu.memory_space<hbm>>
      %dma_start3A_233 = arith.constant 0 : i32
      %dma_start3A_234 = arith.constant 0 : i32
      %dma_start3A_235 = tpu.memref_slice %arg3[%run_scoped3A_184, %arg0, %arg1, %run_scoped3A_185, %dma_start3A_233, %dma_start3A_234] : memref<2x2x16x2x40x128xi32, #tpu.memory_space<hbm>> -> memref<1x1x1x1x40x128xi32, #tpu.memory_space<hbm>>
      %dma_start3A_236 = tpu.memref_squeeze %dma_start3A_235 : memref<1x1x1x1x40x128xi32, #tpu.memory_space<hbm>> -> memref<40x128xi32, #tpu.memory_space<hbm>>
      tpu.enqueue_dma source(%dma_start3A_236 : memref<40x128xi32, #tpu.memory_space<hbm>>) target(%arg7 : memref<40x128xi32, #tpu.memory_space<vmem>>) target_semaphore(%run_scoped3A_228 : memref<!tpu.dma_semaphore, #tpu.memory_space<semaphore_mem>>)
      %dma_wait3A_237 = arith.constant 0 : i32
      %dma_wait3A_238 = arith.constant 0 : i32
      %dma_wait3A_239 = tpu.memref_slice %arg3[%run_scoped3A_184, %arg0, %arg1, %run_scoped3A_185, %dma_wait3A_237, %dma_wait3A_238] : memref<2x2x16x2x40x128xi32, #tpu.memory_space<hbm>> -> memref<1x1x1x1x40x128xi32, #tpu.memory_space<hbm>>
      %dma_wait3A_240 = tpu.memref_squeeze %dma_wait3A_239 : memref<1x1x1x1x40x128xi32, #tpu.memory_space<hbm>> -> memref<40x128xi32, #tpu.memory_space<hbm>>
      %dma_wait3A_241 = arith.constant 0 : i32
      %dma_wait3A_242 = arith.constant 0 : i32
      %dma_wait3A_243 = tpu.memref_slice %arg3[%run_scoped3A_184, %arg0, %arg1, %run_scoped3A_185, %dma_wait3A_241, %dma_wait3A_242] : memref<2x2x16x2x40x128xi32, #tpu.memory_space<hbm>> -> memref<1x1x1x1x40x128xi32, #tpu.memory_space<hbm>>
      %dma_wait3A_244 = tpu.memref_squeeze %dma_wait3A_243 : memref<1x1x1x1x40x128xi32, #tpu.memory_space<hbm>> -> memref<40x128xi32, #tpu.memory_space<hbm>>
      tpu.wait_dma2 semaphore(%run_scoped3A_228 : memref<!tpu.dma_semaphore, #tpu.memory_space<semaphore_mem>>) src(%dma_wait3A_244 : memref<40x128xi32, #tpu.memory_space<hbm>>) dst(%arg7 : memref<40x128xi32, #tpu.memory_space<vmem>>)
      tpu.yield
    }) : () -> ()
    %dma_start3A_186 = arith.constant 0 : i32
    %dma_start3A_187 = arith.constant 0 : i32
    %dma_start3A_188 = tpu.memref_slice %arg6[%dma_start3A_186, %dma_start3A_187] : memref<40x128xi32, #tpu.memory_space<vmem>> -> memref<1x128xi32, #tpu.memory_space<vmem>>
    %dma_start3A_189 = tpu.memref_squeeze %dma_start3A_188 : memref<1x128xi32, #tpu.memory_space<vmem>> -> memref<128xi32, #tpu.memory_space<vmem>>
    %dma_start3A_190 = arith.constant 0 : i32
    %dma_start3A_191 = arith.constant 0 : i32
    %dma_start3A_192 = tpu.memref_slice %arg2[%dma_start3A_190, %dma_start3A_191] : memref<10240x128xf32, #tpu.memory_space<hbm>> -> memref<10240x128xf32, #tpu.memory_space<hbm>>
    tpu.enqueue_indirect_dma source(%dma_start3A_192 : memref<10240x128xf32, #tpu.memory_space<hbm>>) target(%arg8 : memref<128x128xf32, #tpu.memory_space<vmem>>) offsets(%dma_start3A_189 : memref<128xi32, #tpu.memory_space<vmem>>) semaphore(%arg10 : memref<!tpu.dma_semaphore, #tpu.memory_space<semaphore_mem>>)
    %dma_start3A_193 = arith.constant 1 : i32
    %dma_start3A_194 = arith.constant 0 : i32
    %dma_start3A_195 = tpu.memref_slice %arg6[%dma_start3A_193, %dma_start3A_194] : memref<40x128xi32, #tpu.memory_space<vmem>> -> memref<1x128xi32, #tpu.memory_space<vmem>>
    %dma_start3A_196 = tpu.memref_squeeze %dma_start3A_195 : memref<1x128xi32, #tpu.memory_space<vmem>> -> memref<128xi32, #tpu.memory_space<vmem>>
    %dma_start3A_197 = arith.constant 0 : i32
    %dma_start3A_198 = arith.constant 0 : i32
    %dma_start3A_199 = tpu.memref_slice %arg2[%dma_start3A_197, %dma_start3A_198] : memref<10240x128xf32, #tpu.memory_space<hbm>> -> memref<10240x128xf32, #tpu.memory_space<hbm>>
    tpu.enqueue_indirect_dma source(%dma_start3A_199 : memref<10240x128xf32, #tpu.memory_space<hbm>>) target(%arg9 : memref<128x128xf32, #tpu.memory_space<vmem>>) offsets(%dma_start3A_196 : memref<128xi32, #tpu.memory_space<vmem>>) semaphore(%arg11 : memref<!tpu.dma_semaphore, #tpu.memory_space<semaphore_mem>>)
    %scan3A_200 = arith.constant 0 : i32
    %scan3A_201 = arith.constant 0 : i32
    %scan3A_202 = arith.constant 19 : i32
    %scan3A_203 = arith.addi %scan3A_201, %scan3A_202 : i32
    %scan3A_204 = arith.constant 1 : i32
    %scan3A_205 = scf.for %scan3A_228 = %scan3A_201 to %scan3A_203 step %scan3A_204 iter_args(%scan3A_229 = %scan3A_200) -> (i32)  : i32 {
      %mul3A_230 = arith.constant 2 : i32
      %mul3A_231 = arith.muli %mul3A_230, %scan3A_228 : i32
      %dma_wait3A_232 = arith.constant 0 : i32
      %dma_wait3A_233 = tpu.memref_slice %arg6[%mul3A_231, %dma_wait3A_232] : memref<40x128xi32, #tpu.memory_space<vmem>> -> memref<1x128xi32, #tpu.memory_space<vmem>>
      %dma_wait3A_234 = tpu.memref_squeeze %dma_wait3A_233 : memref<1x128xi32, #tpu.memory_space<vmem>> -> memref<128xi32, #tpu.memory_space<vmem>>
      %dma_wait3A_235 = arith.constant 0 : i32
      %dma_wait3A_236 = arith.constant 0 : i32
      %dma_wait3A_237 = tpu.memref_slice %arg2[%dma_wait3A_235, %dma_wait3A_236] : memref<10240x128xf32, #tpu.memory_space<hbm>> -> memref<10240x128xf32, #tpu.memory_space<hbm>>
      tpu.wait_indirect_dma semaphore(%arg10 : memref<!tpu.dma_semaphore, #tpu.memory_space<semaphore_mem>>) src(%dma_wait3A_237 : memref<10240x128xf32, #tpu.memory_space<hbm>>) dst(%arg8 : memref<128x128xf32, #tpu.memory_space<vmem>>)
      "tpu.region"() ({
        %run_scoped3A_265 = tpu.sem_alloc : memref<!tpu.dma_semaphore, #tpu.memory_space<semaphore_mem>>
        %dma_start3A_266 = arith.constant 0 : i32
        %dma_start3A_267 = tpu.memref_slice %arg7[%mul3A_231, %dma_start3A_266] : memref<40x128xi32, #tpu.memory_space<vmem>> -> memref<1x128xi32, #tpu.memory_space<vmem>>
        %dma_start3A_268 = tpu.memref_squeeze %dma_start3A_267 : memref<1x128xi32, #tpu.memory_space<vmem>> -> memref<128xi32, #tpu.memory_space<vmem>>
        %dma_start3A_269 = arith.constant 0 : i32
        %dma_start3A_270 = arith.constant 0 : i32
        %dma_start3A_271 = tpu.memref_slice %arg5[%dma_start3A_269, %dma_start3A_270] : memref<10240x128xf32, #tpu.memory_space<vmem_shared>> -> memref<10240x128xf32, #tpu.memory_space<vmem_shared>>
        tpu.enqueue_indirect_dma source(%arg8 : memref<128x128xf32, #tpu.memory_space<vmem>>) target(%dma_start3A_271 : memref<10240x128xf32, #tpu.memory_space<vmem_shared>>) offsets(%dma_start3A_268 : memref<128xi32, #tpu.memory_space<vmem>>) semaphore(%run_scoped3A_265 : memref<!tpu.dma_semaphore, #tpu.memory_space<semaphore_mem>>) {add = true}
        %dma_wait3A_272 = arith.constant 0 : i32
        %dma_wait3A_273 = tpu.memref_slice %arg7[%mul3A_231, %dma_wait3A_272] : memref<40x128xi32, #tpu.memory_space<vmem>> -> memref<1x128xi32, #tpu.memory_space<vmem>>
        %dma_wait3A_274 = tpu.memref_squeeze %dma_wait3A_273 : memref<1x128xi32, #tpu.memory_space<vmem>> -> memref<128xi32, #tpu.memory_space<vmem>>
        %dma_wait3A_275 = arith.constant 0 : i32
        %dma_wait3A_276 = arith.constant 0 : i32
        %dma_wait3A_277 = tpu.memref_slice %arg5[%dma_wait3A_275, %dma_wait3A_276] : memref<10240x128xf32, #tpu.memory_space<vmem_shared>> -> memref<10240x128xf32, #tpu.memory_space<vmem_shared>>
        tpu.wait_indirect_dma semaphore(%run_scoped3A_265 : memref<!tpu.dma_semaphore, #tpu.memory_space<semaphore_mem>>) src(%arg8 : memref<128x128xf32, #tpu.memory_space<vmem>>) dst(%dma_wait3A_277 : memref<10240x128xf32, #tpu.memory_space<vmem_shared>>)
        tpu.yield
      }) : () -> ()
      %add3A_238 = arith.constant 2 : i32
      %add3A_239 = arith.addi %mul3A_231, %add3A_238 : i32
      %dma_start3A_240 = arith.constant 0 : i32
      %dma_start3A_241 = tpu.memref_slice %arg6[%add3A_239, %dma_start3A_240] : memref<40x128xi32, #tpu.memory_space<vmem>> -> memref<1x128xi32, #tpu.memory_space<vmem>>
      %dma_start3A_242 = tpu.memref_squeeze %dma_start3A_241 : memref<1x128xi32, #tpu.memory_space<vmem>> -> memref<128xi32, #tpu.memory_space<vmem>>
      %dma_start3A_243 = arith.constant 0 : i32
      %dma_start3A_244 = arith.constant 0 : i32
      %dma_start3A_245 = tpu.memref_slice %arg2[%dma_start3A_243, %dma_start3A_244] : memref<10240x128xf32, #tpu.memory_space<hbm>> -> memref<10240x128xf32, #tpu.memory_space<hbm>>
      tpu.enqueue_indirect_dma source(%dma_start3A_245 : memref<10240x128xf32, #tpu.memory_space<hbm>>) target(%arg8 : memref<128x128xf32, #tpu.memory_space<vmem>>) offsets(%dma_start3A_242 : memref<128xi32, #tpu.memory_space<vmem>>) semaphore(%arg10 : memref<!tpu.dma_semaphore, #tpu.memory_space<semaphore_mem>>)
      %add3A_246 = arith.constant 1 : i32
      %add3A_247 = arith.addi %mul3A_231, %add3A_246 : i32
      %dma_wait3A_248 = arith.constant 0 : i32
      %dma_wait3A_249 = tpu.memref_slice %arg6[%add3A_247, %dma_wait3A_248] : memref<40x128xi32, #tpu.memory_space<vmem>> -> memref<1x128xi32, #tpu.memory_space<vmem>>
      %dma_wait3A_250 = tpu.memref_squeeze %dma_wait3A_249 : memref<1x128xi32, #tpu.memory_space<vmem>> -> memref<128xi32, #tpu.memory_space<vmem>>
      %dma_wait3A_251 = arith.constant 0 : i32
      %dma_wait3A_252 = arith.constant 0 : i32
      %dma_wait3A_253 = tpu.memref_slice %arg2[%dma_wait3A_251, %dma_wait3A_252] : memref<10240x128xf32, #tpu.memory_space<hbm>> -> memref<10240x128xf32, #tpu.memory_space<hbm>>
      tpu.wait_indirect_dma semaphore(%arg11 : memref<!tpu.dma_semaphore, #tpu.memory_space<semaphore_mem>>) src(%dma_wait3A_253 : memref<10240x128xf32, #tpu.memory_space<hbm>>) dst(%arg9 : memref<128x128xf32, #tpu.memory_space<vmem>>)
      %add3A_254 = arith.constant 1 : i32
      %add3A_255 = arith.addi %mul3A_231, %add3A_254 : i32
      "tpu.region"() ({
        %run_scoped3A_265 = tpu.sem_alloc : memref<!tpu.dma_semaphore, #tpu.memory_space<semaphore_mem>>
        %dma_start3A_266 = arith.constant 0 : i32
        %dma_start3A_267 = tpu.memref_slice %arg7[%add3A_255, %dma_start3A_266] : memref<40x128xi32, #tpu.memory_space<vmem>> -> memref<1x128xi32, #tpu.memory_space<vmem>>
        %dma_start3A_268 = tpu.memref_squeeze %dma_start3A_267 : memref<1x128xi32, #tpu.memory_space<vmem>> -> memref<128xi32, #tpu.memory_space<vmem>>
        %dma_start3A_269 = arith.constant 0 : i32
        %dma_start3A_270 = arith.constant 0 : i32
        %dma_start3A_271 = tpu.memref_slice %arg5[%dma_start3A_269, %dma_start3A_270] : memref<10240x128xf32, #tpu.memory_space<vmem_shared>> -> memref<10240x128xf32, #tpu.memory_space<vmem_shared>>
        tpu.enqueue_indirect_dma source(%arg9 : memref<128x128xf32, #tpu.memory_space<vmem>>) target(%dma_start3A_271 : memref<10240x128xf32, #tpu.memory_space<vmem_shared>>) offsets(%dma_start3A_268 : memref<128xi32, #tpu.memory_space<vmem>>) semaphore(%run_scoped3A_265 : memref<!tpu.dma_semaphore, #tpu.memory_space<semaphore_mem>>) {add = true}
        %dma_wait3A_272 = arith.constant 0 : i32
        %dma_wait3A_273 = tpu.memref_slice %arg7[%add3A_255, %dma_wait3A_272] : memref<40x128xi32, #tpu.memory_space<vmem>> -> memref<1x128xi32, #tpu.memory_space<vmem>>
        %dma_wait3A_274 = tpu.memref_squeeze %dma_wait3A_273 : memref<1x128xi32, #tpu.memory_space<vmem>> -> memref<128xi32, #tpu.memory_space<vmem>>
        %dma_wait3A_275 = arith.constant 0 : i32
        %dma_wait3A_276 = arith.constant 0 : i32
        %dma_wait3A_277 = tpu.memref_slice %arg5[%dma_wait3A_275, %dma_wait3A_276] : memref<10240x128xf32, #tpu.memory_space<vmem_shared>> -> memref<10240x128xf32, #tpu.memory_space<vmem_shared>>
        tpu.wait_indirect_dma semaphore(%run_scoped3A_265 : memref<!tpu.dma_semaphore, #tpu.memory_space<semaphore_mem>>) src(%arg9 : memref<128x128xf32, #tpu.memory_space<vmem>>) dst(%dma_wait3A_277 : memref<10240x128xf32, #tpu.memory_space<vmem_shared>>)
        tpu.yield
      }) : () -> ()
      %add3A_256 = arith.constant 3 : i32
      %add3A_257 = arith.addi %mul3A_231, %add3A_256 : i32
      %dma_start3A_258 = arith.constant 0 : i32
      %dma_start3A_259 = tpu.memref_slice %arg6[%add3A_257, %dma_start3A_258] : memref<40x128xi32, #tpu.memory_space<vmem>> -> memref<1x128xi32, #tpu.memory_space<vmem>>
      %dma_start3A_260 = tpu.memref_squeeze %dma_start3A_259 : memref<1x128xi32, #tpu.memory_space<vmem>> -> memref<128xi32, #tpu.memory_space<vmem>>
      %dma_start3A_261 = arith.constant 0 : i32
      %dma_start3A_262 = arith.constant 0 : i32
      %dma_start3A_263 = tpu.memref_slice %arg2[%dma_start3A_261, %dma_start3A_262] : memref<10240x128xf32, #tpu.memory_space<hbm>> -> memref<10240x128xf32, #tpu.memory_space<hbm>>
      tpu.enqueue_indirect_dma source(%dma_start3A_263 : memref<10240x128xf32, #tpu.memory_space<hbm>>) target(%arg9 : memref<128x128xf32, #tpu.memory_space<vmem>>) offsets(%dma_start3A_260 : memref<128xi32, #tpu.memory_space<vmem>>) semaphore(%arg11 : memref<!tpu.dma_semaphore, #tpu.memory_space<semaphore_mem>>)
      %scan3A_264 = arith.constant 0 : i32
      scf.yield %scan3A_264 : i32
    }
    %scan3A_206 = arith.constant 19 : i32
    %dma_wait3A_207 = arith.constant 38 : i32
    %dma_wait3A_208 = arith.constant 0 : i32
    %dma_wait3A_209 = tpu.memref_slice %arg6[%dma_wait3A_207, %dma_wait3A_208] : memref<40x128xi32, #tpu.memory_space<vmem>> -> memref<1x128xi32, #tpu.memory_space<vmem>>
    %dma_wait3A_210 = tpu.memref_squeeze %dma_wait3A_209 : memref<1x128xi32, #tpu.memory_space<vmem>> -> memref<128xi32, #tpu.memory_space<vmem>>
    %dma_wait3A_211 = arith.constant 0 : i32
    %dma_wait3A_212 = arith.constant 0 : i32
    %dma_wait3A_213 = tpu.memref_slice %arg2[%dma_wait3A_211, %dma_wait3A_212] : memref<10240x128xf32, #tpu.memory_space<hbm>> -> memref<10240x128xf32, #tpu.memory_space<hbm>>
    tpu.wait_indirect_dma semaphore(%arg10 : memref<!tpu.dma_semaphore, #tpu.memory_space<semaphore_mem>>) src(%dma_wait3A_213 : memref<10240x128xf32, #tpu.memory_space<hbm>>) dst(%arg8 : memref<128x128xf32, #tpu.memory_space<vmem>>)
    %run_scoped3A_214 = arith.constant 38 : i32
    "tpu.region"() ({
      %run_scoped3A_228 = tpu.sem_alloc : memref<!tpu.dma_semaphore, #tpu.memory_space<semaphore_mem>>
      %dma_start3A_229 = arith.constant 0 : i32
      %dma_start3A_230 = tpu.memref_slice %arg7[%run_scoped3A_214, %dma_start3A_229] : memref<40x128xi32, #tpu.memory_space<vmem>> -> memref<1x128xi32, #tpu.memory_space<vmem>>
      %dma_start3A_231 = tpu.memref_squeeze %dma_start3A_230 : memref<1x128xi32, #tpu.memory_space<vmem>> -> memref<128xi32, #tpu.memory_space<vmem>>
      %dma_start3A_232 = arith.constant 0 : i32
      %dma_start3A_233 = arith.constant 0 : i32
      %dma_start3A_234 = tpu.memref_slice %arg5[%dma_start3A_232, %dma_start3A_233] : memref<10240x128xf32, #tpu.memory_space<vmem_shared>> -> memref<10240x128xf32, #tpu.memory_space<vmem_shared>>
      tpu.enqueue_indirect_dma source(%arg8 : memref<128x128xf32, #tpu.memory_space<vmem>>) target(%dma_start3A_234 : memref<10240x128xf32, #tpu.memory_space<vmem_shared>>) offsets(%dma_start3A_231 : memref<128xi32, #tpu.memory_space<vmem>>) semaphore(%run_scoped3A_228 : memref<!tpu.dma_semaphore, #tpu.memory_space<semaphore_mem>>) {add = true}
      %dma_wait3A_235 = arith.constant 0 : i32
      %dma_wait3A_236 = tpu.memref_slice %arg7[%run_scoped3A_214, %dma_wait3A_235] : memref<40x128xi32, #tpu.memory_space<vmem>> -> memref<1x128xi32, #tpu.memory_space<vmem>>
      %dma_wait3A_237 = tpu.memref_squeeze %dma_wait3A_236 : memref<1x128xi32, #tpu.memory_space<vmem>> -> memref<128xi32, #tpu.memory_space<vmem>>
      %dma_wait3A_238 = arith.constant 0 : i32
      %dma_wait3A_239 = arith.constant 0 : i32
      %dma_wait3A_240 = tpu.memref_slice %arg5[%dma_wait3A_238, %dma_wait3A_239] : memref<10240x128xf32, #tpu.memory_space<vmem_shared>> -> memref<10240x128xf32, #tpu.memory_space<vmem_shared>>
      tpu.wait_indirect_dma semaphore(%run_scoped3A_228 : memref<!tpu.dma_semaphore, #tpu.memory_space<semaphore_mem>>) src(%arg8 : memref<128x128xf32, #tpu.memory_space<vmem>>) dst(%dma_wait3A_240 : memref<10240x128xf32, #tpu.memory_space<vmem_shared>>)
      tpu.yield
    }) : () -> ()
    %dma_wait3A_215 = arith.constant 39 : i32
    %dma_wait3A_216 = arith.constant 0 : i32
    %dma_wait3A_217 = tpu.memref_slice %arg6[%dma_wait3A_215, %dma_wait3A_216] : memref<40x128xi32, #tpu.memory_space<vmem>> -> memref<1x128xi32, #tpu.memory_space<vmem>>
    %dma_wait3A_218 = tpu.memref_squeeze %dma_wait3A_217 : memref<1x128xi32, #tpu.memory_space<vmem>> -> memref<128xi32, #tpu.memory_space<vmem>>
    %dma_wait3A_219 = arith.constant 0 : i32
    %dma_wait3A_220 = arith.constant 0 : i32
    %dma_wait3A_221 = tpu.memref_slice %arg2[%dma_wait3A_219, %dma_wait3A_220] : memref<10240x128xf32, #tpu.memory_space<hbm>> -> memref<10240x128xf32, #tpu.memory_space<hbm>>
    tpu.wait_indirect_dma semaphore(%arg11 : memref<!tpu.dma_semaphore, #tpu.memory_space<semaphore_mem>>) src(%dma_wait3A_221 : memref<10240x128xf32, #tpu.memory_space<hbm>>) dst(%arg9 : memref<128x128xf32, #tpu.memory_space<vmem>>)
    %run_scoped3A_222 = arith.constant 39 : i32
    "tpu.region"() ({
      %run_scoped3A_228 = tpu.sem_alloc : memref<!tpu.dma_semaphore, #tpu.memory_space<semaphore_mem>>
      %dma_start3A_229 = arith.constant 0 : i32
      %dma_start3A_230 = tpu.memref_slice %arg7[%run_scoped3A_222, %dma_start3A_229] : memref<40x128xi32, #tpu.memory_space<vmem>> -> memref<1x128xi32, #tpu.memory_space<vmem>>
      %dma_start3A_231 = tpu.memref_squeeze %dma_start3A_230 : memref<1x128xi32, #tpu.memory_space<vmem>> -> memref<128xi32, #tpu.memory_space<vmem>>
      %dma_start3A_232 = arith.constant 0 : i32
      %dma_start3A_233 = arith.constant 0 : i32
      %dma_start3A_234 = tpu.memref_slice %arg5[%dma_start3A_232, %dma_start3A_233] : memref<10240x128xf32, #tpu.memory_space<vmem_shared>> -> memref<10240x128xf32, #tpu.memory_space<vmem_shared>>
      tpu.enqueue_indirect_dma source(%arg9 : memref<128x128xf32, #tpu.memory_space<vmem>>) target(%dma_start3A_234 : memref<10240x128xf32, #tpu.memory_space<vmem_shared>>) offsets(%dma_start3A_231 : memref<128xi32, #tpu.memory_space<vmem>>) semaphore(%run_scoped3A_228 : memref<!tpu.dma_semaphore, #tpu.memory_space<semaphore_mem>>) {add = true}
      %dma_wait3A_235 = arith.constant 0 : i32
      %dma_wait3A_236 = tpu.memref_slice %arg7[%run_scoped3A_222, %dma_wait3A_235] : memref<40x128xi32, #tpu.memory_space<vmem>> -> memref<1x128xi32, #tpu.memory_space<vmem>>
      %dma_wait3A_237 = tpu.memref_squeeze %dma_wait3A_236 : memref<1x128xi32, #tpu.memory_space<vmem>> -> memref<128xi32, #tpu.memory_space<vmem>>
      %dma_wait3A_238 = arith.constant 0 : i32
      %dma_wait3A_239 = arith.constant 0 : i32
      %dma_wait3A_240 = tpu.memref_slice %arg5[%dma_wait3A_238, %dma_wait3A_239] : memref<10240x128xf32, #tpu.memory_space<vmem_shared>> -> memref<10240x128xf32, #tpu.memory_space<vmem_shared>>
      tpu.wait_indirect_dma semaphore(%run_scoped3A_228 : memref<!tpu.dma_semaphore, #tpu.memory_space<semaphore_mem>>) src(%arg9 : memref<128x128xf32, #tpu.memory_space<vmem>>) dst(%dma_wait3A_240 : memref<10240x128xf32, #tpu.memory_space<vmem_shared>>)
      tpu.yield
    }) : () -> ()
    %barrier3A_223 = arith.constant 0 : index
    tpu.barrier barrier_id(%barrier3A_223)
    %mul3A_224 = arith.constant 640 : i32
    %mul3A_225 = arith.muli %arg1, %mul3A_224 : i32
    %mul3A_226 = arith.constant 640 : i32
    %mul3A_227 = arith.muli %arg1, %mul3A_226 : i32
    "tpu.region"() ({
      %run_scoped3A_228 = tpu.sem_alloc : memref<!tpu.dma_semaphore, #tpu.memory_space<semaphore_mem>>
      %dma_start3A_229 = arith.constant 0 : i32
      %dma_start3A_230 = tpu.memref_slice %arg4[%arg0, %mul3A_227, %dma_start3A_229] : memref<2x10240x128xf32, #tpu.memory_space<hbm>> -> memref<1x640x128xf32, #tpu.memory_space<hbm>>
      %dma_start3A_231 = tpu.memref_squeeze %dma_start3A_230 : memref<1x640x128xf32, #tpu.memory_space<hbm>> -> memref<640x128xf32, #tpu.memory_space<hbm>>
      %dma_start3A_232 = arith.constant 0 : i32
      %dma_start3A_233 = tpu.memref_slice %arg5[%mul3A_225, %dma_start3A_232] : memref<10240x128xf32, #tpu.memory_space<vmem_shared>> -> memref<640x128xf32, #tpu.memory_space<vmem_shared>>
      tpu.enqueue_dma source(%dma_start3A_233 : memref<640x128xf32, #tpu.memory_space<vmem_shared>>) target(%dma_start3A_231 : memref<640x128xf32, #tpu.memory_space<hbm>>) target_semaphore(%run_scoped3A_228 : memref<!tpu.dma_semaphore, #tpu.memory_space<semaphore_mem>>)
      %dma_wait3A_234 = arith.constant 0 : i32
      %dma_wait3A_235 = tpu.memref_slice %arg4[%arg0, %mul3A_227, %dma_wait3A_234] : memref<2x10240x128xf32, #tpu.memory_space<hbm>> -> memref<1x640x128xf32, #tpu.memory_space<hbm>>
      %dma_wait3A_236 = tpu.memref_squeeze %dma_wait3A_235 : memref<1x640x128xf32, #tpu.memory_space<hbm>> -> memref<640x128xf32, #tpu.memory_space<hbm>>
      %dma_wait3A_237 = arith.constant 0 : i32
      %dma_wait3A_238 = tpu.memref_slice %arg5[%mul3A_225, %dma_wait3A_237] : memref<10240x128xf32, #tpu.memory_space<vmem_shared>> -> memref<640x128xf32, #tpu.memory_space<vmem_shared>>
      tpu.wait_dma2 semaphore(%run_scoped3A_228 : memref<!tpu.dma_semaphore, #tpu.memory_space<semaphore_mem>>) src(%dma_wait3A_238 : memref<640x128xf32, #tpu.memory_space<vmem_shared>>) dst(%dma_wait3A_236 : memref<640x128xf32, #tpu.memory_space<hbm>>)
      tpu.yield
    }) : () -> ()
    return
  }
}

#map = affine_map<(d0, d1) -> (0, 0)>
#map1 = affine_map<(d0, d1) -> (0, 0, 0, 0, 0, 0)>
#map2 = affine_map<(d0, d1) -> (0, 0, 0)>
module attributes {stable_mosaic.version = 14 : i64} {
  func.func @sc_agg(%arg0: i32, %arg1: i32, %arg2: memref<10240x128xf32, #tpu.memory_space<hbm>>, %arg3: memref<2x2x16x2x40x128xi32, #tpu.memory_space<hbm>>, %arg4: memref<2x10240x128xf32, #tpu.memory_space<hbm>>, %arg5: memref<10240x128xf32, #tpu.memory_space<vmem_shared>>, %arg6: memref<40x128xi32, #tpu.memory_space<vmem>>, %arg7: memref<40x128xi32, #tpu.memory_space<vmem>>, %arg8: memref<128x128xf32, #tpu.memory_space<vmem>>, %arg9: memref<128x128xf32, #tpu.memory_space<vmem>>, %arg10: memref<!tpu.dma_semaphore, #tpu.memory_space<semaphore_mem>>, %arg11: memref<!tpu.dma_semaphore, #tpu.memory_space<semaphore_mem>>) attributes {dimension_semantics = [#tpu.dimension_semantics<core_parallel>, #tpu.dimension_semantics<subcore_parallel>], iteration_bounds = array<i64: 2, 16>, scalar_prefetch = 0 : i64, scratch_operands = 7 : i64, tpu.core_type = #tpu.core_type<sc_vector_subcore>, window_params = [{transform_indices = #map}, {transform_indices = #map1}, {transform_indices = #map2}]} {
    %scan3A = arith.constant 0 : i32
    %scan3A_0 = arith.constant 0 : i32
    %scan3A_1 = arith.constant 128 : i32
    %scan3A_2 = arith.addi %scan3A_0, %scan3A_1 : i32
    %scan3A_3 = arith.constant 1 : i32
    %scan3A_4 = scf.for %scan3A_228 = %scan3A_0 to %scan3A_2 step %scan3A_3 iter_args(%scan3A_229 = %scan3A) -> (i32)  : i32 {
      %broadcast_in_dim3A = arith.constant 0.000000e+00 : f32
      %broadcast_in_dim3A_230 = vector.broadcast %broadcast_in_dim3A : f32 to vector<16xf32>
      %swap3A = arith.index_cast %scan3A_228 : i32 to index
      %swap3A_231 = arith.constant 0 : index
      %swap3A_232 = tpu.vector_load %arg8[%swap3A, %swap3A_231] {strides = array<i32>} : memref<128x128xf32, #tpu.memory_space<vmem>>, vector<1x16xf32>,
      %swap3A_233 = vector.shape_cast %swap3A_232 : vector<1x16xf32> to vector<16xf32>
      %swap3A_234 = vector.shape_cast %broadcast_in_dim3A_230 : vector<16xf32> to vector<1x16xf32>
      tpu.vector_store %arg8[%swap3A, %swap3A_231], %swap3A_234 {strides = array<i32>} : memref<128x128xf32, #tpu.memory_space<vmem>>, vector<1x16xf32>,
      %broadcast_in_dim3A_235 = arith.constant 0.000000e+00 : f32
      %broadcast_in_dim3A_236 = vector.broadcast %broadcast_in_dim3A_235 : f32 to vector<16xf32>
      %swap3A_237 = arith.index_cast %scan3A_228 : i32 to index
      %swap3A_238 = arith.constant 16 : index
      %swap3A_239 = tpu.vector_load %arg8[%swap3A_237, %swap3A_238] {strides = array<i32>} : memref<128x128xf32, #tpu.memory_space<vmem>>, vector<1x16xf32>,
      %swap3A_240 = vector.shape_cast %swap3A_239 : vector<1x16xf32> to vector<16xf32>
      %swap3A_241 = vector.shape_cast %broadcast_in_dim3A_236 : vector<16xf32> to vector<1x16xf32>
      tpu.vector_store %arg8[%swap3A_237, %swap3A_238], %swap3A_241 {strides = array<i32>} : memref<128x128xf32, #tpu.memory_space<vmem>>, vector<1x16xf32>,
      %broadcast_in_dim3A_242 = arith.constant 0.000000e+00 : f32
      %broadcast_in_dim3A_243 = vector.broadcast %broadcast_in_dim3A_242 : f32 to vector<16xf32>
      %swap3A_244 = arith.index_cast %scan3A_228 : i32 to index
      %swap3A_245 = arith.constant 32 : index
      %swap3A_246 = tpu.vector_load %arg8[%swap3A_244, %swap3A_245] {strides = array<i32>} : memref<128x128xf32, #tpu.memory_space<vmem>>, vector<1x16xf32>,
      %swap3A_247 = vector.shape_cast %swap3A_246 : vector<1x16xf32> to vector<16xf32>
      %swap3A_248 = vector.shape_cast %broadcast_in_dim3A_243 : vector<16xf32> to vector<1x16xf32>
      tpu.vector_store %arg8[%swap3A_244, %swap3A_245], %swap3A_248 {strides = array<i32>} : memref<128x128xf32, #tpu.memory_space<vmem>>, vector<1x16xf32>,
      %broadcast_in_dim3A_249 = arith.constant 0.000000e+00 : f32
      %broadcast_in_dim3A_250 = vector.broadcast %broadcast_in_dim3A_249 : f32 to vector<16xf32>
      %swap3A_251 = arith.index_cast %scan3A_228 : i32 to index
      %swap3A_252 = arith.constant 48 : index
      %swap3A_253 = tpu.vector_load %arg8[%swap3A_251, %swap3A_252] {strides = array<i32>} : memref<128x128xf32, #tpu.memory_space<vmem>>, vector<1x16xf32>,
      %swap3A_254 = vector.shape_cast %swap3A_253 : vector<1x16xf32> to vector<16xf32>
      %swap3A_255 = vector.shape_cast %broadcast_in_dim3A_250 : vector<16xf32> to vector<1x16xf32>
      tpu.vector_store %arg8[%swap3A_251, %swap3A_252], %swap3A_255 {strides = array<i32>} : memref<128x128xf32, #tpu.memory_space<vmem>>, vector<1x16xf32>,
      %broadcast_in_dim3A_256 = arith.constant 0.000000e+00 : f32
      %broadcast_in_dim3A_257 = vector.broadcast %broadcast_in_dim3A_256 : f32 to vector<16xf32>
      %swap3A_258 = arith.index_cast %scan3A_228 : i32 to index
      %swap3A_259 = arith.constant 64 : index
      %swap3A_260 = tpu.vector_load %arg8[%swap3A_258, %swap3A_259] {strides = array<i32>} : memref<128x128xf32, #tpu.memory_space<vmem>>, vector<1x16xf32>,
      %swap3A_261 = vector.shape_cast %swap3A_260 : vector<1x16xf32> to vector<16xf32>
      %swap3A_262 = vector.shape_cast %broadcast_in_dim3A_257 : vector<16xf32> to vector<1x16xf32>
      tpu.vector_store %arg8[%swap3A_258, %swap3A_259], %swap3A_262 {strides = array<i32>} : memref<128x128xf32, #tpu.memory_space<vmem>>, vector<1x16xf32>,
      %broadcast_in_dim3A_263 = arith.constant 0.000000e+00 : f32
      %broadcast_in_dim3A_264 = vector.broadcast %broadcast_in_dim3A_263 : f32 to vector<16xf32>
      %swap3A_265 = arith.index_cast %scan3A_228 : i32 to index
      %swap3A_266 = arith.constant 80 : index
      %swap3A_267 = tpu.vector_load %arg8[%swap3A_265, %swap3A_266] {strides = array<i32>} : memref<128x128xf32, #tpu.memory_space<vmem>>, vector<1x16xf32>,
      %swap3A_268 = vector.shape_cast %swap3A_267 : vector<1x16xf32> to vector<16xf32>
      %swap3A_269 = vector.shape_cast %broadcast_in_dim3A_264 : vector<16xf32> to vector<1x16xf32>
      tpu.vector_store %arg8[%swap3A_265, %swap3A_266], %swap3A_269 {strides = array<i32>} : memref<128x128xf32, #tpu.memory_space<vmem>>, vector<1x16xf32>,
      %broadcast_in_dim3A_270 = arith.constant 0.000000e+00 : f32
      %broadcast_in_dim3A_271 = vector.broadcast %broadcast_in_dim3A_270 : f32 to vector<16xf32>
      %swap3A_272 = arith.index_cast %scan3A_228 : i32 to index
      %swap3A_273 = arith.constant 96 : index
      %swap3A_274 = tpu.vector_load %arg8[%swap3A_272, %swap3A_273] {strides = array<i32>} : memref<128x128xf32, #tpu.memory_space<vmem>>, vector<1x16xf32>,
      %swap3A_275 = vector.shape_cast %swap3A_274 : vector<1x16xf32> to vector<16xf32>
      %swap3A_276 = vector.shape_cast %broadcast_in_dim3A_271 : vector<16xf32> to vector<1x16xf32>
      tpu.vector_store %arg8[%swap3A_272, %swap3A_273], %swap3A_276 {strides = array<i32>} : memref<128x128xf32, #tpu.memory_space<vmem>>, vector<1x16xf32>,
      %broadcast_in_dim3A_277 = arith.constant 0.000000e+00 : f32
      %broadcast_in_dim3A_278 = vector.broadcast %broadcast_in_dim3A_277 : f32 to vector<16xf32>
      %swap3A_279 = arith.index_cast %scan3A_228 : i32 to index
      %swap3A_280 = arith.constant 112 : index
      %swap3A_281 = tpu.vector_load %arg8[%swap3A_279, %swap3A_280] {strides = array<i32>} : memref<128x128xf32, #tpu.memory_space<vmem>>, vector<1x16xf32>,
      %swap3A_282 = vector.shape_cast %swap3A_281 : vector<1x16xf32> to vector<16xf32>
      %swap3A_283 = vector.shape_cast %broadcast_in_dim3A_278 : vector<16xf32> to vector<1x16xf32>
      tpu.vector_store %arg8[%swap3A_279, %swap3A_280], %swap3A_283 {strides = array<i32>} : memref<128x128xf32, #tpu.memory_space<vmem>>, vector<1x16xf32>,
      %scan3A_284 = arith.constant 0 : i32
      scf.yield %scan3A_284 : i32
    }
    %scan3A_5 = arith.constant 128 : i32
    %mul3A = arith.constant 640 : i32
    %mul3A_6 = arith.muli %arg1, %mul3A : i32
    %add3A = arith.constant 0 : i32
    %add3A_7 = arith.addi %mul3A_6, %add3A : i32
    %dma_start3A = arith.constant 0 : i32
    %dma_start3A_8 = arith.constant 0 : i32
    %dma_start3A_9 = tpu.memref_slice %arg8[%dma_start3A, %dma_start3A_8] : memref<128x128xf32, #tpu.memory_space<vmem>> -> memref<128x128xf32, #tpu.memory_space<vmem>>
    %dma_start3A_10 = arith.constant 0 : i32
    %dma_start3A_11 = tpu.memref_slice %arg5[%add3A_7, %dma_start3A_10] : memref<10240x128xf32, #tpu.memory_space<vmem_shared>> -> memref<128x128xf32, #tpu.memory_space<vmem_shared>>
    %dma_start3A_12 = arith.constant 0 : i32
    %dma_start3A_13 = tpu.memref_slice %arg5[%add3A_7, %dma_start3A_12] : memref<10240x128xf32, #tpu.memory_space<vmem_shared>> -> memref<128x128xf32, #tpu.memory_space<vmem_shared>>
    %dma_start3A_14 = arith.constant 0 : i32
    %dma_start3A_15 = arith.constant 0 : i32
    %dma_start3A_16 = tpu.memref_slice %arg8[%dma_start3A_14, %dma_start3A_15] : memref<128x128xf32, #tpu.memory_space<vmem>> -> memref<128x128xf32, #tpu.memory_space<vmem>>
    tpu.enqueue_dma source(%dma_start3A_16 : memref<128x128xf32, #tpu.memory_space<vmem>>) target(%dma_start3A_13 : memref<128x128xf32, #tpu.memory_space<vmem_shared>>) target_semaphore(%arg11 : memref<!tpu.dma_semaphore, #tpu.memory_space<semaphore_mem>>)
    %mul3A_17 = arith.constant 640 : i32
    %mul3A_18 = arith.muli %arg1, %mul3A_17 : i32
    %add3A_19 = arith.constant 128 : i32
    %add3A_20 = arith.addi %mul3A_18, %add3A_19 : i32
    %dma_start3A_21 = arith.constant 0 : i32
    %dma_start3A_22 = arith.constant 0 : i32
    %dma_start3A_23 = tpu.memref_slice %arg8[%dma_start3A_21, %dma_start3A_22] : memref<128x128xf32, #tpu.memory_space<vmem>> -> memref<128x128xf32, #tpu.memory_space<vmem>>
    %dma_start3A_24 = arith.constant 0 : i32
    %dma_start3A_25 = tpu.memref_slice %arg5[%add3A_20, %dma_start3A_24] : memref<10240x128xf32, #tpu.memory_space<vmem_shared>> -> memref<128x128xf32, #tpu.memory_space<vmem_shared>>
    %dma_start3A_26 = arith.constant 0 : i32
    %dma_start3A_27 = tpu.memref_slice %arg5[%add3A_20, %dma_start3A_26] : memref<10240x128xf32, #tpu.memory_space<vmem_shared>> -> memref<128x128xf32, #tpu.memory_space<vmem_shared>>
    %dma_start3A_28 = arith.constant 0 : i32
    %dma_start3A_29 = arith.constant 0 : i32
    %dma_start3A_30 = tpu.memref_slice %arg8[%dma_start3A_28, %dma_start3A_29] : memref<128x128xf32, #tpu.memory_space<vmem>> -> memref<128x128xf32, #tpu.memory_space<vmem>>
    tpu.enqueue_dma source(%dma_start3A_30 : memref<128x128xf32, #tpu.memory_space<vmem>>) target(%dma_start3A_27 : memref<128x128xf32, #tpu.memory_space<vmem_shared>>) target_semaphore(%arg11 : memref<!tpu.dma_semaphore, #tpu.memory_space<semaphore_mem>>)
    %mul3A_31 = arith.constant 640 : i32
    %mul3A_32 = arith.muli %arg1, %mul3A_31 : i32
    %add3A_33 = arith.constant 256 : i32
    %add3A_34 = arith.addi %mul3A_32, %add3A_33 : i32
    %dma_start3A_35 = arith.constant 0 : i32
    %dma_start3A_36 = arith.constant 0 : i32
    %dma_start3A_37 = tpu.memref_slice %arg8[%dma_start3A_35, %dma_start3A_36] : memref<128x128xf32, #tpu.memory_space<vmem>> -> memref<128x128xf32, #tpu.memory_space<vmem>>
    %dma_start3A_38 = arith.constant 0 : i32
    %dma_start3A_39 = tpu.memref_slice %arg5[%add3A_34, %dma_start3A_38] : memref<10240x128xf32, #tpu.memory_space<vmem_shared>> -> memref<128x128xf32, #tpu.memory_space<vmem_shared>>
    %dma_start3A_40 = arith.constant 0 : i32
    %dma_start3A_41 = tpu.memref_slice %arg5[%add3A_34, %dma_start3A_40] : memref<10240x128xf32, #tpu.memory_space<vmem_shared>> -> memref<128x128xf32, #tpu.memory_space<vmem_shared>>
    %dma_start3A_42 = arith.constant 0 : i32
    %dma_start3A_43 = arith.constant 0 : i32
    %dma_start3A_44 = tpu.memref_slice %arg8[%dma_start3A_42, %dma_start3A_43] : memref<128x128xf32, #tpu.memory_space<vmem>> -> memref<128x128xf32, #tpu.memory_space<vmem>>
    tpu.enqueue_dma source(%dma_start3A_44 : memref<128x128xf32, #tpu.memory_space<vmem>>) target(%dma_start3A_41 : memref<128x128xf32, #tpu.memory_space<vmem_shared>>) target_semaphore(%arg11 : memref<!tpu.dma_semaphore, #tpu.memory_space<semaphore_mem>>)
    %mul3A_45 = arith.constant 640 : i32
    %mul3A_46 = arith.muli %arg1, %mul3A_45 : i32
    %add3A_47 = arith.constant 384 : i32
    %add3A_48 = arith.addi %mul3A_46, %add3A_47 : i32
    %dma_start3A_49 = arith.constant 0 : i32
    %dma_start3A_50 = arith.constant 0 : i32
    %dma_start3A_51 = tpu.memref_slice %arg8[%dma_start3A_49, %dma_start3A_50] : memref<128x128xf32, #tpu.memory_space<vmem>> -> memref<128x128xf32, #tpu.memory_space<vmem>>
    %dma_start3A_52 = arith.constant 0 : i32
    %dma_start3A_53 = tpu.memref_slice %arg5[%add3A_48, %dma_start3A_52] : memref<10240x128xf32, #tpu.memory_space<vmem_shared>> -> memref<128x128xf32, #tpu.memory_space<vmem_shared>>
    %dma_start3A_54 = arith.constant 0 : i32
    %dma_start3A_55 = tpu.memref_slice %arg5[%add3A_48, %dma_start3A_54] : memref<10240x128xf32, #tpu.memory_space<vmem_shared>> -> memref<128x128xf32, #tpu.memory_space<vmem_shared>>
    %dma_start3A_56 = arith.constant 0 : i32
    %dma_start3A_57 = arith.constant 0 : i32
    %dma_start3A_58 = tpu.memref_slice %arg8[%dma_start3A_56, %dma_start3A_57] : memref<128x128xf32, #tpu.memory_space<vmem>> -> memref<128x128xf32, #tpu.memory_space<vmem>>
    tpu.enqueue_dma source(%dma_start3A_58 : memref<128x128xf32, #tpu.memory_space<vmem>>) target(%dma_start3A_55 : memref<128x128xf32, #tpu.memory_space<vmem_shared>>) target_semaphore(%arg11 : memref<!tpu.dma_semaphore, #tpu.memory_space<semaphore_mem>>)
    %mul3A_59 = arith.constant 640 : i32
    %mul3A_60 = arith.muli %arg1, %mul3A_59 : i32
    %add3A_61 = arith.constant 512 : i32
    %add3A_62 = arith.addi %mul3A_60, %add3A_61 : i32
    %dma_start3A_63 = arith.constant 0 : i32
    %dma_start3A_64 = arith.constant 0 : i32
    %dma_start3A_65 = tpu.memref_slice %arg8[%dma_start3A_63, %dma_start3A_64] : memref<128x128xf32, #tpu.memory_space<vmem>> -> memref<128x128xf32, #tpu.memory_space<vmem>>
    %dma_start3A_66 = arith.constant 0 : i32
    %dma_start3A_67 = tpu.memref_slice %arg5[%add3A_62, %dma_start3A_66] : memref<10240x128xf32, #tpu.memory_space<vmem_shared>> -> memref<128x128xf32, #tpu.memory_space<vmem_shared>>
    %dma_start3A_68 = arith.constant 0 : i32
    %dma_start3A_69 = tpu.memref_slice %arg5[%add3A_62, %dma_start3A_68] : memref<10240x128xf32, #tpu.memory_space<vmem_shared>> -> memref<128x128xf32, #tpu.memory_space<vmem_shared>>
    %dma_start3A_70 = arith.constant 0 : i32
    %dma_start3A_71 = arith.constant 0 : i32
    %dma_start3A_72 = tpu.memref_slice %arg8[%dma_start3A_70, %dma_start3A_71] : memref<128x128xf32, #tpu.memory_space<vmem>> -> memref<128x128xf32, #tpu.memory_space<vmem>>
    tpu.enqueue_dma source(%dma_start3A_72 : memref<128x128xf32, #tpu.memory_space<vmem>>) target(%dma_start3A_69 : memref<128x128xf32, #tpu.memory_space<vmem_shared>>) target_semaphore(%arg11 : memref<!tpu.dma_semaphore, #tpu.memory_space<semaphore_mem>>)
    %run_scoped3A = arith.constant 0 : i32
    %run_scoped3A_73 = arith.constant 0 : i32
    "tpu.region"() ({
      %run_scoped3A_228 = tpu.sem_alloc : memref<!tpu.dma_semaphore, #tpu.memory_space<semaphore_mem>>
      %dma_start3A_229 = arith.constant 0 : i32
      %dma_start3A_230 = arith.constant 0 : i32
      %dma_start3A_231 = tpu.memref_slice %arg3[%run_scoped3A, %arg0, %arg1, %run_scoped3A_73, %dma_start3A_229, %dma_start3A_230] : memref<2x2x16x2x40x128xi32, #tpu.memory_space<hbm>> -> memref<1x1x1x1x40x128xi32, #tpu.memory_space<hbm>>
      %dma_start3A_232 = tpu.memref_squeeze %dma_start3A_231 : memref<1x1x1x1x40x128xi32, #tpu.memory_space<hbm>> -> memref<40x128xi32, #tpu.memory_space<hbm>>
      %dma_start3A_233 = arith.constant 0 : i32
      %dma_start3A_234 = arith.constant 0 : i32
      %dma_start3A_235 = tpu.memref_slice %arg3[%run_scoped3A, %arg0, %arg1, %run_scoped3A_73, %dma_start3A_233, %dma_start3A_234] : memref<2x2x16x2x40x128xi32, #tpu.memory_space<hbm>> -> memref<1x1x1x1x40x128xi32, #tpu.memory_space<hbm>>
      %dma_start3A_236 = tpu.memref_squeeze %dma_start3A_235 : memref<1x1x1x1x40x128xi32, #tpu.memory_space<hbm>> -> memref<40x128xi32, #tpu.memory_space<hbm>>
      tpu.enqueue_dma source(%dma_start3A_236 : memref<40x128xi32, #tpu.memory_space<hbm>>) target(%arg6 : memref<40x128xi32, #tpu.memory_space<vmem>>) target_semaphore(%run_scoped3A_228 : memref<!tpu.dma_semaphore, #tpu.memory_space<semaphore_mem>>)
      %dma_wait3A_237 = arith.constant 0 : i32
      %dma_wait3A_238 = arith.constant 0 : i32
      %dma_wait3A_239 = tpu.memref_slice %arg3[%run_scoped3A, %arg0, %arg1, %run_scoped3A_73, %dma_wait3A_237, %dma_wait3A_238] : memref<2x2x16x2x40x128xi32, #tpu.memory_space<hbm>> -> memref<1x1x1x1x40x128xi32, #tpu.memory_space<hbm>>
      %dma_wait3A_240 = tpu.memref_squeeze %dma_wait3A_239 : memref<1x1x1x1x40x128xi32, #tpu.memory_space<hbm>> -> memref<40x128xi32, #tpu.memory_space<hbm>>
      %dma_wait3A_241 = arith.constant 0 : i32
      %dma_wait3A_242 = arith.constant 0 : i32
      %dma_wait3A_243 = tpu.memref_slice %arg3[%run_scoped3A, %arg0, %arg1, %run_scoped3A_73, %dma_wait3A_241, %dma_wait3A_242] : memref<2x2x16x2x40x128xi32, #tpu.memory_space<hbm>> -> memref<1x1x1x1x40x128xi32, #tpu.memory_space<hbm>>
      %dma_wait3A_244 = tpu.memref_squeeze %dma_wait3A_243 : memref<1x1x1x1x40x128xi32, #tpu.memory_space<hbm>> -> memref<40x128xi32, #tpu.memory_space<hbm>>
      tpu.wait_dma2 semaphore(%run_scoped3A_228 : memref<!tpu.dma_semaphore, #tpu.memory_space<semaphore_mem>>) src(%dma_wait3A_244 : memref<40x128xi32, #tpu.memory_space<hbm>>) dst(%arg6 : memref<40x128xi32, #tpu.memory_space<vmem>>)
      tpu.yield
    }) : () -> ()
    %run_scoped3A_74 = arith.constant 1 : i32
    %run_scoped3A_75 = arith.constant 0 : i32
    "tpu.region"() ({
      %run_scoped3A_228 = tpu.sem_alloc : memref<!tpu.dma_semaphore, #tpu.memory_space<semaphore_mem>>
      %dma_start3A_229 = arith.constant 0 : i32
      %dma_start3A_230 = arith.constant 0 : i32
      %dma_start3A_231 = tpu.memref_slice %arg3[%run_scoped3A_74, %arg0, %arg1, %run_scoped3A_75, %dma_start3A_229, %dma_start3A_230] : memref<2x2x16x2x40x128xi32, #tpu.memory_space<hbm>> -> memref<1x1x1x1x40x128xi32, #tpu.memory_space<hbm>>
      %dma_start3A_232 = tpu.memref_squeeze %dma_start3A_231 : memref<1x1x1x1x40x128xi32, #tpu.memory_space<hbm>> -> memref<40x128xi32, #tpu.memory_space<hbm>>
      %dma_start3A_233 = arith.constant 0 : i32
      %dma_start3A_234 = arith.constant 0 : i32
      %dma_start3A_235 = tpu.memref_slice %arg3[%run_scoped3A_74, %arg0, %arg1, %run_scoped3A_75, %dma_start3A_233, %dma_start3A_234] : memref<2x2x16x2x40x128xi32, #tpu.memory_space<hbm>> -> memref<1x1x1x1x40x128xi32, #tpu.memory_space<hbm>>
      %dma_start3A_236 = tpu.memref_squeeze %dma_start3A_235 : memref<1x1x1x1x40x128xi32, #tpu.memory_space<hbm>> -> memref<40x128xi32, #tpu.memory_space<hbm>>
      tpu.enqueue_dma source(%dma_start3A_236 : memref<40x128xi32, #tpu.memory_space<hbm>>) target(%arg7 : memref<40x128xi32, #tpu.memory_space<vmem>>) target_semaphore(%run_scoped3A_228 : memref<!tpu.dma_semaphore, #tpu.memory_space<semaphore_mem>>)
      %dma_wait3A_237 = arith.constant 0 : i32
      %dma_wait3A_238 = arith.constant 0 : i32
      %dma_wait3A_239 = tpu.memref_slice %arg3[%run_scoped3A_74, %arg0, %arg1, %run_scoped3A_75, %dma_wait3A_237, %dma_wait3A_238] : memref<2x2x16x2x40x128xi32, #tpu.memory_space<hbm>> -> memref<1x1x1x1x40x128xi32, #tpu.memory_space<hbm>>
      %dma_wait3A_240 = tpu.memref_squeeze %dma_wait3A_239 : memref<1x1x1x1x40x128xi32, #tpu.memory_space<hbm>> -> memref<40x128xi32, #tpu.memory_space<hbm>>
      %dma_wait3A_241 = arith.constant 0 : i32
      %dma_wait3A_242 = arith.constant 0 : i32
      %dma_wait3A_243 = tpu.memref_slice %arg3[%run_scoped3A_74, %arg0, %arg1, %run_scoped3A_75, %dma_wait3A_241, %dma_wait3A_242] : memref<2x2x16x2x40x128xi32, #tpu.memory_space<hbm>> -> memref<1x1x1x1x40x128xi32, #tpu.memory_space<hbm>>
      %dma_wait3A_244 = tpu.memref_squeeze %dma_wait3A_243 : memref<1x1x1x1x40x128xi32, #tpu.memory_space<hbm>> -> memref<40x128xi32, #tpu.memory_space<hbm>>
      tpu.wait_dma2 semaphore(%run_scoped3A_228 : memref<!tpu.dma_semaphore, #tpu.memory_space<semaphore_mem>>) src(%dma_wait3A_244 : memref<40x128xi32, #tpu.memory_space<hbm>>) dst(%arg7 : memref<40x128xi32, #tpu.memory_space<vmem>>)
      tpu.yield
    }) : () -> ()
    %mul3A_76 = arith.constant 640 : i32
    %mul3A_77 = arith.muli %arg1, %mul3A_76 : i32
    %add3A_78 = arith.constant 0 : i32
    %add3A_79 = arith.addi %mul3A_77, %add3A_78 : i32
    %dma_wait3A = arith.constant 0 : i32
    %dma_wait3A_80 = arith.constant 0 : i32
    %dma_wait3A_81 = tpu.memref_slice %arg8[%dma_wait3A, %dma_wait3A_80] : memref<128x128xf32, #tpu.memory_space<vmem>> -> memref<128x128xf32, #tpu.memory_space<vmem>>
    %dma_wait3A_82 = arith.constant 0 : i32
    %dma_wait3A_83 = tpu.memref_slice %arg5[%add3A_79, %dma_wait3A_82] : memref<10240x128xf32, #tpu.memory_space<vmem_shared>> -> memref<128x128xf32, #tpu.memory_space<vmem_shared>>
    %dma_wait3A_84 = arith.constant 0 : i32
    %dma_wait3A_85 = tpu.memref_slice %arg5[%add3A_79, %dma_wait3A_84] : memref<10240x128xf32, #tpu.memory_space<vmem_shared>> -> memref<128x128xf32, #tpu.memory_space<vmem_shared>>
    %dma_wait3A_86 = arith.constant 0 : i32
    %dma_wait3A_87 = arith.constant 0 : i32
    %dma_wait3A_88 = tpu.memref_slice %arg8[%dma_wait3A_86, %dma_wait3A_87] : memref<128x128xf32, #tpu.memory_space<vmem>> -> memref<128x128xf32, #tpu.memory_space<vmem>>
    tpu.wait_dma2 semaphore(%arg11 : memref<!tpu.dma_semaphore, #tpu.memory_space<semaphore_mem>>) src(%dma_wait3A_88 : memref<128x128xf32, #tpu.memory_space<vmem>>) dst(%dma_wait3A_85 : memref<128x128xf32, #tpu.memory_space<vmem_shared>>)
    %mul3A_89 = arith.constant 640 : i32
    %mul3A_90 = arith.muli %arg1, %mul3A_89 : i32
    %add3A_91 = arith.constant 128 : i32
    %add3A_92 = arith.addi %mul3A_90, %add3A_91 : i32
    %dma_wait3A_93 = arith.constant 0 : i32
    %dma_wait3A_94 = arith.constant 0 : i32
    %dma_wait3A_95 = tpu.memref_slice %arg8[%dma_wait3A_93, %dma_wait3A_94] : memref<128x128xf32, #tpu.memory_space<vmem>> -> memref<128x128xf32, #tpu.memory_space<vmem>>
    %dma_wait3A_96 = arith.constant 0 : i32
    %dma_wait3A_97 = tpu.memref_slice %arg5[%add3A_92, %dma_wait3A_96] : memref<10240x128xf32, #tpu.memory_space<vmem_shared>> -> memref<128x128xf32, #tpu.memory_space<vmem_shared>>
    %dma_wait3A_98 = arith.constant 0 : i32
    %dma_wait3A_99 = tpu.memref_slice %arg5[%add3A_92, %dma_wait3A_98] : memref<10240x128xf32, #tpu.memory_space<vmem_shared>> -> memref<128x128xf32, #tpu.memory_space<vmem_shared>>
    %dma_wait3A_100 = arith.constant 0 : i32
    %dma_wait3A_101 = arith.constant 0 : i32
    %dma_wait3A_102 = tpu.memref_slice %arg8[%dma_wait3A_100, %dma_wait3A_101] : memref<128x128xf32, #tpu.memory_space<vmem>> -> memref<128x128xf32, #tpu.memory_space<vmem>>
    tpu.wait_dma2 semaphore(%arg11 : memref<!tpu.dma_semaphore, #tpu.memory_space<semaphore_mem>>) src(%dma_wait3A_102 : memref<128x128xf32, #tpu.memory_space<vmem>>) dst(%dma_wait3A_99 : memref<128x128xf32, #tpu.memory_space<vmem_shared>>)
    %mul3A_103 = arith.constant 640 : i32
    %mul3A_104 = arith.muli %arg1, %mul3A_103 : i32
    %add3A_105 = arith.constant 256 : i32
    %add3A_106 = arith.addi %mul3A_104, %add3A_105 : i32
    %dma_wait3A_107 = arith.constant 0 : i32
    %dma_wait3A_108 = arith.constant 0 : i32
    %dma_wait3A_109 = tpu.memref_slice %arg8[%dma_wait3A_107, %dma_wait3A_108] : memref<128x128xf32, #tpu.memory_space<vmem>> -> memref<128x128xf32, #tpu.memory_space<vmem>>
    %dma_wait3A_110 = arith.constant 0 : i32
    %dma_wait3A_111 = tpu.memref_slice %arg5[%add3A_106, %dma_wait3A_110] : memref<10240x128xf32, #tpu.memory_space<vmem_shared>> -> memref<128x128xf32, #tpu.memory_space<vmem_shared>>
    %dma_wait3A_112 = arith.constant 0 : i32
    %dma_wait3A_113 = tpu.memref_slice %arg5[%add3A_106, %dma_wait3A_112] : memref<10240x128xf32, #tpu.memory_space<vmem_shared>> -> memref<128x128xf32, #tpu.memory_space<vmem_shared>>
    %dma_wait3A_114 = arith.constant 0 : i32
    %dma_wait3A_115 = arith.constant 0 : i32
    %dma_wait3A_116 = tpu.memref_slice %arg8[%dma_wait3A_114, %dma_wait3A_115] : memref<128x128xf32, #tpu.memory_space<vmem>> -> memref<128x128xf32, #tpu.memory_space<vmem>>
    tpu.wait_dma2 semaphore(%arg11 : memref<!tpu.dma_semaphore, #tpu.memory_space<semaphore_mem>>) src(%dma_wait3A_116 : memref<128x128xf32, #tpu.memory_space<vmem>>) dst(%dma_wait3A_113 : memref<128x128xf32, #tpu.memory_space<vmem_shared>>)
    %mul3A_117 = arith.constant 640 : i32
    %mul3A_118 = arith.muli %arg1, %mul3A_117 : i32
    %add3A_119 = arith.constant 384 : i32
    %add3A_120 = arith.addi %mul3A_118, %add3A_119 : i32
    %dma_wait3A_121 = arith.constant 0 : i32
    %dma_wait3A_122 = arith.constant 0 : i32
    %dma_wait3A_123 = tpu.memref_slice %arg8[%dma_wait3A_121, %dma_wait3A_122] : memref<128x128xf32, #tpu.memory_space<vmem>> -> memref<128x128xf32, #tpu.memory_space<vmem>>
    %dma_wait3A_124 = arith.constant 0 : i32
    %dma_wait3A_125 = tpu.memref_slice %arg5[%add3A_120, %dma_wait3A_124] : memref<10240x128xf32, #tpu.memory_space<vmem_shared>> -> memref<128x128xf32, #tpu.memory_space<vmem_shared>>
    %dma_wait3A_126 = arith.constant 0 : i32
    %dma_wait3A_127 = tpu.memref_slice %arg5[%add3A_120, %dma_wait3A_126] : memref<10240x128xf32, #tpu.memory_space<vmem_shared>> -> memref<128x128xf32, #tpu.memory_space<vmem_shared>>
    %dma_wait3A_128 = arith.constant 0 : i32
    %dma_wait3A_129 = arith.constant 0 : i32
    %dma_wait3A_130 = tpu.memref_slice %arg8[%dma_wait3A_128, %dma_wait3A_129] : memref<128x128xf32, #tpu.memory_space<vmem>> -> memref<128x128xf32, #tpu.memory_space<vmem>>
    tpu.wait_dma2 semaphore(%arg11 : memref<!tpu.dma_semaphore, #tpu.memory_space<semaphore_mem>>) src(%dma_wait3A_130 : memref<128x128xf32, #tpu.memory_space<vmem>>) dst(%dma_wait3A_127 : memref<128x128xf32, #tpu.memory_space<vmem_shared>>)
    %mul3A_131 = arith.constant 640 : i32
    %mul3A_132 = arith.muli %arg1, %mul3A_131 : i32
    %add3A_133 = arith.constant 512 : i32
    %add3A_134 = arith.addi %mul3A_132, %add3A_133 : i32
    %dma_wait3A_135 = arith.constant 0 : i32
    %dma_wait3A_136 = arith.constant 0 : i32
    %dma_wait3A_137 = tpu.memref_slice %arg8[%dma_wait3A_135, %dma_wait3A_136] : memref<128x128xf32, #tpu.memory_space<vmem>> -> memref<128x128xf32, #tpu.memory_space<vmem>>
    %dma_wait3A_138 = arith.constant 0 : i32
    %dma_wait3A_139 = tpu.memref_slice %arg5[%add3A_134, %dma_wait3A_138] : memref<10240x128xf32, #tpu.memory_space<vmem_shared>> -> memref<128x128xf32, #tpu.memory_space<vmem_shared>>
    %dma_wait3A_140 = arith.constant 0 : i32
    %dma_wait3A_141 = tpu.memref_slice %arg5[%add3A_134, %dma_wait3A_140] : memref<10240x128xf32, #tpu.memory_space<vmem_shared>> -> memref<128x128xf32, #tpu.memory_space<vmem_shared>>
    %dma_wait3A_142 = arith.constant 0 : i32
    %dma_wait3A_143 = arith.constant 0 : i32
    %dma_wait3A_144 = tpu.memref_slice %arg8[%dma_wait3A_142, %dma_wait3A_143] : memref<128x128xf32, #tpu.memory_space<vmem>> -> memref<128x128xf32, #tpu.memory_space<vmem>>
    tpu.wait_dma2 semaphore(%arg11 : memref<!tpu.dma_semaphore, #tpu.memory_space<semaphore_mem>>) src(%dma_wait3A_144 : memref<128x128xf32, #tpu.memory_space<vmem>>) dst(%dma_wait3A_141 : memref<128x128xf32, #tpu.memory_space<vmem_shared>>)
    %barrier3A = arith.constant 0 : index
    tpu.barrier barrier_id(%barrier3A)
    %dma_start3A_145 = arith.constant 0 : i32
    %dma_start3A_146 = arith.constant 0 : i32
    %dma_start3A_147 = tpu.memref_slice %arg6[%dma_start3A_145, %dma_start3A_146] : memref<40x128xi32, #tpu.memory_space<vmem>> -> memref<1x128xi32, #tpu.memory_space<vmem>>
    %dma_start3A_148 = tpu.memref_squeeze %dma_start3A_147 : memref<1x128xi32, #tpu.memory_space<vmem>> -> memref<128xi32, #tpu.memory_space<vmem>>
    %dma_start3A_149 = arith.constant 0 : i32
    %dma_start3A_150 = arith.constant 0 : i32
    %dma_start3A_151 = tpu.memref_slice %arg2[%dma_start3A_149, %dma_start3A_150] : memref<10240x128xf32, #tpu.memory_space<hbm>> -> memref<10240x128xf32, #tpu.memory_space<hbm>>
    tpu.enqueue_indirect_dma source(%dma_start3A_151 : memref<10240x128xf32, #tpu.memory_space<hbm>>) target(%arg8 : memref<128x128xf32, #tpu.memory_space<vmem>>) offsets(%dma_start3A_148 : memref<128xi32, #tpu.memory_space<vmem>>) semaphore(%arg10 : memref<!tpu.dma_semaphore, #tpu.memory_space<semaphore_mem>>)
    %dma_start3A_152 = arith.constant 1 : i32
    %dma_start3A_153 = arith.constant 0 : i32
    %dma_start3A_154 = tpu.memref_slice %arg6[%dma_start3A_152, %dma_start3A_153] : memref<40x128xi32, #tpu.memory_space<vmem>> -> memref<1x128xi32, #tpu.memory_space<vmem>>
    %dma_start3A_155 = tpu.memref_squeeze %dma_start3A_154 : memref<1x128xi32, #tpu.memory_space<vmem>> -> memref<128xi32, #tpu.memory_space<vmem>>
    %dma_start3A_156 = arith.constant 0 : i32
    %dma_start3A_157 = arith.constant 0 : i32
    %dma_start3A_158 = tpu.memref_slice %arg2[%dma_start3A_156, %dma_start3A_157] : memref<10240x128xf32, #tpu.memory_space<hbm>> -> memref<10240x128xf32, #tpu.memory_space<hbm>>
    tpu.enqueue_indirect_dma source(%dma_start3A_158 : memref<10240x128xf32, #tpu.memory_space<hbm>>) target(%arg9 : memref<128x128xf32, #tpu.memory_space<vmem>>) offsets(%dma_start3A_155 : memref<128xi32, #tpu.memory_space<vmem>>) semaphore(%arg11 : memref<!tpu.dma_semaphore, #tpu.memory_space<semaphore_mem>>)
    %scan3A_159 = arith.constant 0 : i32
    %scan3A_160 = arith.constant 0 : i32
    %scan3A_161 = arith.constant 19 : i32
    %scan3A_162 = arith.addi %scan3A_160, %scan3A_161 : i32
    %scan3A_163 = arith.constant 1 : i32
    %scan3A_164 = scf.for %scan3A_228 = %scan3A_160 to %scan3A_162 step %scan3A_163 iter_args(%scan3A_229 = %scan3A_159) -> (i32)  : i32 {
      %mul3A_230 = arith.constant 2 : i32
      %mul3A_231 = arith.muli %mul3A_230, %scan3A_228 : i32
      %dma_wait3A_232 = arith.constant 0 : i32
      %dma_wait3A_233 = tpu.memref_slice %arg6[%mul3A_231, %dma_wait3A_232] : memref<40x128xi32, #tpu.memory_space<vmem>> -> memref<1x128xi32, #tpu.memory_space<vmem>>
      %dma_wait3A_234 = tpu.memref_squeeze %dma_wait3A_233 : memref<1x128xi32, #tpu.memory_space<vmem>> -> memref<128xi32, #tpu.memory_space<vmem>>
      %dma_wait3A_235 = arith.constant 0 : i32
      %dma_wait3A_236 = arith.constant 0 : i32
      %dma_wait3A_237 = tpu.memref_slice %arg2[%dma_wait3A_235, %dma_wait3A_236] : memref<10240x128xf32, #tpu.memory_space<hbm>> -> memref<10240x128xf32, #tpu.memory_space<hbm>>
      tpu.wait_indirect_dma semaphore(%arg10 : memref<!tpu.dma_semaphore, #tpu.memory_space<semaphore_mem>>) src(%dma_wait3A_237 : memref<10240x128xf32, #tpu.memory_space<hbm>>) dst(%arg8 : memref<128x128xf32, #tpu.memory_space<vmem>>)
      "tpu.region"() ({
        %run_scoped3A_265 = tpu.sem_alloc : memref<!tpu.dma_semaphore, #tpu.memory_space<semaphore_mem>>
        %dma_start3A_266 = arith.constant 0 : i32
        %dma_start3A_267 = tpu.memref_slice %arg7[%mul3A_231, %dma_start3A_266] : memref<40x128xi32, #tpu.memory_space<vmem>> -> memref<1x128xi32, #tpu.memory_space<vmem>>
        %dma_start3A_268 = tpu.memref_squeeze %dma_start3A_267 : memref<1x128xi32, #tpu.memory_space<vmem>> -> memref<128xi32, #tpu.memory_space<vmem>>
        %dma_start3A_269 = arith.constant 0 : i32
        %dma_start3A_270 = arith.constant 0 : i32
        %dma_start3A_271 = tpu.memref_slice %arg5[%dma_start3A_269, %dma_start3A_270] : memref<10240x128xf32, #tpu.memory_space<vmem_shared>> -> memref<10240x128xf32, #tpu.memory_space<vmem_shared>>
        tpu.enqueue_indirect_dma source(%arg8 : memref<128x128xf32, #tpu.memory_space<vmem>>) target(%dma_start3A_271 : memref<10240x128xf32, #tpu.memory_space<vmem_shared>>) offsets(%dma_start3A_268 : memref<128xi32, #tpu.memory_space<vmem>>) semaphore(%run_scoped3A_265 : memref<!tpu.dma_semaphore, #tpu.memory_space<semaphore_mem>>) {add = true}
        %dma_wait3A_272 = arith.constant 0 : i32
        %dma_wait3A_273 = tpu.memref_slice %arg7[%mul3A_231, %dma_wait3A_272] : memref<40x128xi32, #tpu.memory_space<vmem>> -> memref<1x128xi32, #tpu.memory_space<vmem>>
        %dma_wait3A_274 = tpu.memref_squeeze %dma_wait3A_273 : memref<1x128xi32, #tpu.memory_space<vmem>> -> memref<128xi32, #tpu.memory_space<vmem>>
        %dma_wait3A_275 = arith.constant 0 : i32
        %dma_wait3A_276 = arith.constant 0 : i32
        %dma_wait3A_277 = tpu.memref_slice %arg5[%dma_wait3A_275, %dma_wait3A_276] : memref<10240x128xf32, #tpu.memory_space<vmem_shared>> -> memref<10240x128xf32, #tpu.memory_space<vmem_shared>>
        tpu.wait_indirect_dma semaphore(%run_scoped3A_265 : memref<!tpu.dma_semaphore, #tpu.memory_space<semaphore_mem>>) src(%arg8 : memref<128x128xf32, #tpu.memory_space<vmem>>) dst(%dma_wait3A_277 : memref<10240x128xf32, #tpu.memory_space<vmem_shared>>)
        tpu.yield
      }) : () -> ()
      %add3A_238 = arith.constant 2 : i32
      %add3A_239 = arith.addi %mul3A_231, %add3A_238 : i32
      %dma_start3A_240 = arith.constant 0 : i32
      %dma_start3A_241 = tpu.memref_slice %arg6[%add3A_239, %dma_start3A_240] : memref<40x128xi32, #tpu.memory_space<vmem>> -> memref<1x128xi32, #tpu.memory_space<vmem>>
      %dma_start3A_242 = tpu.memref_squeeze %dma_start3A_241 : memref<1x128xi32, #tpu.memory_space<vmem>> -> memref<128xi32, #tpu.memory_space<vmem>>
      %dma_start3A_243 = arith.constant 0 : i32
      %dma_start3A_244 = arith.constant 0 : i32
      %dma_start3A_245 = tpu.memref_slice %arg2[%dma_start3A_243, %dma_start3A_244] : memref<10240x128xf32, #tpu.memory_space<hbm>> -> memref<10240x128xf32, #tpu.memory_space<hbm>>
      tpu.enqueue_indirect_dma source(%dma_start3A_245 : memref<10240x128xf32, #tpu.memory_space<hbm>>) target(%arg8 : memref<128x128xf32, #tpu.memory_space<vmem>>) offsets(%dma_start3A_242 : memref<128xi32, #tpu.memory_space<vmem>>) semaphore(%arg10 : memref<!tpu.dma_semaphore, #tpu.memory_space<semaphore_mem>>)
      %add3A_246 = arith.constant 1 : i32
      %add3A_247 = arith.addi %mul3A_231, %add3A_246 : i32
      %dma_wait3A_248 = arith.constant 0 : i32
      %dma_wait3A_249 = tpu.memref_slice %arg6[%add3A_247, %dma_wait3A_248] : memref<40x128xi32, #tpu.memory_space<vmem>> -> memref<1x128xi32, #tpu.memory_space<vmem>>
      %dma_wait3A_250 = tpu.memref_squeeze %dma_wait3A_249 : memref<1x128xi32, #tpu.memory_space<vmem>> -> memref<128xi32, #tpu.memory_space<vmem>>
      %dma_wait3A_251 = arith.constant 0 : i32
      %dma_wait3A_252 = arith.constant 0 : i32
      %dma_wait3A_253 = tpu.memref_slice %arg2[%dma_wait3A_251, %dma_wait3A_252] : memref<10240x128xf32, #tpu.memory_space<hbm>> -> memref<10240x128xf32, #tpu.memory_space<hbm>>
      tpu.wait_indirect_dma semaphore(%arg11 : memref<!tpu.dma_semaphore, #tpu.memory_space<semaphore_mem>>) src(%dma_wait3A_253 : memref<10240x128xf32, #tpu.memory_space<hbm>>) dst(%arg9 : memref<128x128xf32, #tpu.memory_space<vmem>>)
      %add3A_254 = arith.constant 1 : i32
      %add3A_255 = arith.addi %mul3A_231, %add3A_254 : i32
      "tpu.region"() ({
        %run_scoped3A_265 = tpu.sem_alloc : memref<!tpu.dma_semaphore, #tpu.memory_space<semaphore_mem>>
        %dma_start3A_266 = arith.constant 0 : i32
        %dma_start3A_267 = tpu.memref_slice %arg7[%add3A_255, %dma_start3A_266] : memref<40x128xi32, #tpu.memory_space<vmem>> -> memref<1x128xi32, #tpu.memory_space<vmem>>
        %dma_start3A_268 = tpu.memref_squeeze %dma_start3A_267 : memref<1x128xi32, #tpu.memory_space<vmem>> -> memref<128xi32, #tpu.memory_space<vmem>>
        %dma_start3A_269 = arith.constant 0 : i32
        %dma_start3A_270 = arith.constant 0 : i32
        %dma_start3A_271 = tpu.memref_slice %arg5[%dma_start3A_269, %dma_start3A_270] : memref<10240x128xf32, #tpu.memory_space<vmem_shared>> -> memref<10240x128xf32, #tpu.memory_space<vmem_shared>>
        tpu.enqueue_indirect_dma source(%arg9 : memref<128x128xf32, #tpu.memory_space<vmem>>) target(%dma_start3A_271 : memref<10240x128xf32, #tpu.memory_space<vmem_shared>>) offsets(%dma_start3A_268 : memref<128xi32, #tpu.memory_space<vmem>>) semaphore(%run_scoped3A_265 : memref<!tpu.dma_semaphore, #tpu.memory_space<semaphore_mem>>) {add = true}
        %dma_wait3A_272 = arith.constant 0 : i32
        %dma_wait3A_273 = tpu.memref_slice %arg7[%add3A_255, %dma_wait3A_272] : memref<40x128xi32, #tpu.memory_space<vmem>> -> memref<1x128xi32, #tpu.memory_space<vmem>>
        %dma_wait3A_274 = tpu.memref_squeeze %dma_wait3A_273 : memref<1x128xi32, #tpu.memory_space<vmem>> -> memref<128xi32, #tpu.memory_space<vmem>>
        %dma_wait3A_275 = arith.constant 0 : i32
        %dma_wait3A_276 = arith.constant 0 : i32
        %dma_wait3A_277 = tpu.memref_slice %arg5[%dma_wait3A_275, %dma_wait3A_276] : memref<10240x128xf32, #tpu.memory_space<vmem_shared>> -> memref<10240x128xf32, #tpu.memory_space<vmem_shared>>
        tpu.wait_indirect_dma semaphore(%run_scoped3A_265 : memref<!tpu.dma_semaphore, #tpu.memory_space<semaphore_mem>>) src(%arg9 : memref<128x128xf32, #tpu.memory_space<vmem>>) dst(%dma_wait3A_277 : memref<10240x128xf32, #tpu.memory_space<vmem_shared>>)
        tpu.yield
      }) : () -> ()
      %add3A_256 = arith.constant 3 : i32
      %add3A_257 = arith.addi %mul3A_231, %add3A_256 : i32
      %dma_start3A_258 = arith.constant 0 : i32
      %dma_start3A_259 = tpu.memref_slice %arg6[%add3A_257, %dma_start3A_258] : memref<40x128xi32, #tpu.memory_space<vmem>> -> memref<1x128xi32, #tpu.memory_space<vmem>>
      %dma_start3A_260 = tpu.memref_squeeze %dma_start3A_259 : memref<1x128xi32, #tpu.memory_space<vmem>> -> memref<128xi32, #tpu.memory_space<vmem>>
      %dma_start3A_261 = arith.constant 0 : i32
      %dma_start3A_262 = arith.constant 0 : i32
      %dma_start3A_263 = tpu.memref_slice %arg2[%dma_start3A_261, %dma_start3A_262] : memref<10240x128xf32, #tpu.memory_space<hbm>> -> memref<10240x128xf32, #tpu.memory_space<hbm>>
      tpu.enqueue_indirect_dma source(%dma_start3A_263 : memref<10240x128xf32, #tpu.memory_space<hbm>>) target(%arg9 : memref<128x128xf32, #tpu.memory_space<vmem>>) offsets(%dma_start3A_260 : memref<128xi32, #tpu.memory_space<vmem>>) semaphore(%arg11 : memref<!tpu.dma_semaphore, #tpu.memory_space<semaphore_mem>>)
      %scan3A_264 = arith.constant 0 : i32
      scf.yield %scan3A_264 : i32
    }
    %scan3A_165 = arith.constant 19 : i32
    %dma_wait3A_166 = arith.constant 38 : i32
    %dma_wait3A_167 = arith.constant 0 : i32
    %dma_wait3A_168 = tpu.memref_slice %arg6[%dma_wait3A_166, %dma_wait3A_167] : memref<40x128xi32, #tpu.memory_space<vmem>> -> memref<1x128xi32, #tpu.memory_space<vmem>>
    %dma_wait3A_169 = tpu.memref_squeeze %dma_wait3A_168 : memref<1x128xi32, #tpu.memory_space<vmem>> -> memref<128xi32, #tpu.memory_space<vmem>>
    %dma_wait3A_170 = arith.constant 0 : i32
    %dma_wait3A_171 = arith.constant 0 : i32
    %dma_wait3A_172 = tpu.memref_slice %arg2[%dma_wait3A_170, %dma_wait3A_171] : memref<10240x128xf32, #tpu.memory_space<hbm>> -> memref<10240x128xf32, #tpu.memory_space<hbm>>
    tpu.wait_indirect_dma semaphore(%arg10 : memref<!tpu.dma_semaphore, #tpu.memory_space<semaphore_mem>>) src(%dma_wait3A_172 : memref<10240x128xf32, #tpu.memory_space<hbm>>) dst(%arg8 : memref<128x128xf32, #tpu.memory_space<vmem>>)
    %run_scoped3A_173 = arith.constant 38 : i32
    "tpu.region"() ({
      %run_scoped3A_228 = tpu.sem_alloc : memref<!tpu.dma_semaphore, #tpu.memory_space<semaphore_mem>>
      %dma_start3A_229 = arith.constant 0 : i32
      %dma_start3A_230 = tpu.memref_slice %arg7[%run_scoped3A_173, %dma_start3A_229] : memref<40x128xi32, #tpu.memory_space<vmem>> -> memref<1x128xi32, #tpu.memory_space<vmem>>
      %dma_start3A_231 = tpu.memref_squeeze %dma_start3A_230 : memref<1x128xi32, #tpu.memory_space<vmem>> -> memref<128xi32, #tpu.memory_space<vmem>>
      %dma_start3A_232 = arith.constant 0 : i32
      %dma_start3A_233 = arith.constant 0 : i32
      %dma_start3A_234 = tpu.memref_slice %arg5[%dma_start3A_232, %dma_start3A_233] : memref<10240x128xf32, #tpu.memory_space<vmem_shared>> -> memref<10240x128xf32, #tpu.memory_space<vmem_shared>>
      tpu.enqueue_indirect_dma source(%arg8 : memref<128x128xf32, #tpu.memory_space<vmem>>) target(%dma_start3A_234 : memref<10240x128xf32, #tpu.memory_space<vmem_shared>>) offsets(%dma_start3A_231 : memref<128xi32, #tpu.memory_space<vmem>>) semaphore(%run_scoped3A_228 : memref<!tpu.dma_semaphore, #tpu.memory_space<semaphore_mem>>) {add = true}
      %dma_wait3A_235 = arith.constant 0 : i32
      %dma_wait3A_236 = tpu.memref_slice %arg7[%run_scoped3A_173, %dma_wait3A_235] : memref<40x128xi32, #tpu.memory_space<vmem>> -> memref<1x128xi32, #tpu.memory_space<vmem>>
      %dma_wait3A_237 = tpu.memref_squeeze %dma_wait3A_236 : memref<1x128xi32, #tpu.memory_space<vmem>> -> memref<128xi32, #tpu.memory_space<vmem>>
      %dma_wait3A_238 = arith.constant 0 : i32
      %dma_wait3A_239 = arith.constant 0 : i32
      %dma_wait3A_240 = tpu.memref_slice %arg5[%dma_wait3A_238, %dma_wait3A_239] : memref<10240x128xf32, #tpu.memory_space<vmem_shared>> -> memref<10240x128xf32, #tpu.memory_space<vmem_shared>>
      tpu.wait_indirect_dma semaphore(%run_scoped3A_228 : memref<!tpu.dma_semaphore, #tpu.memory_space<semaphore_mem>>) src(%arg8 : memref<128x128xf32, #tpu.memory_space<vmem>>) dst(%dma_wait3A_240 : memref<10240x128xf32, #tpu.memory_space<vmem_shared>>)
      tpu.yield
    }) : () -> ()
    %dma_wait3A_174 = arith.constant 39 : i32
    %dma_wait3A_175 = arith.constant 0 : i32
    %dma_wait3A_176 = tpu.memref_slice %arg6[%dma_wait3A_174, %dma_wait3A_175] : memref<40x128xi32, #tpu.memory_space<vmem>> -> memref<1x128xi32, #tpu.memory_space<vmem>>
    %dma_wait3A_177 = tpu.memref_squeeze %dma_wait3A_176 : memref<1x128xi32, #tpu.memory_space<vmem>> -> memref<128xi32, #tpu.memory_space<vmem>>
    %dma_wait3A_178 = arith.constant 0 : i32
    %dma_wait3A_179 = arith.constant 0 : i32
    %dma_wait3A_180 = tpu.memref_slice %arg2[%dma_wait3A_178, %dma_wait3A_179] : memref<10240x128xf32, #tpu.memory_space<hbm>> -> memref<10240x128xf32, #tpu.memory_space<hbm>>
    tpu.wait_indirect_dma semaphore(%arg11 : memref<!tpu.dma_semaphore, #tpu.memory_space<semaphore_mem>>) src(%dma_wait3A_180 : memref<10240x128xf32, #tpu.memory_space<hbm>>) dst(%arg9 : memref<128x128xf32, #tpu.memory_space<vmem>>)
    %run_scoped3A_181 = arith.constant 39 : i32
    "tpu.region"() ({
      %run_scoped3A_228 = tpu.sem_alloc : memref<!tpu.dma_semaphore, #tpu.memory_space<semaphore_mem>>
      %dma_start3A_229 = arith.constant 0 : i32
      %dma_start3A_230 = tpu.memref_slice %arg7[%run_scoped3A_181, %dma_start3A_229] : memref<40x128xi32, #tpu.memory_space<vmem>> -> memref<1x128xi32, #tpu.memory_space<vmem>>
      %dma_start3A_231 = tpu.memref_squeeze %dma_start3A_230 : memref<1x128xi32, #tpu.memory_space<vmem>> -> memref<128xi32, #tpu.memory_space<vmem>>
      %dma_start3A_232 = arith.constant 0 : i32
      %dma_start3A_233 = arith.constant 0 : i32
      %dma_start3A_234 = tpu.memref_slice %arg5[%dma_start3A_232, %dma_start3A_233] : memref<10240x128xf32, #tpu.memory_space<vmem_shared>> -> memref<10240x128xf32, #tpu.memory_space<vmem_shared>>
      tpu.enqueue_indirect_dma source(%arg9 : memref<128x128xf32, #tpu.memory_space<vmem>>) target(%dma_start3A_234 : memref<10240x128xf32, #tpu.memory_space<vmem_shared>>) offsets(%dma_start3A_231 : memref<128xi32, #tpu.memory_space<vmem>>) semaphore(%run_scoped3A_228 : memref<!tpu.dma_semaphore, #tpu.memory_space<semaphore_mem>>) {add = true}
      %dma_wait3A_235 = arith.constant 0 : i32
      %dma_wait3A_236 = tpu.memref_slice %arg7[%run_scoped3A_181, %dma_wait3A_235] : memref<40x128xi32, #tpu.memory_space<vmem>> -> memref<1x128xi32, #tpu.memory_space<vmem>>
      %dma_wait3A_237 = tpu.memref_squeeze %dma_wait3A_236 : memref<1x128xi32, #tpu.memory_space<vmem>> -> memref<128xi32, #tpu.memory_space<vmem>>
      %dma_wait3A_238 = arith.constant 0 : i32
      %dma_wait3A_239 = arith.constant 0 : i32
      %dma_wait3A_240 = tpu.memref_slice %arg5[%dma_wait3A_238, %dma_wait3A_239] : memref<10240x128xf32, #tpu.memory_space<vmem_shared>> -> memref<10240x128xf32, #tpu.memory_space<vmem_shared>>
      tpu.wait_indirect_dma semaphore(%run_scoped3A_228 : memref<!tpu.dma_semaphore, #tpu.memory_space<semaphore_mem>>) src(%arg9 : memref<128x128xf32, #tpu.memory_space<vmem>>) dst(%dma_wait3A_240 : memref<10240x128xf32, #tpu.memory_space<vmem_shared>>)
      tpu.yield
    }) : () -> ()
    %run_scoped3A_182 = arith.constant 0 : i32
    %run_scoped3A_183 = arith.constant 1 : i32
    "tpu.region"() ({
      %run_scoped3A_228 = tpu.sem_alloc : memref<!tpu.dma_semaphore, #tpu.memory_space<semaphore_mem>>
      %dma_start3A_229 = arith.constant 0 : i32
      %dma_start3A_230 = arith.constant 0 : i32
      %dma_start3A_231 = tpu.memref_slice %arg3[%run_scoped3A_182, %arg0, %arg1, %run_scoped3A_183, %dma_start3A_229, %dma_start3A_230] : memref<2x2x16x2x40x128xi32, #tpu.memory_space<hbm>> -> memref<1x1x1x1x40x128xi32, #tpu.memory_space<hbm>>
      %dma_start3A_232 = tpu.memref_squeeze %dma_start3A_231 : memref<1x1x1x1x40x128xi32, #tpu.memory_space<hbm>> -> memref<40x128xi32, #tpu.memory_space<hbm>>
      %dma_start3A_233 = arith.constant 0 : i32
      %dma_start3A_234 = arith.constant 0 : i32
      %dma_start3A_235 = tpu.memref_slice %arg3[%run_scoped3A_182, %arg0, %arg1, %run_scoped3A_183, %dma_start3A_233, %dma_start3A_234] : memref<2x2x16x2x40x128xi32, #tpu.memory_space<hbm>> -> memref<1x1x1x1x40x128xi32, #tpu.memory_space<hbm>>
      %dma_start3A_236 = tpu.memref_squeeze %dma_start3A_235 : memref<1x1x1x1x40x128xi32, #tpu.memory_space<hbm>> -> memref<40x128xi32, #tpu.memory_space<hbm>>
      tpu.enqueue_dma source(%dma_start3A_236 : memref<40x128xi32, #tpu.memory_space<hbm>>) target(%arg6 : memref<40x128xi32, #tpu.memory_space<vmem>>) target_semaphore(%run_scoped3A_228 : memref<!tpu.dma_semaphore, #tpu.memory_space<semaphore_mem>>)
      %dma_wait3A_237 = arith.constant 0 : i32
      %dma_wait3A_238 = arith.constant 0 : i32
      %dma_wait3A_239 = tpu.memref_slice %arg3[%run_scoped3A_182, %arg0, %arg1, %run_scoped3A_183, %dma_wait3A_237, %dma_wait3A_238] : memref<2x2x16x2x40x128xi32, #tpu.memory_space<hbm>> -> memref<1x1x1x1x40x128xi32, #tpu.memory_space<hbm>>
      %dma_wait3A_240 = tpu.memref_squeeze %dma_wait3A_239 : memref<1x1x1x1x40x128xi32, #tpu.memory_space<hbm>> -> memref<40x128xi32, #tpu.memory_space<hbm>>
      %dma_wait3A_241 = arith.constant 0 : i32
      %dma_wait3A_242 = arith.constant 0 : i32
      %dma_wait3A_243 = tpu.memref_slice %arg3[%run_scoped3A_182, %arg0, %arg1, %run_scoped3A_183, %dma_wait3A_241, %dma_wait3A_242] : memref<2x2x16x2x40x128xi32, #tpu.memory_space<hbm>> -> memref<1x1x1x1x40x128xi32, #tpu.memory_space<hbm>>
      %dma_wait3A_244 = tpu.memref_squeeze %dma_wait3A_243 : memref<1x1x1x1x40x128xi32, #tpu.memory_space<hbm>> -> memref<40x128xi32, #tpu.memory_space<hbm>>
      tpu.wait_dma2 semaphore(%run_scoped3A_228 : memref<!tpu.dma_semaphore, #tpu.memory_space<semaphore_mem>>) src(%dma_wait3A_244 : memref<40x128xi32, #tpu.memory_space<hbm>>) dst(%arg6 : memref<40x128xi32, #tpu.memory_space<vmem>>)
      tpu.yield
    }) : () -> ()
    %run_scoped3A_184 = arith.constant 1 : i32
    %run_scoped3A_185 = arith.constant 1 : i32
    "tpu.region"() ({
      %run_scoped3A_228 = tpu.sem_alloc : memref<!tpu.dma_semaphore, #tpu.memory_space<semaphore_mem>>
      %dma_start3A_229 = arith.constant 0 : i32
      %dma_start3A_230 = arith.constant 0 : i32
      %dma_start3A_231 = tpu.memref_slice %arg3[%run_scoped3A_184, %arg0, %arg1, %run_scoped3A_185, %dma_start3A_229, %dma_start3A_230] : memref<2x2x16x2x40x128xi32, #tpu.memory_space<hbm>> -> memref<1x1x1x1x40x128xi32, #tpu.memory_space<hbm>>
      %dma_start3A_232 = tpu.memref_squeeze %dma_start3A_231 : memref<1x1x1x1x40x128xi32, #tpu.memory_space<hbm>> -> memref<40x128xi32, #tpu.memory_space<hbm>>
      %dma_start3A_233 = arith.constant 0 : i32
      %dma_start3A_234 = arith.constant 0 : i32
      %dma_start3A_235 = tpu.memref_slice %arg3[%run_scoped3A_184, %arg0, %arg1, %run_scoped3A_185, %dma_start3A_233, %dma_start3A_234] : memref<2x2x16x2x40x128xi32, #tpu.memory_space<hbm>> -> memref<1x1x1x1x40x128xi32, #tpu.memory_space<hbm>>
      %dma_start3A_236 = tpu.memref_squeeze %dma_start3A_235 : memref<1x1x1x1x40x128xi32, #tpu.memory_space<hbm>> -> memref<40x128xi32, #tpu.memory_space<hbm>>
      tpu.enqueue_dma source(%dma_start3A_236 : memref<40x128xi32, #tpu.memory_space<hbm>>) target(%arg7 : memref<40x128xi32, #tpu.memory_space<vmem>>) target_semaphore(%run_scoped3A_228 : memref<!tpu.dma_semaphore, #tpu.memory_space<semaphore_mem>>)
      %dma_wait3A_237 = arith.constant 0 : i32
      %dma_wait3A_238 = arith.constant 0 : i32
      %dma_wait3A_239 = tpu.memref_slice %arg3[%run_scoped3A_184, %arg0, %arg1, %run_scoped3A_185, %dma_wait3A_237, %dma_wait3A_238] : memref<2x2x16x2x40x128xi32, #tpu.memory_space<hbm>> -> memref<1x1x1x1x40x128xi32, #tpu.memory_space<hbm>>
      %dma_wait3A_240 = tpu.memref_squeeze %dma_wait3A_239 : memref<1x1x1x1x40x128xi32, #tpu.memory_space<hbm>> -> memref<40x128xi32, #tpu.memory_space<hbm>>
      %dma_wait3A_241 = arith.constant 0 : i32
      %dma_wait3A_242 = arith.constant 0 : i32
      %dma_wait3A_243 = tpu.memref_slice %arg3[%run_scoped3A_184, %arg0, %arg1, %run_scoped3A_185, %dma_wait3A_241, %dma_wait3A_242] : memref<2x2x16x2x40x128xi32, #tpu.memory_space<hbm>> -> memref<1x1x1x1x40x128xi32, #tpu.memory_space<hbm>>
      %dma_wait3A_244 = tpu.memref_squeeze %dma_wait3A_243 : memref<1x1x1x1x40x128xi32, #tpu.memory_space<hbm>> -> memref<40x128xi32, #tpu.memory_space<hbm>>
      tpu.wait_dma2 semaphore(%run_scoped3A_228 : memref<!tpu.dma_semaphore, #tpu.memory_space<semaphore_mem>>) src(%dma_wait3A_244 : memref<40x128xi32, #tpu.memory_space<hbm>>) dst(%arg7 : memref<40x128xi32, #tpu.memory_space<vmem>>)
      tpu.yield
    }) : () -> ()
    %dma_start3A_186 = arith.constant 0 : i32
    %dma_start3A_187 = arith.constant 0 : i32
    %dma_start3A_188 = tpu.memref_slice %arg6[%dma_start3A_186, %dma_start3A_187] : memref<40x128xi32, #tpu.memory_space<vmem>> -> memref<1x128xi32, #tpu.memory_space<vmem>>
    %dma_start3A_189 = tpu.memref_squeeze %dma_start3A_188 : memref<1x128xi32, #tpu.memory_space<vmem>> -> memref<128xi32, #tpu.memory_space<vmem>>
    %dma_start3A_190 = arith.constant 0 : i32
    %dma_start3A_191 = arith.constant 0 : i32
    %dma_start3A_192 = tpu.memref_slice %arg2[%dma_start3A_190, %dma_start3A_191] : memref<10240x128xf32, #tpu.memory_space<hbm>> -> memref<10240x128xf32, #tpu.memory_space<hbm>>
    tpu.enqueue_indirect_dma source(%dma_start3A_192 : memref<10240x128xf32, #tpu.memory_space<hbm>>) target(%arg8 : memref<128x128xf32, #tpu.memory_space<vmem>>) offsets(%dma_start3A_189 : memref<128xi32, #tpu.memory_space<vmem>>) semaphore(%arg10 : memref<!tpu.dma_semaphore, #tpu.memory_space<semaphore_mem>>)
    %dma_start3A_193 = arith.constant 1 : i32
    %dma_start3A_194 = arith.constant 0 : i32
    %dma_start3A_195 = tpu.memref_slice %arg6[%dma_start3A_193, %dma_start3A_194] : memref<40x128xi32, #tpu.memory_space<vmem>> -> memref<1x128xi32, #tpu.memory_space<vmem>>
    %dma_start3A_196 = tpu.memref_squeeze %dma_start3A_195 : memref<1x128xi32, #tpu.memory_space<vmem>> -> memref<128xi32, #tpu.memory_space<vmem>>
    %dma_start3A_197 = arith.constant 0 : i32
    %dma_start3A_198 = arith.constant 0 : i32
    %dma_start3A_199 = tpu.memref_slice %arg2[%dma_start3A_197, %dma_start3A_198] : memref<10240x128xf32, #tpu.memory_space<hbm>> -> memref<10240x128xf32, #tpu.memory_space<hbm>>
    tpu.enqueue_indirect_dma source(%dma_start3A_199 : memref<10240x128xf32, #tpu.memory_space<hbm>>) target(%arg9 : memref<128x128xf32, #tpu.memory_space<vmem>>) offsets(%dma_start3A_196 : memref<128xi32, #tpu.memory_space<vmem>>) semaphore(%arg11 : memref<!tpu.dma_semaphore, #tpu.memory_space<semaphore_mem>>)
    %scan3A_200 = arith.constant 0 : i32
    %scan3A_201 = arith.constant 0 : i32
    %scan3A_202 = arith.constant 19 : i32
    %scan3A_203 = arith.addi %scan3A_201, %scan3A_202 : i32
    %scan3A_204 = arith.constant 1 : i32
    %scan3A_205 = scf.for %scan3A_228 = %scan3A_201 to %scan3A_203 step %scan3A_204 iter_args(%scan3A_229 = %scan3A_200) -> (i32)  : i32 {
      %mul3A_230 = arith.constant 2 : i32
      %mul3A_231 = arith.muli %mul3A_230, %scan3A_228 : i32
      %dma_wait3A_232 = arith.constant 0 : i32
      %dma_wait3A_233 = tpu.memref_slice %arg6[%mul3A_231, %dma_wait3A_232] : memref<40x128xi32, #tpu.memory_space<vmem>> -> memref<1x128xi32, #tpu.memory_space<vmem>>
      %dma_wait3A_234 = tpu.memref_squeeze %dma_wait3A_233 : memref<1x128xi32, #tpu.memory_space<vmem>> -> memref<128xi32, #tpu.memory_space<vmem>>
      %dma_wait3A_235 = arith.constant 0 : i32
      %dma_wait3A_236 = arith.constant 0 : i32
      %dma_wait3A_237 = tpu.memref_slice %arg2[%dma_wait3A_235, %dma_wait3A_236] : memref<10240x128xf32, #tpu.memory_space<hbm>> -> memref<10240x128xf32, #tpu.memory_space<hbm>>
      tpu.wait_indirect_dma semaphore(%arg10 : memref<!tpu.dma_semaphore, #tpu.memory_space<semaphore_mem>>) src(%dma_wait3A_237 : memref<10240x128xf32, #tpu.memory_space<hbm>>) dst(%arg8 : memref<128x128xf32, #tpu.memory_space<vmem>>)
      "tpu.region"() ({
        %run_scoped3A_265 = tpu.sem_alloc : memref<!tpu.dma_semaphore, #tpu.memory_space<semaphore_mem>>
        %dma_start3A_266 = arith.constant 0 : i32
        %dma_start3A_267 = tpu.memref_slice %arg7[%mul3A_231, %dma_start3A_266] : memref<40x128xi32, #tpu.memory_space<vmem>> -> memref<1x128xi32, #tpu.memory_space<vmem>>
        %dma_start3A_268 = tpu.memref_squeeze %dma_start3A_267 : memref<1x128xi32, #tpu.memory_space<vmem>> -> memref<128xi32, #tpu.memory_space<vmem>>
        %dma_start3A_269 = arith.constant 0 : i32
        %dma_start3A_270 = arith.constant 0 : i32
        %dma_start3A_271 = tpu.memref_slice %arg5[%dma_start3A_269, %dma_start3A_270] : memref<10240x128xf32, #tpu.memory_space<vmem_shared>> -> memref<10240x128xf32, #tpu.memory_space<vmem_shared>>
        tpu.enqueue_indirect_dma source(%arg8 : memref<128x128xf32, #tpu.memory_space<vmem>>) target(%dma_start3A_271 : memref<10240x128xf32, #tpu.memory_space<vmem_shared>>) offsets(%dma_start3A_268 : memref<128xi32, #tpu.memory_space<vmem>>) semaphore(%run_scoped3A_265 : memref<!tpu.dma_semaphore, #tpu.memory_space<semaphore_mem>>) {add = true}
        %dma_wait3A_272 = arith.constant 0 : i32
        %dma_wait3A_273 = tpu.memref_slice %arg7[%mul3A_231, %dma_wait3A_272] : memref<40x128xi32, #tpu.memory_space<vmem>> -> memref<1x128xi32, #tpu.memory_space<vmem>>
        %dma_wait3A_274 = tpu.memref_squeeze %dma_wait3A_273 : memref<1x128xi32, #tpu.memory_space<vmem>> -> memref<128xi32, #tpu.memory_space<vmem>>
        %dma_wait3A_275 = arith.constant 0 : i32
        %dma_wait3A_276 = arith.constant 0 : i32
        %dma_wait3A_277 = tpu.memref_slice %arg5[%dma_wait3A_275, %dma_wait3A_276] : memref<10240x128xf32, #tpu.memory_space<vmem_shared>> -> memref<10240x128xf32, #tpu.memory_space<vmem_shared>>
        tpu.wait_indirect_dma semaphore(%run_scoped3A_265 : memref<!tpu.dma_semaphore, #tpu.memory_space<semaphore_mem>>) src(%arg8 : memref<128x128xf32, #tpu.memory_space<vmem>>) dst(%dma_wait3A_277 : memref<10240x128xf32, #tpu.memory_space<vmem_shared>>)
        tpu.yield
      }) : () -> ()
      %add3A_238 = arith.constant 2 : i32
      %add3A_239 = arith.addi %mul3A_231, %add3A_238 : i32
      %dma_start3A_240 = arith.constant 0 : i32
      %dma_start3A_241 = tpu.memref_slice %arg6[%add3A_239, %dma_start3A_240] : memref<40x128xi32, #tpu.memory_space<vmem>> -> memref<1x128xi32, #tpu.memory_space<vmem>>
      %dma_start3A_242 = tpu.memref_squeeze %dma_start3A_241 : memref<1x128xi32, #tpu.memory_space<vmem>> -> memref<128xi32, #tpu.memory_space<vmem>>
      %dma_start3A_243 = arith.constant 0 : i32
      %dma_start3A_244 = arith.constant 0 : i32
      %dma_start3A_245 = tpu.memref_slice %arg2[%dma_start3A_243, %dma_start3A_244] : memref<10240x128xf32, #tpu.memory_space<hbm>> -> memref<10240x128xf32, #tpu.memory_space<hbm>>
      tpu.enqueue_indirect_dma source(%dma_start3A_245 : memref<10240x128xf32, #tpu.memory_space<hbm>>) target(%arg8 : memref<128x128xf32, #tpu.memory_space<vmem>>) offsets(%dma_start3A_242 : memref<128xi32, #tpu.memory_space<vmem>>) semaphore(%arg10 : memref<!tpu.dma_semaphore, #tpu.memory_space<semaphore_mem>>)
      %add3A_246 = arith.constant 1 : i32
      %add3A_247 = arith.addi %mul3A_231, %add3A_246 : i32
      %dma_wait3A_248 = arith.constant 0 : i32
      %dma_wait3A_249 = tpu.memref_slice %arg6[%add3A_247, %dma_wait3A_248] : memref<40x128xi32, #tpu.memory_space<vmem>> -> memref<1x128xi32, #tpu.memory_space<vmem>>
      %dma_wait3A_250 = tpu.memref_squeeze %dma_wait3A_249 : memref<1x128xi32, #tpu.memory_space<vmem>> -> memref<128xi32, #tpu.memory_space<vmem>>
      %dma_wait3A_251 = arith.constant 0 : i32
      %dma_wait3A_252 = arith.constant 0 : i32
      %dma_wait3A_253 = tpu.memref_slice %arg2[%dma_wait3A_251, %dma_wait3A_252] : memref<10240x128xf32, #tpu.memory_space<hbm>> -> memref<10240x128xf32, #tpu.memory_space<hbm>>
      tpu.wait_indirect_dma semaphore(%arg11 : memref<!tpu.dma_semaphore, #tpu.memory_space<semaphore_mem>>) src(%dma_wait3A_253 : memref<10240x128xf32, #tpu.memory_space<hbm>>) dst(%arg9 : memref<128x128xf32, #tpu.memory_space<vmem>>)
      %add3A_254 = arith.constant 1 : i32
      %add3A_255 = arith.addi %mul3A_231, %add3A_254 : i32
      "tpu.region"() ({
        %run_scoped3A_265 = tpu.sem_alloc : memref<!tpu.dma_semaphore, #tpu.memory_space<semaphore_mem>>
        %dma_start3A_266 = arith.constant 0 : i32
        %dma_start3A_267 = tpu.memref_slice %arg7[%add3A_255, %dma_start3A_266] : memref<40x128xi32, #tpu.memory_space<vmem>> -> memref<1x128xi32, #tpu.memory_space<vmem>>
        %dma_start3A_268 = tpu.memref_squeeze %dma_start3A_267 : memref<1x128xi32, #tpu.memory_space<vmem>> -> memref<128xi32, #tpu.memory_space<vmem>>
        %dma_start3A_269 = arith.constant 0 : i32
        %dma_start3A_270 = arith.constant 0 : i32
        %dma_start3A_271 = tpu.memref_slice %arg5[%dma_start3A_269, %dma_start3A_270] : memref<10240x128xf32, #tpu.memory_space<vmem_shared>> -> memref<10240x128xf32, #tpu.memory_space<vmem_shared>>
        tpu.enqueue_indirect_dma source(%arg9 : memref<128x128xf32, #tpu.memory_space<vmem>>) target(%dma_start3A_271 : memref<10240x128xf32, #tpu.memory_space<vmem_shared>>) offsets(%dma_start3A_268 : memref<128xi32, #tpu.memory_space<vmem>>) semaphore(%run_scoped3A_265 : memref<!tpu.dma_semaphore, #tpu.memory_space<semaphore_mem>>) {add = true}
        %dma_wait3A_272 = arith.constant 0 : i32
        %dma_wait3A_273 = tpu.memref_slice %arg7[%add3A_255, %dma_wait3A_272] : memref<40x128xi32, #tpu.memory_space<vmem>> -> memref<1x128xi32, #tpu.memory_space<vmem>>
        %dma_wait3A_274 = tpu.memref_squeeze %dma_wait3A_273 : memref<1x128xi32, #tpu.memory_space<vmem>> -> memref<128xi32, #tpu.memory_space<vmem>>
        %dma_wait3A_275 = arith.constant 0 : i32
        %dma_wait3A_276 = arith.constant 0 : i32
        %dma_wait3A_277 = tpu.memref_slice %arg5[%dma_wait3A_275, %dma_wait3A_276] : memref<10240x128xf32, #tpu.memory_space<vmem_shared>> -> memref<10240x128xf32, #tpu.memory_space<vmem_shared>>
        tpu.wait_indirect_dma semaphore(%run_scoped3A_265 : memref<!tpu.dma_semaphore, #tpu.memory_space<semaphore_mem>>) src(%arg9 : memref<128x128xf32, #tpu.memory_space<vmem>>) dst(%dma_wait3A_277 : memref<10240x128xf32, #tpu.memory_space<vmem_shared>>)
        tpu.yield
      }) : () -> ()
      %add3A_256 = arith.constant 3 : i32
      %add3A_257 = arith.addi %mul3A_231, %add3A_256 : i32
      %dma_start3A_258 = arith.constant 0 : i32
      %dma_start3A_259 = tpu.memref_slice %arg6[%add3A_257, %dma_start3A_258] : memref<40x128xi32, #tpu.memory_space<vmem>> -> memref<1x128xi32, #tpu.memory_space<vmem>>
      %dma_start3A_260 = tpu.memref_squeeze %dma_start3A_259 : memref<1x128xi32, #tpu.memory_space<vmem>> -> memref<128xi32, #tpu.memory_space<vmem>>
      %dma_start3A_261 = arith.constant 0 : i32
      %dma_start3A_262 = arith.constant 0 : i32
      %dma_start3A_263 = tpu.memref_slice %arg2[%dma_start3A_261, %dma_start3A_262] : memref<10240x128xf32, #tpu.memory_space<hbm>> -> memref<10240x128xf32, #tpu.memory_space<hbm>>
      tpu.enqueue_indirect_dma source(%dma_start3A_263 : memref<10240x128xf32, #tpu.memory_space<hbm>>) target(%arg9 : memref<128x128xf32, #tpu.memory_space<vmem>>) offsets(%dma_start3A_260 : memref<128xi32, #tpu.memory_space<vmem>>) semaphore(%arg11 : memref<!tpu.dma_semaphore, #tpu.memory_space<semaphore_mem>>)
      %scan3A_264 = arith.constant 0 : i32
      scf.yield %scan3A_264 : i32
    }
    %scan3A_206 = arith.constant 19 : i32
    %dma_wait3A_207 = arith.constant 38 : i32
    %dma_wait3A_208 = arith.constant 0 : i32
    %dma_wait3A_209 = tpu.memref_slice %arg6[%dma_wait3A_207, %dma_wait3A_208] : memref<40x128xi32, #tpu.memory_space<vmem>> -> memref<1x128xi32, #tpu.memory_space<vmem>>
    %dma_wait3A_210 = tpu.memref_squeeze %dma_wait3A_209 : memref<1x128xi32, #tpu.memory_space<vmem>> -> memref<128xi32, #tpu.memory_space<vmem>>
    %dma_wait3A_211 = arith.constant 0 : i32
    %dma_wait3A_212 = arith.constant 0 : i32
    %dma_wait3A_213 = tpu.memref_slice %arg2[%dma_wait3A_211, %dma_wait3A_212] : memref<10240x128xf32, #tpu.memory_space<hbm>> -> memref<10240x128xf32, #tpu.memory_space<hbm>>
    tpu.wait_indirect_dma semaphore(%arg10 : memref<!tpu.dma_semaphore, #tpu.memory_space<semaphore_mem>>) src(%dma_wait3A_213 : memref<10240x128xf32, #tpu.memory_space<hbm>>) dst(%arg8 : memref<128x128xf32, #tpu.memory_space<vmem>>)
    %run_scoped3A_214 = arith.constant 38 : i32
    "tpu.region"() ({
      %run_scoped3A_228 = tpu.sem_alloc : memref<!tpu.dma_semaphore, #tpu.memory_space<semaphore_mem>>
      %dma_start3A_229 = arith.constant 0 : i32
      %dma_start3A_230 = tpu.memref_slice %arg7[%run_scoped3A_214, %dma_start3A_229] : memref<40x128xi32, #tpu.memory_space<vmem>> -> memref<1x128xi32, #tpu.memory_space<vmem>>
      %dma_start3A_231 = tpu.memref_squeeze %dma_start3A_230 : memref<1x128xi32, #tpu.memory_space<vmem>> -> memref<128xi32, #tpu.memory_space<vmem>>
      %dma_start3A_232 = arith.constant 0 : i32
      %dma_start3A_233 = arith.constant 0 : i32
      %dma_start3A_234 = tpu.memref_slice %arg5[%dma_start3A_232, %dma_start3A_233] : memref<10240x128xf32, #tpu.memory_space<vmem_shared>> -> memref<10240x128xf32, #tpu.memory_space<vmem_shared>>
      tpu.enqueue_indirect_dma source(%arg8 : memref<128x128xf32, #tpu.memory_space<vmem>>) target(%dma_start3A_234 : memref<10240x128xf32, #tpu.memory_space<vmem_shared>>) offsets(%dma_start3A_231 : memref<128xi32, #tpu.memory_space<vmem>>) semaphore(%run_scoped3A_228 : memref<!tpu.dma_semaphore, #tpu.memory_space<semaphore_mem>>) {add = true}
      %dma_wait3A_235 = arith.constant 0 : i32
      %dma_wait3A_236 = tpu.memref_slice %arg7[%run_scoped3A_214, %dma_wait3A_235] : memref<40x128xi32, #tpu.memory_space<vmem>> -> memref<1x128xi32, #tpu.memory_space<vmem>>
      %dma_wait3A_237 = tpu.memref_squeeze %dma_wait3A_236 : memref<1x128xi32, #tpu.memory_space<vmem>> -> memref<128xi32, #tpu.memory_space<vmem>>
      %dma_wait3A_238 = arith.constant 0 : i32
      %dma_wait3A_239 = arith.constant 0 : i32
      %dma_wait3A_240 = tpu.memref_slice %arg5[%dma_wait3A_238, %dma_wait3A_239] : memref<10240x128xf32, #tpu.memory_space<vmem_shared>> -> memref<10240x128xf32, #tpu.memory_space<vmem_shared>>
      tpu.wait_indirect_dma semaphore(%run_scoped3A_228 : memref<!tpu.dma_semaphore, #tpu.memory_space<semaphore_mem>>) src(%arg8 : memref<128x128xf32, #tpu.memory_space<vmem>>) dst(%dma_wait3A_240 : memref<10240x128xf32, #tpu.memory_space<vmem_shared>>)
      tpu.yield
    }) : () -> ()
    %dma_wait3A_215 = arith.constant 39 : i32
    %dma_wait3A_216 = arith.constant 0 : i32
    %dma_wait3A_217 = tpu.memref_slice %arg6[%dma_wait3A_215, %dma_wait3A_216] : memref<40x128xi32, #tpu.memory_space<vmem>> -> memref<1x128xi32, #tpu.memory_space<vmem>>
    %dma_wait3A_218 = tpu.memref_squeeze %dma_wait3A_217 : memref<1x128xi32, #tpu.memory_space<vmem>> -> memref<128xi32, #tpu.memory_space<vmem>>
    %dma_wait3A_219 = arith.constant 0 : i32
    %dma_wait3A_220 = arith.constant 0 : i32
    %dma_wait3A_221 = tpu.memref_slice %arg2[%dma_wait3A_219, %dma_wait3A_220] : memref<10240x128xf32, #tpu.memory_space<hbm>> -> memref<10240x128xf32, #tpu.memory_space<hbm>>
    tpu.wait_indirect_dma semaphore(%arg11 : memref<!tpu.dma_semaphore, #tpu.memory_space<semaphore_mem>>) src(%dma_wait3A_221 : memref<10240x128xf32, #tpu.memory_space<hbm>>) dst(%arg9 : memref<128x128xf32, #tpu.memory_space<vmem>>)
    %run_scoped3A_222 = arith.constant 39 : i32
    "tpu.region"() ({
      %run_scoped3A_228 = tpu.sem_alloc : memref<!tpu.dma_semaphore, #tpu.memory_space<semaphore_mem>>
      %dma_start3A_229 = arith.constant 0 : i32
      %dma_start3A_230 = tpu.memref_slice %arg7[%run_scoped3A_222, %dma_start3A_229] : memref<40x128xi32, #tpu.memory_space<vmem>> -> memref<1x128xi32, #tpu.memory_space<vmem>>
      %dma_start3A_231 = tpu.memref_squeeze %dma_start3A_230 : memref<1x128xi32, #tpu.memory_space<vmem>> -> memref<128xi32, #tpu.memory_space<vmem>>
      %dma_start3A_232 = arith.constant 0 : i32
      %dma_start3A_233 = arith.constant 0 : i32
      %dma_start3A_234 = tpu.memref_slice %arg5[%dma_start3A_232, %dma_start3A_233] : memref<10240x128xf32, #tpu.memory_space<vmem_shared>> -> memref<10240x128xf32, #tpu.memory_space<vmem_shared>>
      tpu.enqueue_indirect_dma source(%arg9 : memref<128x128xf32, #tpu.memory_space<vmem>>) target(%dma_start3A_234 : memref<10240x128xf32, #tpu.memory_space<vmem_shared>>) offsets(%dma_start3A_231 : memref<128xi32, #tpu.memory_space<vmem>>) semaphore(%run_scoped3A_228 : memref<!tpu.dma_semaphore, #tpu.memory_space<semaphore_mem>>) {add = true}
      %dma_wait3A_235 = arith.constant 0 : i32
      %dma_wait3A_236 = tpu.memref_slice %arg7[%run_scoped3A_222, %dma_wait3A_235] : memref<40x128xi32, #tpu.memory_space<vmem>> -> memref<1x128xi32, #tpu.memory_space<vmem>>
      %dma_wait3A_237 = tpu.memref_squeeze %dma_wait3A_236 : memref<1x128xi32, #tpu.memory_space<vmem>> -> memref<128xi32, #tpu.memory_space<vmem>>
      %dma_wait3A_238 = arith.constant 0 : i32
      %dma_wait3A_239 = arith.constant 0 : i32
      %dma_wait3A_240 = tpu.memref_slice %arg5[%dma_wait3A_238, %dma_wait3A_239] : memref<10240x128xf32, #tpu.memory_space<vmem_shared>> -> memref<10240x128xf32, #tpu.memory_space<vmem_shared>>
      tpu.wait_indirect_dma semaphore(%run_scoped3A_228 : memref<!tpu.dma_semaphore, #tpu.memory_space<semaphore_mem>>) src(%arg9 : memref<128x128xf32, #tpu.memory_space<vmem>>) dst(%dma_wait3A_240 : memref<10240x128xf32, #tpu.memory_space<vmem_shared>>)
      tpu.yield
    }) : () -> ()
    %barrier3A_223 = arith.constant 0 : index
    tpu.barrier barrier_id(%barrier3A_223)
    %mul3A_224 = arith.constant 640 : i32
    %mul3A_225 = arith.muli %arg1, %mul3A_224 : i32
    %mul3A_226 = arith.constant 640 : i32
    %mul3A_227 = arith.muli %arg1, %mul3A_226 : i32
    "tpu.region"() ({
      %run_scoped3A_228 = tpu.sem_alloc : memref<!tpu.dma_semaphore, #tpu.memory_space<semaphore_mem>>
      %dma_start3A_229 = arith.constant 0 : i32
      %dma_start3A_230 = tpu.memref_slice %arg4[%arg0, %mul3A_227, %dma_start3A_229] : memref<2x10240x128xf32, #tpu.memory_space<hbm>> -> memref<1x640x128xf32, #tpu.memory_space<hbm>>
      %dma_start3A_231 = tpu.memref_squeeze %dma_start3A_230 : memref<1x640x128xf32, #tpu.memory_space<hbm>> -> memref<640x128xf32, #tpu.memory_space<hbm>>
      %dma_start3A_232 = arith.constant 0 : i32
      %dma_start3A_233 = tpu.memref_slice %arg5[%mul3A_225, %dma_start3A_232] : memref<10240x128xf32, #tpu.memory_space<vmem_shared>> -> memref<640x128xf32, #tpu.memory_space<vmem_shared>>
      tpu.enqueue_dma source(%dma_start3A_233 : memref<640x128xf32, #tpu.memory_space<vmem_shared>>) target(%dma_start3A_231 : memref<640x128xf32, #tpu.memory_space<hbm>>) target_semaphore(%run_scoped3A_228 : memref<!tpu.dma_semaphore, #tpu.memory_space<semaphore_mem>>)
      %dma_wait3A_234 = arith.constant 0 : i32
      %dma_wait3A_235 = tpu.memref_slice %arg4[%arg0, %mul3A_227, %dma_wait3A_234] : memref<2x10240x128xf32, #tpu.memory_space<hbm>> -> memref<1x640x128xf32, #tpu.memory_space<hbm>>
      %dma_wait3A_236 = tpu.memref_squeeze %dma_wait3A_235 : memref<1x640x128xf32, #tpu.memory_space<hbm>> -> memref<640x128xf32, #tpu.memory_space<hbm>>
      %dma_wait3A_237 = arith.constant 0 : i32
      %dma_wait3A_238 = tpu.memref_slice %arg5[%mul3A_225, %dma_wait3A_237] : memref<10240x128xf32, #tpu.memory_space<vmem_shared>> -> memref<640x128xf32, #tpu.memory_space<vmem_shared>>
      tpu.wait_dma2 semaphore(%run_scoped3A_228 : memref<!tpu.dma_semaphore, #tpu.memory_space<semaphore_mem>>) src(%dma_wait3A_238 : memref<640x128xf32, #tpu.memory_space<vmem_shared>>) dst(%dma_wait3A_236 : memref<640x128xf32, #tpu.memory_space<hbm>>)
      tpu.yield
    }) : () -> ()
    return
  }
}

#map = affine_map<(d0, d1) -> (0, 0)>
#map1 = affine_map<(d0, d1) -> (0, 0, 0, 0, 0, 0)>
#map2 = affine_map<(d0, d1) -> (0, 0, 0)>
module attributes {stable_mosaic.version = 14 : i64} {
  func.func @sc_agg(%arg0: i32, %arg1: i32, %arg2: memref<10240x128xf32, #tpu.memory_space<hbm>>, %arg3: memref<2x2x16x2x40x128xi32, #tpu.memory_space<hbm>>, %arg4: memref<2x10240x128xf32, #tpu.memory_space<hbm>>, %arg5: memref<10240x128xf32, #tpu.memory_space<vmem_shared>>, %arg6: memref<40x128xi32, #tpu.memory_space<vmem>>, %arg7: memref<40x128xi32, #tpu.memory_space<vmem>>, %arg8: memref<128x128xf32, #tpu.memory_space<vmem>>, %arg9: memref<128x128xf32, #tpu.memory_space<vmem>>, %arg10: memref<!tpu.dma_semaphore, #tpu.memory_space<semaphore_mem>>, %arg11: memref<!tpu.dma_semaphore, #tpu.memory_space<semaphore_mem>>) attributes {dimension_semantics = [#tpu.dimension_semantics<core_parallel>, #tpu.dimension_semantics<subcore_parallel>], iteration_bounds = array<i64: 2, 16>, scalar_prefetch = 0 : i64, scratch_operands = 7 : i64, tpu.core_type = #tpu.core_type<sc_vector_subcore>, window_params = [{transform_indices = #map}, {transform_indices = #map1}, {transform_indices = #map2}]} {
    %scan3A = arith.constant 0 : i32
    %scan3A_0 = arith.constant 0 : i32
    %scan3A_1 = arith.constant 128 : i32
    %scan3A_2 = arith.addi %scan3A_0, %scan3A_1 : i32
    %scan3A_3 = arith.constant 1 : i32
    %scan3A_4 = scf.for %scan3A_228 = %scan3A_0 to %scan3A_2 step %scan3A_3 iter_args(%scan3A_229 = %scan3A) -> (i32)  : i32 {
      %broadcast_in_dim3A = arith.constant 0.000000e+00 : f32
      %broadcast_in_dim3A_230 = vector.broadcast %broadcast_in_dim3A : f32 to vector<16xf32>
      %swap3A = arith.index_cast %scan3A_228 : i32 to index
      %swap3A_231 = arith.constant 0 : index
      %swap3A_232 = tpu.vector_load %arg8[%swap3A, %swap3A_231] {strides = array<i32>} : memref<128x128xf32, #tpu.memory_space<vmem>>, vector<1x16xf32>,
      %swap3A_233 = vector.shape_cast %swap3A_232 : vector<1x16xf32> to vector<16xf32>
      %swap3A_234 = vector.shape_cast %broadcast_in_dim3A_230 : vector<16xf32> to vector<1x16xf32>
      tpu.vector_store %arg8[%swap3A, %swap3A_231], %swap3A_234 {strides = array<i32>} : memref<128x128xf32, #tpu.memory_space<vmem>>, vector<1x16xf32>,
      %broadcast_in_dim3A_235 = arith.constant 0.000000e+00 : f32
      %broadcast_in_dim3A_236 = vector.broadcast %broadcast_in_dim3A_235 : f32 to vector<16xf32>
      %swap3A_237 = arith.index_cast %scan3A_228 : i32 to index
      %swap3A_238 = arith.constant 16 : index
      %swap3A_239 = tpu.vector_load %arg8[%swap3A_237, %swap3A_238] {strides = array<i32>} : memref<128x128xf32, #tpu.memory_space<vmem>>, vector<1x16xf32>,
      %swap3A_240 = vector.shape_cast %swap3A_239 : vector<1x16xf32> to vector<16xf32>
      %swap3A_241 = vector.shape_cast %broadcast_in_dim3A_236 : vector<16xf32> to vector<1x16xf32>
      tpu.vector_store %arg8[%swap3A_237, %swap3A_238], %swap3A_241 {strides = array<i32>} : memref<128x128xf32, #tpu.memory_space<vmem>>, vector<1x16xf32>,
      %broadcast_in_dim3A_242 = arith.constant 0.000000e+00 : f32
      %broadcast_in_dim3A_243 = vector.broadcast %broadcast_in_dim3A_242 : f32 to vector<16xf32>
      %swap3A_244 = arith.index_cast %scan3A_228 : i32 to index
      %swap3A_245 = arith.constant 32 : index
      %swap3A_246 = tpu.vector_load %arg8[%swap3A_244, %swap3A_245] {strides = array<i32>} : memref<128x128xf32, #tpu.memory_space<vmem>>, vector<1x16xf32>,
      %swap3A_247 = vector.shape_cast %swap3A_246 : vector<1x16xf32> to vector<16xf32>
      %swap3A_248 = vector.shape_cast %broadcast_in_dim3A_243 : vector<16xf32> to vector<1x16xf32>
      tpu.vector_store %arg8[%swap3A_244, %swap3A_245], %swap3A_248 {strides = array<i32>} : memref<128x128xf32, #tpu.memory_space<vmem>>, vector<1x16xf32>,
      %broadcast_in_dim3A_249 = arith.constant 0.000000e+00 : f32
      %broadcast_in_dim3A_250 = vector.broadcast %broadcast_in_dim3A_249 : f32 to vector<16xf32>
      %swap3A_251 = arith.index_cast %scan3A_228 : i32 to index
      %swap3A_252 = arith.constant 48 : index
      %swap3A_253 = tpu.vector_load %arg8[%swap3A_251, %swap3A_252] {strides = array<i32>} : memref<128x128xf32, #tpu.memory_space<vmem>>, vector<1x16xf32>,
      %swap3A_254 = vector.shape_cast %swap3A_253 : vector<1x16xf32> to vector<16xf32>
      %swap3A_255 = vector.shape_cast %broadcast_in_dim3A_250 : vector<16xf32> to vector<1x16xf32>
      tpu.vector_store %arg8[%swap3A_251, %swap3A_252], %swap3A_255 {strides = array<i32>} : memref<128x128xf32, #tpu.memory_space<vmem>>, vector<1x16xf32>,
      %broadcast_in_dim3A_256 = arith.constant 0.000000e+00 : f32
      %broadcast_in_dim3A_257 = vector.broadcast %broadcast_in_dim3A_256 : f32 to vector<16xf32>
      %swap3A_258 = arith.index_cast %scan3A_228 : i32 to index
      %swap3A_259 = arith.constant 64 : index
      %swap3A_260 = tpu.vector_load %arg8[%swap3A_258, %swap3A_259] {strides = array<i32>} : memref<128x128xf32, #tpu.memory_space<vmem>>, vector<1x16xf32>,
      %swap3A_261 = vector.shape_cast %swap3A_260 : vector<1x16xf32> to vector<16xf32>
      %swap3A_262 = vector.shape_cast %broadcast_in_dim3A_257 : vector<16xf32> to vector<1x16xf32>
      tpu.vector_store %arg8[%swap3A_258, %swap3A_259], %swap3A_262 {strides = array<i32>} : memref<128x128xf32, #tpu.memory_space<vmem>>, vector<1x16xf32>,
      %broadcast_in_dim3A_263 = arith.constant 0.000000e+00 : f32
      %broadcast_in_dim3A_264 = vector.broadcast %broadcast_in_dim3A_263 : f32 to vector<16xf32>
      %swap3A_265 = arith.index_cast %scan3A_228 : i32 to index
      %swap3A_266 = arith.constant 80 : index
      %swap3A_267 = tpu.vector_load %arg8[%swap3A_265, %swap3A_266] {strides = array<i32>} : memref<128x128xf32, #tpu.memory_space<vmem>>, vector<1x16xf32>,
      %swap3A_268 = vector.shape_cast %swap3A_267 : vector<1x16xf32> to vector<16xf32>
      %swap3A_269 = vector.shape_cast %broadcast_in_dim3A_264 : vector<16xf32> to vector<1x16xf32>
      tpu.vector_store %arg8[%swap3A_265, %swap3A_266], %swap3A_269 {strides = array<i32>} : memref<128x128xf32, #tpu.memory_space<vmem>>, vector<1x16xf32>,
      %broadcast_in_dim3A_270 = arith.constant 0.000000e+00 : f32
      %broadcast_in_dim3A_271 = vector.broadcast %broadcast_in_dim3A_270 : f32 to vector<16xf32>
      %swap3A_272 = arith.index_cast %scan3A_228 : i32 to index
      %swap3A_273 = arith.constant 96 : index
      %swap3A_274 = tpu.vector_load %arg8[%swap3A_272, %swap3A_273] {strides = array<i32>} : memref<128x128xf32, #tpu.memory_space<vmem>>, vector<1x16xf32>,
      %swap3A_275 = vector.shape_cast %swap3A_274 : vector<1x16xf32> to vector<16xf32>
      %swap3A_276 = vector.shape_cast %broadcast_in_dim3A_271 : vector<16xf32> to vector<1x16xf32>
      tpu.vector_store %arg8[%swap3A_272, %swap3A_273], %swap3A_276 {strides = array<i32>} : memref<128x128xf32, #tpu.memory_space<vmem>>, vector<1x16xf32>,
      %broadcast_in_dim3A_277 = arith.constant 0.000000e+00 : f32
      %broadcast_in_dim3A_278 = vector.broadcast %broadcast_in_dim3A_277 : f32 to vector<16xf32>
      %swap3A_279 = arith.index_cast %scan3A_228 : i32 to index
      %swap3A_280 = arith.constant 112 : index
      %swap3A_281 = tpu.vector_load %arg8[%swap3A_279, %swap3A_280] {strides = array<i32>} : memref<128x128xf32, #tpu.memory_space<vmem>>, vector<1x16xf32>,
      %swap3A_282 = vector.shape_cast %swap3A_281 : vector<1x16xf32> to vector<16xf32>
      %swap3A_283 = vector.shape_cast %broadcast_in_dim3A_278 : vector<16xf32> to vector<1x16xf32>
      tpu.vector_store %arg8[%swap3A_279, %swap3A_280], %swap3A_283 {strides = array<i32>} : memref<128x128xf32, #tpu.memory_space<vmem>>, vector<1x16xf32>,
      %scan3A_284 = arith.constant 0 : i32
      scf.yield %scan3A_284 : i32
    }
    %scan3A_5 = arith.constant 128 : i32
    %mul3A = arith.constant 640 : i32
    %mul3A_6 = arith.muli %arg1, %mul3A : i32
    %add3A = arith.constant 0 : i32
    %add3A_7 = arith.addi %mul3A_6, %add3A : i32
    %dma_start3A = arith.constant 0 : i32
    %dma_start3A_8 = arith.constant 0 : i32
    %dma_start3A_9 = tpu.memref_slice %arg8[%dma_start3A, %dma_start3A_8] : memref<128x128xf32, #tpu.memory_space<vmem>> -> memref<128x128xf32, #tpu.memory_space<vmem>>
    %dma_start3A_10 = arith.constant 0 : i32
    %dma_start3A_11 = tpu.memref_slice %arg5[%add3A_7, %dma_start3A_10] : memref<10240x128xf32, #tpu.memory_space<vmem_shared>> -> memref<128x128xf32, #tpu.memory_space<vmem_shared>>
    %dma_start3A_12 = arith.constant 0 : i32
    %dma_start3A_13 = tpu.memref_slice %arg5[%add3A_7, %dma_start3A_12] : memref<10240x128xf32, #tpu.memory_space<vmem_shared>> -> memref<128x128xf32, #tpu.memory_space<vmem_shared>>
    %dma_start3A_14 = arith.constant 0 : i32
    %dma_start3A_15 = arith.constant 0 : i32
    %dma_start3A_16 = tpu.memref_slice %arg8[%dma_start3A_14, %dma_start3A_15] : memref<128x128xf32, #tpu.memory_space<vmem>> -> memref<128x128xf32, #tpu.memory_space<vmem>>
    tpu.enqueue_dma source(%dma_start3A_16 : memref<128x128xf32, #tpu.memory_space<vmem>>) target(%dma_start3A_13 : memref<128x128xf32, #tpu.memory_space<vmem_shared>>) target_semaphore(%arg11 : memref<!tpu.dma_semaphore, #tpu.memory_space<semaphore_mem>>)
    %mul3A_17 = arith.constant 640 : i32
    %mul3A_18 = arith.muli %arg1, %mul3A_17 : i32
    %add3A_19 = arith.constant 128 : i32
    %add3A_20 = arith.addi %mul3A_18, %add3A_19 : i32
    %dma_start3A_21 = arith.constant 0 : i32
    %dma_start3A_22 = arith.constant 0 : i32
    %dma_start3A_23 = tpu.memref_slice %arg8[%dma_start3A_21, %dma_start3A_22] : memref<128x128xf32, #tpu.memory_space<vmem>> -> memref<128x128xf32, #tpu.memory_space<vmem>>
    %dma_start3A_24 = arith.constant 0 : i32
    %dma_start3A_25 = tpu.memref_slice %arg5[%add3A_20, %dma_start3A_24] : memref<10240x128xf32, #tpu.memory_space<vmem_shared>> -> memref<128x128xf32, #tpu.memory_space<vmem_shared>>
    %dma_start3A_26 = arith.constant 0 : i32
    %dma_start3A_27 = tpu.memref_slice %arg5[%add3A_20, %dma_start3A_26] : memref<10240x128xf32, #tpu.memory_space<vmem_shared>> -> memref<128x128xf32, #tpu.memory_space<vmem_shared>>
    %dma_start3A_28 = arith.constant 0 : i32
    %dma_start3A_29 = arith.constant 0 : i32
    %dma_start3A_30 = tpu.memref_slice %arg8[%dma_start3A_28, %dma_start3A_29] : memref<128x128xf32, #tpu.memory_space<vmem>> -> memref<128x128xf32, #tpu.memory_space<vmem>>
    tpu.enqueue_dma source(%dma_start3A_30 : memref<128x128xf32, #tpu.memory_space<vmem>>) target(%dma_start3A_27 : memref<128x128xf32, #tpu.memory_space<vmem_shared>>) target_semaphore(%arg11 : memref<!tpu.dma_semaphore, #tpu.memory_space<semaphore_mem>>)
    %mul3A_31 = arith.constant 640 : i32
    %mul3A_32 = arith.muli %arg1, %mul3A_31 : i32
    %add3A_33 = arith.constant 256 : i32
    %add3A_34 = arith.addi %mul3A_32, %add3A_33 : i32
    %dma_start3A_35 = arith.constant 0 : i32
    %dma_start3A_36 = arith.constant 0 : i32
    %dma_start3A_37 = tpu.memref_slice %arg8[%dma_start3A_35, %dma_start3A_36] : memref<128x128xf32, #tpu.memory_space<vmem>> -> memref<128x128xf32, #tpu.memory_space<vmem>>
    %dma_start3A_38 = arith.constant 0 : i32
    %dma_start3A_39 = tpu.memref_slice %arg5[%add3A_34, %dma_start3A_38] : memref<10240x128xf32, #tpu.memory_space<vmem_shared>> -> memref<128x128xf32, #tpu.memory_space<vmem_shared>>
    %dma_start3A_40 = arith.constant 0 : i32
    %dma_start3A_41 = tpu.memref_slice %arg5[%add3A_34, %dma_start3A_40] : memref<10240x128xf32, #tpu.memory_space<vmem_shared>> -> memref<128x128xf32, #tpu.memory_space<vmem_shared>>
    %dma_start3A_42 = arith.constant 0 : i32
    %dma_start3A_43 = arith.constant 0 : i32
    %dma_start3A_44 = tpu.memref_slice %arg8[%dma_start3A_42, %dma_start3A_43] : memref<128x128xf32, #tpu.memory_space<vmem>> -> memref<128x128xf32, #tpu.memory_space<vmem>>
    tpu.enqueue_dma source(%dma_start3A_44 : memref<128x128xf32, #tpu.memory_space<vmem>>) target(%dma_start3A_41 : memref<128x128xf32, #tpu.memory_space<vmem_shared>>) target_semaphore(%arg11 : memref<!tpu.dma_semaphore, #tpu.memory_space<semaphore_mem>>)
    %mul3A_45 = arith.constant 640 : i32
    %mul3A_46 = arith.muli %arg1, %mul3A_45 : i32
    %add3A_47 = arith.constant 384 : i32
    %add3A_48 = arith.addi %mul3A_46, %add3A_47 : i32
    %dma_start3A_49 = arith.constant 0 : i32
    %dma_start3A_50 = arith.constant 0 : i32
    %dma_start3A_51 = tpu.memref_slice %arg8[%dma_start3A_49, %dma_start3A_50] : memref<128x128xf32, #tpu.memory_space<vmem>> -> memref<128x128xf32, #tpu.memory_space<vmem>>
    %dma_start3A_52 = arith.constant 0 : i32
    %dma_start3A_53 = tpu.memref_slice %arg5[%add3A_48, %dma_start3A_52] : memref<10240x128xf32, #tpu.memory_space<vmem_shared>> -> memref<128x128xf32, #tpu.memory_space<vmem_shared>>
    %dma_start3A_54 = arith.constant 0 : i32
    %dma_start3A_55 = tpu.memref_slice %arg5[%add3A_48, %dma_start3A_54] : memref<10240x128xf32, #tpu.memory_space<vmem_shared>> -> memref<128x128xf32, #tpu.memory_space<vmem_shared>>
    %dma_start3A_56 = arith.constant 0 : i32
    %dma_start3A_57 = arith.constant 0 : i32
    %dma_start3A_58 = tpu.memref_slice %arg8[%dma_start3A_56, %dma_start3A_57] : memref<128x128xf32, #tpu.memory_space<vmem>> -> memref<128x128xf32, #tpu.memory_space<vmem>>
    tpu.enqueue_dma source(%dma_start3A_58 : memref<128x128xf32, #tpu.memory_space<vmem>>) target(%dma_start3A_55 : memref<128x128xf32, #tpu.memory_space<vmem_shared>>) target_semaphore(%arg11 : memref<!tpu.dma_semaphore, #tpu.memory_space<semaphore_mem>>)
    %mul3A_59 = arith.constant 640 : i32
    %mul3A_60 = arith.muli %arg1, %mul3A_59 : i32
    %add3A_61 = arith.constant 512 : i32
    %add3A_62 = arith.addi %mul3A_60, %add3A_61 : i32
    %dma_start3A_63 = arith.constant 0 : i32
    %dma_start3A_64 = arith.constant 0 : i32
    %dma_start3A_65 = tpu.memref_slice %arg8[%dma_start3A_63, %dma_start3A_64] : memref<128x128xf32, #tpu.memory_space<vmem>> -> memref<128x128xf32, #tpu.memory_space<vmem>>
    %dma_start3A_66 = arith.constant 0 : i32
    %dma_start3A_67 = tpu.memref_slice %arg5[%add3A_62, %dma_start3A_66] : memref<10240x128xf32, #tpu.memory_space<vmem_shared>> -> memref<128x128xf32, #tpu.memory_space<vmem_shared>>
    %dma_start3A_68 = arith.constant 0 : i32
    %dma_start3A_69 = tpu.memref_slice %arg5[%add3A_62, %dma_start3A_68] : memref<10240x128xf32, #tpu.memory_space<vmem_shared>> -> memref<128x128xf32, #tpu.memory_space<vmem_shared>>
    %dma_start3A_70 = arith.constant 0 : i32
    %dma_start3A_71 = arith.constant 0 : i32
    %dma_start3A_72 = tpu.memref_slice %arg8[%dma_start3A_70, %dma_start3A_71] : memref<128x128xf32, #tpu.memory_space<vmem>> -> memref<128x128xf32, #tpu.memory_space<vmem>>
    tpu.enqueue_dma source(%dma_start3A_72 : memref<128x128xf32, #tpu.memory_space<vmem>>) target(%dma_start3A_69 : memref<128x128xf32, #tpu.memory_space<vmem_shared>>) target_semaphore(%arg11 : memref<!tpu.dma_semaphore, #tpu.memory_space<semaphore_mem>>)
    %run_scoped3A = arith.constant 0 : i32
    %run_scoped3A_73 = arith.constant 0 : i32
    "tpu.region"() ({
      %run_scoped3A_228 = tpu.sem_alloc : memref<!tpu.dma_semaphore, #tpu.memory_space<semaphore_mem>>
      %dma_start3A_229 = arith.constant 0 : i32
      %dma_start3A_230 = arith.constant 0 : i32
      %dma_start3A_231 = tpu.memref_slice %arg3[%run_scoped3A, %arg0, %arg1, %run_scoped3A_73, %dma_start3A_229, %dma_start3A_230] : memref<2x2x16x2x40x128xi32, #tpu.memory_space<hbm>> -> memref<1x1x1x1x40x128xi32, #tpu.memory_space<hbm>>
      %dma_start3A_232 = tpu.memref_squeeze %dma_start3A_231 : memref<1x1x1x1x40x128xi32, #tpu.memory_space<hbm>> -> memref<40x128xi32, #tpu.memory_space<hbm>>
      %dma_start3A_233 = arith.constant 0 : i32
      %dma_start3A_234 = arith.constant 0 : i32
      %dma_start3A_235 = tpu.memref_slice %arg3[%run_scoped3A, %arg0, %arg1, %run_scoped3A_73, %dma_start3A_233, %dma_start3A_234] : memref<2x2x16x2x40x128xi32, #tpu.memory_space<hbm>> -> memref<1x1x1x1x40x128xi32, #tpu.memory_space<hbm>>
      %dma_start3A_236 = tpu.memref_squeeze %dma_start3A_235 : memref<1x1x1x1x40x128xi32, #tpu.memory_space<hbm>> -> memref<40x128xi32, #tpu.memory_space<hbm>>
      tpu.enqueue_dma source(%dma_start3A_236 : memref<40x128xi32, #tpu.memory_space<hbm>>) target(%arg6 : memref<40x128xi32, #tpu.memory_space<vmem>>) target_semaphore(%run_scoped3A_228 : memref<!tpu.dma_semaphore, #tpu.memory_space<semaphore_mem>>)
      %dma_wait3A_237 = arith.constant 0 : i32
      %dma_wait3A_238 = arith.constant 0 : i32
      %dma_wait3A_239 = tpu.memref_slice %arg3[%run_scoped3A, %arg0, %arg1, %run_scoped3A_73, %dma_wait3A_237, %dma_wait3A_238] : memref<2x2x16x2x40x128xi32, #tpu.memory_space<hbm>> -> memref<1x1x1x1x40x128xi32, #tpu.memory_space<hbm>>
      %dma_wait3A_240 = tpu.memref_squeeze %dma_wait3A_239 : memref<1x1x1x1x40x128xi32, #tpu.memory_space<hbm>> -> memref<40x128xi32, #tpu.memory_space<hbm>>
      %dma_wait3A_241 = arith.constant 0 : i32
      %dma_wait3A_242 = arith.constant 0 : i32
      %dma_wait3A_243 = tpu.memref_slice %arg3[%run_scoped3A, %arg0, %arg1, %run_scoped3A_73, %dma_wait3A_241, %dma_wait3A_242] : memref<2x2x16x2x40x128xi32, #tpu.memory_space<hbm>> -> memref<1x1x1x1x40x128xi32, #tpu.memory_space<hbm>>
      %dma_wait3A_244 = tpu.memref_squeeze %dma_wait3A_243 : memref<1x1x1x1x40x128xi32, #tpu.memory_space<hbm>> -> memref<40x128xi32, #tpu.memory_space<hbm>>
      tpu.wait_dma2 semaphore(%run_scoped3A_228 : memref<!tpu.dma_semaphore, #tpu.memory_space<semaphore_mem>>) src(%dma_wait3A_244 : memref<40x128xi32, #tpu.memory_space<hbm>>) dst(%arg6 : memref<40x128xi32, #tpu.memory_space<vmem>>)
      tpu.yield
    }) : () -> ()
    %run_scoped3A_74 = arith.constant 1 : i32
    %run_scoped3A_75 = arith.constant 0 : i32
    "tpu.region"() ({
      %run_scoped3A_228 = tpu.sem_alloc : memref<!tpu.dma_semaphore, #tpu.memory_space<semaphore_mem>>
      %dma_start3A_229 = arith.constant 0 : i32
      %dma_start3A_230 = arith.constant 0 : i32
      %dma_start3A_231 = tpu.memref_slice %arg3[%run_scoped3A_74, %arg0, %arg1, %run_scoped3A_75, %dma_start3A_229, %dma_start3A_230] : memref<2x2x16x2x40x128xi32, #tpu.memory_space<hbm>> -> memref<1x1x1x1x40x128xi32, #tpu.memory_space<hbm>>
      %dma_start3A_232 = tpu.memref_squeeze %dma_start3A_231 : memref<1x1x1x1x40x128xi32, #tpu.memory_space<hbm>> -> memref<40x128xi32, #tpu.memory_space<hbm>>
      %dma_start3A_233 = arith.constant 0 : i32
      %dma_start3A_234 = arith.constant 0 : i32
      %dma_start3A_235 = tpu.memref_slice %arg3[%run_scoped3A_74, %arg0, %arg1, %run_scoped3A_75, %dma_start3A_233, %dma_start3A_234] : memref<2x2x16x2x40x128xi32, #tpu.memory_space<hbm>> -> memref<1x1x1x1x40x128xi32, #tpu.memory_space<hbm>>
      %dma_start3A_236 = tpu.memref_squeeze %dma_start3A_235 : memref<1x1x1x1x40x128xi32, #tpu.memory_space<hbm>> -> memref<40x128xi32, #tpu.memory_space<hbm>>
      tpu.enqueue_dma source(%dma_start3A_236 : memref<40x128xi32, #tpu.memory_space<hbm>>) target(%arg7 : memref<40x128xi32, #tpu.memory_space<vmem>>) target_semaphore(%run_scoped3A_228 : memref<!tpu.dma_semaphore, #tpu.memory_space<semaphore_mem>>)
      %dma_wait3A_237 = arith.constant 0 : i32
      %dma_wait3A_238 = arith.constant 0 : i32
      %dma_wait3A_239 = tpu.memref_slice %arg3[%run_scoped3A_74, %arg0, %arg1, %run_scoped3A_75, %dma_wait3A_237, %dma_wait3A_238] : memref<2x2x16x2x40x128xi32, #tpu.memory_space<hbm>> -> memref<1x1x1x1x40x128xi32, #tpu.memory_space<hbm>>
      %dma_wait3A_240 = tpu.memref_squeeze %dma_wait3A_239 : memref<1x1x1x1x40x128xi32, #tpu.memory_space<hbm>> -> memref<40x128xi32, #tpu.memory_space<hbm>>
      %dma_wait3A_241 = arith.constant 0 : i32
      %dma_wait3A_242 = arith.constant 0 : i32
      %dma_wait3A_243 = tpu.memref_slice %arg3[%run_scoped3A_74, %arg0, %arg1, %run_scoped3A_75, %dma_wait3A_241, %dma_wait3A_242] : memref<2x2x16x2x40x128xi32, #tpu.memory_space<hbm>> -> memref<1x1x1x1x40x128xi32, #tpu.memory_space<hbm>>
      %dma_wait3A_244 = tpu.memref_squeeze %dma_wait3A_243 : memref<1x1x1x1x40x128xi32, #tpu.memory_space<hbm>> -> memref<40x128xi32, #tpu.memory_space<hbm>>
      tpu.wait_dma2 semaphore(%run_scoped3A_228 : memref<!tpu.dma_semaphore, #tpu.memory_space<semaphore_mem>>) src(%dma_wait3A_244 : memref<40x128xi32, #tpu.memory_space<hbm>>) dst(%arg7 : memref<40x128xi32, #tpu.memory_space<vmem>>)
      tpu.yield
    }) : () -> ()
    %mul3A_76 = arith.constant 640 : i32
    %mul3A_77 = arith.muli %arg1, %mul3A_76 : i32
    %add3A_78 = arith.constant 0 : i32
    %add3A_79 = arith.addi %mul3A_77, %add3A_78 : i32
    %dma_wait3A = arith.constant 0 : i32
    %dma_wait3A_80 = arith.constant 0 : i32
    %dma_wait3A_81 = tpu.memref_slice %arg8[%dma_wait3A, %dma_wait3A_80] : memref<128x128xf32, #tpu.memory_space<vmem>> -> memref<128x128xf32, #tpu.memory_space<vmem>>
    %dma_wait3A_82 = arith.constant 0 : i32
    %dma_wait3A_83 = tpu.memref_slice %arg5[%add3A_79, %dma_wait3A_82] : memref<10240x128xf32, #tpu.memory_space<vmem_shared>> -> memref<128x128xf32, #tpu.memory_space<vmem_shared>>
    %dma_wait3A_84 = arith.constant 0 : i32
    %dma_wait3A_85 = tpu.memref_slice %arg5[%add3A_79, %dma_wait3A_84] : memref<10240x128xf32, #tpu.memory_space<vmem_shared>> -> memref<128x128xf32, #tpu.memory_space<vmem_shared>>
    %dma_wait3A_86 = arith.constant 0 : i32
    %dma_wait3A_87 = arith.constant 0 : i32
    %dma_wait3A_88 = tpu.memref_slice %arg8[%dma_wait3A_86, %dma_wait3A_87] : memref<128x128xf32, #tpu.memory_space<vmem>> -> memref<128x128xf32, #tpu.memory_space<vmem>>
    tpu.wait_dma2 semaphore(%arg11 : memref<!tpu.dma_semaphore, #tpu.memory_space<semaphore_mem>>) src(%dma_wait3A_88 : memref<128x128xf32, #tpu.memory_space<vmem>>) dst(%dma_wait3A_85 : memref<128x128xf32, #tpu.memory_space<vmem_shared>>)
    %mul3A_89 = arith.constant 640 : i32
    %mul3A_90 = arith.muli %arg1, %mul3A_89 : i32
    %add3A_91 = arith.constant 128 : i32
    %add3A_92 = arith.addi %mul3A_90, %add3A_91 : i32
    %dma_wait3A_93 = arith.constant 0 : i32
    %dma_wait3A_94 = arith.constant 0 : i32
    %dma_wait3A_95 = tpu.memref_slice %arg8[%dma_wait3A_93, %dma_wait3A_94] : memref<128x128xf32, #tpu.memory_space<vmem>> -> memref<128x128xf32, #tpu.memory_space<vmem>>
    %dma_wait3A_96 = arith.constant 0 : i32
    %dma_wait3A_97 = tpu.memref_slice %arg5[%add3A_92, %dma_wait3A_96] : memref<10240x128xf32, #tpu.memory_space<vmem_shared>> -> memref<128x128xf32, #tpu.memory_space<vmem_shared>>
    %dma_wait3A_98 = arith.constant 0 : i32
    %dma_wait3A_99 = tpu.memref_slice %arg5[%add3A_92, %dma_wait3A_98] : memref<10240x128xf32, #tpu.memory_space<vmem_shared>> -> memref<128x128xf32, #tpu.memory_space<vmem_shared>>
    %dma_wait3A_100 = arith.constant 0 : i32
    %dma_wait3A_101 = arith.constant 0 : i32
    %dma_wait3A_102 = tpu.memref_slice %arg8[%dma_wait3A_100, %dma_wait3A_101] : memref<128x128xf32, #tpu.memory_space<vmem>> -> memref<128x128xf32, #tpu.memory_space<vmem>>
    tpu.wait_dma2 semaphore(%arg11 : memref<!tpu.dma_semaphore, #tpu.memory_space<semaphore_mem>>) src(%dma_wait3A_102 : memref<128x128xf32, #tpu.memory_space<vmem>>) dst(%dma_wait3A_99 : memref<128x128xf32, #tpu.memory_space<vmem_shared>>)
    %mul3A_103 = arith.constant 640 : i32
    %mul3A_104 = arith.muli %arg1, %mul3A_103 : i32
    %add3A_105 = arith.constant 256 : i32
    %add3A_106 = arith.addi %mul3A_104, %add3A_105 : i32
    %dma_wait3A_107 = arith.constant 0 : i32
    %dma_wait3A_108 = arith.constant 0 : i32
    %dma_wait3A_109 = tpu.memref_slice %arg8[%dma_wait3A_107, %dma_wait3A_108] : memref<128x128xf32, #tpu.memory_space<vmem>> -> memref<128x128xf32, #tpu.memory_space<vmem>>
    %dma_wait3A_110 = arith.constant 0 : i32
    %dma_wait3A_111 = tpu.memref_slice %arg5[%add3A_106, %dma_wait3A_110] : memref<10240x128xf32, #tpu.memory_space<vmem_shared>> -> memref<128x128xf32, #tpu.memory_space<vmem_shared>>
    %dma_wait3A_112 = arith.constant 0 : i32
    %dma_wait3A_113 = tpu.memref_slice %arg5[%add3A_106, %dma_wait3A_112] : memref<10240x128xf32, #tpu.memory_space<vmem_shared>> -> memref<128x128xf32, #tpu.memory_space<vmem_shared>>
    %dma_wait3A_114 = arith.constant 0 : i32
    %dma_wait3A_115 = arith.constant 0 : i32
    %dma_wait3A_116 = tpu.memref_slice %arg8[%dma_wait3A_114, %dma_wait3A_115] : memref<128x128xf32, #tpu.memory_space<vmem>> -> memref<128x128xf32, #tpu.memory_space<vmem>>
    tpu.wait_dma2 semaphore(%arg11 : memref<!tpu.dma_semaphore, #tpu.memory_space<semaphore_mem>>) src(%dma_wait3A_116 : memref<128x128xf32, #tpu.memory_space<vmem>>) dst(%dma_wait3A_113 : memref<128x128xf32, #tpu.memory_space<vmem_shared>>)
    %mul3A_117 = arith.constant 640 : i32
    %mul3A_118 = arith.muli %arg1, %mul3A_117 : i32
    %add3A_119 = arith.constant 384 : i32
    %add3A_120 = arith.addi %mul3A_118, %add3A_119 : i32
    %dma_wait3A_121 = arith.constant 0 : i32
    %dma_wait3A_122 = arith.constant 0 : i32
    %dma_wait3A_123 = tpu.memref_slice %arg8[%dma_wait3A_121, %dma_wait3A_122] : memref<128x128xf32, #tpu.memory_space<vmem>> -> memref<128x128xf32, #tpu.memory_space<vmem>>
    %dma_wait3A_124 = arith.constant 0 : i32
    %dma_wait3A_125 = tpu.memref_slice %arg5[%add3A_120, %dma_wait3A_124] : memref<10240x128xf32, #tpu.memory_space<vmem_shared>> -> memref<128x128xf32, #tpu.memory_space<vmem_shared>>
    %dma_wait3A_126 = arith.constant 0 : i32
    %dma_wait3A_127 = tpu.memref_slice %arg5[%add3A_120, %dma_wait3A_126] : memref<10240x128xf32, #tpu.memory_space<vmem_shared>> -> memref<128x128xf32, #tpu.memory_space<vmem_shared>>
    %dma_wait3A_128 = arith.constant 0 : i32
    %dma_wait3A_129 = arith.constant 0 : i32
    %dma_wait3A_130 = tpu.memref_slice %arg8[%dma_wait3A_128, %dma_wait3A_129] : memref<128x128xf32, #tpu.memory_space<vmem>> -> memref<128x128xf32, #tpu.memory_space<vmem>>
    tpu.wait_dma2 semaphore(%arg11 : memref<!tpu.dma_semaphore, #tpu.memory_space<semaphore_mem>>) src(%dma_wait3A_130 : memref<128x128xf32, #tpu.memory_space<vmem>>) dst(%dma_wait3A_127 : memref<128x128xf32, #tpu.memory_space<vmem_shared>>)
    %mul3A_131 = arith.constant 640 : i32
    %mul3A_132 = arith.muli %arg1, %mul3A_131 : i32
    %add3A_133 = arith.constant 512 : i32
    %add3A_134 = arith.addi %mul3A_132, %add3A_133 : i32
    %dma_wait3A_135 = arith.constant 0 : i32
    %dma_wait3A_136 = arith.constant 0 : i32
    %dma_wait3A_137 = tpu.memref_slice %arg8[%dma_wait3A_135, %dma_wait3A_136] : memref<128x128xf32, #tpu.memory_space<vmem>> -> memref<128x128xf32, #tpu.memory_space<vmem>>
    %dma_wait3A_138 = arith.constant 0 : i32
    %dma_wait3A_139 = tpu.memref_slice %arg5[%add3A_134, %dma_wait3A_138] : memref<10240x128xf32, #tpu.memory_space<vmem_shared>> -> memref<128x128xf32, #tpu.memory_space<vmem_shared>>
    %dma_wait3A_140 = arith.constant 0 : i32
    %dma_wait3A_141 = tpu.memref_slice %arg5[%add3A_134, %dma_wait3A_140] : memref<10240x128xf32, #tpu.memory_space<vmem_shared>> -> memref<128x128xf32, #tpu.memory_space<vmem_shared>>
    %dma_wait3A_142 = arith.constant 0 : i32
    %dma_wait3A_143 = arith.constant 0 : i32
    %dma_wait3A_144 = tpu.memref_slice %arg8[%dma_wait3A_142, %dma_wait3A_143] : memref<128x128xf32, #tpu.memory_space<vmem>> -> memref<128x128xf32, #tpu.memory_space<vmem>>
    tpu.wait_dma2 semaphore(%arg11 : memref<!tpu.dma_semaphore, #tpu.memory_space<semaphore_mem>>) src(%dma_wait3A_144 : memref<128x128xf32, #tpu.memory_space<vmem>>) dst(%dma_wait3A_141 : memref<128x128xf32, #tpu.memory_space<vmem_shared>>)
    %barrier3A = arith.constant 0 : index
    tpu.barrier barrier_id(%barrier3A)
    %dma_start3A_145 = arith.constant 0 : i32
    %dma_start3A_146 = arith.constant 0 : i32
    %dma_start3A_147 = tpu.memref_slice %arg6[%dma_start3A_145, %dma_start3A_146] : memref<40x128xi32, #tpu.memory_space<vmem>> -> memref<1x128xi32, #tpu.memory_space<vmem>>
    %dma_start3A_148 = tpu.memref_squeeze %dma_start3A_147 : memref<1x128xi32, #tpu.memory_space<vmem>> -> memref<128xi32, #tpu.memory_space<vmem>>
    %dma_start3A_149 = arith.constant 0 : i32
    %dma_start3A_150 = arith.constant 0 : i32
    %dma_start3A_151 = tpu.memref_slice %arg2[%dma_start3A_149, %dma_start3A_150] : memref<10240x128xf32, #tpu.memory_space<hbm>> -> memref<10240x128xf32, #tpu.memory_space<hbm>>
    tpu.enqueue_indirect_dma source(%dma_start3A_151 : memref<10240x128xf32, #tpu.memory_space<hbm>>) target(%arg8 : memref<128x128xf32, #tpu.memory_space<vmem>>) offsets(%dma_start3A_148 : memref<128xi32, #tpu.memory_space<vmem>>) semaphore(%arg10 : memref<!tpu.dma_semaphore, #tpu.memory_space<semaphore_mem>>)
    %dma_start3A_152 = arith.constant 1 : i32
    %dma_start3A_153 = arith.constant 0 : i32
    %dma_start3A_154 = tpu.memref_slice %arg6[%dma_start3A_152, %dma_start3A_153] : memref<40x128xi32, #tpu.memory_space<vmem>> -> memref<1x128xi32, #tpu.memory_space<vmem>>
    %dma_start3A_155 = tpu.memref_squeeze %dma_start3A_154 : memref<1x128xi32, #tpu.memory_space<vmem>> -> memref<128xi32, #tpu.memory_space<vmem>>
    %dma_start3A_156 = arith.constant 0 : i32
    %dma_start3A_157 = arith.constant 0 : i32
    %dma_start3A_158 = tpu.memref_slice %arg2[%dma_start3A_156, %dma_start3A_157] : memref<10240x128xf32, #tpu.memory_space<hbm>> -> memref<10240x128xf32, #tpu.memory_space<hbm>>
    tpu.enqueue_indirect_dma source(%dma_start3A_158 : memref<10240x128xf32, #tpu.memory_space<hbm>>) target(%arg9 : memref<128x128xf32, #tpu.memory_space<vmem>>) offsets(%dma_start3A_155 : memref<128xi32, #tpu.memory_space<vmem>>) semaphore(%arg11 : memref<!tpu.dma_semaphore, #tpu.memory_space<semaphore_mem>>)
    %scan3A_159 = arith.constant 0 : i32
    %scan3A_160 = arith.constant 0 : i32
    %scan3A_161 = arith.constant 19 : i32
    %scan3A_162 = arith.addi %scan3A_160, %scan3A_161 : i32
    %scan3A_163 = arith.constant 1 : i32
    %scan3A_164 = scf.for %scan3A_228 = %scan3A_160 to %scan3A_162 step %scan3A_163 iter_args(%scan3A_229 = %scan3A_159) -> (i32)  : i32 {
      %mul3A_230 = arith.constant 2 : i32
      %mul3A_231 = arith.muli %mul3A_230, %scan3A_228 : i32
      %dma_wait3A_232 = arith.constant 0 : i32
      %dma_wait3A_233 = tpu.memref_slice %arg6[%mul3A_231, %dma_wait3A_232] : memref<40x128xi32, #tpu.memory_space<vmem>> -> memref<1x128xi32, #tpu.memory_space<vmem>>
      %dma_wait3A_234 = tpu.memref_squeeze %dma_wait3A_233 : memref<1x128xi32, #tpu.memory_space<vmem>> -> memref<128xi32, #tpu.memory_space<vmem>>
      %dma_wait3A_235 = arith.constant 0 : i32
      %dma_wait3A_236 = arith.constant 0 : i32
      %dma_wait3A_237 = tpu.memref_slice %arg2[%dma_wait3A_235, %dma_wait3A_236] : memref<10240x128xf32, #tpu.memory_space<hbm>> -> memref<10240x128xf32, #tpu.memory_space<hbm>>
      tpu.wait_indirect_dma semaphore(%arg10 : memref<!tpu.dma_semaphore, #tpu.memory_space<semaphore_mem>>) src(%dma_wait3A_237 : memref<10240x128xf32, #tpu.memory_space<hbm>>) dst(%arg8 : memref<128x128xf32, #tpu.memory_space<vmem>>)
      "tpu.region"() ({
        %run_scoped3A_265 = tpu.sem_alloc : memref<!tpu.dma_semaphore, #tpu.memory_space<semaphore_mem>>
        %dma_start3A_266 = arith.constant 0 : i32
        %dma_start3A_267 = tpu.memref_slice %arg7[%mul3A_231, %dma_start3A_266] : memref<40x128xi32, #tpu.memory_space<vmem>> -> memref<1x128xi32, #tpu.memory_space<vmem>>
        %dma_start3A_268 = tpu.memref_squeeze %dma_start3A_267 : memref<1x128xi32, #tpu.memory_space<vmem>> -> memref<128xi32, #tpu.memory_space<vmem>>
        %dma_start3A_269 = arith.constant 0 : i32
        %dma_start3A_270 = arith.constant 0 : i32
        %dma_start3A_271 = tpu.memref_slice %arg5[%dma_start3A_269, %dma_start3A_270] : memref<10240x128xf32, #tpu.memory_space<vmem_shared>> -> memref<10240x128xf32, #tpu.memory_space<vmem_shared>>
        tpu.enqueue_indirect_dma source(%arg8 : memref<128x128xf32, #tpu.memory_space<vmem>>) target(%dma_start3A_271 : memref<10240x128xf32, #tpu.memory_space<vmem_shared>>) offsets(%dma_start3A_268 : memref<128xi32, #tpu.memory_space<vmem>>) semaphore(%run_scoped3A_265 : memref<!tpu.dma_semaphore, #tpu.memory_space<semaphore_mem>>) {add = true}
        %dma_wait3A_272 = arith.constant 0 : i32
        %dma_wait3A_273 = tpu.memref_slice %arg7[%mul3A_231, %dma_wait3A_272] : memref<40x128xi32, #tpu.memory_space<vmem>> -> memref<1x128xi32, #tpu.memory_space<vmem>>
        %dma_wait3A_274 = tpu.memref_squeeze %dma_wait3A_273 : memref<1x128xi32, #tpu.memory_space<vmem>> -> memref<128xi32, #tpu.memory_space<vmem>>
        %dma_wait3A_275 = arith.constant 0 : i32
        %dma_wait3A_276 = arith.constant 0 : i32
        %dma_wait3A_277 = tpu.memref_slice %arg5[%dma_wait3A_275, %dma_wait3A_276] : memref<10240x128xf32, #tpu.memory_space<vmem_shared>> -> memref<10240x128xf32, #tpu.memory_space<vmem_shared>>
        tpu.wait_indirect_dma semaphore(%run_scoped3A_265 : memref<!tpu.dma_semaphore, #tpu.memory_space<semaphore_mem>>) src(%arg8 : memref<128x128xf32, #tpu.memory_space<vmem>>) dst(%dma_wait3A_277 : memref<10240x128xf32, #tpu.memory_space<vmem_shared>>)
        tpu.yield
      }) : () -> ()
      %add3A_238 = arith.constant 2 : i32
      %add3A_239 = arith.addi %mul3A_231, %add3A_238 : i32
      %dma_start3A_240 = arith.constant 0 : i32
      %dma_start3A_241 = tpu.memref_slice %arg6[%add3A_239, %dma_start3A_240] : memref<40x128xi32, #tpu.memory_space<vmem>> -> memref<1x128xi32, #tpu.memory_space<vmem>>
      %dma_start3A_242 = tpu.memref_squeeze %dma_start3A_241 : memref<1x128xi32, #tpu.memory_space<vmem>> -> memref<128xi32, #tpu.memory_space<vmem>>
      %dma_start3A_243 = arith.constant 0 : i32
      %dma_start3A_244 = arith.constant 0 : i32
      %dma_start3A_245 = tpu.memref_slice %arg2[%dma_start3A_243, %dma_start3A_244] : memref<10240x128xf32, #tpu.memory_space<hbm>> -> memref<10240x128xf32, #tpu.memory_space<hbm>>
      tpu.enqueue_indirect_dma source(%dma_start3A_245 : memref<10240x128xf32, #tpu.memory_space<hbm>>) target(%arg8 : memref<128x128xf32, #tpu.memory_space<vmem>>) offsets(%dma_start3A_242 : memref<128xi32, #tpu.memory_space<vmem>>) semaphore(%arg10 : memref<!tpu.dma_semaphore, #tpu.memory_space<semaphore_mem>>)
      %add3A_246 = arith.constant 1 : i32
      %add3A_247 = arith.addi %mul3A_231, %add3A_246 : i32
      %dma_wait3A_248 = arith.constant 0 : i32
      %dma_wait3A_249 = tpu.memref_slice %arg6[%add3A_247, %dma_wait3A_248] : memref<40x128xi32, #tpu.memory_space<vmem>> -> memref<1x128xi32, #tpu.memory_space<vmem>>
      %dma_wait3A_250 = tpu.memref_squeeze %dma_wait3A_249 : memref<1x128xi32, #tpu.memory_space<vmem>> -> memref<128xi32, #tpu.memory_space<vmem>>
      %dma_wait3A_251 = arith.constant 0 : i32
      %dma_wait3A_252 = arith.constant 0 : i32
      %dma_wait3A_253 = tpu.memref_slice %arg2[%dma_wait3A_251, %dma_wait3A_252] : memref<10240x128xf32, #tpu.memory_space<hbm>> -> memref<10240x128xf32, #tpu.memory_space<hbm>>
      tpu.wait_indirect_dma semaphore(%arg11 : memref<!tpu.dma_semaphore, #tpu.memory_space<semaphore_mem>>) src(%dma_wait3A_253 : memref<10240x128xf32, #tpu.memory_space<hbm>>) dst(%arg9 : memref<128x128xf32, #tpu.memory_space<vmem>>)
      %add3A_254 = arith.constant 1 : i32
      %add3A_255 = arith.addi %mul3A_231, %add3A_254 : i32
      "tpu.region"() ({
        %run_scoped3A_265 = tpu.sem_alloc : memref<!tpu.dma_semaphore, #tpu.memory_space<semaphore_mem>>
        %dma_start3A_266 = arith.constant 0 : i32
        %dma_start3A_267 = tpu.memref_slice %arg7[%add3A_255, %dma_start3A_266] : memref<40x128xi32, #tpu.memory_space<vmem>> -> memref<1x128xi32, #tpu.memory_space<vmem>>
        %dma_start3A_268 = tpu.memref_squeeze %dma_start3A_267 : memref<1x128xi32, #tpu.memory_space<vmem>> -> memref<128xi32, #tpu.memory_space<vmem>>
        %dma_start3A_269 = arith.constant 0 : i32
        %dma_start3A_270 = arith.constant 0 : i32
        %dma_start3A_271 = tpu.memref_slice %arg5[%dma_start3A_269, %dma_start3A_270] : memref<10240x128xf32, #tpu.memory_space<vmem_shared>> -> memref<10240x128xf32, #tpu.memory_space<vmem_shared>>
        tpu.enqueue_indirect_dma source(%arg9 : memref<128x128xf32, #tpu.memory_space<vmem>>) target(%dma_start3A_271 : memref<10240x128xf32, #tpu.memory_space<vmem_shared>>) offsets(%dma_start3A_268 : memref<128xi32, #tpu.memory_space<vmem>>) semaphore(%run_scoped3A_265 : memref<!tpu.dma_semaphore, #tpu.memory_space<semaphore_mem>>) {add = true}
        %dma_wait3A_272 = arith.constant 0 : i32
        %dma_wait3A_273 = tpu.memref_slice %arg7[%add3A_255, %dma_wait3A_272] : memref<40x128xi32, #tpu.memory_space<vmem>> -> memref<1x128xi32, #tpu.memory_space<vmem>>
        %dma_wait3A_274 = tpu.memref_squeeze %dma_wait3A_273 : memref<1x128xi32, #tpu.memory_space<vmem>> -> memref<128xi32, #tpu.memory_space<vmem>>
        %dma_wait3A_275 = arith.constant 0 : i32
        %dma_wait3A_276 = arith.constant 0 : i32
        %dma_wait3A_277 = tpu.memref_slice %arg5[%dma_wait3A_275, %dma_wait3A_276] : memref<10240x128xf32, #tpu.memory_space<vmem_shared>> -> memref<10240x128xf32, #tpu.memory_space<vmem_shared>>
        tpu.wait_indirect_dma semaphore(%run_scoped3A_265 : memref<!tpu.dma_semaphore, #tpu.memory_space<semaphore_mem>>) src(%arg9 : memref<128x128xf32, #tpu.memory_space<vmem>>) dst(%dma_wait3A_277 : memref<10240x128xf32, #tpu.memory_space<vmem_shared>>)
        tpu.yield
      }) : () -> ()
      %add3A_256 = arith.constant 3 : i32
      %add3A_257 = arith.addi %mul3A_231, %add3A_256 : i32
      %dma_start3A_258 = arith.constant 0 : i32
      %dma_start3A_259 = tpu.memref_slice %arg6[%add3A_257, %dma_start3A_258] : memref<40x128xi32, #tpu.memory_space<vmem>> -> memref<1x128xi32, #tpu.memory_space<vmem>>
      %dma_start3A_260 = tpu.memref_squeeze %dma_start3A_259 : memref<1x128xi32, #tpu.memory_space<vmem>> -> memref<128xi32, #tpu.memory_space<vmem>>
      %dma_start3A_261 = arith.constant 0 : i32
      %dma_start3A_262 = arith.constant 0 : i32
      %dma_start3A_263 = tpu.memref_slice %arg2[%dma_start3A_261, %dma_start3A_262] : memref<10240x128xf32, #tpu.memory_space<hbm>> -> memref<10240x128xf32, #tpu.memory_space<hbm>>
      tpu.enqueue_indirect_dma source(%dma_start3A_263 : memref<10240x128xf32, #tpu.memory_space<hbm>>) target(%arg9 : memref<128x128xf32, #tpu.memory_space<vmem>>) offsets(%dma_start3A_260 : memref<128xi32, #tpu.memory_space<vmem>>) semaphore(%arg11 : memref<!tpu.dma_semaphore, #tpu.memory_space<semaphore_mem>>)
      %scan3A_264 = arith.constant 0 : i32
      scf.yield %scan3A_264 : i32
    }
    %scan3A_165 = arith.constant 19 : i32
    %dma_wait3A_166 = arith.constant 38 : i32
    %dma_wait3A_167 = arith.constant 0 : i32
    %dma_wait3A_168 = tpu.memref_slice %arg6[%dma_wait3A_166, %dma_wait3A_167] : memref<40x128xi32, #tpu.memory_space<vmem>> -> memref<1x128xi32, #tpu.memory_space<vmem>>
    %dma_wait3A_169 = tpu.memref_squeeze %dma_wait3A_168 : memref<1x128xi32, #tpu.memory_space<vmem>> -> memref<128xi32, #tpu.memory_space<vmem>>
    %dma_wait3A_170 = arith.constant 0 : i32
    %dma_wait3A_171 = arith.constant 0 : i32
    %dma_wait3A_172 = tpu.memref_slice %arg2[%dma_wait3A_170, %dma_wait3A_171] : memref<10240x128xf32, #tpu.memory_space<hbm>> -> memref<10240x128xf32, #tpu.memory_space<hbm>>
    tpu.wait_indirect_dma semaphore(%arg10 : memref<!tpu.dma_semaphore, #tpu.memory_space<semaphore_mem>>) src(%dma_wait3A_172 : memref<10240x128xf32, #tpu.memory_space<hbm>>) dst(%arg8 : memref<128x128xf32, #tpu.memory_space<vmem>>)
    %run_scoped3A_173 = arith.constant 38 : i32
    "tpu.region"() ({
      %run_scoped3A_228 = tpu.sem_alloc : memref<!tpu.dma_semaphore, #tpu.memory_space<semaphore_mem>>
      %dma_start3A_229 = arith.constant 0 : i32
      %dma_start3A_230 = tpu.memref_slice %arg7[%run_scoped3A_173, %dma_start3A_229] : memref<40x128xi32, #tpu.memory_space<vmem>> -> memref<1x128xi32, #tpu.memory_space<vmem>>
      %dma_start3A_231 = tpu.memref_squeeze %dma_start3A_230 : memref<1x128xi32, #tpu.memory_space<vmem>> -> memref<128xi32, #tpu.memory_space<vmem>>
      %dma_start3A_232 = arith.constant 0 : i32
      %dma_start3A_233 = arith.constant 0 : i32
      %dma_start3A_234 = tpu.memref_slice %arg5[%dma_start3A_232, %dma_start3A_233] : memref<10240x128xf32, #tpu.memory_space<vmem_shared>> -> memref<10240x128xf32, #tpu.memory_space<vmem_shared>>
      tpu.enqueue_indirect_dma source(%arg8 : memref<128x128xf32, #tpu.memory_space<vmem>>) target(%dma_start3A_234 : memref<10240x128xf32, #tpu.memory_space<vmem_shared>>) offsets(%dma_start3A_231 : memref<128xi32, #tpu.memory_space<vmem>>) semaphore(%run_scoped3A_228 : memref<!tpu.dma_semaphore, #tpu.memory_space<semaphore_mem>>) {add = true}
      %dma_wait3A_235 = arith.constant 0 : i32
      %dma_wait3A_236 = tpu.memref_slice %arg7[%run_scoped3A_173, %dma_wait3A_235] : memref<40x128xi32, #tpu.memory_space<vmem>> -> memref<1x128xi32, #tpu.memory_space<vmem>>
      %dma_wait3A_237 = tpu.memref_squeeze %dma_wait3A_236 : memref<1x128xi32, #tpu.memory_space<vmem>> -> memref<128xi32, #tpu.memory_space<vmem>>
      %dma_wait3A_238 = arith.constant 0 : i32
      %dma_wait3A_239 = arith.constant 0 : i32
      %dma_wait3A_240 = tpu.memref_slice %arg5[%dma_wait3A_238, %dma_wait3A_239] : memref<10240x128xf32, #tpu.memory_space<vmem_shared>> -> memref<10240x128xf32, #tpu.memory_space<vmem_shared>>
      tpu.wait_indirect_dma semaphore(%run_scoped3A_228 : memref<!tpu.dma_semaphore, #tpu.memory_space<semaphore_mem>>) src(%arg8 : memref<128x128xf32, #tpu.memory_space<vmem>>) dst(%dma_wait3A_240 : memref<10240x128xf32, #tpu.memory_space<vmem_shared>>)
      tpu.yield
    }) : () -> ()
    %dma_wait3A_174 = arith.constant 39 : i32
    %dma_wait3A_175 = arith.constant 0 : i32
    %dma_wait3A_176 = tpu.memref_slice %arg6[%dma_wait3A_174, %dma_wait3A_175] : memref<40x128xi32, #tpu.memory_space<vmem>> -> memref<1x128xi32, #tpu.memory_space<vmem>>
    %dma_wait3A_177 = tpu.memref_squeeze %dma_wait3A_176 : memref<1x128xi32, #tpu.memory_space<vmem>> -> memref<128xi32, #tpu.memory_space<vmem>>
    %dma_wait3A_178 = arith.constant 0 : i32
    %dma_wait3A_179 = arith.constant 0 : i32
    %dma_wait3A_180 = tpu.memref_slice %arg2[%dma_wait3A_178, %dma_wait3A_179] : memref<10240x128xf32, #tpu.memory_space<hbm>> -> memref<10240x128xf32, #tpu.memory_space<hbm>>
    tpu.wait_indirect_dma semaphore(%arg11 : memref<!tpu.dma_semaphore, #tpu.memory_space<semaphore_mem>>) src(%dma_wait3A_180 : memref<10240x128xf32, #tpu.memory_space<hbm>>) dst(%arg9 : memref<128x128xf32, #tpu.memory_space<vmem>>)
    %run_scoped3A_181 = arith.constant 39 : i32
    "tpu.region"() ({
      %run_scoped3A_228 = tpu.sem_alloc : memref<!tpu.dma_semaphore, #tpu.memory_space<semaphore_mem>>
      %dma_start3A_229 = arith.constant 0 : i32
      %dma_start3A_230 = tpu.memref_slice %arg7[%run_scoped3A_181, %dma_start3A_229] : memref<40x128xi32, #tpu.memory_space<vmem>> -> memref<1x128xi32, #tpu.memory_space<vmem>>
      %dma_start3A_231 = tpu.memref_squeeze %dma_start3A_230 : memref<1x128xi32, #tpu.memory_space<vmem>> -> memref<128xi32, #tpu.memory_space<vmem>>
      %dma_start3A_232 = arith.constant 0 : i32
      %dma_start3A_233 = arith.constant 0 : i32
      %dma_start3A_234 = tpu.memref_slice %arg5[%dma_start3A_232, %dma_start3A_233] : memref<10240x128xf32, #tpu.memory_space<vmem_shared>> -> memref<10240x128xf32, #tpu.memory_space<vmem_shared>>
      tpu.enqueue_indirect_dma source(%arg9 : memref<128x128xf32, #tpu.memory_space<vmem>>) target(%dma_start3A_234 : memref<10240x128xf32, #tpu.memory_space<vmem_shared>>) offsets(%dma_start3A_231 : memref<128xi32, #tpu.memory_space<vmem>>) semaphore(%run_scoped3A_228 : memref<!tpu.dma_semaphore, #tpu.memory_space<semaphore_mem>>) {add = true}
      %dma_wait3A_235 = arith.constant 0 : i32
      %dma_wait3A_236 = tpu.memref_slice %arg7[%run_scoped3A_181, %dma_wait3A_235] : memref<40x128xi32, #tpu.memory_space<vmem>> -> memref<1x128xi32, #tpu.memory_space<vmem>>
      %dma_wait3A_237 = tpu.memref_squeeze %dma_wait3A_236 : memref<1x128xi32, #tpu.memory_space<vmem>> -> memref<128xi32, #tpu.memory_space<vmem>>
      %dma_wait3A_238 = arith.constant 0 : i32
      %dma_wait3A_239 = arith.constant 0 : i32
      %dma_wait3A_240 = tpu.memref_slice %arg5[%dma_wait3A_238, %dma_wait3A_239] : memref<10240x128xf32, #tpu.memory_space<vmem_shared>> -> memref<10240x128xf32, #tpu.memory_space<vmem_shared>>
      tpu.wait_indirect_dma semaphore(%run_scoped3A_228 : memref<!tpu.dma_semaphore, #tpu.memory_space<semaphore_mem>>) src(%arg9 : memref<128x128xf32, #tpu.memory_space<vmem>>) dst(%dma_wait3A_240 : memref<10240x128xf32, #tpu.memory_space<vmem_shared>>)
      tpu.yield
    }) : () -> ()
    %run_scoped3A_182 = arith.constant 0 : i32
    %run_scoped3A_183 = arith.constant 1 : i32
    "tpu.region"() ({
      %run_scoped3A_228 = tpu.sem_alloc : memref<!tpu.dma_semaphore, #tpu.memory_space<semaphore_mem>>
      %dma_start3A_229 = arith.constant 0 : i32
      %dma_start3A_230 = arith.constant 0 : i32
      %dma_start3A_231 = tpu.memref_slice %arg3[%run_scoped3A_182, %arg0, %arg1, %run_scoped3A_183, %dma_start3A_229, %dma_start3A_230] : memref<2x2x16x2x40x128xi32, #tpu.memory_space<hbm>> -> memref<1x1x1x1x40x128xi32, #tpu.memory_space<hbm>>
      %dma_start3A_232 = tpu.memref_squeeze %dma_start3A_231 : memref<1x1x1x1x40x128xi32, #tpu.memory_space<hbm>> -> memref<40x128xi32, #tpu.memory_space<hbm>>
      %dma_start3A_233 = arith.constant 0 : i32
      %dma_start3A_234 = arith.constant 0 : i32
      %dma_start3A_235 = tpu.memref_slice %arg3[%run_scoped3A_182, %arg0, %arg1, %run_scoped3A_183, %dma_start3A_233, %dma_start3A_234] : memref<2x2x16x2x40x128xi32, #tpu.memory_space<hbm>> -> memref<1x1x1x1x40x128xi32, #tpu.memory_space<hbm>>
      %dma_start3A_236 = tpu.memref_squeeze %dma_start3A_235 : memref<1x1x1x1x40x128xi32, #tpu.memory_space<hbm>> -> memref<40x128xi32, #tpu.memory_space<hbm>>
      tpu.enqueue_dma source(%dma_start3A_236 : memref<40x128xi32, #tpu.memory_space<hbm>>) target(%arg6 : memref<40x128xi32, #tpu.memory_space<vmem>>) target_semaphore(%run_scoped3A_228 : memref<!tpu.dma_semaphore, #tpu.memory_space<semaphore_mem>>)
      %dma_wait3A_237 = arith.constant 0 : i32
      %dma_wait3A_238 = arith.constant 0 : i32
      %dma_wait3A_239 = tpu.memref_slice %arg3[%run_scoped3A_182, %arg0, %arg1, %run_scoped3A_183, %dma_wait3A_237, %dma_wait3A_238] : memref<2x2x16x2x40x128xi32, #tpu.memory_space<hbm>> -> memref<1x1x1x1x40x128xi32, #tpu.memory_space<hbm>>
      %dma_wait3A_240 = tpu.memref_squeeze %dma_wait3A_239 : memref<1x1x1x1x40x128xi32, #tpu.memory_space<hbm>> -> memref<40x128xi32, #tpu.memory_space<hbm>>
      %dma_wait3A_241 = arith.constant 0 : i32
      %dma_wait3A_242 = arith.constant 0 : i32
      %dma_wait3A_243 = tpu.memref_slice %arg3[%run_scoped3A_182, %arg0, %arg1, %run_scoped3A_183, %dma_wait3A_241, %dma_wait3A_242] : memref<2x2x16x2x40x128xi32, #tpu.memory_space<hbm>> -> memref<1x1x1x1x40x128xi32, #tpu.memory_space<hbm>>
      %dma_wait3A_244 = tpu.memref_squeeze %dma_wait3A_243 : memref<1x1x1x1x40x128xi32, #tpu.memory_space<hbm>> -> memref<40x128xi32, #tpu.memory_space<hbm>>
      tpu.wait_dma2 semaphore(%run_scoped3A_228 : memref<!tpu.dma_semaphore, #tpu.memory_space<semaphore_mem>>) src(%dma_wait3A_244 : memref<40x128xi32, #tpu.memory_space<hbm>>) dst(%arg6 : memref<40x128xi32, #tpu.memory_space<vmem>>)
      tpu.yield
    }) : () -> ()
    %run_scoped3A_184 = arith.constant 1 : i32
    %run_scoped3A_185 = arith.constant 1 : i32
    "tpu.region"() ({
      %run_scoped3A_228 = tpu.sem_alloc : memref<!tpu.dma_semaphore, #tpu.memory_space<semaphore_mem>>
      %dma_start3A_229 = arith.constant 0 : i32
      %dma_start3A_230 = arith.constant 0 : i32
      %dma_start3A_231 = tpu.memref_slice %arg3[%run_scoped3A_184, %arg0, %arg1, %run_scoped3A_185, %dma_start3A_229, %dma_start3A_230] : memref<2x2x16x2x40x128xi32, #tpu.memory_space<hbm>> -> memref<1x1x1x1x40x128xi32, #tpu.memory_space<hbm>>
      %dma_start3A_232 = tpu.memref_squeeze %dma_start3A_231 : memref<1x1x1x1x40x128xi32, #tpu.memory_space<hbm>> -> memref<40x128xi32, #tpu.memory_space<hbm>>
      %dma_start3A_233 = arith.constant 0 : i32
      %dma_start3A_234 = arith.constant 0 : i32
      %dma_start3A_235 = tpu.memref_slice %arg3[%run_scoped3A_184, %arg0, %arg1, %run_scoped3A_185, %dma_start3A_233, %dma_start3A_234] : memref<2x2x16x2x40x128xi32, #tpu.memory_space<hbm>> -> memref<1x1x1x1x40x128xi32, #tpu.memory_space<hbm>>
      %dma_start3A_236 = tpu.memref_squeeze %dma_start3A_235 : memref<1x1x1x1x40x128xi32, #tpu.memory_space<hbm>> -> memref<40x128xi32, #tpu.memory_space<hbm>>
      tpu.enqueue_dma source(%dma_start3A_236 : memref<40x128xi32, #tpu.memory_space<hbm>>) target(%arg7 : memref<40x128xi32, #tpu.memory_space<vmem>>) target_semaphore(%run_scoped3A_228 : memref<!tpu.dma_semaphore, #tpu.memory_space<semaphore_mem>>)
      %dma_wait3A_237 = arith.constant 0 : i32
      %dma_wait3A_238 = arith.constant 0 : i32
      %dma_wait3A_239 = tpu.memref_slice %arg3[%run_scoped3A_184, %arg0, %arg1, %run_scoped3A_185, %dma_wait3A_237, %dma_wait3A_238] : memref<2x2x16x2x40x128xi32, #tpu.memory_space<hbm>> -> memref<1x1x1x1x40x128xi32, #tpu.memory_space<hbm>>
      %dma_wait3A_240 = tpu.memref_squeeze %dma_wait3A_239 : memref<1x1x1x1x40x128xi32, #tpu.memory_space<hbm>> -> memref<40x128xi32, #tpu.memory_space<hbm>>
      %dma_wait3A_241 = arith.constant 0 : i32
      %dma_wait3A_242 = arith.constant 0 : i32
      %dma_wait3A_243 = tpu.memref_slice %arg3[%run_scoped3A_184, %arg0, %arg1, %run_scoped3A_185, %dma_wait3A_241, %dma_wait3A_242] : memref<2x2x16x2x40x128xi32, #tpu.memory_space<hbm>> -> memref<1x1x1x1x40x128xi32, #tpu.memory_space<hbm>>
      %dma_wait3A_244 = tpu.memref_squeeze %dma_wait3A_243 : memref<1x1x1x1x40x128xi32, #tpu.memory_space<hbm>> -> memref<40x128xi32, #tpu.memory_space<hbm>>
      tpu.wait_dma2 semaphore(%run_scoped3A_228 : memref<!tpu.dma_semaphore, #tpu.memory_space<semaphore_mem>>) src(%dma_wait3A_244 : memref<40x128xi32, #tpu.memory_space<hbm>>) dst(%arg7 : memref<40x128xi32, #tpu.memory_space<vmem>>)
      tpu.yield
    }) : () -> ()
    %dma_start3A_186 = arith.constant 0 : i32
    %dma_start3A_187 = arith.constant 0 : i32
    %dma_start3A_188 = tpu.memref_slice %arg6[%dma_start3A_186, %dma_start3A_187] : memref<40x128xi32, #tpu.memory_space<vmem>> -> memref<1x128xi32, #tpu.memory_space<vmem>>
    %dma_start3A_189 = tpu.memref_squeeze %dma_start3A_188 : memref<1x128xi32, #tpu.memory_space<vmem>> -> memref<128xi32, #tpu.memory_space<vmem>>
    %dma_start3A_190 = arith.constant 0 : i32
    %dma_start3A_191 = arith.constant 0 : i32
    %dma_start3A_192 = tpu.memref_slice %arg2[%dma_start3A_190, %dma_start3A_191] : memref<10240x128xf32, #tpu.memory_space<hbm>> -> memref<10240x128xf32, #tpu.memory_space<hbm>>
    tpu.enqueue_indirect_dma source(%dma_start3A_192 : memref<10240x128xf32, #tpu.memory_space<hbm>>) target(%arg8 : memref<128x128xf32, #tpu.memory_space<vmem>>) offsets(%dma_start3A_189 : memref<128xi32, #tpu.memory_space<vmem>>) semaphore(%arg10 : memref<!tpu.dma_semaphore, #tpu.memory_space<semaphore_mem>>)
    %dma_start3A_193 = arith.constant 1 : i32
    %dma_start3A_194 = arith.constant 0 : i32
    %dma_start3A_195 = tpu.memref_slice %arg6[%dma_start3A_193, %dma_start3A_194] : memref<40x128xi32, #tpu.memory_space<vmem>> -> memref<1x128xi32, #tpu.memory_space<vmem>>
    %dma_start3A_196 = tpu.memref_squeeze %dma_start3A_195 : memref<1x128xi32, #tpu.memory_space<vmem>> -> memref<128xi32, #tpu.memory_space<vmem>>
    %dma_start3A_197 = arith.constant 0 : i32
    %dma_start3A_198 = arith.constant 0 : i32
    %dma_start3A_199 = tpu.memref_slice %arg2[%dma_start3A_197, %dma_start3A_198] : memref<10240x128xf32, #tpu.memory_space<hbm>> -> memref<10240x128xf32, #tpu.memory_space<hbm>>
    tpu.enqueue_indirect_dma source(%dma_start3A_199 : memref<10240x128xf32, #tpu.memory_space<hbm>>) target(%arg9 : memref<128x128xf32, #tpu.memory_space<vmem>>) offsets(%dma_start3A_196 : memref<128xi32, #tpu.memory_space<vmem>>) semaphore(%arg11 : memref<!tpu.dma_semaphore, #tpu.memory_space<semaphore_mem>>)
    %scan3A_200 = arith.constant 0 : i32
    %scan3A_201 = arith.constant 0 : i32
    %scan3A_202 = arith.constant 19 : i32
    %scan3A_203 = arith.addi %scan3A_201, %scan3A_202 : i32
    %scan3A_204 = arith.constant 1 : i32
    %scan3A_205 = scf.for %scan3A_228 = %scan3A_201 to %scan3A_203 step %scan3A_204 iter_args(%scan3A_229 = %scan3A_200) -> (i32)  : i32 {
      %mul3A_230 = arith.constant 2 : i32
      %mul3A_231 = arith.muli %mul3A_230, %scan3A_228 : i32
      %dma_wait3A_232 = arith.constant 0 : i32
      %dma_wait3A_233 = tpu.memref_slice %arg6[%mul3A_231, %dma_wait3A_232] : memref<40x128xi32, #tpu.memory_space<vmem>> -> memref<1x128xi32, #tpu.memory_space<vmem>>
      %dma_wait3A_234 = tpu.memref_squeeze %dma_wait3A_233 : memref<1x128xi32, #tpu.memory_space<vmem>> -> memref<128xi32, #tpu.memory_space<vmem>>
      %dma_wait3A_235 = arith.constant 0 : i32
      %dma_wait3A_236 = arith.constant 0 : i32
      %dma_wait3A_237 = tpu.memref_slice %arg2[%dma_wait3A_235, %dma_wait3A_236] : memref<10240x128xf32, #tpu.memory_space<hbm>> -> memref<10240x128xf32, #tpu.memory_space<hbm>>
      tpu.wait_indirect_dma semaphore(%arg10 : memref<!tpu.dma_semaphore, #tpu.memory_space<semaphore_mem>>) src(%dma_wait3A_237 : memref<10240x128xf32, #tpu.memory_space<hbm>>) dst(%arg8 : memref<128x128xf32, #tpu.memory_space<vmem>>)
      "tpu.region"() ({
        %run_scoped3A_265 = tpu.sem_alloc : memref<!tpu.dma_semaphore, #tpu.memory_space<semaphore_mem>>
        %dma_start3A_266 = arith.constant 0 : i32
        %dma_start3A_267 = tpu.memref_slice %arg7[%mul3A_231, %dma_start3A_266] : memref<40x128xi32, #tpu.memory_space<vmem>> -> memref<1x128xi32, #tpu.memory_space<vmem>>
        %dma_start3A_268 = tpu.memref_squeeze %dma_start3A_267 : memref<1x128xi32, #tpu.memory_space<vmem>> -> memref<128xi32, #tpu.memory_space<vmem>>
        %dma_start3A_269 = arith.constant 0 : i32
        %dma_start3A_270 = arith.constant 0 : i32
        %dma_start3A_271 = tpu.memref_slice %arg5[%dma_start3A_269, %dma_start3A_270] : memref<10240x128xf32, #tpu.memory_space<vmem_shared>> -> memref<10240x128xf32, #tpu.memory_space<vmem_shared>>
        tpu.enqueue_indirect_dma source(%arg8 : memref<128x128xf32, #tpu.memory_space<vmem>>) target(%dma_start3A_271 : memref<10240x128xf32, #tpu.memory_space<vmem_shared>>) offsets(%dma_start3A_268 : memref<128xi32, #tpu.memory_space<vmem>>) semaphore(%run_scoped3A_265 : memref<!tpu.dma_semaphore, #tpu.memory_space<semaphore_mem>>) {add = true}
        %dma_wait3A_272 = arith.constant 0 : i32
        %dma_wait3A_273 = tpu.memref_slice %arg7[%mul3A_231, %dma_wait3A_272] : memref<40x128xi32, #tpu.memory_space<vmem>> -> memref<1x128xi32, #tpu.memory_space<vmem>>
        %dma_wait3A_274 = tpu.memref_squeeze %dma_wait3A_273 : memref<1x128xi32, #tpu.memory_space<vmem>> -> memref<128xi32, #tpu.memory_space<vmem>>
        %dma_wait3A_275 = arith.constant 0 : i32
        %dma_wait3A_276 = arith.constant 0 : i32
        %dma_wait3A_277 = tpu.memref_slice %arg5[%dma_wait3A_275, %dma_wait3A_276] : memref<10240x128xf32, #tpu.memory_space<vmem_shared>> -> memref<10240x128xf32, #tpu.memory_space<vmem_shared>>
        tpu.wait_indirect_dma semaphore(%run_scoped3A_265 : memref<!tpu.dma_semaphore, #tpu.memory_space<semaphore_mem>>) src(%arg8 : memref<128x128xf32, #tpu.memory_space<vmem>>) dst(%dma_wait3A_277 : memref<10240x128xf32, #tpu.memory_space<vmem_shared>>)
        tpu.yield
      }) : () -> ()
      %add3A_238 = arith.constant 2 : i32
      %add3A_239 = arith.addi %mul3A_231, %add3A_238 : i32
      %dma_start3A_240 = arith.constant 0 : i32
      %dma_start3A_241 = tpu.memref_slice %arg6[%add3A_239, %dma_start3A_240] : memref<40x128xi32, #tpu.memory_space<vmem>> -> memref<1x128xi32, #tpu.memory_space<vmem>>
      %dma_start3A_242 = tpu.memref_squeeze %dma_start3A_241 : memref<1x128xi32, #tpu.memory_space<vmem>> -> memref<128xi32, #tpu.memory_space<vmem>>
      %dma_start3A_243 = arith.constant 0 : i32
      %dma_start3A_244 = arith.constant 0 : i32
      %dma_start3A_245 = tpu.memref_slice %arg2[%dma_start3A_243, %dma_start3A_244] : memref<10240x128xf32, #tpu.memory_space<hbm>> -> memref<10240x128xf32, #tpu.memory_space<hbm>>
      tpu.enqueue_indirect_dma source(%dma_start3A_245 : memref<10240x128xf32, #tpu.memory_space<hbm>>) target(%arg8 : memref<128x128xf32, #tpu.memory_space<vmem>>) offsets(%dma_start3A_242 : memref<128xi32, #tpu.memory_space<vmem>>) semaphore(%arg10 : memref<!tpu.dma_semaphore, #tpu.memory_space<semaphore_mem>>)
      %add3A_246 = arith.constant 1 : i32
      %add3A_247 = arith.addi %mul3A_231, %add3A_246 : i32
      %dma_wait3A_248 = arith.constant 0 : i32
      %dma_wait3A_249 = tpu.memref_slice %arg6[%add3A_247, %dma_wait3A_248] : memref<40x128xi32, #tpu.memory_space<vmem>> -> memref<1x128xi32, #tpu.memory_space<vmem>>
      %dma_wait3A_250 = tpu.memref_squeeze %dma_wait3A_249 : memref<1x128xi32, #tpu.memory_space<vmem>> -> memref<128xi32, #tpu.memory_space<vmem>>
      %dma_wait3A_251 = arith.constant 0 : i32
      %dma_wait3A_252 = arith.constant 0 : i32
      %dma_wait3A_253 = tpu.memref_slice %arg2[%dma_wait3A_251, %dma_wait3A_252] : memref<10240x128xf32, #tpu.memory_space<hbm>> -> memref<10240x128xf32, #tpu.memory_space<hbm>>
      tpu.wait_indirect_dma semaphore(%arg11 : memref<!tpu.dma_semaphore, #tpu.memory_space<semaphore_mem>>) src(%dma_wait3A_253 : memref<10240x128xf32, #tpu.memory_space<hbm>>) dst(%arg9 : memref<128x128xf32, #tpu.memory_space<vmem>>)
      %add3A_254 = arith.constant 1 : i32
      %add3A_255 = arith.addi %mul3A_231, %add3A_254 : i32
      "tpu.region"() ({
        %run_scoped3A_265 = tpu.sem_alloc : memref<!tpu.dma_semaphore, #tpu.memory_space<semaphore_mem>>
        %dma_start3A_266 = arith.constant 0 : i32
        %dma_start3A_267 = tpu.memref_slice %arg7[%add3A_255, %dma_start3A_266] : memref<40x128xi32, #tpu.memory_space<vmem>> -> memref<1x128xi32, #tpu.memory_space<vmem>>
        %dma_start3A_268 = tpu.memref_squeeze %dma_start3A_267 : memref<1x128xi32, #tpu.memory_space<vmem>> -> memref<128xi32, #tpu.memory_space<vmem>>
        %dma_start3A_269 = arith.constant 0 : i32
        %dma_start3A_270 = arith.constant 0 : i32
        %dma_start3A_271 = tpu.memref_slice %arg5[%dma_start3A_269, %dma_start3A_270] : memref<10240x128xf32, #tpu.memory_space<vmem_shared>> -> memref<10240x128xf32, #tpu.memory_space<vmem_shared>>
        tpu.enqueue_indirect_dma source(%arg9 : memref<128x128xf32, #tpu.memory_space<vmem>>) target(%dma_start3A_271 : memref<10240x128xf32, #tpu.memory_space<vmem_shared>>) offsets(%dma_start3A_268 : memref<128xi32, #tpu.memory_space<vmem>>) semaphore(%run_scoped3A_265 : memref<!tpu.dma_semaphore, #tpu.memory_space<semaphore_mem>>) {add = true}
        %dma_wait3A_272 = arith.constant 0 : i32
        %dma_wait3A_273 = tpu.memref_slice %arg7[%add3A_255, %dma_wait3A_272] : memref<40x128xi32, #tpu.memory_space<vmem>> -> memref<1x128xi32, #tpu.memory_space<vmem>>
        %dma_wait3A_274 = tpu.memref_squeeze %dma_wait3A_273 : memref<1x128xi32, #tpu.memory_space<vmem>> -> memref<128xi32, #tpu.memory_space<vmem>>
        %dma_wait3A_275 = arith.constant 0 : i32
        %dma_wait3A_276 = arith.constant 0 : i32
        %dma_wait3A_277 = tpu.memref_slice %arg5[%dma_wait3A_275, %dma_wait3A_276] : memref<10240x128xf32, #tpu.memory_space<vmem_shared>> -> memref<10240x128xf32, #tpu.memory_space<vmem_shared>>
        tpu.wait_indirect_dma semaphore(%run_scoped3A_265 : memref<!tpu.dma_semaphore, #tpu.memory_space<semaphore_mem>>) src(%arg9 : memref<128x128xf32, #tpu.memory_space<vmem>>) dst(%dma_wait3A_277 : memref<10240x128xf32, #tpu.memory_space<vmem_shared>>)
        tpu.yield
      }) : () -> ()
      %add3A_256 = arith.constant 3 : i32
      %add3A_257 = arith.addi %mul3A_231, %add3A_256 : i32
      %dma_start3A_258 = arith.constant 0 : i32
      %dma_start3A_259 = tpu.memref_slice %arg6[%add3A_257, %dma_start3A_258] : memref<40x128xi32, #tpu.memory_space<vmem>> -> memref<1x128xi32, #tpu.memory_space<vmem>>
      %dma_start3A_260 = tpu.memref_squeeze %dma_start3A_259 : memref<1x128xi32, #tpu.memory_space<vmem>> -> memref<128xi32, #tpu.memory_space<vmem>>
      %dma_start3A_261 = arith.constant 0 : i32
      %dma_start3A_262 = arith.constant 0 : i32
      %dma_start3A_263 = tpu.memref_slice %arg2[%dma_start3A_261, %dma_start3A_262] : memref<10240x128xf32, #tpu.memory_space<hbm>> -> memref<10240x128xf32, #tpu.memory_space<hbm>>
      tpu.enqueue_indirect_dma source(%dma_start3A_263 : memref<10240x128xf32, #tpu.memory_space<hbm>>) target(%arg9 : memref<128x128xf32, #tpu.memory_space<vmem>>) offsets(%dma_start3A_260 : memref<128xi32, #tpu.memory_space<vmem>>) semaphore(%arg11 : memref<!tpu.dma_semaphore, #tpu.memory_space<semaphore_mem>>)
      %scan3A_264 = arith.constant 0 : i32
      scf.yield %scan3A_264 : i32
    }
    %scan3A_206 = arith.constant 19 : i32
    %dma_wait3A_207 = arith.constant 38 : i32
    %dma_wait3A_208 = arith.constant 0 : i32
    %dma_wait3A_209 = tpu.memref_slice %arg6[%dma_wait3A_207, %dma_wait3A_208] : memref<40x128xi32, #tpu.memory_space<vmem>> -> memref<1x128xi32, #tpu.memory_space<vmem>>
    %dma_wait3A_210 = tpu.memref_squeeze %dma_wait3A_209 : memref<1x128xi32, #tpu.memory_space<vmem>> -> memref<128xi32, #tpu.memory_space<vmem>>
    %dma_wait3A_211 = arith.constant 0 : i32
    %dma_wait3A_212 = arith.constant 0 : i32
    %dma_wait3A_213 = tpu.memref_slice %arg2[%dma_wait3A_211, %dma_wait3A_212] : memref<10240x128xf32, #tpu.memory_space<hbm>> -> memref<10240x128xf32, #tpu.memory_space<hbm>>
    tpu.wait_indirect_dma semaphore(%arg10 : memref<!tpu.dma_semaphore, #tpu.memory_space<semaphore_mem>>) src(%dma_wait3A_213 : memref<10240x128xf32, #tpu.memory_space<hbm>>) dst(%arg8 : memref<128x128xf32, #tpu.memory_space<vmem>>)
    %run_scoped3A_214 = arith.constant 38 : i32
    "tpu.region"() ({
      %run_scoped3A_228 = tpu.sem_alloc : memref<!tpu.dma_semaphore, #tpu.memory_space<semaphore_mem>>
      %dma_start3A_229 = arith.constant 0 : i32
      %dma_start3A_230 = tpu.memref_slice %arg7[%run_scoped3A_214, %dma_start3A_229] : memref<40x128xi32, #tpu.memory_space<vmem>> -> memref<1x128xi32, #tpu.memory_space<vmem>>
      %dma_start3A_231 = tpu.memref_squeeze %dma_start3A_230 : memref<1x128xi32, #tpu.memory_space<vmem>> -> memref<128xi32, #tpu.memory_space<vmem>>
      %dma_start3A_232 = arith.constant 0 : i32
      %dma_start3A_233 = arith.constant 0 : i32
      %dma_start3A_234 = tpu.memref_slice %arg5[%dma_start3A_232, %dma_start3A_233] : memref<10240x128xf32, #tpu.memory_space<vmem_shared>> -> memref<10240x128xf32, #tpu.memory_space<vmem_shared>>
      tpu.enqueue_indirect_dma source(%arg8 : memref<128x128xf32, #tpu.memory_space<vmem>>) target(%dma_start3A_234 : memref<10240x128xf32, #tpu.memory_space<vmem_shared>>) offsets(%dma_start3A_231 : memref<128xi32, #tpu.memory_space<vmem>>) semaphore(%run_scoped3A_228 : memref<!tpu.dma_semaphore, #tpu.memory_space<semaphore_mem>>) {add = true}
      %dma_wait3A_235 = arith.constant 0 : i32
      %dma_wait3A_236 = tpu.memref_slice %arg7[%run_scoped3A_214, %dma_wait3A_235] : memref<40x128xi32, #tpu.memory_space<vmem>> -> memref<1x128xi32, #tpu.memory_space<vmem>>
      %dma_wait3A_237 = tpu.memref_squeeze %dma_wait3A_236 : memref<1x128xi32, #tpu.memory_space<vmem>> -> memref<128xi32, #tpu.memory_space<vmem>>
      %dma_wait3A_238 = arith.constant 0 : i32
      %dma_wait3A_239 = arith.constant 0 : i32
      %dma_wait3A_240 = tpu.memref_slice %arg5[%dma_wait3A_238, %dma_wait3A_239] : memref<10240x128xf32, #tpu.memory_space<vmem_shared>> -> memref<10240x128xf32, #tpu.memory_space<vmem_shared>>
      tpu.wait_indirect_dma semaphore(%run_scoped3A_228 : memref<!tpu.dma_semaphore, #tpu.memory_space<semaphore_mem>>) src(%arg8 : memref<128x128xf32, #tpu.memory_space<vmem>>) dst(%dma_wait3A_240 : memref<10240x128xf32, #tpu.memory_space<vmem_shared>>)
      tpu.yield
    }) : () -> ()
    %dma_wait3A_215 = arith.constant 39 : i32
    %dma_wait3A_216 = arith.constant 0 : i32
    %dma_wait3A_217 = tpu.memref_slice %arg6[%dma_wait3A_215, %dma_wait3A_216] : memref<40x128xi32, #tpu.memory_space<vmem>> -> memref<1x128xi32, #tpu.memory_space<vmem>>
    %dma_wait3A_218 = tpu.memref_squeeze %dma_wait3A_217 : memref<1x128xi32, #tpu.memory_space<vmem>> -> memref<128xi32, #tpu.memory_space<vmem>>
    %dma_wait3A_219 = arith.constant 0 : i32
    %dma_wait3A_220 = arith.constant 0 : i32
    %dma_wait3A_221 = tpu.memref_slice %arg2[%dma_wait3A_219, %dma_wait3A_220] : memref<10240x128xf32, #tpu.memory_space<hbm>> -> memref<10240x128xf32, #tpu.memory_space<hbm>>
    tpu.wait_indirect_dma semaphore(%arg11 : memref<!tpu.dma_semaphore, #tpu.memory_space<semaphore_mem>>) src(%dma_wait3A_221 : memref<10240x128xf32, #tpu.memory_space<hbm>>) dst(%arg9 : memref<128x128xf32, #tpu.memory_space<vmem>>)
    %run_scoped3A_222 = arith.constant 39 : i32
    "tpu.region"() ({
      %run_scoped3A_228 = tpu.sem_alloc : memref<!tpu.dma_semaphore, #tpu.memory_space<semaphore_mem>>
      %dma_start3A_229 = arith.constant 0 : i32
      %dma_start3A_230 = tpu.memref_slice %arg7[%run_scoped3A_222, %dma_start3A_229] : memref<40x128xi32, #tpu.memory_space<vmem>> -> memref<1x128xi32, #tpu.memory_space<vmem>>
      %dma_start3A_231 = tpu.memref_squeeze %dma_start3A_230 : memref<1x128xi32, #tpu.memory_space<vmem>> -> memref<128xi32, #tpu.memory_space<vmem>>
      %dma_start3A_232 = arith.constant 0 : i32
      %dma_start3A_233 = arith.constant 0 : i32
      %dma_start3A_234 = tpu.memref_slice %arg5[%dma_start3A_232, %dma_start3A_233] : memref<10240x128xf32, #tpu.memory_space<vmem_shared>> -> memref<10240x128xf32, #tpu.memory_space<vmem_shared>>
      tpu.enqueue_indirect_dma source(%arg9 : memref<128x128xf32, #tpu.memory_space<vmem>>) target(%dma_start3A_234 : memref<10240x128xf32, #tpu.memory_space<vmem_shared>>) offsets(%dma_start3A_231 : memref<128xi32, #tpu.memory_space<vmem>>) semaphore(%run_scoped3A_228 : memref<!tpu.dma_semaphore, #tpu.memory_space<semaphore_mem>>) {add = true}
      %dma_wait3A_235 = arith.constant 0 : i32
      %dma_wait3A_236 = tpu.memref_slice %arg7[%run_scoped3A_222, %dma_wait3A_235] : memref<40x128xi32, #tpu.memory_space<vmem>> -> memref<1x128xi32, #tpu.memory_space<vmem>>
      %dma_wait3A_237 = tpu.memref_squeeze %dma_wait3A_236 : memref<1x128xi32, #tpu.memory_space<vmem>> -> memref<128xi32, #tpu.memory_space<vmem>>
      %dma_wait3A_238 = arith.constant 0 : i32
      %dma_wait3A_239 = arith.constant 0 : i32
      %dma_wait3A_240 = tpu.memref_slice %arg5[%dma_wait3A_238, %dma_wait3A_239] : memref<10240x128xf32, #tpu.memory_space<vmem_shared>> -> memref<10240x128xf32, #tpu.memory_space<vmem_shared>>
      tpu.wait_indirect_dma semaphore(%run_scoped3A_228 : memref<!tpu.dma_semaphore, #tpu.memory_space<semaphore_mem>>) src(%arg9 : memref<128x128xf32, #tpu.memory_space<vmem>>) dst(%dma_wait3A_240 : memref<10240x128xf32, #tpu.memory_space<vmem_shared>>)
      tpu.yield
    }) : () -> ()
    %barrier3A_223 = arith.constant 0 : index
    tpu.barrier barrier_id(%barrier3A_223)
    %mul3A_224 = arith.constant 640 : i32
    %mul3A_225 = arith.muli %arg1, %mul3A_224 : i32
    %mul3A_226 = arith.constant 640 : i32
    %mul3A_227 = arith.muli %arg1, %mul3A_226 : i32
    "tpu.region"() ({
      %run_scoped3A_228 = tpu.sem_alloc : memref<!tpu.dma_semaphore, #tpu.memory_space<semaphore_mem>>
      %dma_start3A_229 = arith.constant 0 : i32
      %dma_start3A_230 = tpu.memref_slice %arg4[%arg0, %mul3A_227, %dma_start3A_229] : memref<2x10240x128xf32, #tpu.memory_space<hbm>> -> memref<1x640x128xf32, #tpu.memory_space<hbm>>
      %dma_start3A_231 = tpu.memref_squeeze %dma_start3A_230 : memref<1x640x128xf32, #tpu.memory_space<hbm>> -> memref<640x128xf32, #tpu.memory_space<hbm>>
      %dma_start3A_232 = arith.constant 0 : i32
      %dma_start3A_233 = tpu.memref_slice %arg5[%mul3A_225, %dma_start3A_232] : memref<10240x128xf32, #tpu.memory_space<vmem_shared>> -> memref<640x128xf32, #tpu.memory_space<vmem_shared>>
      tpu.enqueue_dma source(%dma_start3A_233 : memref<640x128xf32, #tpu.memory_space<vmem_shared>>) target(%dma_start3A_231 : memref<640x128xf32, #tpu.memory_space<hbm>>) target_semaphore(%run_scoped3A_228 : memref<!tpu.dma_semaphore, #tpu.memory_space<semaphore_mem>>)
      %dma_wait3A_234 = arith.constant 0 : i32
      %dma_wait3A_235 = tpu.memref_slice %arg4[%arg0, %mul3A_227, %dma_wait3A_234] : memref<2x10240x128xf32, #tpu.memory_space<hbm>> -> memref<1x640x128xf32, #tpu.memory_space<hbm>>
      %dma_wait3A_236 = tpu.memref_squeeze %dma_wait3A_235 : memref<1x640x128xf32, #tpu.memory_space<hbm>> -> memref<640x128xf32, #tpu.memory_space<hbm>>
      %dma_wait3A_237 = arith.constant 0 : i32
      %dma_wait3A_238 = tpu.memref_slice %arg5[%mul3A_225, %dma_wait3A_237] : memref<10240x128xf32, #tpu.memory_space<vmem_shared>> -> memref<640x128xf32, #tpu.memory_space<vmem_shared>>
      tpu.wait_dma2 semaphore(%run_scoped3A_228 : memref<!tpu.dma_semaphore, #tpu.memory_space<semaphore_mem>>) src(%dma_wait3A_238 : memref<640x128xf32, #tpu.memory_space<vmem_shared>>) dst(%dma_wait3A_236 : memref<640x128xf32, #tpu.memory_space<hbm>>)
      tpu.yield
    }) : () -> ()
    return
  }
}

module attributes {stable_mosaic.version = 14 : i64} {
  func.func @_tc_layer_body(%arg0: i32, %arg1: memref<2048x128xf32, #tpu.memory_space<vmem>>, %arg2: memref<2x2048x128xf32, #tpu.memory_space<vmem>>, %arg3: memref<10240xi32, #tpu.memory_space<vmem>>, %arg4: memref<128x128xf32, #tpu.memory_space<vmem>>, %arg5: memref<1x128xf32, #tpu.memory_space<vmem>>, %arg6: memref<128x128xf32, #tpu.memory_space<vmem>>, %arg7: memref<1x128xf32, #tpu.memory_space<vmem>>, %arg8: memref<2048x128xf32, #tpu.memory_space<vmem>>, %arg9: memref<64x128xf32, #tpu.memory_space<vmem>>) attributes {dimension_semantics = [#tpu.dimension_semantics<arbitrary>], iteration_bounds = array<i64: 5>, scalar_prefetch = 0 : i64, scratch_operands = 0 : i64, tpu.core_type = #tpu.core_type<tc>, window_params = [{transform_indices = @transform_0, window_bounds = array<i64: 2048, 128>}, {transform_indices = @transform_1, window_bounds = array<i64: 2, 2048, 128>}, {pipeline_mode = #tpu.pipeline_mode<synchronous>, transform_indices = @transform_2, window_bounds = array<i64: 10240>}, {pipeline_mode = #tpu.pipeline_mode<synchronous>, transform_indices = @transform_3, window_bounds = array<i64: 128, 128>}, {pipeline_mode = #tpu.pipeline_mode<synchronous>, transform_indices = @transform_4, window_bounds = array<i64: 1, 128>}, {pipeline_mode = #tpu.pipeline_mode<synchronous>, transform_indices = @transform_5, window_bounds = array<i64: 128, 128>}, {pipeline_mode = #tpu.pipeline_mode<synchronous>, transform_indices = @transform_6, window_bounds = array<i64: 1, 128>}, {transform_indices = @transform_7, window_bounds = array<i64: 2048, 128>}, {pipeline_mode = #tpu.pipeline_mode<synchronous>, transform_indices = @transform_8, window_bounds = array<i64: 64, 128>}]} {
    %get3A = arith.constant 0 : index
    %get3A_0 = arith.constant 0 : index
    %get3A_1 = vector.load %arg1[%get3A, %get3A_0] : memref<2048x128xf32, #tpu.memory_space<vmem>>, vector<2048x128xf32>
    %get3A_2 = arith.constant 0 : index
    %get3A_3 = arith.constant 0 : index
    %get3A_4 = arith.constant 0 : index
    %get3A_5 = vector.load %arg2[%get3A_2, %get3A_3, %get3A_4] : memref<2x2048x128xf32, #tpu.memory_space<vmem>>, vector<1x2048x128xf32>
    %get3A_6 = vector.shape_cast %get3A_5 : vector<1x2048x128xf32> to vector<2048x128xf32>
    %add3A = arith.addf %get3A_1, %get3A_6 : vector<2048x128xf32>
    %get3A_7 = arith.constant 1 : index
    %get3A_8 = arith.constant 0 : index
    %get3A_9 = arith.constant 0 : index
    %get3A_10 = vector.load %arg2[%get3A_7, %get3A_8, %get3A_9] : memref<2x2048x128xf32, #tpu.memory_space<vmem>>, vector<1x2048x128xf32>
    %get3A_11 = vector.shape_cast %get3A_10 : vector<1x2048x128xf32> to vector<2048x128xf32>
    %add3A_12 = arith.addf %add3A, %get3A_11 : vector<2048x128xf32>
    %get3A_13 = arith.constant 0 : index
    %get3A_14 = arith.constant 0 : index
    %get3A_15 = vector.load %arg4[%get3A_13, %get3A_14] : memref<128x128xf32, #tpu.memory_space<vmem>>, vector<128x128xf32>
    %dot_general3A = arith.constant dense<0.000000e+00> : vector<2048x128xf32>
    %dot_general3A_16 = tpu.matmul %add3A_12, %get3A_15, %dot_general3A {dimension_numbers = #tpu.dot_dimension_numbers<[1], [0], [0], [1], [0, 0, 1, 1], [], []>, transpose_lhs_hint = false} : vector<2048x128xf32>, vector<128x128xf32>, vector<2048x128xf32> -> vector<2048x128xf32>
    %get3A_17 = arith.constant 0 : index
    %get3A_18 = arith.constant 0 : index
    %get3A_19 = vector.load %arg5[%get3A_17, %get3A_18] : memref<1x128xf32, #tpu.memory_space<vmem>>, vector<1x128xf32>
    %add3A_20 = vector.broadcast %get3A_19 : vector<1x128xf32> to vector<2048x128xf32>
    %add3A_21 = arith.addf %dot_general3A_16, %add3A_20 : vector<2048x128xf32>
    %max3A = arith.constant 0.000000e+00 : f32
    %max3A_22 = vector.broadcast %max3A : f32 to vector<2048x128xf32>
    %max3A_23 = arith.maximumf %add3A_21, %max3A_22 : vector<2048x128xf32>
    %get3A_24 = arith.constant 0 : index
    %get3A_25 = arith.constant 0 : index
    %get3A_26 = vector.load %arg6[%get3A_24, %get3A_25] : memref<128x128xf32, #tpu.memory_space<vmem>>, vector<128x128xf32>
    %dot_general3A_27 = arith.constant dense<0.000000e+00> : vector<2048x128xf32>
    %dot_general3A_28 = tpu.matmul %max3A_23, %get3A_26, %dot_general3A_27 {dimension_numbers = #tpu.dot_dimension_numbers<[1], [0], [0], [1], [0, 0, 1, 1], [], []>, transpose_lhs_hint = false} : vector<2048x128xf32>, vector<128x128xf32>, vector<2048x128xf32> -> vector<2048x128xf32>
    %get3A_29 = arith.constant 0 : index
    %get3A_30 = arith.constant 0 : index
    %get3A_31 = vector.load %arg7[%get3A_29, %get3A_30] : memref<1x128xf32, #tpu.memory_space<vmem>>, vector<1x128xf32>
    %add3A_32 = vector.broadcast %get3A_31 : vector<1x128xf32> to vector<2048x128xf32>
    %add3A_33 = arith.addf %dot_general3A_28, %add3A_32 : vector<2048x128xf32>
    %max3A_34 = arith.constant 0.000000e+00 : f32
    %max3A_35 = vector.broadcast %max3A_34 : f32 to vector<2048x128xf32>
    %max3A_36 = arith.maximumf %add3A_33, %max3A_35 : vector<2048x128xf32>
    %iota3A = tpu.iota {dimensions = array<i32: 0>} : vector<2048x1xi32>
    %mul3A = arith.constant 2048 : i32
    %mul3A_37 = arith.muli %arg0, %mul3A : i32
    %add3A_38 = vector.broadcast %mul3A_37 : i32 to vector<2048x1xi32>
    %add3A_39 = arith.addi %iota3A, %add3A_38 : vector<2048x1xi32>
    %lt3A = arith.constant 10000 : i32
    %lt3A_40 = vector.broadcast %lt3A : i32 to vector<2048x1xi32>
    %lt3A_41 = arith.cmpi slt, %add3A_39, %lt3A_40 : vector<2048x1xi32>
    %jit3A = arith.constant 0.000000e+00 : f32
    %broadcast_in_dim3A = vector.shape_cast %lt3A_41 : vector<2048x1xi1> to vector<2048x1xi1>
    %broadcast_in_dim3A_42 = vector.broadcast %broadcast_in_dim3A : vector<2048x1xi1> to vector<2048x128xi1>
    %broadcast_in_dim3A_43 = vector.broadcast %jit3A : f32 to vector<2048x128xf32>
    %select_n3A = arith.select %broadcast_in_dim3A_42, %max3A_36, %broadcast_in_dim3A_43 : vector<2048x128xi1>, vector<2048x128xf32>
    %swap3A = arith.constant 0 : index
    %swap3A_44 = arith.constant 0 : index
    %swap3A_45 = vector.load %arg8[%swap3A, %swap3A_44] : memref<2048x128xf32, #tpu.memory_space<vmem>>, vector<2048x128xf32>
    tpu.vector_store %arg8[%swap3A, %swap3A_44], %select_n3A {strides = array<i32>} : memref<2048x128xf32, #tpu.memory_space<vmem>>, vector<2048x128xf32>,
    %mul3A_46 = arith.constant 2048 : i32
    %mul3A_47 = arith.muli %arg0, %mul3A_46 : i32
    %get3A_48 = arith.index_cast %mul3A_47 : i32 to index
    %get3A_49 = vector.load %arg3[%get3A_48] : memref<10240xi32, #tpu.memory_space<vmem>>, vector<2048xi32>
    %iota3A_50 = tpu.iota {dimensions = array<i32: 0>} : vector<64x2048xi32>
    %broadcast_in_dim3A_51 = vector.shape_cast %get3A_49 : vector<2048xi32> to vector<1x2048xi32>
    %eq3A = vector.broadcast %broadcast_in_dim3A_51 : vector<1x2048xi32> to vector<64x2048xi32>
    %eq3A_52 = arith.cmpi eq, %iota3A_50, %eq3A : vector<64x2048xi32>
    %convert_element_type3A = arith.extui %eq3A_52 : vector<64x2048xi1> to vector<64x2048xi32>
    %convert_element_type3A_53 = arith.sitofp %convert_element_type3A : vector<64x2048xi32> to vector<64x2048xf32>
    %dot_general3A_54 = arith.constant dense<0.000000e+00> : vector<64x128xf32>
    %dot_general3A_55 = tpu.matmul %convert_element_type3A_53, %select_n3A, %dot_general3A_54 {dimension_numbers = #tpu.dot_dimension_numbers<[1], [0], [0], [1], [0, 0, 1, 1], [], []>, transpose_lhs_hint = false} : vector<64x2048xf32>, vector<2048x128xf32>, vector<64x128xf32> -> vector<64x128xf32>
    %eq3A_56 = arith.constant 0 : i32
    %eq3A_57 = arith.cmpi eq, %arg0, %eq3A_56 : i32
    %convert_element_type3A_58 = arith.extui %eq3A_57 : i1 to i32
    %cond3A = arith.constant 0 : i32
    %cond3A_59 = arith.cmpi ne, %convert_element_type3A_58, %cond3A : i32
    scf.if %cond3A_59 {
      %swap3A_64 = arith.constant 0 : index
      %swap3A_65 = arith.constant 0 : index
      %swap3A_66 = vector.load %arg9[%swap3A_64, %swap3A_65] : memref<64x128xf32, #tpu.memory_space<vmem>>, vector<64x128xf32>
      tpu.vector_store %arg9[%swap3A_64, %swap3A_65], %dot_general3A_55 {strides = array<i32>} : memref<64x128xf32, #tpu.memory_space<vmem>>, vector<64x128xf32>,
    } else {
    }
    %ne3A = arith.constant 0 : i32
    %ne3A_60 = arith.cmpi ne, %arg0, %ne3A : i32
    %convert_element_type3A_61 = arith.extui %ne3A_60 : i1 to i32
    %cond3A_62 = arith.constant 0 : i32
    %cond3A_63 = arith.cmpi ne, %convert_element_type3A_61, %cond3A_62 : i32
    scf.if %cond3A_63 {
      %get3A_64 = arith.constant 0 : index
      %get3A_65 = arith.constant 0 : index
      %get3A_66 = vector.load %arg9[%get3A_64, %get3A_65] : memref<64x128xf32, #tpu.memory_space<vmem>>, vector<64x128xf32>
      %add3A_67 = arith.addf %get3A_66, %dot_general3A_55 : vector<64x128xf32>
      %swap3A_68 = arith.constant 0 : index
      %swap3A_69 = arith.constant 0 : index
      %swap3A_70 = vector.load %arg9[%swap3A_68, %swap3A_69] : memref<64x128xf32, #tpu.memory_space<vmem>>, vector<64x128xf32>
      tpu.vector_store %arg9[%swap3A_68, %swap3A_69], %add3A_67 {strides = array<i32>} : memref<64x128xf32, #tpu.memory_space<vmem>>, vector<64x128xf32>,
    } else {
    }
    return
  }
  func.func @transform_0(%arg0: i32) -> (i32, i32) {
    %c0_i32 = arith.constant 0 : i32
    %c0_i32_0 = arith.constant 0 : i32
    return %arg0, %c0_i32 : i32, i32
  }
  func.func @transform_1(%arg0: i32) -> (i32, i32, i32) {
    %c0_i32 = arith.constant 0 : i32
    %c0_i32_0 = arith.constant 0 : i32
    %c0_i32_1 = arith.constant 0 : i32
    return %c0_i32, %arg0, %c0_i32_0 : i32, i32, i32
  }
  func.func @transform_2(%arg0: i32) -> i32 {
    %c0_i32 = arith.constant 0 : i32
    %c0_i32_0 = arith.constant 0 : i32
    return %c0_i32 : i32
  }
  func.func @transform_3(%arg0: i32) -> (i32, i32) {
    %c0_i32 = arith.constant 0 : i32
    %c0_i32_0 = arith.constant 0 : i32
    %c0_i32_1 = arith.constant 0 : i32
    return %c0_i32, %c0_i32_0 : i32, i32
  }
  func.func @transform_4(%arg0: i32) -> (i32, i32) {
    %c0_i32 = arith.constant 0 : i32
    %c0_i32_0 = arith.constant 0 : i32
    %c0_i32_1 = arith.constant 0 : i32
    return %c0_i32, %c0_i32_0 : i32, i32
  }
  func.func @transform_5(%arg0: i32) -> (i32, i32) {
    %c0_i32 = arith.constant 0 : i32
    %c0_i32_0 = arith.constant 0 : i32
    %c0_i32_1 = arith.constant 0 : i32
    return %c0_i32, %c0_i32_0 : i32, i32
  }
  func.func @transform_6(%arg0: i32) -> (i32, i32) {
    %c0_i32 = arith.constant 0 : i32
    %c0_i32_0 = arith.constant 0 : i32
    %c0_i32_1 = arith.constant 0 : i32
    return %c0_i32, %c0_i32_0 : i32, i32
  }
  func.func @transform_7(%arg0: i32) -> (i32, i32) {
    %c0_i32 = arith.constant 0 : i32
    %c0_i32_0 = arith.constant 0 : i32
    return %arg0, %c0_i32 : i32, i32
  }
  func.func @transform_8(%arg0: i32) -> (i32, i32) {
    %c0_i32 = arith.constant 0 : i32
    %c0_i32_0 = arith.constant 0 : i32
    %c0_i32_1 = arith.constant 0 : i32
    return %c0_i32, %c0_i32_0 : i32, i32
  }
}

module attributes {stable_mosaic.version = 14 : i64} {
  func.func @_tc_layer_body(%arg0: i32, %arg1: memref<2048x128xf32, #tpu.memory_space<vmem>>, %arg2: memref<2x2048x128xf32, #tpu.memory_space<vmem>>, %arg3: memref<10240xi32, #tpu.memory_space<vmem>>, %arg4: memref<128x128xf32, #tpu.memory_space<vmem>>, %arg5: memref<1x128xf32, #tpu.memory_space<vmem>>, %arg6: memref<128x128xf32, #tpu.memory_space<vmem>>, %arg7: memref<1x128xf32, #tpu.memory_space<vmem>>, %arg8: memref<2048x128xf32, #tpu.memory_space<vmem>>, %arg9: memref<64x128xf32, #tpu.memory_space<vmem>>) attributes {dimension_semantics = [#tpu.dimension_semantics<arbitrary>], iteration_bounds = array<i64: 5>, scalar_prefetch = 0 : i64, scratch_operands = 0 : i64, tpu.core_type = #tpu.core_type<tc>, window_params = [{transform_indices = @transform_0, window_bounds = array<i64: 2048, 128>}, {transform_indices = @transform_1, window_bounds = array<i64: 2, 2048, 128>}, {pipeline_mode = #tpu.pipeline_mode<synchronous>, transform_indices = @transform_2, window_bounds = array<i64: 10240>}, {pipeline_mode = #tpu.pipeline_mode<synchronous>, transform_indices = @transform_3, window_bounds = array<i64: 128, 128>}, {pipeline_mode = #tpu.pipeline_mode<synchronous>, transform_indices = @transform_4, window_bounds = array<i64: 1, 128>}, {pipeline_mode = #tpu.pipeline_mode<synchronous>, transform_indices = @transform_5, window_bounds = array<i64: 128, 128>}, {pipeline_mode = #tpu.pipeline_mode<synchronous>, transform_indices = @transform_6, window_bounds = array<i64: 1, 128>}, {transform_indices = @transform_7, window_bounds = array<i64: 2048, 128>}, {pipeline_mode = #tpu.pipeline_mode<synchronous>, transform_indices = @transform_8, window_bounds = array<i64: 64, 128>}]} {
    %get3A = arith.constant 0 : index
    %get3A_0 = arith.constant 0 : index
    %get3A_1 = vector.load %arg1[%get3A, %get3A_0] : memref<2048x128xf32, #tpu.memory_space<vmem>>, vector<2048x128xf32>
    %get3A_2 = arith.constant 0 : index
    %get3A_3 = arith.constant 0 : index
    %get3A_4 = arith.constant 0 : index
    %get3A_5 = vector.load %arg2[%get3A_2, %get3A_3, %get3A_4] : memref<2x2048x128xf32, #tpu.memory_space<vmem>>, vector<1x2048x128xf32>
    %get3A_6 = vector.shape_cast %get3A_5 : vector<1x2048x128xf32> to vector<2048x128xf32>
    %add3A = arith.addf %get3A_1, %get3A_6 : vector<2048x128xf32>
    %get3A_7 = arith.constant 1 : index
    %get3A_8 = arith.constant 0 : index
    %get3A_9 = arith.constant 0 : index
    %get3A_10 = vector.load %arg2[%get3A_7, %get3A_8, %get3A_9] : memref<2x2048x128xf32, #tpu.memory_space<vmem>>, vector<1x2048x128xf32>
    %get3A_11 = vector.shape_cast %get3A_10 : vector<1x2048x128xf32> to vector<2048x128xf32>
    %add3A_12 = arith.addf %add3A, %get3A_11 : vector<2048x128xf32>
    %get3A_13 = arith.constant 0 : index
    %get3A_14 = arith.constant 0 : index
    %get3A_15 = vector.load %arg4[%get3A_13, %get3A_14] : memref<128x128xf32, #tpu.memory_space<vmem>>, vector<128x128xf32>
    %dot_general3A = arith.constant dense<0.000000e+00> : vector<2048x128xf32>
    %dot_general3A_16 = tpu.matmul %add3A_12, %get3A_15, %dot_general3A {dimension_numbers = #tpu.dot_dimension_numbers<[1], [0], [0], [1], [0, 0, 1, 1], [], []>, transpose_lhs_hint = false} : vector<2048x128xf32>, vector<128x128xf32>, vector<2048x128xf32> -> vector<2048x128xf32>
    %get3A_17 = arith.constant 0 : index
    %get3A_18 = arith.constant 0 : index
    %get3A_19 = vector.load %arg5[%get3A_17, %get3A_18] : memref<1x128xf32, #tpu.memory_space<vmem>>, vector<1x128xf32>
    %add3A_20 = vector.broadcast %get3A_19 : vector<1x128xf32> to vector<2048x128xf32>
    %add3A_21 = arith.addf %dot_general3A_16, %add3A_20 : vector<2048x128xf32>
    %max3A = arith.constant 0.000000e+00 : f32
    %max3A_22 = vector.broadcast %max3A : f32 to vector<2048x128xf32>
    %max3A_23 = arith.maximumf %add3A_21, %max3A_22 : vector<2048x128xf32>
    %get3A_24 = arith.constant 0 : index
    %get3A_25 = arith.constant 0 : index
    %get3A_26 = vector.load %arg6[%get3A_24, %get3A_25] : memref<128x128xf32, #tpu.memory_space<vmem>>, vector<128x128xf32>
    %dot_general3A_27 = arith.constant dense<0.000000e+00> : vector<2048x128xf32>
    %dot_general3A_28 = tpu.matmul %max3A_23, %get3A_26, %dot_general3A_27 {dimension_numbers = #tpu.dot_dimension_numbers<[1], [0], [0], [1], [0, 0, 1, 1], [], []>, transpose_lhs_hint = false} : vector<2048x128xf32>, vector<128x128xf32>, vector<2048x128xf32> -> vector<2048x128xf32>
    %get3A_29 = arith.constant 0 : index
    %get3A_30 = arith.constant 0 : index
    %get3A_31 = vector.load %arg7[%get3A_29, %get3A_30] : memref<1x128xf32, #tpu.memory_space<vmem>>, vector<1x128xf32>
    %add3A_32 = vector.broadcast %get3A_31 : vector<1x128xf32> to vector<2048x128xf32>
    %add3A_33 = arith.addf %dot_general3A_28, %add3A_32 : vector<2048x128xf32>
    %max3A_34 = arith.constant 0.000000e+00 : f32
    %max3A_35 = vector.broadcast %max3A_34 : f32 to vector<2048x128xf32>
    %max3A_36 = arith.maximumf %add3A_33, %max3A_35 : vector<2048x128xf32>
    %iota3A = tpu.iota {dimensions = array<i32: 0>} : vector<2048x1xi32>
    %mul3A = arith.constant 2048 : i32
    %mul3A_37 = arith.muli %arg0, %mul3A : i32
    %add3A_38 = vector.broadcast %mul3A_37 : i32 to vector<2048x1xi32>
    %add3A_39 = arith.addi %iota3A, %add3A_38 : vector<2048x1xi32>
    %lt3A = arith.constant 10000 : i32
    %lt3A_40 = vector.broadcast %lt3A : i32 to vector<2048x1xi32>
    %lt3A_41 = arith.cmpi slt, %add3A_39, %lt3A_40 : vector<2048x1xi32>
    %jit3A = arith.constant 0.000000e+00 : f32
    %broadcast_in_dim3A = vector.shape_cast %lt3A_41 : vector<2048x1xi1> to vector<2048x1xi1>
    %broadcast_in_dim3A_42 = vector.broadcast %broadcast_in_dim3A : vector<2048x1xi1> to vector<2048x128xi1>
    %broadcast_in_dim3A_43 = vector.broadcast %jit3A : f32 to vector<2048x128xf32>
    %select_n3A = arith.select %broadcast_in_dim3A_42, %max3A_36, %broadcast_in_dim3A_43 : vector<2048x128xi1>, vector<2048x128xf32>
    %swap3A = arith.constant 0 : index
    %swap3A_44 = arith.constant 0 : index
    %swap3A_45 = vector.load %arg8[%swap3A, %swap3A_44] : memref<2048x128xf32, #tpu.memory_space<vmem>>, vector<2048x128xf32>
    tpu.vector_store %arg8[%swap3A, %swap3A_44], %select_n3A {strides = array<i32>} : memref<2048x128xf32, #tpu.memory_space<vmem>>, vector<2048x128xf32>,
    %mul3A_46 = arith.constant 2048 : i32
    %mul3A_47 = arith.muli %arg0, %mul3A_46 : i32
    %get3A_48 = arith.index_cast %mul3A_47 : i32 to index
    %get3A_49 = vector.load %arg3[%get3A_48] : memref<10240xi32, #tpu.memory_space<vmem>>, vector<2048xi32>
    %iota3A_50 = tpu.iota {dimensions = array<i32: 0>} : vector<64x2048xi32>
    %broadcast_in_dim3A_51 = vector.shape_cast %get3A_49 : vector<2048xi32> to vector<1x2048xi32>
    %eq3A = vector.broadcast %broadcast_in_dim3A_51 : vector<1x2048xi32> to vector<64x2048xi32>
    %eq3A_52 = arith.cmpi eq, %iota3A_50, %eq3A : vector<64x2048xi32>
    %convert_element_type3A = arith.extui %eq3A_52 : vector<64x2048xi1> to vector<64x2048xi32>
    %convert_element_type3A_53 = arith.sitofp %convert_element_type3A : vector<64x2048xi32> to vector<64x2048xf32>
    %dot_general3A_54 = arith.constant dense<0.000000e+00> : vector<64x128xf32>
    %dot_general3A_55 = tpu.matmul %convert_element_type3A_53, %select_n3A, %dot_general3A_54 {dimension_numbers = #tpu.dot_dimension_numbers<[1], [0], [0], [1], [0, 0, 1, 1], [], []>, transpose_lhs_hint = false} : vector<64x2048xf32>, vector<2048x128xf32>, vector<64x128xf32> -> vector<64x128xf32>
    %eq3A_56 = arith.constant 0 : i32
    %eq3A_57 = arith.cmpi eq, %arg0, %eq3A_56 : i32
    %convert_element_type3A_58 = arith.extui %eq3A_57 : i1 to i32
    %cond3A = arith.constant 0 : i32
    %cond3A_59 = arith.cmpi ne, %convert_element_type3A_58, %cond3A : i32
    scf.if %cond3A_59 {
      %swap3A_64 = arith.constant 0 : index
      %swap3A_65 = arith.constant 0 : index
      %swap3A_66 = vector.load %arg9[%swap3A_64, %swap3A_65] : memref<64x128xf32, #tpu.memory_space<vmem>>, vector<64x128xf32>
      tpu.vector_store %arg9[%swap3A_64, %swap3A_65], %dot_general3A_55 {strides = array<i32>} : memref<64x128xf32, #tpu.memory_space<vmem>>, vector<64x128xf32>,
    } else {
    }
    %ne3A = arith.constant 0 : i32
    %ne3A_60 = arith.cmpi ne, %arg0, %ne3A : i32
    %convert_element_type3A_61 = arith.extui %ne3A_60 : i1 to i32
    %cond3A_62 = arith.constant 0 : i32
    %cond3A_63 = arith.cmpi ne, %convert_element_type3A_61, %cond3A_62 : i32
    scf.if %cond3A_63 {
      %get3A_64 = arith.constant 0 : index
      %get3A_65 = arith.constant 0 : index
      %get3A_66 = vector.load %arg9[%get3A_64, %get3A_65] : memref<64x128xf32, #tpu.memory_space<vmem>>, vector<64x128xf32>
      %add3A_67 = arith.addf %get3A_66, %dot_general3A_55 : vector<64x128xf32>
      %swap3A_68 = arith.constant 0 : index
      %swap3A_69 = arith.constant 0 : index
      %swap3A_70 = vector.load %arg9[%swap3A_68, %swap3A_69] : memref<64x128xf32, #tpu.memory_space<vmem>>, vector<64x128xf32>
      tpu.vector_store %arg9[%swap3A_68, %swap3A_69], %add3A_67 {strides = array<i32>} : memref<64x128xf32, #tpu.memory_space<vmem>>, vector<64x128xf32>,
    } else {
    }
    return
  }
  func.func @transform_0(%arg0: i32) -> (i32, i32) {
    %c0_i32 = arith.constant 0 : i32
    %c0_i32_0 = arith.constant 0 : i32
    return %arg0, %c0_i32 : i32, i32
  }
  func.func @transform_1(%arg0: i32) -> (i32, i32, i32) {
    %c0_i32 = arith.constant 0 : i32
    %c0_i32_0 = arith.constant 0 : i32
    %c0_i32_1 = arith.constant 0 : i32
    return %c0_i32, %arg0, %c0_i32_0 : i32, i32, i32
  }
  func.func @transform_2(%arg0: i32) -> i32 {
    %c0_i32 = arith.constant 0 : i32
    %c0_i32_0 = arith.constant 0 : i32
    return %c0_i32 : i32
  }
  func.func @transform_3(%arg0: i32) -> (i32, i32) {
    %c0_i32 = arith.constant 0 : i32
    %c0_i32_0 = arith.constant 0 : i32
    %c0_i32_1 = arith.constant 0 : i32
    return %c0_i32, %c0_i32_0 : i32, i32
  }
  func.func @transform_4(%arg0: i32) -> (i32, i32) {
    %c0_i32 = arith.constant 0 : i32
    %c0_i32_0 = arith.constant 0 : i32
    %c0_i32_1 = arith.constant 0 : i32
    return %c0_i32, %c0_i32_0 : i32, i32
  }
  func.func @transform_5(%arg0: i32) -> (i32, i32) {
    %c0_i32 = arith.constant 0 : i32
    %c0_i32_0 = arith.constant 0 : i32
    %c0_i32_1 = arith.constant 0 : i32
    return %c0_i32, %c0_i32_0 : i32, i32
  }
  func.func @transform_6(%arg0: i32) -> (i32, i32) {
    %c0_i32 = arith.constant 0 : i32
    %c0_i32_0 = arith.constant 0 : i32
    %c0_i32_1 = arith.constant 0 : i32
    return %c0_i32, %c0_i32_0 : i32, i32
  }
  func.func @transform_7(%arg0: i32) -> (i32, i32) {
    %c0_i32 = arith.constant 0 : i32
    %c0_i32_0 = arith.constant 0 : i32
    return %arg0, %c0_i32 : i32, i32
  }
  func.func @transform_8(%arg0: i32) -> (i32, i32) {
    %c0_i32 = arith.constant 0 : i32
    %c0_i32_0 = arith.constant 0 : i32
    %c0_i32_1 = arith.constant 0 : i32
    return %c0_i32, %c0_i32_0 : i32, i32
  }
}

</mosaic_0001>

<sc_bundles>
// kernel: kernel.11.cloned.1.call-start
scs
__scs_entry_jumppad:
0x0: {  	(pc) =	sbr.rel $0x88, $3  }
0x1: {  	(tag) =	ssettag $0x0;
	lr =	simm.s32 $0x1  }
0x2: {  	[smem:$0x3F92] =	sst lr;
	_ =	strace $0xD0000000  }
0x3: {  	_ = 	snop  }
0x4: {  	_ = 	snop  }
0x5: {  	_ = 	snop  }
0x6: {  	_ = 	snop  }
0x7: {  	_ = 	snop  }
__scs_overlays_trampoline_lowered:
0x8: {  	[smem:$0x3FA1] =	sst s0  }
0x9: {  	[smem:$0x3FA2] =	sst s1  }
0xa: {  	[smem:$0x3FA3] =	sst s2  }
0xb: {  	[smem:$0x3FA4] =	sst s3  }
0xc: {  	[smem:$0x3FA5] =	sst s4  }
0xd: {  	[smem:$0x3FA6] =	sst s5  }
0xe: {  	[smem:$0x3FA7] =	sst s6  }
0xf: {  	[smem:$0x3FA8] =	sst s7  }
0x10: {  	[smem:$0x3FA9] =	sst s8  }
0x11: {  	[smem:$0x3FAA] =	sst s9;
	s0 =	simm.s32 @!p0 $0x0  }
0x12: {  	s1 =	sld [smem:$0x3F90];
	s0 =	simm.s32 @p0 $0x1  }
0x13: {  	[smem:$0x3FAB] =	sst s0;
	s0 =	simm.s32 @!p1 $0x0  }
0x14: {  	s2 =	sld [smem:$0x3F8F];
	s0 =	simm.s32 @p1 $0x1  }
0x15: {  	[smem:$0x3FAC] =	sst s0;
	s0 =	simm.s32 @!p2 $0x0  }
0x16: {  	s3 =	sld [smem:$0x3FDB];
	s0 =	simm.s32 @p2 $0x1  }
0x17: {  	s4 =	simm.s32 $0x1BF5;
	[smem:$0x3FAE] =	sst s0  }
0x18: {  	s0 =	sld [smem:$0x3F91];
	_ =	swait.ge [sflag:s4], $0x0  }
0x19: {  	s7 =	sld [smem:$0x3F92]  }
0x1a: {  	s8 =	sadd.s32 $0xFFFFE003, lr  }
0x1b: {  	s9 =	sadd.s32 $0xFFFFFEF7, lr;
	s5 =	simm.s32 $0xFFFFFFFF;
	p2 =	slt.u32 s8, $0xFFFFF086  }
0x1c: {  	p1 =	slt.u32 s9, $0xF7A;
	s5 =	simm.s32 @!p2 $0x0  }
0x1d: {  	s5 =	simm.s32 @p1 $0x1;
	p0 =	seq.s32 s7, s2  }
0x1e: {  	s7 =	smul.u32 @!p0 $0xF7A, s2;
	p2 =	seq.s32 @!p0 s5, $0x0  }
0x1f: {  	s9 =	smul.u32 $0xF7A, s1;
	s8 =	simm.s32 @!p0 $0x1BF5;
	p2 =	por !p2, p0  }
0x20: {  	[sflag:s8] =	ssyncset.s32 @!p0 $0xFFFFF086;
	s6 =	sadd.s32 @!p0 s3, s7;
	s7 =	simm.s32 @!p0 $0x108  }
0x21: {  	s3 =	sadd.s32 s3, s9;
	s6 =	sadd.s32 @!p0 $0x88, s6;
	s7 =	simm.s32 @p2 $0x1082  }
0x22: {  	[simem:s7], [sflag:s8] =	dma.local @!p0 [hbm:s6], $0xF7A  }
0x23: {  	s9 =	sor.u32 $0xD0000000, s2;
	s6 =	simm.s32 $0x108;
	_ =	swait.ge @!p0 [sflag:s8], $0x0  }
0x24: {  	s3 =	sadd.s32 $0x88, s3;
	s6 =	simm.s32 @!p1 $0x1082;
	[sflag:s4] =	ssyncset.s32 $0xFFFFF086  }
0x25: {  	[simem:s6], [sflag:s4] =	dma.local [hbm:s3], $0xF7A  }
0x26: {  	[smem:$0x3F92] =	sst s1;
	(tag) =	ssettag s2;
	_ =	strace s9  }
0x27: {  	s1 =	sld [smem:$0x3FA2]  }
0x28: {  	s2 =	sld [smem:$0x3FA3]  }
0x29: {  	s4 =	sld [smem:$0x3FA5]  }
0x2a: {  	p0 =	seq.s32 s5, $0x0;
	s5 =	sld [smem:$0x3FA6]  }
0x2b: {  	s6 =	sld [smem:$0x3FA7]  }
0x2c: {  	s7 =	sld [smem:$0x3FA8]  }
0x2d: {  	s3 =	simm.s32 $0x108;
	s8 =	sld [smem:$0x3FA9]  }
0x2e: {  	s3 =	simm.s32 @!p0 $0x1082;
	s9 =	sld [smem:$0x3FAA]  }
0x2f: {  	lr =	sadd.s32 s0, s3;
	s0 =	sld [smem:$0x3FA1]  }
0x30: {  	s3 =	sld [smem:$0x3FA4]  }
0x31: {  	[smem:$0x3FAD] =	sst s10  }
0x32: {  	s10 =	sld [smem:$0x3FAB];
	_ =	sdelay $0x3  }
0x33: {  	p0 =	seq.s32 s10, $0x1;
	s10 =	sld [smem:$0x3FAD];
	_ =	sdelay $0x3  }
0x34: {  	[smem:$0x3FAD] =	sst s10  }
0x35: {  	s10 =	sld [smem:$0x3FAC];
	_ =	sdelay $0x3  }
0x36: {  	p1 =	seq.s32 s10, $0x1;
	s10 =	sld [smem:$0x3FAD];
	_ =	sdelay $0x3  }
0x37: {  	[smem:$0x3FAD] =	sst s10  }
0x38: {  	s10 =	sld [smem:$0x3FAE]  }
0x39: {  	_ = 	snop;
	(pc) =	sbr.ind lr, $3  }
0x3a: {  	_ = 	snop  }
0x3b: {  	_ = 	snop  }
0x3c: {  	p2 =	seq.s32 s10, $0x1;
	s10 =	sld [smem:$0x3FAD]  }
0x3d: {  	_ =	shalt  }
0x3e: {  	_ =	shalt  }
0x3f: {  	_ =	shalt  }
0x40: {  	_ =	shalt  }
0x41: {  	_ =	shalt  }
0x42: {  	_ =	shalt  }
0x43: {  	_ =	shalt  }
0x44: {  	_ =	shalt  }
0x45: {  	_ =	shalt  }
0x46: {  	_ =	shalt  }
0x47: {  	_ =	shalt  }
0x48: {  	_ =	shalt  }
0x49: {  	_ =	shalt  }
0x4a: {  	_ =	shalt  }
0x4b: {  	_ =	shalt  }
0x4c: {  	_ =	shalt  }
0x4d: {  	_ =	shalt  }
0x4e: {  	_ =	shalt  }
0x4f: {  	_ =	shalt  }
0x50: {  	_ =	shalt  }
0x51: {  	_ =	shalt  }
0x52: {  	_ =	shalt  }
0x53: {  	_ =	shalt  }
0x54: {  	_ =	shalt  }
0x55: {  	_ =	shalt  }
0x56: {  	_ =	shalt  }
0x57: {  	_ =	shalt  }
0x58: {  	_ =	shalt  }
0x59: {  	_ =	shalt  }
0x5a: {  	_ =	shalt  }
0x5b: {  	_ =	shalt  }
0x5c: {  	_ =	shalt  }
0x5d: {  	_ =	shalt  }
0x5e: {  	_ =	shalt  }
0x5f: {  	_ =	shalt  }
0x60: {  	_ =	shalt  }
0x61: {  	_ =	shalt  }
0x62: {  	_ =	shalt  }
0x63: {  	_ =	shalt  }
0x64: {  	_ =	shalt  }
0x65: {  	_ =	shalt  }
0x66: {  	_ =	shalt  }
0x67: {  	_ =	shalt  }
0x68: {  	_ =	shalt  }
0x69: {  	_ =	shalt  }
0x6a: {  	_ =	shalt  }
0x6b: {  	_ =	shalt  }
0x6c: {  	_ =	shalt  }
0x6d: {  	_ =	shalt  }
0x6e: {  	_ =	shalt  }
0x6f: {  	_ =	shalt  }
0x70: {  	_ =	shalt  }
0x71: {  	_ =	shalt  }
0x72: {  	_ =	shalt  }
0x73: {  	_ =	shalt  }
0x74: {  	_ =	shalt  }
0x75: {  	_ =	shalt  }
0x76: {  	_ =	shalt  }
0x77: {  	_ =	shalt  }
0x78: {  	_ =	shalt  }
0x79: {  	_ =	shalt  }
0x7a: {  	_ =	shalt  }
0x7b: {  	_ =	shalt  }
0x7c: {  	_ =	shalt  }
0x7d: {  	_ =	shalt  }
0x7e: {  	_ =	shalt  }
0x7f: {  	_ =	shalt  }
0x80: {  	_ =	shalt  }
0x81: {  	_ =	shalt  }
0x82: {  	_ =	shalt  }
0x83: {  	_ =	shalt  }
0x84: {  	_ =	shalt  }
0x85: {  	_ =	shalt  }
0x86: {  	_ =	shalt  }
0x87: {  	_ =	shalt  }
.Lfunc_end0:
.L_simem_size_0:
called_computation.1_lowered:
.L_overlay_start_0:
0x88: {  	s2 =	sld [smem:$0x3FD9]  }
0x89: {  	s3 =	sld [smem:$0x3FFE];
	_ =	sdelay $0x1  }
0x8a: {  	s1 =	srdreg.scid  }
0x8b: {  	s0 =	sand.u32 $0x1, s1  }
0x8c: {  	s16 =	sshll.u32 s0, $0xA;
	s2 =	sadd.s32 s3, s2  }
0x8d: {  	s2 =	sadd.s32 s2, s16  }
0x8e: {  	[smem:$0x3FB9] =	sst s2  }
0x8f: {  	_ = 	snop  }
0x90: {  	(tm) =	ssettm $0x1  }
0x91: {  	s17 =	sld [smem:$0x3FFB];
	_ =	sdelay $0x3  }
0x92: {  	_ =	strace s17  }
0x93: {  	s2 =	sld [smem:$0x3FFC];
	_ =	sdelay $0x3  }
0x94: {  	_ =	strace s2  }
0x95: {  	s2 =	sld [smem:$0x3FFD];
	_ =	sdelay $0x3  }
0x96: {  	_ =	strace s2  }
0x97: {  	_ =	strace $0x8FFFFFFF  }
0x98: {  	s18 =	sld [smem:$0x3FDB];
	_ =	sdelay $0x1  }
0x99: {  	s19 =	simm.s32 $_scs_section_size  }
0x9a: {  	s4 =	simm.s32 $_size__tile_overlayer_lowered;
	s5 =	simm.s32 $_tile_overlayer_lowered  }
0x9b: {  	s22 =	simm.s32 $0x1BFF;
	s21 =	sshll.u32 s5, $0x1;
	s2 =	sadd.s32 s19, s18  }
0x9c: {  	s6 =	simm.s32 $0x0;
	s20 =	sshll.u32 s4, $0x1;
	s4 =	sadd.s32 s21, s2  }
0x9d: {  	[timem:s6], [sflag:s22] =	dma.local [hbm:s4], s20  }
0x9e: {  	_ =	swait.ge [sflag:s22], s20  }
0x9f: {  	s3 =	ssub.s32 $0x0, s20;
	[sflag:s22] =	ssyncset.done $0x0  }
0xa0: {  	[sflag:s22] =	ssyncadd.s32 s3;
	_ =	sdelay $0x1  }
0xa1: {  	s23 =	simm.s32 $0x1B8B  }
0xa2: {  	_ =	swait.ge [sflag:s23], $0x1  }
0xa3: {  	[sflag:s23] =	ssyncset.done $0x0  }
0xa4: {  	s25 =	simm.s32 $0x1B8E;
	s24 =	sld [smem:$0x3FFE];
	[sflag:s23] =	ssyncadd.s32 $0xFFFFFFFF  }
0xa5: {  	s26 =	simm.s32 $execute0_lowered;
	[smem:$0x3FD2] =	sst s25  }
0xa6: {  	s4 =	sshll.u32 s26, $0x1;
	_ =	strace $0x80000049;
	[dreg:$0x1] =	wrdreg $0xFFFFFFFF  }
0xa7: {  	s28 =	simm.s32 $_size_execute0_lowered;
	s2 =	sadd.s32 s2, s4;
	[dreg:$0x0] =	wrdreg $0x0  }
0xa8: {  	s4 =	sshll.u32 s28, $0x1;
	[dreg:$0x2] =	wrdreg s2  }
0xa9: {  	[dreg:$0x3] =	wrdreg s4  }
0xaa: {  	[dreg:$0x4] =	wrdreg $0xC0  }
0xab: {  	_ =	task [dreg:s6], $0x5FFFF  }
0xac: {  	[dreg:$0x1] =	wrdreg $0xFFFFFFFF  }
0xad: {  	[dreg:$0x0] =	wrdreg $0x60  }
0xae: {  	[dreg:$0x2] =	wrdreg s24  }
0xaf: {  	[dreg:$0x3] =	wrdreg $0x0  }
0xb0: {  	[dreg:$0x4] =	wrdreg $0x9  }
0xb1: {  	_ =	task.clear_ibuf [dreg:s6], $0x5FFFF;
	_ =	strace $0x90000049  }
0xb2: {  	s29 =	simm.s32 $0x9;
	_ =	strace $0x8000004B  }
0xb3: {  	_ =	swait.ge [sflag:s29], $0x1  }
0xb4: {  	[sflag:s29] =	ssyncadd.s32 $0xFFFFFFFF  }
0xb5: {  	_ =	strace $0x9000004B  }
0xb6: {  	_ =	sfence  }
0xb7: {  	s30 =	sld [smem:$0x0];
	_ =	sdelay $0x2  }
0xb8: {  	s31 =	sshll.u32 s1, $0xD;
	s1 =	sshrl.u32 s1, $0x2  }
0xb9: {  	s3 =	sand.u32 $0x4000, s31;
	s1 =	sadd.s32 s1, s30  }
0xba: {  	s0 =	sor.u32 s3, s0;
	s1 =	sshll.u32 s1, $0x11  }
0xbb: {  	s0 =	sor.u32 s1, s0  }
0xbc: {  	s0 =	sadd.s32 $0x8F2B, s0  }
0xbd: {  	[sflag:s0] =	ssyncadd.remote.s32 $0x1  }
0xbe: {  	_ =	sfence.sel $0xFFFF  }
0xbf: {  	[dreg:$0x0] =	wrdreg $0xFFFFFFFF;
	(pc) =	sbr.abs _section_cstart, $3  }
0xc0: {  	[dreg:$0x1] =	wrdreg $0xFFFFFFFF  }
0xc1: {  	_ =	task.clear_ibuf [dreg:s6], $0x2FFFF;
	_ =	strace $0x9FFFFFFF  }
0xc2: {  	(tm) =	ssettm $0x7FFFFFFF  }
0xc3: {  	_ =	shalt  }
tec
execute0_lowered:
.L_overlay_start_1:
0x0: {  	(tag) =	ssettag $0x1  }
0x1: {  	s5 =	rddreg [dreg:$0x0];
	s0 =	srdreg.scid  }
0x2: {  	s2 =	rddreg [dreg:$0x1];
	s1 =	stileid.u32;
	s3 =	simm.s32 $0x0  }
0x3: {  	s16 =	simm.s32 $0x16800;
	s17 =	simm.s32 $0x14000;
	s18 =	simm.s32 $0x3  }
0x4: {  	s19 =	simm.s32 $0x15400;
	s20 =	simm.s32 $0x2;
	s21 =	simm.s32 $0x80  }
0x5: {  	s22 =	simm.s32 $0x14080;
	s23 =	simm.s32 $0x1A800;
	s7 =	smul.u32 $0x2800, s1  }
0x6: {  	s24 =	simm.s32 $0x1;
	s25 =	simm.s32 $0x16700;
	s9 =	smul.u32 $0x14000, s1  }
0x7: {  	s6 =	sand.u32 $0x1, s0;
	s0 =	rddreg [dreg:$0x2];
	s10 =	smul.u32 $0x50000, s1  }
0x8: {  	s26 =	simm.s32 $0x16780;
	[smem:$0x7FF] =	sst s3;
	s4 =	smul.u32 $0x28000, s6  }
0x9: {  	s8 =	smul.u32 $0x140000, s6;
	_ =	strace $0x8000004A;
	s6 =	ssub.s32 $0x2, s6  }
0xa: {  	s30 =	sshrl.u32 s6, $0x1;
	s31 =	sshrl.u32 s10, $0x2;
	s7 =	sadd.s32 s7, s4  }
0xb: {  	s4 =	sadd.s32 $0x19800, s5;
	s29 =	sadd.s32 s9, s8;
	s7 =	sshrl.u32 s7, $0x3  }
0xc: {  	s15 =	ssub.s32 s6, s30;
	s13 =	sadd.s32 s7, s5;
	s7 =	sshrl.u32 s29, $0x3  }
0xd: {  	s15 =	smax.u32 s15, $0x1;
	s14 =	sadd.s32 s7, s5;
	s5 =	sadd.s32 s31, s2  }
0xe: {  	s10 =	sadd.s32 $0x5800, s13;
	s11 =	sadd.s32 $0xF800, s13;
	s12 =	sadd.s32 $0x5A80, s13  }
0xf: {  	s13 =	sadd.s32 $0xFA80, s13;
	s6 =	sadd.s32 $0x4000, s5;
	s7 =	sadd.s32 $0x8000, s5  }
0x10: {  	v0 =	vimm.f32 $0.0e+00;
	s8 =	sadd.s32 $0xC000, s5;
	s9 =	sadd.s32 $0x10000, s5;
	s14 =	sadd.s32 $0x41800, s14  }
.LBB2_1:
0x11: {  	s28 =	simm.s32 $0x0;
	s29 =	simm.s32 $0x200  }
.LBB2_2:
0x12: {  	p0 =	sne.s32 s29, $0xFE00;
	[tilespmem:s28+$0x16870] =	vst v0  }
0x13: {  	[tilespmem:s28+$0x16800] =	vst v0  }
0x14: {  	[tilespmem:s28+$0x16810] =	vst v0  }
.Ltmp0:
0x15: {  	[tilespmem:s28+$0x16820] =	vst v0;
	(pc) =	sbr.rel @p0 .LBB2_2-.Ltmp0, $4  }
0x16: {  	[tilespmem:s28+$0x16830] =	vst v0  }
0x17: {  	[tilespmem:s28+$0x16840] =	vst v0  }
0x18: {  	[tilespmem:s28+$0x16850] =	vst v0  }
0x19: {  	[tilespmem:s28+$0x16860] =	vst v0;
	s28 =	sshra.s32 s29, $0x2;
	s29 =	sadd.s32 $0x200, s29  }
0x1a: {  	[tilespmem:s28+$0x16870] =	vst v0  }
0x1b: {  	[tilespmem:s28+$0x16800] =	vst v0  }
0x1c: {  	[tilespmem:s28+$0x16810] =	vst v0  }
0x1d: {  	[tilespmem:s28+$0x16820] =	vst v0  }
0x1e: {  	[tilespmem:s28+$0x16830] =	vst v0  }
0x1f: {  	[tilespmem:s28+$0x16840] =	vst v0  }
0x20: {  	[tilespmem:s28+$0x16850] =	vst v0  }
0x21: {  	[tilespmem:s28+$0x16860] =	vst v0  }
0x22: {  	[spmem:s5] =	stream.linear.scatter [tilespmem:s16], [sflag:$0x2], $0x4000, $0x38;
	[tilespmem:$0x1E800] =	vst v63  }
0x23: {  	_ = 	snop  }
0x24: {  	[spmem:s6] =	stream.linear.scatter [tilespmem:s16], [sflag:$0x2], $0x4000, $0x38;
	[tilespmem:$0x1E800] =	vst v63  }
0x25: {  	_ = 	snop  }
0x26: {  	[spmem:s7] =	stream.linear.scatter [tilespmem:s16], [sflag:$0x2], $0x4000, $0x38;
	[tilespmem:$0x1E800] =	vst v63  }
0x27: {  	_ = 	snop  }
0x28: {  	[spmem:s8] =	stream.linear.scatter [tilespmem:s16], [sflag:$0x2], $0x4000, $0x38;
	[tilespmem:$0x1E800] =	vst v63  }
0x29: {  	_ = 	snop  }
0x2a: {  	[spmem:s9] =	stream.linear.scatter [tilespmem:s16], [sflag:$0x2], $0x4000, $0x38;
	[tilespmem:$0x1E800] =	vst v63  }
0x2b: {  	s28 =	simm.s32 $0x0  }
0x2c: {  	[tilespmem:s17], [sflag:$0x3] =	stream.linear.gather [hbm4b:s10+s28], $0x1400, $0x38;
	[tilespmem:$0x1E800] =	vst v63  }
0x2d: {  	_ =	swait.ge [sflag:s18], $0x1400  }
0x2e: {  	[sflag:s18] =	ssyncset.done $0x0  }
0x2f: {  	[sflag:s18] =	ssyncadd.s32 $0xFFFFEC00  }
0x30: {  	[tilespmem:s19], [sflag:$0x3] =	stream.linear.gather [hbm4b:s11+s28], $0x1400, $0x38;
	[tilespmem:$0x1E800] =	vst v63  }
0x31: {  	_ =	swait.ge [sflag:s18], $0x1400  }
0x32: {  	[sflag:s18] =	ssyncset.done $0x0  }
0x33: {  	[sflag:s18] =	ssyncadd.s32 $0xFFFFEC00  }
0x34: {  	_ =	swait.ge [sflag:s20], $0x4000  }
0x35: {  	[sflag:s20] =	ssyncset.done $0x0  }
0x36: {  	[sflag:s20] =	ssyncadd.s32 $0xFFFFC000  }
0x37: {  	_ =	swait.ge [sflag:s20], $0x4000  }
0x38: {  	[sflag:s20] =	ssyncset.done $0x0  }
0x39: {  	[sflag:s20] =	ssyncadd.s32 $0xFFFFC000  }
0x3a: {  	_ =	swait.ge [sflag:s20], $0x4000  }
0x3b: {  	[sflag:s20] =	ssyncset.done $0x0  }
0x3c: {  	[sflag:s20] =	ssyncadd.s32 $0xFFFFC000  }
0x3d: {  	_ =	swait.ge [sflag:s20], $0x4000  }
0x3e: {  	[sflag:s20] =	ssyncset.done $0x0  }
0x3f: {  	[sflag:s20] =	ssyncadd.s32 $0xFFFFC000  }
0x40: {  	_ =	swait.ge [sflag:s20], $0x4000  }
0x41: {  	[sflag:s20] =	ssyncset.done $0x0  }
0x42: {  	[sflag:s20] =	ssyncadd.s32 $0xFFFFC000  }
0x43: {  	[bflag:$0x0] =	sbarrier.arrive $0xFFFF  }
0x44: {  	[tilespmem:s16], [sflag:$0x1] =	stream.indirect.gather [hbm4b:s4+s21], $0x80, s17, s21, $0xb8;
	[tilespmem:$0x1E800] =	vst v63  }
0x45: {  	_ = 	snop  }
0x46: {  	[tilespmem:s23], [sflag:$0x2] =	stream.indirect.gather [hbm4b:s4+s21], $0x80, s22, s21, $0xb8;
	[tilespmem:$0x1E800] =	vst v63  }
0x47: {  	_ =	swait.ge [sflag:s24], $0x4000  }
0x48: {  	[sflag:s24] =	ssyncset.done $0x0  }
0x49: {  	s28 =	simm.s32 $0x15400;
	[sflag:s24] =	ssyncadd.s32 $0xFFFFC000  }
0x4a: {  	[spmem:s2] =	stream.indirect.scatter.add.f32 [tilespmem:s16], [sflag:$0x3], $0x80, s28, s21, $0xb8;
	[tilespmem:$0x1E800] =	vst v63  }
0x4b: {  	_ =	swait.ge [sflag:s18], $0x4000  }
0x4c: {  	[sflag:s18] =	ssyncset.done $0x0  }
0x4d: {  	s28 =	simm.s32 $0x14100;
	[sflag:s18] =	ssyncadd.s32 $0xFFFFC000  }
0x4e: {  	[tilespmem:s16], [sflag:$0x1] =	stream.indirect.gather [hbm4b:s4+s21], $0x80, s28, s21, $0xb8;
	[tilespmem:$0x1E800] =	vst v63  }
0x4f: {  	_ =	swait.ge [sflag:s20], $0x4000  }
0x50: {  	[sflag:s20] =	ssyncset.done $0x0  }
0x51: {  	s28 =	simm.s32 $0x15480;
	[sflag:s20] =	ssyncadd.s32 $0xFFFFC000  }
0x52: {  	[spmem:s2] =	stream.indirect.scatter.add.f32 [tilespmem:s23], [sflag:$0x3], $0x80, s28, s21, $0xb8;
	[tilespmem:$0x1E800] =	vst v63  }
0x53: {  	_ =	swait.ge [sflag:s18], $0x4000  }
0x54: {  	[sflag:s18] =	ssyncset.done $0x0  }
0x55: {  	s29 =	simm.s32 $0x14180;
	s28 =	simm.s32 $0x400;
	[sflag:s18] =	ssyncadd.s32 $0xFFFFC000  }
.LBB2_4:
0x56: {  	[tilespmem:s23], [sflag:$0x2] =	stream.indirect.gather [hbm4b:s4+s21], $0x80, s29, s21, $0xb8;
	[tilespmem:$0x1E800] =	vst v63  }
0x57: {  	s29 =	smov.u32 s28  }
0x58: {  	p0 =	sne.s32 s28, $0x4800;
	s28 =	sadd.s32 $0x400, s28;
	_ =	swait.ge [sflag:s24], $0x4000  }
0x59: {  	s29 =	sshra.s32 s29, $0x2;
	[sflag:s24] =	ssyncset.done $0x0  }
0x5a: {  	s30 =	sadd.s32 $0x15400, s29;
	[sflag:s24] =	ssyncadd.s32 $0xFFFFC000  }
0x5b: {  	[spmem:s2] =	stream.indirect.scatter.add.f32 [tilespmem:s16], [sflag:$0x3], $0x80, s30, s21, $0xb8;
	[tilespmem:$0x1E800] =	vst v63  }
0x5c: {  	_ =	swait.ge [sflag:s18], $0x4000  }
0x5d: {  	[sflag:s18] =	ssyncset.done $0x0  }
0x5e: {  	s30 =	sadd.s32 $0x14100, s29;
	[sflag:s18] =	ssyncadd.s32 $0xFFFFC000  }
0x5f: {  	[tilespmem:s16], [sflag:$0x1] =	stream.indirect.gather [hbm4b:s4+s21], $0x80, s30, s21, $0xb8;
	[tilespmem:$0x1E800] =	vst v63  }
0x60: {  	_ =	swait.ge [sflag:s20], $0x4000  }
0x61: {  	[sflag:s20] =	ssyncset.done $0x0  }
.Ltmp1:
0x62: {  	s30 =	sadd.s32 $0x15480, s29;
	[sflag:s20] =	ssyncadd.s32 $0xFFFFC000;
	(pc) =	sbr.rel @p0 .LBB2_4-.Ltmp1, $4  }
0x63: {  	[spmem:s2] =	stream.indirect.scatter.add.f32 [tilespmem:s23], [sflag:$0x3], $0x80, s30, s21, $0xb8;
	[tilespmem:$0x1E800] =	vst v63  }
0x64: {  	_ =	swait.ge [sflag:s18], $0x4000  }
0x65: {  	[sflag:s18] =	ssyncset.done $0x0  }
0x66: {  	s29 =	sadd.s32 $0x14180, s29;
	[sflag:s18] =	ssyncadd.s32 $0xFFFFC000  }
0x67: {  	[tilespmem:s23], [sflag:$0x2] =	stream.indirect.gather [hbm4b:s4+s21], $0x80, s29, s21, $0xb8;
	[tilespmem:$0x1E800] =	vst v63  }
0x68: {  	_ =	swait.ge [sflag:s24], $0x4000  }
0x69: {  	[sflag:s24] =	ssyncset.done $0x0  }
0x6a: {  	[sflag:s24] =	ssyncadd.s32 $0xFFFFC000  }
0x6b: {  	[spmem:s2] =	stream.indirect.scatter.add.f32 [tilespmem:s16], [sflag:$0x3], $0x80, s25, s21, $0xb8;
	[tilespmem:$0x1E800] =	vst v63  }
0x6c: {  	_ =	swait.ge [sflag:s18], $0x4000  }
0x6d: {  	[sflag:s18] =	ssyncset.done $0x0  }
0x6e: {  	[sflag:s18] =	ssyncadd.s32 $0xFFFFC000  }
0x6f: {  	_ =	swait.ge [sflag:s20], $0x4000  }
0x70: {  	[sflag:s20] =	ssyncset.done $0x0  }
0x71: {  	[sflag:s20] =	ssyncadd.s32 $0xFFFFC000  }
0x72: {  	[spmem:s2] =	stream.indirect.scatter.add.f32 [tilespmem:s23], [sflag:$0x3], $0x80, s26, s21, $0xb8;
	[tilespmem:$0x1E800] =	vst v63  }
0x73: {  	_ =	swait.ge [sflag:s18], $0x4000  }
0x74: {  	[sflag:s18] =	ssyncset.done $0x0  }
0x75: {  	s28 =	simm.s32 $0x0;
	[sflag:s18] =	ssyncadd.s32 $0xFFFFC000  }
0x76: {  	[tilespmem:s17], [sflag:$0x3] =	stream.linear.gather [hbm4b:s12+s28], $0x1400, $0x38;
	[tilespmem:$0x1E800] =	vst v63  }
0x77: {  	_ =	swait.ge [sflag:s18], $0x1400  }
0x78: {  	[sflag:s18] =	ssyncset.done $0x0  }
0x79: {  	[sflag:s18] =	ssyncadd.s32 $0xFFFFEC00  }
0x7a: {  	[tilespmem:s19], [sflag:$0x3] =	stream.linear.gather [hbm4b:s13+s28], $0x1400, $0x38;
	[tilespmem:$0x1E800] =	vst v63  }
0x7b: {  	_ =	swait.ge [sflag:s18], $0x1400  }
0x7c: {  	[sflag:s18] =	ssyncset.done $0x0  }
0x7d: {  	[sflag:s18] =	ssyncadd.s32 $0xFFFFEC00  }
0x7e: {  	[tilespmem:s16], [sflag:$0x1] =	stream.indirect.gather [hbm4b:s4+s21], $0x80, s17, s21, $0xb8;
	[tilespmem:$0x1E800] =	vst v63  }
0x7f: {  	_ = 	snop  }
0x80: {  	[tilespmem:s23], [sflag:$0x2] =	stream.indirect.gather [hbm4b:s4+s21], $0x80, s22, s21, $0xb8;
	[tilespmem:$0x1E800] =	vst v63  }
0x81: {  	_ =	swait.ge [sflag:s24], $0x4000  }
0x82: {  	[sflag:s24] =	ssyncset.done $0x0  }
0x83: {  	s28 =	simm.s32 $0x15400;
	[sflag:s24] =	ssyncadd.s32 $0xFFFFC000  }
0x84: {  	[spmem:s2] =	stream.indirect.scatter.add.f32 [tilespmem:s16], [sflag:$0x3], $0x80, s28, s21, $0xb8;
	[tilespmem:$0x1E800] =	vst v63  }
0x85: {  	_ =	swait.ge [sflag:s18], $0x4000  }
0x86: {  	[sflag:s18] =	ssyncset.done $0x0  }
0x87: {  	s28 =	simm.s32 $0x14100;
	[sflag:s18] =	ssyncadd.s32 $0xFFFFC000  }
0x88: {  	[tilespmem:s16], [sflag:$0x1] =	stream.indirect.gather [hbm4b:s4+s21], $0x80, s28, s21, $0xb8;
	[tilespmem:$0x1E800] =	vst v63  }
0x89: {  	_ =	swait.ge [sflag:s20], $0x4000  }
0x8a: {  	[sflag:s20] =	ssyncset.done $0x0  }
0x8b: {  	s28 =	simm.s32 $0x15480;
	[sflag:s20] =	ssyncadd.s32 $0xFFFFC000  }
0x8c: {  	[spmem:s2] =	stream.indirect.scatter.add.f32 [tilespmem:s23], [sflag:$0x3], $0x80, s28, s21, $0xb8;
	[tilespmem:$0x1E800] =	vst v63  }
0x8d: {  	_ =	swait.ge [sflag:s18], $0x4000  }
0x8e: {  	[sflag:s18] =	ssyncset.done $0x0  }
0x8f: {  	s29 =	simm.s32 $0x14180;
	s28 =	simm.s32 $0x400;
	[sflag:s18] =	ssyncadd.s32 $0xFFFFC000  }
.LBB2_6:
0x90: {  	[tilespmem:s23], [sflag:$0x2] =	stream.indirect.gather [hbm4b:s4+s21], $0x80, s29, s21, $0xb8;
	[tilespmem:$0x1E800] =	vst v63  }
0x91: {  	s29 =	smov.u32 s28  }
0x92: {  	p0 =	sne.s32 s28, $0x4800;
	s28 =	sadd.s32 $0x400, s28;
	_ =	swait.ge [sflag:s24], $0x4000  }
0x93: {  	s29 =	sshra.s32 s29, $0x2;
	[sflag:s24] =	ssyncset.done $0x0  }
0x94: {  	s30 =	sadd.s32 $0x15400, s29;
	[sflag:s24] =	ssyncadd.s32 $0xFFFFC000  }
0x95: {  	[spmem:s2] =	stream.indirect.scatter.add.f32 [tilespmem:s16], [sflag:$0x3], $0x80, s30, s21, $0xb8;
	[tilespmem:$0x1E800] =	vst v63  }
0x96: {  	_ =	swait.ge [sflag:s18], $0x4000  }
0x97: {  	[sflag:s18] =	ssyncset.done $0x0  }
0x98: {  	s30 =	sadd.s32 $0x14100, s29;
	[sflag:s18] =	ssyncadd.s32 $0xFFFFC000  }
0x99: {  	[tilespmem:s16], [sflag:$0x1] =	stream.indirect.gather [hbm4b:s4+s21], $0x80, s30, s21, $0xb8;
	[tilespmem:$0x1E800] =	vst v63  }
0x9a: {  	_ =	swait.ge [sflag:s20], $0x4000  }
0x9b: {  	[sflag:s20] =	ssyncset.done $0x0  }
.Ltmp2:
0x9c: {  	s30 =	sadd.s32 $0x15480, s29;
	[sflag:s20] =	ssyncadd.s32 $0xFFFFC000;
	(pc) =	sbr.rel @p0 .LBB2_6-.Ltmp2, $4  }
0x9d: {  	[spmem:s2] =	stream.indirect.scatter.add.f32 [tilespmem:s23], [sflag:$0x3], $0x80, s30, s21, $0xb8;
	[tilespmem:$0x1E800] =	vst v63  }
0x9e: {  	_ =	swait.ge [sflag:s18], $0x4000  }
0x9f: {  	[sflag:s18] =	ssyncset.done $0x0  }
0xa0: {  	s29 =	sadd.s32 $0x14180, s29;
	[sflag:s18] =	ssyncadd.s32 $0xFFFFC000  }
0xa1: {  	[tilespmem:s23], [sflag:$0x2] =	stream.indirect.gather [hbm4b:s4+s21], $0x80, s29, s21, $0xb8;
	[tilespmem:$0x1E800] =	vst v63  }
0xa2: {  	_ =	swait.ge [sflag:s24], $0x4000  }
0xa3: {  	[sflag:s24] =	ssyncset.done $0x0  }
0xa4: {  	[sflag:s24] =	ssyncadd.s32 $0xFFFFC000  }
0xa5: {  	[spmem:s2] =	stream.indirect.scatter.add.f32 [tilespmem:s16], [sflag:$0x3], $0x80, s25, s21, $0xb8;
	[tilespmem:$0x1E800] =	vst v63  }
0xa6: {  	_ =	swait.ge [sflag:s18], $0x4000  }
0xa7: {  	[sflag:s18] =	ssyncset.done $0x0  }
0xa8: {  	[sflag:s18] =	ssyncadd.s32 $0xFFFFC000  }
0xa9: {  	_ =	swait.ge [sflag:s20], $0x4000  }
0xaa: {  	[sflag:s20] =	ssyncset.done $0x0  }
0xab: {  	[sflag:s20] =	ssyncadd.s32 $0xFFFFC000  }
0xac: {  	[spmem:s2] =	stream.indirect.scatter.add.f32 [tilespmem:s23], [sflag:$0x3], $0x80, s26, s21, $0xb8;
	[tilespmem:$0x1E800] =	vst v63  }
0xad: {  	_ =	swait.ge [sflag:s18], $0x4000  }
0xae: {  	s28 =	sshll.u32 s1, $0x6;
	s3 =	sadd.s32 $0x1, s3;
	[sflag:s18] =	ssyncset.done $0x0  }
0xaf: {  	s31 =	sshrl.u32 s5, $0x3;
	p0 =	sne.s32 s3, s15;
	[sflag:s18] =	ssyncadd.s32 $0xFFFFC000  }
.Ltmp3:
0xb0: {  	s28 =	sor.u32 $0x1C03, s28;
	[bflag:$0x0] =	sbarrier.arrive $0xFFFF;
	(pc) =	sbr.rel @p0 .LBB2_1-.Ltmp3, $4  }
0xb1: {  	[hbm:s14], [sflag:s28] =	dma.local [spmem:s31], $0x2800  }
0xb2: {  	_ =	swait.ge [sflag:s18], $0x2800  }
0xb3: {  	[sflag:s18] =	ssyncset.done $0x0  }
0xb4: {  	[sflag:s18] =	ssyncadd.s32 $0xFFFFD800  }
0xb5: {  	_ =	sfence.sel $0x180000  }
0xb6: {  	[bflag:$0x0] =	sbarrier.arrive $0xFFFF  }
0xb7: {  	p0 =	sne.s32 s1, $0x0;
	_ =	strace $0x9000004A  }
0xb8: {  	s0 =	sadd.s32 @!p0 $0x100000, s0;
	[bflag:$0x2] =	sbarrier.arrive $0xFFFF  }
0xb9: {  	[sflag:s0] =	ssyncadd.tile.s32 @!p0 $0x1;
	_ =	shalt  }
.Lfunc_end2:
_tile_overlayer_lowered:
.L_overlay_start_2:
0xba: {  	(tag) =	ssettag $0x2  }
0xbb: {  	s0 =	rddreg [dreg:$0x0];
	s2 =	stileid.u32  }
0xbc: {  	s1 =	rddreg [dreg:$0x1];
	p0 =	sne.s32 s2, $0x0  }
0xbd: {  	s3 =	rddreg [dreg:$0x2];
	[bflag:$0x3] =	sbarrier.arrive $0xFFFF;
	s2 =	simm.s32 @!p0 $0x1C03  }
0xbe: {  	[timem:s3], [sflag:s2] =	dma.local @!p0 [hbm:s0], s1  }
0xbf: {  	s0 =	simm.s32 @!p0 $0x3  }
0xc0: {  	_ =	swait.ge @!p0 [sflag:s0], s1  }
0xc1: {  	s1 =	ssub.s32 @!p0 $0x0, s1;
	[sflag:s0] =	ssyncset.done @!p0 $0x0  }
0xc2: {  	[sflag:s0] =	ssyncadd.s32 @!p0 s1  }
0xc3: {  	[bflag:$0x3] =	sbarrier.arrive $0xFFFF  }
0xc4: {  	_ =	shalt  }

// kernel: kernel.14.cloned.1.call-start
scs
__scs_entry_jumppad:
0x0: {  	(pc) =	sbr.rel $0x88, $3  }
0x1: {  	(tag) =	ssettag $0x0;
	lr =	simm.s32 $0x1  }
0x2: {  	[smem:$0x3F92] =	sst lr;
	_ =	strace $0xD0000000  }
0x3: {  	_ = 	snop  }
0x4: {  	_ = 	snop  }
0x5: {  	_ = 	snop  }
0x6: {  	_ = 	snop  }
0x7: {  	_ = 	snop  }
__scs_overlays_trampoline_lowered:
0x8: {  	[smem:$0x3FA1] =	sst s0  }
0x9: {  	[smem:$0x3FA2] =	sst s1  }
0xa: {  	[smem:$0x3FA3] =	sst s2  }
0xb: {  	[smem:$0x3FA4] =	sst s3  }
0xc: {  	[smem:$0x3FA5] =	sst s4  }
0xd: {  	[smem:$0x3FA6] =	sst s5  }
0xe: {  	[smem:$0x3FA7] =	sst s6  }
0xf: {  	[smem:$0x3FA8] =	sst s7  }
0x10: {  	[smem:$0x3FA9] =	sst s8  }
0x11: {  	[smem:$0x3FAA] =	sst s9;
	s0 =	simm.s32 @!p0 $0x0  }
0x12: {  	s1 =	sld [smem:$0x3F90];
	s0 =	simm.s32 @p0 $0x1  }
0x13: {  	[smem:$0x3FAB] =	sst s0;
	s0 =	simm.s32 @!p1 $0x0  }
0x14: {  	s2 =	sld [smem:$0x3F8F];
	s0 =	simm.s32 @p1 $0x1  }
0x15: {  	[smem:$0x3FAC] =	sst s0;
	s0 =	simm.s32 @!p2 $0x0  }
0x16: {  	s3 =	sld [smem:$0x3FDB];
	s0 =	simm.s32 @p2 $0x1  }
0x17: {  	s4 =	simm.s32 $0x1BF5;
	[smem:$0x3FAE] =	sst s0  }
0x18: {  	s0 =	sld [smem:$0x3F91];
	_ =	swait.ge [sflag:s4], $0x0  }
0x19: {  	s7 =	sld [smem:$0x3F92]  }
0x1a: {  	s8 =	sadd.s32 $0xFFFFE003, lr  }
0x1b: {  	s9 =	sadd.s32 $0xFFFFFEF7, lr;
	s5 =	simm.s32 $0xFFFFFFFF;
	p2 =	slt.u32 s8, $0xFFFFF086  }
0x1c: {  	p1 =	slt.u32 s9, $0xF7A;
	s5 =	simm.s32 @!p2 $0x0  }
0x1d: {  	s5 =	simm.s32 @p1 $0x1;
	p0 =	seq.s32 s7, s2  }
0x1e: {  	s7 =	smul.u32 @!p0 $0xF7A, s2;
	p2 =	seq.s32 @!p0 s5, $0x0  }
0x1f: {  	s9 =	smul.u32 $0xF7A, s1;
	s8 =	simm.s32 @!p0 $0x1BF5;
	p2 =	por !p2, p0  }
0x20: {  	[sflag:s8] =	ssyncset.s32 @!p0 $0xFFFFF086;
	s6 =	sadd.s32 @!p0 s3, s7;
	s7 =	simm.s32 @!p0 $0x108  }
0x21: {  	s3 =	sadd.s32 s3, s9;
	s6 =	sadd.s32 @!p0 $0x88, s6;
	s7 =	simm.s32 @p2 $0x1082  }
0x22: {  	[simem:s7], [sflag:s8] =	dma.local @!p0 [hbm:s6], $0xF7A  }
0x23: {  	s9 =	sor.u32 $0xD0000000, s2;
	s6 =	simm.s32 $0x108;
	_ =	swait.ge @!p0 [sflag:s8], $0x0  }
0x24: {  	s3 =	sadd.s32 $0x88, s3;
	s6 =	simm.s32 @!p1 $0x1082;
	[sflag:s4] =	ssyncset.s32 $0xFFFFF086  }
0x25: {  	[simem:s6], [sflag:s4] =	dma.local [hbm:s3], $0xF7A  }
0x26: {  	[smem:$0x3F92] =	sst s1;
	(tag) =	ssettag s2;
	_ =	strace s9  }
0x27: {  	s1 =	sld [smem:$0x3FA2]  }
0x28: {  	s2 =	sld [smem:$0x3FA3]  }
0x29: {  	s4 =	sld [smem:$0x3FA5]  }
0x2a: {  	p0 =	seq.s32 s5, $0x0;
	s5 =	sld [smem:$0x3FA6]  }
0x2b: {  	s6 =	sld [smem:$0x3FA7]  }
0x2c: {  	s7 =	sld [smem:$0x3FA8]  }
0x2d: {  	s3 =	simm.s32 $0x108;
	s8 =	sld [smem:$0x3FA9]  }
0x2e: {  	s3 =	simm.s32 @!p0 $0x1082;
	s9 =	sld [smem:$0x3FAA]  }
0x2f: {  	lr =	sadd.s32 s0, s3;
	s0 =	sld [smem:$0x3FA1]  }
0x30: {  	s3 =	sld [smem:$0x3FA4]  }
0x31: {  	[smem:$0x3FAD] =	sst s10  }
0x32: {  	s10 =	sld [smem:$0x3FAB];
	_ =	sdelay $0x3  }
0x33: {  	p0 =	seq.s32 s10, $0x1;
	s10 =	sld [smem:$0x3FAD];
	_ =	sdelay $0x3  }
0x34: {  	[smem:$0x3FAD] =	sst s10  }
0x35: {  	s10 =	sld [smem:$0x3FAC];
	_ =	sdelay $0x3  }
0x36: {  	p1 =	seq.s32 s10, $0x1;
	s10 =	sld [smem:$0x3FAD];
	_ =	sdelay $0x3  }
0x37: {  	[smem:$0x3FAD] =	sst s10  }
0x38: {  	s10 =	sld [smem:$0x3FAE]  }
0x39: {  	_ = 	snop;
	(pc) =	sbr.ind lr, $3  }
0x3a: {  	_ = 	snop  }
0x3b: {  	_ = 	snop  }
0x3c: {  	p2 =	seq.s32 s10, $0x1;
	s10 =	sld [smem:$0x3FAD]  }
0x3d: {  	_ =	shalt  }
0x3e: {  	_ =	shalt  }
0x3f: {  	_ =	shalt  }
0x40: {  	_ =	shalt  }
0x41: {  	_ =	shalt  }
0x42: {  	_ =	shalt  }
0x43: {  	_ =	shalt  }
0x44: {  	_ =	shalt  }
0x45: {  	_ =	shalt  }
0x46: {  	_ =	shalt  }
0x47: {  	_ =	shalt  }
0x48: {  	_ =	shalt  }
0x49: {  	_ =	shalt  }
0x4a: {  	_ =	shalt  }
0x4b: {  	_ =	shalt  }
0x4c: {  	_ =	shalt  }
0x4d: {  	_ =	shalt  }
0x4e: {  	_ =	shalt  }
0x4f: {  	_ =	shalt  }
0x50: {  	_ =	shalt  }
0x51: {  	_ =	shalt  }
0x52: {  	_ =	shalt  }
0x53: {  	_ =	shalt  }
0x54: {  	_ =	shalt  }
0x55: {  	_ =	shalt  }
0x56: {  	_ =	shalt  }
0x57: {  	_ =	shalt  }
0x58: {  	_ =	shalt  }
0x59: {  	_ =	shalt  }
0x5a: {  	_ =	shalt  }
0x5b: {  	_ =	shalt  }
0x5c: {  	_ =	shalt  }
0x5d: {  	_ =	shalt  }
0x5e: {  	_ =	shalt  }
0x5f: {  	_ =	shalt  }
0x60: {  	_ =	shalt  }
0x61: {  	_ =	shalt  }
0x62: {  	_ =	shalt  }
0x63: {  	_ =	shalt  }
0x64: {  	_ =	shalt  }
0x65: {  	_ =	shalt  }
0x66: {  	_ =	shalt  }
0x67: {  	_ =	shalt  }
0x68: {  	_ =	shalt  }
0x69: {  	_ =	shalt  }
0x6a: {  	_ =	shalt  }
0x6b: {  	_ =	shalt  }
0x6c: {  	_ =	shalt  }
0x6d: {  	_ =	shalt  }
0x6e: {  	_ =	shalt  }
0x6f: {  	_ =	shalt  }
0x70: {  	_ =	shalt  }
0x71: {  	_ =	shalt  }
0x72: {  	_ =	shalt  }
0x73: {  	_ =	shalt  }
0x74: {  	_ =	shalt  }
0x75: {  	_ =	shalt  }
0x76: {  	_ =	shalt  }
0x77: {  	_ =	shalt  }
0x78: {  	_ =	shalt  }
0x79: {  	_ =	shalt  }
0x7a: {  	_ =	shalt  }
0x7b: {  	_ =	shalt  }
0x7c: {  	_ =	shalt  }
0x7d: {  	_ =	shalt  }
0x7e: {  	_ =	shalt  }
0x7f: {  	_ =	shalt  }
0x80: {  	_ =	shalt  }
0x81: {  	_ =	shalt  }
0x82: {  	_ =	shalt  }
0x83: {  	_ =	shalt  }
0x84: {  	_ =	shalt  }
0x85: {  	_ =	shalt  }
0x86: {  	_ =	shalt  }
0x87: {  	_ =	shalt  }
.Lfunc_end0:
.L_simem_size_0:
called_computation.2_lowered:
.L_overlay_start_0:
0x88: {  	s2 =	sld [smem:$0x3FD9]  }
0x89: {  	s3 =	sld [smem:$0x3FFE];
	_ =	sdelay $0x1  }
0x8a: {  	s1 =	srdreg.scid  }
0x8b: {  	s0 =	sand.u32 $0x1, s1  }
0x8c: {  	s16 =	sshll.u32 s0, $0xA;
	s2 =	sadd.s32 s3, s2  }
0x8d: {  	s2 =	sadd.s32 s2, s16  }
0x8e: {  	[smem:$0x3FB9] =	sst s2  }
0x8f: {  	_ = 	snop  }
0x90: {  	(tm) =	ssettm $0x1  }
0x91: {  	s17 =	sld [smem:$0x3FFB];
	_ =	sdelay $0x3  }
0x92: {  	_ =	strace s17  }
0x93: {  	s2 =	sld [smem:$0x3FFC];
	_ =	sdelay $0x3  }
0x94: {  	_ =	strace s2  }
0x95: {  	s2 =	sld [smem:$0x3FFD];
	_ =	sdelay $0x3  }
0x96: {  	_ =	strace s2  }
0x97: {  	_ =	strace $0x8FFFFFFF  }
0x98: {  	s18 =	sld [smem:$0x3FDB];
	_ =	sdelay $0x1  }
0x99: {  	s19 =	simm.s32 $_scs_section_size  }
0x9a: {  	s4 =	simm.s32 $_size__tile_overlayer_lowered;
	s5 =	simm.s32 $_tile_overlayer_lowered  }
0x9b: {  	s22 =	simm.s32 $0x1BFF;
	s21 =	sshll.u32 s5, $0x1;
	s2 =	sadd.s32 s19, s18  }
0x9c: {  	s6 =	simm.s32 $0x0;
	s20 =	sshll.u32 s4, $0x1;
	s4 =	sadd.s32 s21, s2  }
0x9d: {  	[timem:s6], [sflag:s22] =	dma.local [hbm:s4], s20  }
0x9e: {  	_ =	swait.ge [sflag:s22], s20  }
0x9f: {  	s3 =	ssub.s32 $0x0, s20;
	[sflag:s22] =	ssyncset.done $0x0  }
0xa0: {  	[sflag:s22] =	ssyncadd.s32 s3;
	_ =	sdelay $0x1  }
0xa1: {  	s23 =	simm.s32 $0x1B8B  }
0xa2: {  	_ =	swait.ge [sflag:s23], $0x1  }
0xa3: {  	[sflag:s23] =	ssyncset.done $0x0  }
0xa4: {  	s25 =	simm.s32 $0x1B8E;
	s24 =	sld [smem:$0x3FFE];
	[sflag:s23] =	ssyncadd.s32 $0xFFFFFFFF  }
0xa5: {  	s26 =	simm.s32 $execute0_lowered;
	[smem:$0x3FD2] =	sst s25  }
0xa6: {  	s4 =	sshll.u32 s26, $0x1;
	_ =	strace $0x8000004C;
	[dreg:$0x1] =	wrdreg $0xFFFFFFFF  }
0xa7: {  	s28 =	simm.s32 $_size_execute0_lowered;
	s2 =	sadd.s32 s2, s4;
	[dreg:$0x0] =	wrdreg $0x0  }
0xa8: {  	s4 =	sshll.u32 s28, $0x1;
	[dreg:$0x2] =	wrdreg s2  }
0xa9: {  	[dreg:$0x3] =	wrdreg s4  }
0xaa: {  	[dreg:$0x4] =	wrdreg $0xC0  }
0xab: {  	_ =	task [dreg:s6], $0x5FFFF  }
0xac: {  	[dreg:$0x1] =	wrdreg $0xFFFFFFFF  }
0xad: {  	[dreg:$0x0] =	wrdreg $0x60  }
0xae: {  	[dreg:$0x2] =	wrdreg s24  }
0xaf: {  	[dreg:$0x3] =	wrdreg $0x0  }
0xb0: {  	[dreg:$0x4] =	wrdreg $0x9  }
0xb1: {  	_ =	task.clear_ibuf [dreg:s6], $0x5FFFF;
	_ =	strace $0x9000004C  }
0xb2: {  	s29 =	simm.s32 $0x9;
	_ =	strace $0x8000004E  }
0xb3: {  	_ =	swait.ge [sflag:s29], $0x1  }
0xb4: {  	[sflag:s29] =	ssyncadd.s32 $0xFFFFFFFF  }
0xb5: {  	_ =	strace $0x9000004E  }
0xb6: {  	_ =	sfence  }
0xb7: {  	s30 =	sld [smem:$0x0];
	_ =	sdelay $0x2  }
0xb8: {  	s31 =	sshll.u32 s1, $0xD;
	s1 =	sshrl.u32 s1, $0x2  }
0xb9: {  	s3 =	sand.u32 $0x4000, s31;
	s1 =	sadd.s32 s1, s30  }
0xba: {  	s0 =	sor.u32 s3, s0;
	s1 =	sshll.u32 s1, $0x11  }
0xbb: {  	s0 =	sor.u32 s1, s0  }
0xbc: {  	s0 =	sadd.s32 $0x8F2B, s0  }
0xbd: {  	[sflag:s0] =	ssyncadd.remote.s32 $0x1  }
0xbe: {  	_ =	sfence.sel $0xFFFF  }
0xbf: {  	[dreg:$0x0] =	wrdreg $0xFFFFFFFF;
	(pc) =	sbr.abs _section_cstart, $3  }
0xc0: {  	[dreg:$0x1] =	wrdreg $0xFFFFFFFF  }
0xc1: {  	_ =	task.clear_ibuf [dreg:s6], $0x2FFFF;
	_ =	strace $0x9FFFFFFF  }
0xc2: {  	(tm) =	ssettm $0x7FFFFFFF  }
0xc3: {  	_ =	shalt  }
tec
execute0_lowered:
.L_overlay_start_1:
0x0: {  	(tag) =	ssettag $0x1  }
0x1: {  	s5 =	rddreg [dreg:$0x0];
	s0 =	srdreg.scid  }
0x2: {  	s2 =	rddreg [dreg:$0x1];
	s1 =	stileid.u32;
	s3 =	simm.s32 $0x0  }
0x3: {  	s16 =	simm.s32 $0x16800;
	s17 =	simm.s32 $0x14000;
	s18 =	simm.s32 $0x3  }
0x4: {  	s19 =	simm.s32 $0x15400;
	s20 =	simm.s32 $0x2;
	s21 =	simm.s32 $0x80  }
0x5: {  	s22 =	simm.s32 $0x14080;
	s23 =	simm.s32 $0x1A800;
	s7 =	smul.u32 $0x2800, s1  }
0x6: {  	s24 =	simm.s32 $0x1;
	s25 =	simm.s32 $0x16700;
	s9 =	smul.u32 $0x14000, s1  }
0x7: {  	s6 =	sand.u32 $0x1, s0;
	s0 =	rddreg [dreg:$0x2];
	s10 =	smul.u32 $0x50000, s1  }
0x8: {  	s26 =	simm.s32 $0x16780;
	[smem:$0x7FF] =	sst s3;
	s4 =	smul.u32 $0x28000, s6  }
0x9: {  	s8 =	smul.u32 $0x140000, s6;
	_ =	strace $0x8000004D;
	s6 =	ssub.s32 $0x2, s6  }
0xa: {  	s30 =	sshrl.u32 s6, $0x1;
	s31 =	sshrl.u32 s10, $0x2;
	s7 =	sadd.s32 s7, s4  }
0xb: {  	s4 =	sadd.s32 $0x19800, s5;
	s29 =	sadd.s32 s9, s8;
	s7 =	sshrl.u32 s7, $0x3  }
0xc: {  	s15 =	ssub.s32 s6, s30;
	s13 =	sadd.s32 s7, s5;
	s7 =	sshrl.u32 s29, $0x3  }
0xd: {  	s15 =	smax.u32 s15, $0x1;
	s14 =	sadd.s32 s7, s5;
	s5 =	sadd.s32 s31, s2  }
0xe: {  	s10 =	sadd.s32 $0x5800, s13;
	s11 =	sadd.s32 $0xF800, s13;
	s12 =	sadd.s32 $0x5A80, s13  }
0xf: {  	s13 =	sadd.s32 $0xFA80, s13;
	s6 =	sadd.s32 $0x4000, s5;
	s7 =	sadd.s32 $0x8000, s5  }
0x10: {  	v0 =	vimm.f32 $0.0e+00;
	s8 =	sadd.s32 $0xC000, s5;
	s9 =	sadd.s32 $0x10000, s5;
	s14 =	sadd.s32 $0x41800, s14  }
.LBB2_1:
0x11: {  	s28 =	simm.s32 $0x0;
	s29 =	simm.s32 $0x200  }
.LBB2_2:
0x12: {  	p0 =	sne.s32 s29, $0xFE00;
	[tilespmem:s28+$0x16870] =	vst v0  }
0x13: {  	[tilespmem:s28+$0x16800] =	vst v0  }
0x14: {  	[tilespmem:s28+$0x16810] =	vst v0  }
.Ltmp0:
0x15: {  	[tilespmem:s28+$0x16820] =	vst v0;
	(pc) =	sbr.rel @p0 .LBB2_2-.Ltmp0, $4  }
0x16: {  	[tilespmem:s28+$0x16830] =	vst v0  }
0x17: {  	[tilespmem:s28+$0x16840] =	vst v0  }
0x18: {  	[tilespmem:s28+$0x16850] =	vst v0  }
0x19: {  	[tilespmem:s28+$0x16860] =	vst v0;
	s28 =	sshra.s32 s29, $0x2;
	s29 =	sadd.s32 $0x200, s29  }
0x1a: {  	[tilespmem:s28+$0x16870] =	vst v0  }
0x1b: {  	[tilespmem:s28+$0x16800] =	vst v0  }
0x1c: {  	[tilespmem:s28+$0x16810] =	vst v0  }
0x1d: {  	[tilespmem:s28+$0x16820] =	vst v0  }
0x1e: {  	[tilespmem:s28+$0x16830] =	vst v0  }
0x1f: {  	[tilespmem:s28+$0x16840] =	vst v0  }
0x20: {  	[tilespmem:s28+$0x16850] =	vst v0  }
0x21: {  	[tilespmem:s28+$0x16860] =	vst v0  }
0x22: {  	[spmem:s5] =	stream.linear.scatter [tilespmem:s16], [sflag:$0x2], $0x4000, $0x38;
	[tilespmem:$0x1E800] =	vst v63  }
0x23: {  	_ = 	snop  }
0x24: {  	[spmem:s6] =	stream.linear.scatter [tilespmem:s16], [sflag:$0x2], $0x4000, $0x38;
	[tilespmem:$0x1E800] =	vst v63  }
0x25: {  	_ = 	snop  }
0x26: {  	[spmem:s7] =	stream.linear.scatter [tilespmem:s16], [sflag:$0x2], $0x4000, $0x38;
	[tilespmem:$0x1E800] =	vst v63  }
0x27: {  	_ = 	snop  }
0x28: {  	[spmem:s8] =	stream.linear.scatter [tilespmem:s16], [sflag:$0x2], $0x4000, $0x38;
	[tilespmem:$0x1E800] =	vst v63  }
0x29: {  	_ = 	snop  }
0x2a: {  	[spmem:s9] =	stream.linear.scatter [tilespmem:s16], [sflag:$0x2], $0x4000, $0x38;
	[tilespmem:$0x1E800] =	vst v63  }
0x2b: {  	s28 =	simm.s32 $0x0  }
0x2c: {  	[tilespmem:s17], [sflag:$0x3] =	stream.linear.gather [hbm4b:s10+s28], $0x1400, $0x38;
	[tilespmem:$0x1E800] =	vst v63  }
0x2d: {  	_ =	swait.ge [sflag:s18], $0x1400  }
0x2e: {  	[sflag:s18] =	ssyncset.done $0x0  }
0x2f: {  	[sflag:s18] =	ssyncadd.s32 $0xFFFFEC00  }
0x30: {  	[tilespmem:s19], [sflag:$0x3] =	stream.linear.gather [hbm4b:s11+s28], $0x1400, $0x38;
	[tilespmem:$0x1E800] =	vst v63  }
0x31: {  	_ =	swait.ge [sflag:s18], $0x1400  }
0x32: {  	[sflag:s18] =	ssyncset.done $0x0  }
0x33: {  	[sflag:s18] =	ssyncadd.s32 $0xFFFFEC00  }
0x34: {  	_ =	swait.ge [sflag:s20], $0x4000  }
0x35: {  	[sflag:s20] =	ssyncset.done $0x0  }
0x36: {  	[sflag:s20] =	ssyncadd.s32 $0xFFFFC000  }
0x37: {  	_ =	swait.ge [sflag:s20], $0x4000  }
0x38: {  	[sflag:s20] =	ssyncset.done $0x0  }
0x39: {  	[sflag:s20] =	ssyncadd.s32 $0xFFFFC000  }
0x3a: {  	_ =	swait.ge [sflag:s20], $0x4000  }
0x3b: {  	[sflag:s20] =	ssyncset.done $0x0  }
0x3c: {  	[sflag:s20] =	ssyncadd.s32 $0xFFFFC000  }
0x3d: {  	_ =	swait.ge [sflag:s20], $0x4000  }
0x3e: {  	[sflag:s20] =	ssyncset.done $0x0  }
0x3f: {  	[sflag:s20] =	ssyncadd.s32 $0xFFFFC000  }
0x40: {  	_ =	swait.ge [sflag:s20], $0x4000  }
0x41: {  	[sflag:s20] =	ssyncset.done $0x0  }
0x42: {  	[sflag:s20] =	ssyncadd.s32 $0xFFFFC000  }
0x43: {  	[bflag:$0x0] =	sbarrier.arrive $0xFFFF  }
0x44: {  	[tilespmem:s16], [sflag:$0x1] =	stream.indirect.gather [hbm4b:s4+s21], $0x80, s17, s21, $0xb8;
	[tilespmem:$0x1E800] =	vst v63  }
0x45: {  	_ = 	snop  }
0x46: {  	[tilespmem:s23], [sflag:$0x2] =	stream.indirect.gather [hbm4b:s4+s21], $0x80, s22, s21, $0xb8;
	[tilespmem:$0x1E800] =	vst v63  }
0x47: {  	_ =	swait.ge [sflag:s24], $0x4000  }
0x48: {  	[sflag:s24] =	ssyncset.done $0x0  }
0x49: {  	s28 =	simm.s32 $0x15400;
	[sflag:s24] =	ssyncadd.s32 $0xFFFFC000  }
0x4a: {  	[spmem:s2] =	stream.indirect.scatter.add.f32 [tilespmem:s16], [sflag:$0x3], $0x80, s28, s21, $0xb8;
	[tilespmem:$0x1E800] =	vst v63  }
0x4b: {  	_ =	swait.ge [sflag:s18], $0x4000  }
0x4c: {  	[sflag:s18] =	ssyncset.done $0x0  }
0x4d: {  	s28 =	simm.s32 $0x14100;
	[sflag:s18] =	ssyncadd.s32 $0xFFFFC000  }
0x4e: {  	[tilespmem:s16], [sflag:$0x1] =	stream.indirect.gather [hbm4b:s4+s21], $0x80, s28, s21, $0xb8;
	[tilespmem:$0x1E800] =	vst v63  }
0x4f: {  	_ =	swait.ge [sflag:s20], $0x4000  }
0x50: {  	[sflag:s20] =	ssyncset.done $0x0  }
0x51: {  	s28 =	simm.s32 $0x15480;
	[sflag:s20] =	ssyncadd.s32 $0xFFFFC000  }
0x52: {  	[spmem:s2] =	stream.indirect.scatter.add.f32 [tilespmem:s23], [sflag:$0x3], $0x80, s28, s21, $0xb8;
	[tilespmem:$0x1E800] =	vst v63  }
0x53: {  	_ =	swait.ge [sflag:s18], $0x4000  }
0x54: {  	[sflag:s18] =	ssyncset.done $0x0  }
0x55: {  	s29 =	simm.s32 $0x14180;
	s28 =	simm.s32 $0x400;
	[sflag:s18] =	ssyncadd.s32 $0xFFFFC000  }
.LBB2_4:
0x56: {  	[tilespmem:s23], [sflag:$0x2] =	stream.indirect.gather [hbm4b:s4+s21], $0x80, s29, s21, $0xb8;
	[tilespmem:$0x1E800] =	vst v63  }
0x57: {  	s29 =	smov.u32 s28  }
0x58: {  	p0 =	sne.s32 s28, $0x4800;
	s28 =	sadd.s32 $0x400, s28;
	_ =	swait.ge [sflag:s24], $0x4000  }
0x59: {  	s29 =	sshra.s32 s29, $0x2;
	[sflag:s24] =	ssyncset.done $0x0  }
0x5a: {  	s30 =	sadd.s32 $0x15400, s29;
	[sflag:s24] =	ssyncadd.s32 $0xFFFFC000  }
0x5b: {  	[spmem:s2] =	stream.indirect.scatter.add.f32 [tilespmem:s16], [sflag:$0x3], $0x80, s30, s21, $0xb8;
	[tilespmem:$0x1E800] =	vst v63  }
0x5c: {  	_ =	swait.ge [sflag:s18], $0x4000  }
0x5d: {  	[sflag:s18] =	ssyncset.done $0x0  }
0x5e: {  	s30 =	sadd.s32 $0x14100, s29;
	[sflag:s18] =	ssyncadd.s32 $0xFFFFC000  }
0x5f: {  	[tilespmem:s16], [sflag:$0x1] =	stream.indirect.gather [hbm4b:s4+s21], $0x80, s30, s21, $0xb8;
	[tilespmem:$0x1E800] =	vst v63  }
0x60: {  	_ =	swait.ge [sflag:s20], $0x4000  }
0x61: {  	[sflag:s20] =	ssyncset.done $0x0  }
.Ltmp1:
0x62: {  	s30 =	sadd.s32 $0x15480, s29;
	[sflag:s20] =	ssyncadd.s32 $0xFFFFC000;
	(pc) =	sbr.rel @p0 .LBB2_4-.Ltmp1, $4  }
0x63: {  	[spmem:s2] =	stream.indirect.scatter.add.f32 [tilespmem:s23], [sflag:$0x3], $0x80, s30, s21, $0xb8;
	[tilespmem:$0x1E800] =	vst v63  }
0x64: {  	_ =	swait.ge [sflag:s18], $0x4000  }
0x65: {  	[sflag:s18] =	ssyncset.done $0x0  }
0x66: {  	s29 =	sadd.s32 $0x14180, s29;
	[sflag:s18] =	ssyncadd.s32 $0xFFFFC000  }
0x67: {  	[tilespmem:s23], [sflag:$0x2] =	stream.indirect.gather [hbm4b:s4+s21], $0x80, s29, s21, $0xb8;
	[tilespmem:$0x1E800] =	vst v63  }
0x68: {  	_ =	swait.ge [sflag:s24], $0x4000  }
0x69: {  	[sflag:s24] =	ssyncset.done $0x0  }
0x6a: {  	[sflag:s24] =	ssyncadd.s32 $0xFFFFC000  }
0x6b: {  	[spmem:s2] =	stream.indirect.scatter.add.f32 [tilespmem:s16], [sflag:$0x3], $0x80, s25, s21, $0xb8;
	[tilespmem:$0x1E800] =	vst v63  }
0x6c: {  	_ =	swait.ge [sflag:s18], $0x4000  }
0x6d: {  	[sflag:s18] =	ssyncset.done $0x0  }
0x6e: {  	[sflag:s18] =	ssyncadd.s32 $0xFFFFC000  }
0x6f: {  	_ =	swait.ge [sflag:s20], $0x4000  }
0x70: {  	[sflag:s20] =	ssyncset.done $0x0  }
0x71: {  	[sflag:s20] =	ssyncadd.s32 $0xFFFFC000  }
0x72: {  	[spmem:s2] =	stream.indirect.scatter.add.f32 [tilespmem:s23], [sflag:$0x3], $0x80, s26, s21, $0xb8;
	[tilespmem:$0x1E800] =	vst v63  }
0x73: {  	_ =	swait.ge [sflag:s18], $0x4000  }
0x74: {  	[sflag:s18] =	ssyncset.done $0x0  }
0x75: {  	s28 =	simm.s32 $0x0;
	[sflag:s18] =	ssyncadd.s32 $0xFFFFC000  }
0x76: {  	[tilespmem:s17], [sflag:$0x3] =	stream.linear.gather [hbm4b:s12+s28], $0x1400, $0x38;
	[tilespmem:$0x1E800] =	vst v63  }
0x77: {  	_ =	swait.ge [sflag:s18], $0x1400  }
0x78: {  	[sflag:s18] =	ssyncset.done $0x0  }
0x79: {  	[sflag:s18] =	ssyncadd.s32 $0xFFFFEC00  }
0x7a: {  	[tilespmem:s19], [sflag:$0x3] =	stream.linear.gather [hbm4b:s13+s28], $0x1400, $0x38;
	[tilespmem:$0x1E800] =	vst v63  }
0x7b: {  	_ =	swait.ge [sflag:s18], $0x1400  }
0x7c: {  	[sflag:s18] =	ssyncset.done $0x0  }
0x7d: {  	[sflag:s18] =	ssyncadd.s32 $0xFFFFEC00  }
0x7e: {  	[tilespmem:s16], [sflag:$0x1] =	stream.indirect.gather [hbm4b:s4+s21], $0x80, s17, s21, $0xb8;
	[tilespmem:$0x1E800] =	vst v63  }
0x7f: {  	_ = 	snop  }
0x80: {  	[tilespmem:s23], [sflag:$0x2] =	stream.indirect.gather [hbm4b:s4+s21], $0x80, s22, s21, $0xb8;
	[tilespmem:$0x1E800] =	vst v63  }
0x81: {  	_ =	swait.ge [sflag:s24], $0x4000  }
0x82: {  	[sflag:s24] =	ssyncset.done $0x0  }
0x83: {  	s28 =	simm.s32 $0x15400;
	[sflag:s24] =	ssyncadd.s32 $0xFFFFC000  }
0x84: {  	[spmem:s2] =	stream.indirect.scatter.add.f32 [tilespmem:s16], [sflag:$0x3], $0x80, s28, s21, $0xb8;
	[tilespmem:$0x1E800] =	vst v63  }
0x85: {  	_ =	swait.ge [sflag:s18], $0x4000  }
0x86: {  	[sflag:s18] =	ssyncset.done $0x0  }
0x87: {  	s28 =	simm.s32 $0x14100;
	[sflag:s18] =	ssyncadd.s32 $0xFFFFC000  }
0x88: {  	[tilespmem:s16], [sflag:$0x1] =	stream.indirect.gather [hbm4b:s4+s21], $0x80, s28, s21, $0xb8;
	[tilespmem:$0x1E800] =	vst v63  }
0x89: {  	_ =	swait.ge [sflag:s20], $0x4000  }
0x8a: {  	[sflag:s20] =	ssyncset.done $0x0  }
0x8b: {  	s28 =	simm.s32 $0x15480;
	[sflag:s20] =	ssyncadd.s32 $0xFFFFC000  }
0x8c: {  	[spmem:s2] =	stream.indirect.scatter.add.f32 [tilespmem:s23], [sflag:$0x3], $0x80, s28, s21, $0xb8;
	[tilespmem:$0x1E800] =	vst v63  }
0x8d: {  	_ =	swait.ge [sflag:s18], $0x4000  }
0x8e: {  	[sflag:s18] =	ssyncset.done $0x0  }
0x8f: {  	s29 =	simm.s32 $0x14180;
	s28 =	simm.s32 $0x400;
	[sflag:s18] =	ssyncadd.s32 $0xFFFFC000  }
.LBB2_6:
0x90: {  	[tilespmem:s23], [sflag:$0x2] =	stream.indirect.gather [hbm4b:s4+s21], $0x80, s29, s21, $0xb8;
	[tilespmem:$0x1E800] =	vst v63  }
0x91: {  	s29 =	smov.u32 s28  }
0x92: {  	p0 =	sne.s32 s28, $0x4800;
	s28 =	sadd.s32 $0x400, s28;
	_ =	swait.ge [sflag:s24], $0x4000  }
0x93: {  	s29 =	sshra.s32 s29, $0x2;
	[sflag:s24] =	ssyncset.done $0x0  }
0x94: {  	s30 =	sadd.s32 $0x15400, s29;
	[sflag:s24] =	ssyncadd.s32 $0xFFFFC000  }
0x95: {  	[spmem:s2] =	stream.indirect.scatter.add.f32 [tilespmem:s16], [sflag:$0x3], $0x80, s30, s21, $0xb8;
	[tilespmem:$0x1E800] =	vst v63  }
0x96: {  	_ =	swait.ge [sflag:s18], $0x4000  }
0x97: {  	[sflag:s18] =	ssyncset.done $0x0  }
0x98: {  	s30 =	sadd.s32 $0x14100, s29;
	[sflag:s18] =	ssyncadd.s32 $0xFFFFC000  }
0x99: {  	[tilespmem:s16], [sflag:$0x1] =	stream.indirect.gather [hbm4b:s4+s21], $0x80, s30, s21, $0xb8;
	[tilespmem:$0x1E800] =	vst v63  }
0x9a: {  	_ =	swait.ge [sflag:s20], $0x4000  }
0x9b: {  	[sflag:s20] =	ssyncset.done $0x0  }
.Ltmp2:
0x9c: {  	s30 =	sadd.s32 $0x15480, s29;
	[sflag:s20] =	ssyncadd.s32 $0xFFFFC000;
	(pc) =	sbr.rel @p0 .LBB2_6-.Ltmp2, $4  }
0x9d: {  	[spmem:s2] =	stream.indirect.scatter.add.f32 [tilespmem:s23], [sflag:$0x3], $0x80, s30, s21, $0xb8;
	[tilespmem:$0x1E800] =	vst v63  }
0x9e: {  	_ =	swait.ge [sflag:s18], $0x4000  }
0x9f: {  	[sflag:s18] =	ssyncset.done $0x0  }
0xa0: {  	s29 =	sadd.s32 $0x14180, s29;
	[sflag:s18] =	ssyncadd.s32 $0xFFFFC000  }
0xa1: {  	[tilespmem:s23], [sflag:$0x2] =	stream.indirect.gather [hbm4b:s4+s21], $0x80, s29, s21, $0xb8;
	[tilespmem:$0x1E800] =	vst v63  }
0xa2: {  	_ =	swait.ge [sflag:s24], $0x4000  }
0xa3: {  	[sflag:s24] =	ssyncset.done $0x0  }
0xa4: {  	[sflag:s24] =	ssyncadd.s32 $0xFFFFC000  }
0xa5: {  	[spmem:s2] =	stream.indirect.scatter.add.f32 [tilespmem:s16], [sflag:$0x3], $0x80, s25, s21, $0xb8;
	[tilespmem:$0x1E800] =	vst v63  }
0xa6: {  	_ =	swait.ge [sflag:s18], $0x4000  }
0xa7: {  	[sflag:s18] =	ssyncset.done $0x0  }
0xa8: {  	[sflag:s18] =	ssyncadd.s32 $0xFFFFC000  }
0xa9: {  	_ =	swait.ge [sflag:s20], $0x4000  }
0xaa: {  	[sflag:s20] =	ssyncset.done $0x0  }
0xab: {  	[sflag:s20] =	ssyncadd.s32 $0xFFFFC000  }
0xac: {  	[spmem:s2] =	stream.indirect.scatter.add.f32 [tilespmem:s23], [sflag:$0x3], $0x80, s26, s21, $0xb8;
	[tilespmem:$0x1E800] =	vst v63  }
0xad: {  	_ =	swait.ge [sflag:s18], $0x4000  }
0xae: {  	s28 =	sshll.u32 s1, $0x6;
	s3 =	sadd.s32 $0x1, s3;
	[sflag:s18] =	ssyncset.done $0x0  }
0xaf: {  	s31 =	sshrl.u32 s5, $0x3;
	p0 =	sne.s32 s3, s15;
	[sflag:s18] =	ssyncadd.s32 $0xFFFFC000  }
.Ltmp3:
0xb0: {  	s28 =	sor.u32 $0x1C03, s28;
	[bflag:$0x0] =	sbarrier.arrive $0xFFFF;
	(pc) =	sbr.rel @p0 .LBB2_1-.Ltmp3, $4  }
0xb1: {  	[hbm:s14], [sflag:s28] =	dma.local [spmem:s31], $0x2800  }
0xb2: {  	_ =	swait.ge [sflag:s18], $0x2800  }
0xb3: {  	[sflag:s18] =	ssyncset.done $0x0  }
0xb4: {  	[sflag:s18] =	ssyncadd.s32 $0xFFFFD800  }
0xb5: {  	_ =	sfence.sel $0x180000  }
0xb6: {  	[bflag:$0x0] =	sbarrier.arrive $0xFFFF  }
0xb7: {  	p0 =	sne.s32 s1, $0x0;
	_ =	strace $0x9000004D  }
0xb8: {  	s0 =	sadd.s32 @!p0 $0x100000, s0;
	[bflag:$0x2] =	sbarrier.arrive $0xFFFF  }
0xb9: {  	[sflag:s0] =	ssyncadd.tile.s32 @!p0 $0x1;
	_ =	shalt  }
.Lfunc_end2:
_tile_overlayer_lowered:
.L_overlay_start_2:
0xba: {  	(tag) =	ssettag $0x2  }
0xbb: {  	s0 =	rddreg [dreg:$0x0];
	s2 =	stileid.u32  }
0xbc: {  	s1 =	rddreg [dreg:$0x1];
	p0 =	sne.s32 s2, $0x0  }
0xbd: {  	s3 =	rddreg [dreg:$0x2];
	[bflag:$0x3] =	sbarrier.arrive $0xFFFF;
	s2 =	simm.s32 @!p0 $0x1C03  }
0xbe: {  	[timem:s3], [sflag:s2] =	dma.local @!p0 [hbm:s0], s1  }
0xbf: {  	s0 =	simm.s32 @!p0 $0x3  }
0xc0: {  	_ =	swait.ge @!p0 [sflag:s0], s1  }
0xc1: {  	s1 =	ssub.s32 @!p0 $0x0, s1;
	[sflag:s0] =	ssyncset.done @!p0 $0x0  }
0xc2: {  	[sflag:s0] =	ssyncadd.s32 @!p0 s1  }
0xc3: {  	[bflag:$0x3] =	sbarrier.arrive $0xFFFF  }
0xc4: {  	_ =	shalt  }

// kernel: kernel.8.cloned.1.call-start
scs
__scs_entry_jumppad:
0x0: {  	(pc) =	sbr.rel $0x88, $3  }
0x1: {  	(tag) =	ssettag $0x0;
	lr =	simm.s32 $0x1  }
0x2: {  	[smem:$0x3F92] =	sst lr;
	_ =	strace $0xD0000000  }
0x3: {  	_ = 	snop  }
0x4: {  	_ = 	snop  }
0x5: {  	_ = 	snop  }
0x6: {  	_ = 	snop  }
0x7: {  	_ = 	snop  }
__scs_overlays_trampoline_lowered:
0x8: {  	[smem:$0x3FA1] =	sst s0  }
0x9: {  	[smem:$0x3FA2] =	sst s1  }
0xa: {  	[smem:$0x3FA3] =	sst s2  }
0xb: {  	[smem:$0x3FA4] =	sst s3  }
0xc: {  	[smem:$0x3FA5] =	sst s4  }
0xd: {  	[smem:$0x3FA6] =	sst s5  }
0xe: {  	[smem:$0x3FA7] =	sst s6  }
0xf: {  	[smem:$0x3FA8] =	sst s7  }
0x10: {  	[smem:$0x3FA9] =	sst s8  }
0x11: {  	[smem:$0x3FAA] =	sst s9;
	s0 =	simm.s32 @!p0 $0x0  }
0x12: {  	s1 =	sld [smem:$0x3F90];
	s0 =	simm.s32 @p0 $0x1  }
0x13: {  	[smem:$0x3FAB] =	sst s0;
	s0 =	simm.s32 @!p1 $0x0  }
0x14: {  	s2 =	sld [smem:$0x3F8F];
	s0 =	simm.s32 @p1 $0x1  }
0x15: {  	[smem:$0x3FAC] =	sst s0;
	s0 =	simm.s32 @!p2 $0x0  }
0x16: {  	s3 =	sld [smem:$0x3FDB];
	s0 =	simm.s32 @p2 $0x1  }
0x17: {  	s4 =	simm.s32 $0x1BF5;
	[smem:$0x3FAE] =	sst s0  }
0x18: {  	s0 =	sld [smem:$0x3F91];
	_ =	swait.ge [sflag:s4], $0x0  }
0x19: {  	s7 =	sld [smem:$0x3F92]  }
0x1a: {  	s8 =	sadd.s32 $0xFFFFE003, lr  }
0x1b: {  	s9 =	sadd.s32 $0xFFFFFEF7, lr;
	s5 =	simm.s32 $0xFFFFFFFF;
	p2 =	slt.u32 s8, $0xFFFFF086  }
0x1c: {  	p1 =	slt.u32 s9, $0xF7A;
	s5 =	simm.s32 @!p2 $0x0  }
0x1d: {  	s5 =	simm.s32 @p1 $0x1;
	p0 =	seq.s32 s7, s2  }
0x1e: {  	s7 =	smul.u32 @!p0 $0xF7A, s2;
	p2 =	seq.s32 @!p0 s5, $0x0  }
0x1f: {  	s9 =	smul.u32 $0xF7A, s1;
	s8 =	simm.s32 @!p0 $0x1BF5;
	p2 =	por !p2, p0  }
0x20: {  	[sflag:s8] =	ssyncset.s32 @!p0 $0xFFFFF086;
	s6 =	sadd.s32 @!p0 s3, s7;
	s7 =	simm.s32 @!p0 $0x108  }
0x21: {  	s3 =	sadd.s32 s3, s9;
	s6 =	sadd.s32 @!p0 $0x88, s6;
	s7 =	simm.s32 @p2 $0x1082  }
0x22: {  	[simem:s7], [sflag:s8] =	dma.local @!p0 [hbm:s6], $0xF7A  }
0x23: {  	s9 =	sor.u32 $0xD0000000, s2;
	s6 =	simm.s32 $0x108;
	_ =	swait.ge @!p0 [sflag:s8], $0x0  }
0x24: {  	s3 =	sadd.s32 $0x88, s3;
	s6 =	simm.s32 @!p1 $0x1082;
	[sflag:s4] =	ssyncset.s32 $0xFFFFF086  }
0x25: {  	[simem:s6], [sflag:s4] =	dma.local [hbm:s3], $0xF7A  }
0x26: {  	[smem:$0x3F92] =	sst s1;
	(tag) =	ssettag s2;
	_ =	strace s9  }
0x27: {  	s1 =	sld [smem:$0x3FA2]  }
0x28: {  	s2 =	sld [smem:$0x3FA3]  }
0x29: {  	s4 =	sld [smem:$0x3FA5]  }
0x2a: {  	p0 =	seq.s32 s5, $0x0;
	s5 =	sld [smem:$0x3FA6]  }
0x2b: {  	s6 =	sld [smem:$0x3FA7]  }
0x2c: {  	s7 =	sld [smem:$0x3FA8]  }
0x2d: {  	s3 =	simm.s32 $0x108;
	s8 =	sld [smem:$0x3FA9]  }
0x2e: {  	s3 =	simm.s32 @!p0 $0x1082;
	s9 =	sld [smem:$0x3FAA]  }
0x2f: {  	lr =	sadd.s32 s0, s3;
	s0 =	sld [smem:$0x3FA1]  }
0x30: {  	s3 =	sld [smem:$0x3FA4]  }
0x31: {  	[smem:$0x3FAD] =	sst s10  }
0x32: {  	s10 =	sld [smem:$0x3FAB];
	_ =	sdelay $0x3  }
0x33: {  	p0 =	seq.s32 s10, $0x1;
	s10 =	sld [smem:$0x3FAD];
	_ =	sdelay $0x3  }
0x34: {  	[smem:$0x3FAD] =	sst s10  }
0x35: {  	s10 =	sld [smem:$0x3FAC];
	_ =	sdelay $0x3  }
0x36: {  	p1 =	seq.s32 s10, $0x1;
	s10 =	sld [smem:$0x3FAD];
	_ =	sdelay $0x3  }
0x37: {  	[smem:$0x3FAD] =	sst s10  }
0x38: {  	s10 =	sld [smem:$0x3FAE]  }
0x39: {  	_ = 	snop;
	(pc) =	sbr.ind lr, $3  }
0x3a: {  	_ = 	snop  }
0x3b: {  	_ = 	snop  }
0x3c: {  	p2 =	seq.s32 s10, $0x1;
	s10 =	sld [smem:$0x3FAD]  }
0x3d: {  	_ =	shalt  }
0x3e: {  	_ =	shalt  }
0x3f: {  	_ =	shalt  }
0x40: {  	_ =	shalt  }
0x41: {  	_ =	shalt  }
0x42: {  	_ =	shalt  }
0x43: {  	_ =	shalt  }
0x44: {  	_ =	shalt  }
0x45: {  	_ =	shalt  }
0x46: {  	_ =	shalt  }
0x47: {  	_ =	shalt  }
0x48: {  	_ =	shalt  }
0x49: {  	_ =	shalt  }
0x4a: {  	_ =	shalt  }
0x4b: {  	_ =	shalt  }
0x4c: {  	_ =	shalt  }
0x4d: {  	_ =	shalt  }
0x4e: {  	_ =	shalt  }
0x4f: {  	_ =	shalt  }
0x50: {  	_ =	shalt  }
0x51: {  	_ =	shalt  }
0x52: {  	_ =	shalt  }
0x53: {  	_ =	shalt  }
0x54: {  	_ =	shalt  }
0x55: {  	_ =	shalt  }
0x56: {  	_ =	shalt  }
0x57: {  	_ =	shalt  }
0x58: {  	_ =	shalt  }
0x59: {  	_ =	shalt  }
0x5a: {  	_ =	shalt  }
0x5b: {  	_ =	shalt  }
0x5c: {  	_ =	shalt  }
0x5d: {  	_ =	shalt  }
0x5e: {  	_ =	shalt  }
0x5f: {  	_ =	shalt  }
0x60: {  	_ =	shalt  }
0x61: {  	_ =	shalt  }
0x62: {  	_ =	shalt  }
0x63: {  	_ =	shalt  }
0x64: {  	_ =	shalt  }
0x65: {  	_ =	shalt  }
0x66: {  	_ =	shalt  }
0x67: {  	_ =	shalt  }
0x68: {  	_ =	shalt  }
0x69: {  	_ =	shalt  }
0x6a: {  	_ =	shalt  }
0x6b: {  	_ =	shalt  }
0x6c: {  	_ =	shalt  }
0x6d: {  	_ =	shalt  }
0x6e: {  	_ =	shalt  }
0x6f: {  	_ =	shalt  }
0x70: {  	_ =	shalt  }
0x71: {  	_ =	shalt  }
0x72: {  	_ =	shalt  }
0x73: {  	_ =	shalt  }
0x74: {  	_ =	shalt  }
0x75: {  	_ =	shalt  }
0x76: {  	_ =	shalt  }
0x77: {  	_ =	shalt  }
0x78: {  	_ =	shalt  }
0x79: {  	_ =	shalt  }
0x7a: {  	_ =	shalt  }
0x7b: {  	_ =	shalt  }
0x7c: {  	_ =	shalt  }
0x7d: {  	_ =	shalt  }
0x7e: {  	_ =	shalt  }
0x7f: {  	_ =	shalt  }
0x80: {  	_ =	shalt  }
0x81: {  	_ =	shalt  }
0x82: {  	_ =	shalt  }
0x83: {  	_ =	shalt  }
0x84: {  	_ =	shalt  }
0x85: {  	_ =	shalt  }
0x86: {  	_ =	shalt  }
0x87: {  	_ =	shalt  }
.Lfunc_end0:
.L_simem_size_0:
called_computation_lowered:
.L_overlay_start_0:
0x88: {  	s2 =	sld [smem:$0x3FD9]  }
0x89: {  	s3 =	sld [smem:$0x3FFE];
	_ =	sdelay $0x1  }
0x8a: {  	s1 =	srdreg.scid  }
0x8b: {  	s0 =	sand.u32 $0x1, s1  }
0x8c: {  	s16 =	sshll.u32 s0, $0xA;
	s2 =	sadd.s32 s3, s2  }
0x8d: {  	s2 =	sadd.s32 s2, s16  }
0x8e: {  	[smem:$0x3FB9] =	sst s2  }
0x8f: {  	_ = 	snop  }
0x90: {  	(tm) =	ssettm $0x1  }
0x91: {  	s17 =	sld [smem:$0x3FFB];
	_ =	sdelay $0x3  }
0x92: {  	_ =	strace s17  }
0x93: {  	s2 =	sld [smem:$0x3FFC];
	_ =	sdelay $0x3  }
0x94: {  	_ =	strace s2  }
0x95: {  	s2 =	sld [smem:$0x3FFD];
	_ =	sdelay $0x3  }
0x96: {  	_ =	strace s2  }
0x97: {  	_ =	strace $0x8FFFFFFF  }
0x98: {  	s18 =	sld [smem:$0x3FDB];
	_ =	sdelay $0x1  }
0x99: {  	s19 =	simm.s32 $_scs_section_size  }
0x9a: {  	s4 =	simm.s32 $_size__tile_overlayer_lowered;
	s5 =	simm.s32 $_tile_overlayer_lowered  }
0x9b: {  	s22 =	simm.s32 $0x1BFF;
	s21 =	sshll.u32 s5, $0x1;
	s2 =	sadd.s32 s19, s18  }
0x9c: {  	s6 =	simm.s32 $0x0;
	s20 =	sshll.u32 s4, $0x1;
	s4 =	sadd.s32 s21, s2  }
0x9d: {  	[timem:s6], [sflag:s22] =	dma.local [hbm:s4], s20  }
0x9e: {  	_ =	swait.ge [sflag:s22], s20  }
0x9f: {  	s3 =	ssub.s32 $0x0, s20;
	[sflag:s22] =	ssyncset.done $0x0  }
0xa0: {  	[sflag:s22] =	ssyncadd.s32 s3;
	_ =	sdelay $0x1  }
0xa1: {  	s23 =	simm.s32 $0x1B8B  }
0xa2: {  	_ =	swait.ge [sflag:s23], $0x1  }
0xa3: {  	[sflag:s23] =	ssyncset.done $0x0  }
0xa4: {  	s25 =	simm.s32 $0x1B8E;
	s24 =	sld [smem:$0x3FFE];
	[sflag:s23] =	ssyncadd.s32 $0xFFFFFFFF  }
0xa5: {  	s26 =	simm.s32 $execute0_lowered;
	[smem:$0x3FD2] =	sst s25  }
0xa6: {  	s4 =	sshll.u32 s26, $0x1;
	_ =	strace $0x80000046;
	[dreg:$0x1] =	wrdreg $0xFFFFFFFF  }
0xa7: {  	s28 =	simm.s32 $_size_execute0_lowered;
	s2 =	sadd.s32 s2, s4;
	[dreg:$0x0] =	wrdreg $0x0  }
0xa8: {  	s4 =	sshll.u32 s28, $0x1;
	[dreg:$0x2] =	wrdreg s2  }
0xa9: {  	[dreg:$0x3] =	wrdreg s4  }
0xaa: {  	[dreg:$0x4] =	wrdreg $0xC0  }
0xab: {  	_ =	task [dreg:s6], $0x5FFFF  }
0xac: {  	[dreg:$0x1] =	wrdreg $0xFFFFFFFF  }
0xad: {  	[dreg:$0x0] =	wrdreg $0x60  }
0xae: {  	[dreg:$0x2] =	wrdreg s24  }
0xaf: {  	[dreg:$0x3] =	wrdreg $0x0  }
0xb0: {  	[dreg:$0x4] =	wrdreg $0x9  }
0xb1: {  	_ =	task.clear_ibuf [dreg:s6], $0x5FFFF;
	_ =	strace $0x90000046  }
0xb2: {  	s29 =	simm.s32 $0x9;
	_ =	strace $0x80000048  }
0xb3: {  	_ =	swait.ge [sflag:s29], $0x1  }
0xb4: {  	[sflag:s29] =	ssyncadd.s32 $0xFFFFFFFF  }
0xb5: {  	_ =	strace $0x90000048  }
0xb6: {  	_ =	sfence  }
0xb7: {  	s30 =	sld [smem:$0x0];
	_ =	sdelay $0x2  }
0xb8: {  	s31 =	sshll.u32 s1, $0xD;
	s1 =	sshrl.u32 s1, $0x2  }
0xb9: {  	s3 =	sand.u32 $0x4000, s31;
	s1 =	sadd.s32 s1, s30  }
0xba: {  	s0 =	sor.u32 s3, s0;
	s1 =	sshll.u32 s1, $0x11  }
0xbb: {  	s0 =	sor.u32 s1, s0  }
0xbc: {  	s0 =	sadd.s32 $0x8F2B, s0  }
0xbd: {  	[sflag:s0] =	ssyncadd.remote.s32 $0x1  }
0xbe: {  	_ =	sfence.sel $0xFFFF  }
0xbf: {  	[dreg:$0x0] =	wrdreg $0xFFFFFFFF;
	(pc) =	sbr.abs _section_cstart, $3  }
0xc0: {  	[dreg:$0x1] =	wrdreg $0xFFFFFFFF  }
0xc1: {  	_ =	task.clear_ibuf [dreg:s6], $0x2FFFF;
	_ =	strace $0x9FFFFFFF  }
0xc2: {  	(tm) =	ssettm $0x7FFFFFFF  }
0xc3: {  	_ =	shalt  }
tec
execute0_lowered:
.L_overlay_start_1:
0x0: {  	(tag) =	ssettag $0x1  }
0x1: {  	s5 =	rddreg [dreg:$0x0];
	s0 =	srdreg.scid  }
0x2: {  	s2 =	rddreg [dreg:$0x1];
	s1 =	stileid.u32;
	s3 =	simm.s32 $0x0  }
0x3: {  	s16 =	simm.s32 $0x16800;
	s17 =	simm.s32 $0x14000;
	s18 =	simm.s32 $0x3  }
0x4: {  	s19 =	simm.s32 $0x15400;
	s20 =	simm.s32 $0x2;
	s21 =	simm.s32 $0x80  }
0x5: {  	s22 =	simm.s32 $0x14080;
	s23 =	simm.s32 $0x1A800;
	s7 =	smul.u32 $0x2800, s1  }
0x6: {  	s24 =	simm.s32 $0x1;
	s25 =	simm.s32 $0x16700;
	s9 =	smul.u32 $0x14000, s1  }
0x7: {  	s6 =	sand.u32 $0x1, s0;
	s0 =	rddreg [dreg:$0x2];
	s10 =	smul.u32 $0x50000, s1  }
0x8: {  	s26 =	simm.s32 $0x16780;
	[smem:$0x7FF] =	sst s3;
	s4 =	smul.u32 $0x28000, s6  }
0x9: {  	s8 =	smul.u32 $0x140000, s6;
	_ =	strace $0x80000047;
	s6 =	ssub.s32 $0x2, s6  }
0xa: {  	s30 =	sshrl.u32 s6, $0x1;
	s31 =	sshrl.u32 s10, $0x2;
	s7 =	sadd.s32 s7, s4  }
0xb: {  	s4 =	sadd.s32 $0x19800, s5;
	s29 =	sadd.s32 s9, s8;
	s7 =	sshrl.u32 s7, $0x3  }
0xc: {  	s15 =	ssub.s32 s6, s30;
	s13 =	sadd.s32 s7, s5;
	s7 =	sshrl.u32 s29, $0x3  }
0xd: {  	s15 =	smax.u32 s15, $0x1;
	s14 =	sadd.s32 s7, s5;
	s5 =	sadd.s32 s31, s2  }
0xe: {  	s10 =	sadd.s32 $0x5800, s13;
	s11 =	sadd.s32 $0xF800, s13;
	s12 =	sadd.s32 $0x5A80, s13  }
0xf: {  	s13 =	sadd.s32 $0xFA80, s13;
	s6 =	sadd.s32 $0x4000, s5;
	s7 =	sadd.s32 $0x8000, s5  }
0x10: {  	v0 =	vimm.f32 $0.0e+00;
	s8 =	sadd.s32 $0xC000, s5;
	s9 =	sadd.s32 $0x10000, s5;
	s14 =	sadd.s32 $0x41800, s14  }
.LBB2_1:
0x11: {  	s28 =	simm.s32 $0x0;
	s29 =	simm.s32 $0x200  }
.LBB2_2:
0x12: {  	p0 =	sne.s32 s29, $0xFE00;
	[tilespmem:s28+$0x16870] =	vst v0  }
0x13: {  	[tilespmem:s28+$0x16800] =	vst v0  }
0x14: {  	[tilespmem:s28+$0x16810] =	vst v0  }
.Ltmp0:
0x15: {  	[tilespmem:s28+$0x16820] =	vst v0;
	(pc) =	sbr.rel @p0 .LBB2_2-.Ltmp0, $4  }
0x16: {  	[tilespmem:s28+$0x16830] =	vst v0  }
0x17: {  	[tilespmem:s28+$0x16840] =	vst v0  }
0x18: {  	[tilespmem:s28+$0x16850] =	vst v0  }
0x19: {  	[tilespmem:s28+$0x16860] =	vst v0;
	s28 =	sshra.s32 s29, $0x2;
	s29 =	sadd.s32 $0x200, s29  }
0x1a: {  	[tilespmem:s28+$0x16870] =	vst v0  }
0x1b: {  	[tilespmem:s28+$0x16800] =	vst v0  }
0x1c: {  	[tilespmem:s28+$0x16810] =	vst v0  }
0x1d: {  	[tilespmem:s28+$0x16820] =	vst v0  }
0x1e: {  	[tilespmem:s28+$0x16830] =	vst v0  }
0x1f: {  	[tilespmem:s28+$0x16840] =	vst v0  }
0x20: {  	[tilespmem:s28+$0x16850] =	vst v0  }
0x21: {  	[tilespmem:s28+$0x16860] =	vst v0  }
0x22: {  	[spmem:s5] =	stream.linear.scatter [tilespmem:s16], [sflag:$0x2], $0x4000, $0x38;
	[tilespmem:$0x1E800] =	vst v63  }
0x23: {  	_ = 	snop  }
0x24: {  	[spmem:s6] =	stream.linear.scatter [tilespmem:s16], [sflag:$0x2], $0x4000, $0x38;
	[tilespmem:$0x1E800] =	vst v63  }
0x25: {  	_ = 	snop  }
0x26: {  	[spmem:s7] =	stream.linear.scatter [tilespmem:s16], [sflag:$0x2], $0x4000, $0x38;
	[tilespmem:$0x1E800] =	vst v63  }
0x27: {  	_ = 	snop  }
0x28: {  	[spmem:s8] =	stream.linear.scatter [tilespmem:s16], [sflag:$0x2], $0x4000, $0x38;
	[tilespmem:$0x1E800] =	vst v63  }
0x29: {  	_ = 	snop  }
0x2a: {  	[spmem:s9] =	stream.linear.scatter [tilespmem:s16], [sflag:$0x2], $0x4000, $0x38;
	[tilespmem:$0x1E800] =	vst v63  }
0x2b: {  	s28 =	simm.s32 $0x0  }
0x2c: {  	[tilespmem:s17], [sflag:$0x3] =	stream.linear.gather [hbm4b:s10+s28], $0x1400, $0x38;
	[tilespmem:$0x1E800] =	vst v63  }
0x2d: {  	_ =	swait.ge [sflag:s18], $0x1400  }
0x2e: {  	[sflag:s18] =	ssyncset.done $0x0  }
0x2f: {  	[sflag:s18] =	ssyncadd.s32 $0xFFFFEC00  }
0x30: {  	[tilespmem:s19], [sflag:$0x3] =	stream.linear.gather [hbm4b:s11+s28], $0x1400, $0x38;
	[tilespmem:$0x1E800] =	vst v63  }
0x31: {  	_ =	swait.ge [sflag:s18], $0x1400  }
0x32: {  	[sflag:s18] =	ssyncset.done $0x0  }
0x33: {  	[sflag:s18] =	ssyncadd.s32 $0xFFFFEC00  }
0x34: {  	_ =	swait.ge [sflag:s20], $0x4000  }
0x35: {  	[sflag:s20] =	ssyncset.done $0x0  }
0x36: {  	[sflag:s20] =	ssyncadd.s32 $0xFFFFC000  }
0x37: {  	_ =	swait.ge [sflag:s20], $0x4000  }
0x38: {  	[sflag:s20] =	ssyncset.done $0x0  }
0x39: {  	[sflag:s20] =	ssyncadd.s32 $0xFFFFC000  }
0x3a: {  	_ =	swait.ge [sflag:s20], $0x4000  }
0x3b: {  	[sflag:s20] =	ssyncset.done $0x0  }
0x3c: {  	[sflag:s20] =	ssyncadd.s32 $0xFFFFC000  }
0x3d: {  	_ =	swait.ge [sflag:s20], $0x4000  }
0x3e: {  	[sflag:s20] =	ssyncset.done $0x0  }
0x3f: {  	[sflag:s20] =	ssyncadd.s32 $0xFFFFC000  }
0x40: {  	_ =	swait.ge [sflag:s20], $0x4000  }
0x41: {  	[sflag:s20] =	ssyncset.done $0x0  }
0x42: {  	[sflag:s20] =	ssyncadd.s32 $0xFFFFC000  }
0x43: {  	[bflag:$0x0] =	sbarrier.arrive $0xFFFF  }
0x44: {  	[tilespmem:s16], [sflag:$0x1] =	stream.indirect.gather [hbm4b:s4+s21], $0x80, s17, s21, $0xb8;
	[tilespmem:$0x1E800] =	vst v63  }
0x45: {  	_ = 	snop  }
0x46: {  	[tilespmem:s23], [sflag:$0x2] =	stream.indirect.gather [hbm4b:s4+s21], $0x80, s22, s21, $0xb8;
	[tilespmem:$0x1E800] =	vst v63  }
0x47: {  	_ =	swait.ge [sflag:s24], $0x4000  }
0x48: {  	[sflag:s24] =	ssyncset.done $0x0  }
0x49: {  	s28 =	simm.s32 $0x15400;
	[sflag:s24] =	ssyncadd.s32 $0xFFFFC000  }
0x4a: {  	[spmem:s2] =	stream.indirect.scatter.add.f32 [tilespmem:s16], [sflag:$0x3], $0x80, s28, s21, $0xb8;
	[tilespmem:$0x1E800] =	vst v63  }
0x4b: {  	_ =	swait.ge [sflag:s18], $0x4000  }
0x4c: {  	[sflag:s18] =	ssyncset.done $0x0  }
0x4d: {  	s28 =	simm.s32 $0x14100;
	[sflag:s18] =	ssyncadd.s32 $0xFFFFC000  }
0x4e: {  	[tilespmem:s16], [sflag:$0x1] =	stream.indirect.gather [hbm4b:s4+s21], $0x80, s28, s21, $0xb8;
	[tilespmem:$0x1E800] =	vst v63  }
0x4f: {  	_ =	swait.ge [sflag:s20], $0x4000  }
0x50: {  	[sflag:s20] =	ssyncset.done $0x0  }
0x51: {  	s28 =	simm.s32 $0x15480;
	[sflag:s20] =	ssyncadd.s32 $0xFFFFC000  }
0x52: {  	[spmem:s2] =	stream.indirect.scatter.add.f32 [tilespmem:s23], [sflag:$0x3], $0x80, s28, s21, $0xb8;
	[tilespmem:$0x1E800] =	vst v63  }
0x53: {  	_ =	swait.ge [sflag:s18], $0x4000  }
0x54: {  	[sflag:s18] =	ssyncset.done $0x0  }
0x55: {  	s29 =	simm.s32 $0x14180;
	s28 =	simm.s32 $0x400;
	[sflag:s18] =	ssyncadd.s32 $0xFFFFC000  }
.LBB2_4:
0x56: {  	[tilespmem:s23], [sflag:$0x2] =	stream.indirect.gather [hbm4b:s4+s21], $0x80, s29, s21, $0xb8;
	[tilespmem:$0x1E800] =	vst v63  }
0x57: {  	s29 =	smov.u32 s28  }
0x58: {  	p0 =	sne.s32 s28, $0x4800;
	s28 =	sadd.s32 $0x400, s28;
	_ =	swait.ge [sflag:s24], $0x4000  }
0x59: {  	s29 =	sshra.s32 s29, $0x2;
	[sflag:s24] =	ssyncset.done $0x0  }
0x5a: {  	s30 =	sadd.s32 $0x15400, s29;
	[sflag:s24] =	ssyncadd.s32 $0xFFFFC000  }
0x5b: {  	[spmem:s2] =	stream.indirect.scatter.add.f32 [tilespmem:s16], [sflag:$0x3], $0x80, s30, s21, $0xb8;
	[tilespmem:$0x1E800] =	vst v63  }
0x5c: {  	_ =	swait.ge [sflag:s18], $0x4000  }
0x5d: {  	[sflag:s18] =	ssyncset.done $0x0  }
0x5e: {  	s30 =	sadd.s32 $0x14100, s29;
	[sflag:s18] =	ssyncadd.s32 $0xFFFFC000  }
0x5f: {  	[tilespmem:s16], [sflag:$0x1] =	stream.indirect.gather [hbm4b:s4+s21], $0x80, s30, s21, $0xb8;
	[tilespmem:$0x1E800] =	vst v63  }
0x60: {  	_ =	swait.ge [sflag:s20], $0x4000  }
0x61: {  	[sflag:s20] =	ssyncset.done $0x0  }
.Ltmp1:
0x62: {  	s30 =	sadd.s32 $0x15480, s29;
	[sflag:s20] =	ssyncadd.s32 $0xFFFFC000;
	(pc) =	sbr.rel @p0 .LBB2_4-.Ltmp1, $4  }
0x63: {  	[spmem:s2] =	stream.indirect.scatter.add.f32 [tilespmem:s23], [sflag:$0x3], $0x80, s30, s21, $0xb8;
	[tilespmem:$0x1E800] =	vst v63  }
0x64: {  	_ =	swait.ge [sflag:s18], $0x4000  }
0x65: {  	[sflag:s18] =	ssyncset.done $0x0  }
0x66: {  	s29 =	sadd.s32 $0x14180, s29;
	[sflag:s18] =	ssyncadd.s32 $0xFFFFC000  }
0x67: {  	[tilespmem:s23], [sflag:$0x2] =	stream.indirect.gather [hbm4b:s4+s21], $0x80, s29, s21, $0xb8;
	[tilespmem:$0x1E800] =	vst v63  }
0x68: {  	_ =	swait.ge [sflag:s24], $0x4000  }
0x69: {  	[sflag:s24] =	ssyncset.done $0x0  }
0x6a: {  	[sflag:s24] =	ssyncadd.s32 $0xFFFFC000  }
0x6b: {  	[spmem:s2] =	stream.indirect.scatter.add.f32 [tilespmem:s16], [sflag:$0x3], $0x80, s25, s21, $0xb8;
	[tilespmem:$0x1E800] =	vst v63  }
0x6c: {  	_ =	swait.ge [sflag:s18], $0x4000  }
0x6d: {  	[sflag:s18] =	ssyncset.done $0x0  }
0x6e: {  	[sflag:s18] =	ssyncadd.s32 $0xFFFFC000  }
0x6f: {  	_ =	swait.ge [sflag:s20], $0x4000  }
0x70: {  	[sflag:s20] =	ssyncset.done $0x0  }
0x71: {  	[sflag:s20] =	ssyncadd.s32 $0xFFFFC000  }
0x72: {  	[spmem:s2] =	stream.indirect.scatter.add.f32 [tilespmem:s23], [sflag:$0x3], $0x80, s26, s21, $0xb8;
	[tilespmem:$0x1E800] =	vst v63  }
0x73: {  	_ =	swait.ge [sflag:s18], $0x4000  }
0x74: {  	[sflag:s18] =	ssyncset.done $0x0  }
0x75: {  	s28 =	simm.s32 $0x0;
	[sflag:s18] =	ssyncadd.s32 $0xFFFFC000  }
0x76: {  	[tilespmem:s17], [sflag:$0x3] =	stream.linear.gather [hbm4b:s12+s28], $0x1400, $0x38;
	[tilespmem:$0x1E800] =	vst v63  }
0x77: {  	_ =	swait.ge [sflag:s18], $0x1400  }
0x78: {  	[sflag:s18] =	ssyncset.done $0x0  }
0x79: {  	[sflag:s18] =	ssyncadd.s32 $0xFFFFEC00  }
0x7a: {  	[tilespmem:s19], [sflag:$0x3] =	stream.linear.gather [hbm4b:s13+s28], $0x1400, $0x38;
	[tilespmem:$0x1E800] =	vst v63  }
0x7b: {  	_ =	swait.ge [sflag:s18], $0x1400  }
0x7c: {  	[sflag:s18] =	ssyncset.done $0x0  }
0x7d: {  	[sflag:s18] =	ssyncadd.s32 $0xFFFFEC00  }
0x7e: {  	[tilespmem:s16], [sflag:$0x1] =	stream.indirect.gather [hbm4b:s4+s21], $0x80, s17, s21, $0xb8;
	[tilespmem:$0x1E800] =	vst v63  }
0x7f: {  	_ = 	snop  }
0x80: {  	[tilespmem:s23], [sflag:$0x2] =	stream.indirect.gather [hbm4b:s4+s21], $0x80, s22, s21, $0xb8;
	[tilespmem:$0x1E800] =	vst v63  }
0x81: {  	_ =	swait.ge [sflag:s24], $0x4000  }
0x82: {  	[sflag:s24] =	ssyncset.done $0x0  }
0x83: {  	s28 =	simm.s32 $0x15400;
	[sflag:s24] =	ssyncadd.s32 $0xFFFFC000  }
0x84: {  	[spmem:s2] =	stream.indirect.scatter.add.f32 [tilespmem:s16], [sflag:$0x3], $0x80, s28, s21, $0xb8;
	[tilespmem:$0x1E800] =	vst v63  }
0x85: {  	_ =	swait.ge [sflag:s18], $0x4000  }
0x86: {  	[sflag:s18] =	ssyncset.done $0x0  }
0x87: {  	s28 =	simm.s32 $0x14100;
	[sflag:s18] =	ssyncadd.s32 $0xFFFFC000  }
0x88: {  	[tilespmem:s16], [sflag:$0x1] =	stream.indirect.gather [hbm4b:s4+s21], $0x80, s28, s21, $0xb8;
	[tilespmem:$0x1E800] =	vst v63  }
0x89: {  	_ =	swait.ge [sflag:s20], $0x4000  }
0x8a: {  	[sflag:s20] =	ssyncset.done $0x0  }
0x8b: {  	s28 =	simm.s32 $0x15480;
	[sflag:s20] =	ssyncadd.s32 $0xFFFFC000  }
0x8c: {  	[spmem:s2] =	stream.indirect.scatter.add.f32 [tilespmem:s23], [sflag:$0x3], $0x80, s28, s21, $0xb8;
	[tilespmem:$0x1E800] =	vst v63  }
0x8d: {  	_ =	swait.ge [sflag:s18], $0x4000  }
0x8e: {  	[sflag:s18] =	ssyncset.done $0x0  }
0x8f: {  	s29 =	simm.s32 $0x14180;
	s28 =	simm.s32 $0x400;
	[sflag:s18] =	ssyncadd.s32 $0xFFFFC000  }
.LBB2_6:
0x90: {  	[tilespmem:s23], [sflag:$0x2] =	stream.indirect.gather [hbm4b:s4+s21], $0x80, s29, s21, $0xb8;
	[tilespmem:$0x1E800] =	vst v63  }
0x91: {  	s29 =	smov.u32 s28  }
0x92: {  	p0 =	sne.s32 s28, $0x4800;
	s28 =	sadd.s32 $0x400, s28;
	_ =	swait.ge [sflag:s24], $0x4000  }
0x93: {  	s29 =	sshra.s32 s29, $0x2;
	[sflag:s24] =	ssyncset.done $0x0  }
0x94: {  	s30 =	sadd.s32 $0x15400, s29;
	[sflag:s24] =	ssyncadd.s32 $0xFFFFC000  }
0x95: {  	[spmem:s2] =	stream.indirect.scatter.add.f32 [tilespmem:s16], [sflag:$0x3], $0x80, s30, s21, $0xb8;
	[tilespmem:$0x1E800] =	vst v63  }
0x96: {  	_ =	swait.ge [sflag:s18], $0x4000  }
0x97: {  	[sflag:s18] =	ssyncset.done $0x0  }
0x98: {  	s30 =	sadd.s32 $0x14100, s29;
	[sflag:s18] =	ssyncadd.s32 $0xFFFFC000  }
0x99: {  	[tilespmem:s16], [sflag:$0x1] =	stream.indirect.gather [hbm4b:s4+s21], $0x80, s30, s21, $0xb8;
	[tilespmem:$0x1E800] =	vst v63  }
0x9a: {  	_ =	swait.ge [sflag:s20], $0x4000  }
0x9b: {  	[sflag:s20] =	ssyncset.done $0x0  }
.Ltmp2:
0x9c: {  	s30 =	sadd.s32 $0x15480, s29;
	[sflag:s20] =	ssyncadd.s32 $0xFFFFC000;
	(pc) =	sbr.rel @p0 .LBB2_6-.Ltmp2, $4  }
0x9d: {  	[spmem:s2] =	stream.indirect.scatter.add.f32 [tilespmem:s23], [sflag:$0x3], $0x80, s30, s21, $0xb8;
	[tilespmem:$0x1E800] =	vst v63  }
0x9e: {  	_ =	swait.ge [sflag:s18], $0x4000  }
0x9f: {  	[sflag:s18] =	ssyncset.done $0x0  }
0xa0: {  	s29 =	sadd.s32 $0x14180, s29;
	[sflag:s18] =	ssyncadd.s32 $0xFFFFC000  }
0xa1: {  	[tilespmem:s23], [sflag:$0x2] =	stream.indirect.gather [hbm4b:s4+s21], $0x80, s29, s21, $0xb8;
	[tilespmem:$0x1E800] =	vst v63  }
0xa2: {  	_ =	swait.ge [sflag:s24], $0x4000  }
0xa3: {  	[sflag:s24] =	ssyncset.done $0x0  }
0xa4: {  	[sflag:s24] =	ssyncadd.s32 $0xFFFFC000  }
0xa5: {  	[spmem:s2] =	stream.indirect.scatter.add.f32 [tilespmem:s16], [sflag:$0x3], $0x80, s25, s21, $0xb8;
	[tilespmem:$0x1E800] =	vst v63  }
0xa6: {  	_ =	swait.ge [sflag:s18], $0x4000  }
0xa7: {  	[sflag:s18] =	ssyncset.done $0x0  }
0xa8: {  	[sflag:s18] =	ssyncadd.s32 $0xFFFFC000  }
0xa9: {  	_ =	swait.ge [sflag:s20], $0x4000  }
0xaa: {  	[sflag:s20] =	ssyncset.done $0x0  }
0xab: {  	[sflag:s20] =	ssyncadd.s32 $0xFFFFC000  }
0xac: {  	[spmem:s2] =	stream.indirect.scatter.add.f32 [tilespmem:s23], [sflag:$0x3], $0x80, s26, s21, $0xb8;
	[tilespmem:$0x1E800] =	vst v63  }
0xad: {  	_ =	swait.ge [sflag:s18], $0x4000  }
0xae: {  	s28 =	sshll.u32 s1, $0x6;
	s3 =	sadd.s32 $0x1, s3;
	[sflag:s18] =	ssyncset.done $0x0  }
0xaf: {  	s31 =	sshrl.u32 s5, $0x3;
	p0 =	sne.s32 s3, s15;
	[sflag:s18] =	ssyncadd.s32 $0xFFFFC000  }
.Ltmp3:
0xb0: {  	s28 =	sor.u32 $0x1C03, s28;
	[bflag:$0x0] =	sbarrier.arrive $0xFFFF;
	(pc) =	sbr.rel @p0 .LBB2_1-.Ltmp3, $4  }
0xb1: {  	[hbm:s14], [sflag:s28] =	dma.local [spmem:s31], $0x2800  }
0xb2: {  	_ =	swait.ge [sflag:s18], $0x2800  }
0xb3: {  	[sflag:s18] =	ssyncset.done $0x0  }
0xb4: {  	[sflag:s18] =	ssyncadd.s32 $0xFFFFD800  }
0xb5: {  	_ =	sfence.sel $0x180000  }
0xb6: {  	[bflag:$0x0] =	sbarrier.arrive $0xFFFF  }
0xb7: {  	p0 =	sne.s32 s1, $0x0;
	_ =	strace $0x90000047  }
0xb8: {  	s0 =	sadd.s32 @!p0 $0x100000, s0;
	[bflag:$0x2] =	sbarrier.arrive $0xFFFF  }
0xb9: {  	[sflag:s0] =	ssyncadd.tile.s32 @!p0 $0x1;
	_ =	shalt  }
.Lfunc_end2:
_tile_overlayer_lowered:
.L_overlay_start_2:
0xba: {  	(tag) =	ssettag $0x2  }
0xbb: {  	s0 =	rddreg [dreg:$0x0];
	s2 =	stileid.u32  }
0xbc: {  	s1 =	rddreg [dreg:$0x1];
	p0 =	sne.s32 s2, $0x0  }
0xbd: {  	s3 =	rddreg [dreg:$0x2];
	[bflag:$0x3] =	sbarrier.arrive $0xFFFF;
	s2 =	simm.s32 @!p0 $0x1C03  }
0xbe: {  	[timem:s3], [sflag:s2] =	dma.local @!p0 [hbm:s0], s1  }
0xbf: {  	s0 =	simm.s32 @!p0 $0x3  }
0xc0: {  	_ =	swait.ge @!p0 [sflag:s0], s1  }
0xc1: {  	s1 =	ssub.s32 @!p0 $0x0, s1;
	[sflag:s0] =	ssyncset.done @!p0 $0x0  }
0xc2: {  	[sflag:s0] =	ssyncadd.s32 @!p0 s1  }
0xc3: {  	[bflag:$0x3] =	sbarrier.arrive $0xFFFF  }
0xc4: {  	_ =	shalt  }

</sc_bundles>
